<compile_context>
chip_gen: v7x
topology: tpu7x:2x2x1
jax: 0.10.2.dev20260603
libtpu: 0.0.44.dev20260713+nightly
codegen_flags: <defaults>
</compile_context>

<pallas_src>
import functools

import jax
import jax.numpy as jnp
from jax import lax
from jax.experimental import pallas as pl
from jax.experimental.pallas import tpu as pltpu
from jax.experimental.pallas import tpu_sc as plsc

N_NODES = 10000
N_EDGES = 320000
D = 128
DH = 64
N_LAYERS = 5
N_GRAPHS = 16

N_PAD = 10240
ROWS_PER_TILE = N_PAD // 16
CHUNK = 128
N_SUBCORES = 16
_CPT = -(-N_EDGES // (N_SUBCORES * CHUNK))
CHUNKS_PER_TILE = -(-_CPT // 8) * 8
E_PAD = N_SUBCORES * CHUNK * CHUNKS_PER_TILE
NSETS = 4
CROWS = 2
SCHUNK = CROWS * CHUNK
SUPERCHUNKS = CHUNKS_PER_TILE // CROWS
ROW_BLK = 512
N_ROW_BLKS = N_PAD // ROW_BLK


def _sc_agg(h_stack, src2d, dst2d):
    mesh = plsc.VectorSubcoreMesh(core_axis_name="c", subcore_axis_name="s")

    @functools.partial(
        pl.kernel,
        mesh=mesh,
        compiler_params=pltpu.CompilerParams(use_tc_tiling_on_sc=False),
        out_type=jax.ShapeDtypeStruct((2, N_PAD, DH), jnp.float32),
        scratch_types=(
            [pltpu.VMEM((SCHUNK,), jnp.int32) for _ in range(NSETS)]
            + [pltpu.VMEM((SCHUNK,), jnp.int32) for _ in range(NSETS)]
            + [pltpu.VMEM((SCHUNK, DH), jnp.float32) for _ in range(NSETS)]
            + [pltpu.VMEM_SHARED((N_PAD, DH), jnp.float32)]
            + [pltpu.SemaphoreType.DMA] * (4 * NSETS)
        ),
    )
    def agg_kernel(h_hbm, src_hbm, dst_hbm, out_hbm, *sc):
        srcs = sc[0:NSETS]
        dsts = sc[NSETS:2 * NSETS]
        bufs = sc[2 * NSETS:3 * NSETS]
        acc = sc[3 * NSETS]
        gsem = sc[3 * NSETS + 1:3 * NSETS + 1 + NSETS]
        ssem = sc[3 * NSETS + 1 + NSETS:3 * NSETS + 1 + 2 * NSETS]
        isem_s = sc[3 * NSETS + 1 + 2 * NSETS:3 * NSETS + 1 + 3 * NSETS]
        isem_d = sc[3 * NSETS + 1 + 3 * NSETS:3 * NSETS + 1 + 4 * NSETS]
        c = lax.axis_index("c")
        s_ = lax.axis_index("s")
        r0 = s_ * ROWS_PER_TILE
        htab = h_hbm.at[c]
        base = s_ * CHUNKS_PER_TILE * CHUNK
        init_h = pltpu.async_copy(htab.at[pl.ds(r0, ROWS_PER_TILE)],
                                  acc.at[pl.ds(r0, ROWS_PER_TILE)], isem_d[0])

        def gath(pp, j):
            return pltpu.async_copy(htab.at[srcs[pp]], bufs[pp], gsem[pp])


        def wait_gath(pp):
            pltpu.make_async_copy(htab.at[pl.ds(0, CHUNK)], bufs[pp],
                                  gsem[pp]).wait()

        def scat(pp, j):
            return pltpu.async_copy(bufs[pp], acc.at[dsts[pp]], ssem[pp],
                                    add=True)

        def load(hbm, vbuf, sem, j):
            return pltpu.async_copy(
                hbm.at[pl.ds(base + j * SCHUNK, SCHUNK)], vbuf, sem)

        def wait_load(vbuf, sem):
            pltpu.make_async_copy(src_hbm.at[pl.ds(0, SCHUNK)], vbuf,
                                  sem).wait()

        for pp in range(NSETS):
            pltpu.sync_copy(src_hbm.at[pl.ds(base + pp * SCHUNK, SCHUNK)],
                            srcs[pp])
            pltpu.sync_copy(dst_hbm.at[pl.ds(base + pp * SCHUNK, SCHUNK)],
                            dsts[pp])
        for pp in range(NSETS):
            gath(pp, pp)
        init_h.wait()
        plsc.subcore_barrier()

        @pl.loop(0, SUPERCHUNKS, step=NSETS)
        def _(g):
            sh = [None] * NSETS
            for pp in range(NSETS):
                j = g + pp
                wait_gath(pp)

                @pl.when(j >= NSETS)
                def _(pp=pp):
                    wait_load(dsts[pp], isem_d[pp])

                sh[pp] = scat(pp, j)

                @pl.when(j + NSETS < SUPERCHUNKS)
                def _(pp=pp, j=j):
                    load(src_hbm, srcs[pp], isem_s[pp], j + NSETS)

            for pp in range(NSETS):
                j = g + pp
                sh[pp].wait()

                @pl.when(j + NSETS < SUPERCHUNKS)
                def _(pp=pp, j=j):
                    load(dst_hbm, dsts[pp], isem_d[pp], j + NSETS)
                    wait_load(srcs[pp], isem_s[pp])
                    gath(pp, j + NSETS)

        plsc.subcore_barrier()
        pltpu.sync_copy(acc.at[pl.ds(r0, ROWS_PER_TILE)],
                        out_hbm.at[c].at[pl.ds(r0, ROWS_PER_TILE)])

    return agg_kernel(h_stack, src2d, dst2d)


def _proj_kernel(x_ref, w_ref, b_ref, out_ref):
    h = jnp.dot(x_ref[...], w_ref[...], precision=lax.Precision.DEFAULT)
    h = h + b_ref[0]
    out_ref[0] = h[:, :DH]
    out_ref[1] = h[:, DH:]


def _project(x_pad, W_proj, b_proj):
    return pl.pallas_call(
        _proj_kernel,
        grid=(N_ROW_BLKS,),
        in_specs=[
            pl.BlockSpec((ROW_BLK, D), lambda r: (r, 0)),
            pl.BlockSpec((D, D), lambda r: (0, 0)),
            pl.BlockSpec((1, D), lambda r: (0, 0)),
        ],
        out_specs=pl.BlockSpec((2, ROW_BLK, DH), lambda r: (0, r, 0)),
        out_shape=jax.ShapeDtypeStruct((2, N_PAD, DH), jnp.float32),
    )(x_pad, W_proj, b_proj.reshape(1, D))


def _layer_kernel(m_ref, w1_ref, b1_ref, w2_ref, b2_ref, g_ref, bb_ref,
                  out_ref):
    mA = m_ref[0]
    mB = m_ref[1]
    t = (jnp.dot(mA, w1_ref[:DH, :], precision=lax.Precision.DEFAULT)
         + jnp.dot(mB, w1_ref[DH:, :], precision=lax.Precision.DEFAULT)
         + b1_ref[0])
    t = jnp.maximum(t, 0.0)
    u = jnp.dot(t, w2_ref[...], precision=lax.Precision.DEFAULT) + b2_ref[0]
    u = jnp.maximum(u, 0.0)
    mu = jnp.mean(u, axis=-1, keepdims=True)
    var = jnp.mean((u - mu) ** 2, axis=-1, keepdims=True)
    h = (u - mu) * lax.rsqrt(var + 1e-5) * g_ref[0] + bb_ref[0]
    out_ref[0] = h[:, :DH]
    out_ref[1] = h[:, DH:]


def _layer_mlp(m_stack, W1, b1, W2, b2, ln_g, ln_b):
    return pl.pallas_call(
        _layer_kernel,
        grid=(N_ROW_BLKS,),
        in_specs=[
            pl.BlockSpec((2, ROW_BLK, DH), lambda r: (0, r, 0)),
            pl.BlockSpec((D, D), lambda r: (0, 0)),
            pl.BlockSpec((1, D), lambda r: (0, 0)),
            pl.BlockSpec((D, D), lambda r: (0, 0)),
            pl.BlockSpec((1, D), lambda r: (0, 0)),
            pl.BlockSpec((1, D), lambda r: (0, 0)),
            pl.BlockSpec((1, D), lambda r: (0, 0)),
        ],
        out_specs=pl.BlockSpec((2, ROW_BLK, DH), lambda r: (0, r, 0)),
        out_shape=jax.ShapeDtypeStruct((2, N_PAD, DH), jnp.float32),
    )(m_stack, W1, b1.reshape(1, D), W2, b2.reshape(1, D),
      ln_g.reshape(1, D), ln_b.reshape(1, D))


def _pool_kernel(m_ref, w1_ref, b1_ref, w2_ref, b2_ref, g_ref, bb_ref,
                 batch_ref, wf1_ref, bf1_ref, wf2_ref, bf2_ref,
                 out_ref, g_acc):
    r = pl.program_id(0)

    @pl.when(r == 0)
    def _():
        g_acc[...] = jnp.zeros_like(g_acc)

    mA = m_ref[0]
    mB = m_ref[1]
    t = (jnp.dot(mA, w1_ref[:DH, :], precision=lax.Precision.DEFAULT)
         + jnp.dot(mB, w1_ref[DH:, :], precision=lax.Precision.DEFAULT)
         + b1_ref[0])
    t = jnp.maximum(t, 0.0)
    u = jnp.dot(t, w2_ref[...], precision=lax.Precision.DEFAULT) + b2_ref[0]
    u = jnp.maximum(u, 0.0)
    mu = jnp.mean(u, axis=-1, keepdims=True)
    var = jnp.mean((u - mu) ** 2, axis=-1, keepdims=True)
    h = (u - mu) * lax.rsqrt(var + 1e-5) * g_ref[0] + bb_ref[0]

    b = batch_ref[0, 0, :]
    gids = lax.broadcasted_iota(jnp.int32, (N_GRAPHS, ROW_BLK), 0)
    mask = (gids == b[None, :]).astype(jnp.float32)
    g_acc[...] += jnp.dot(mask, h, precision=lax.Precision.DEFAULT)

    @pl.when(r == N_ROW_BLKS - 1)
    def _():
        g = g_acc[...]
        tt = jnp.dot(g, wf1_ref[...], precision=lax.Precision.DEFAULT) + bf1_ref[0]
        tt = jnp.maximum(tt, 0.0)
        out_ref[...] = (jnp.dot(tt, wf2_ref[...],
                                precision=lax.Precision.DEFAULT) + bf2_ref[0])


def _pool_mlp(m_stack, W1, b1, W2, b2, ln_g, ln_b, batch3d, Wf1, bf1, Wf2,
              bf2):
    full = lambda shape: pl.BlockSpec(shape, lambda r: tuple(0 for _ in shape))
    return pl.pallas_call(
        _pool_kernel,
        grid=(N_ROW_BLKS,),
        in_specs=[
            pl.BlockSpec((2, ROW_BLK, DH), lambda r: (0, r, 0)),
            full((D, D)),
            full((1, D)),
            full((D, D)),
            full((1, D)),
            full((1, D)),
            full((1, D)),
            pl.BlockSpec((1, 1, ROW_BLK), lambda r: (r, 0, 0)),
            full((D, 2 * D)),
            full((1, 2 * D)),
            full((2 * D, D)),
            full((1, D)),
        ],
        out_specs=pl.BlockSpec((N_GRAPHS, D), lambda r: (0, 0)),
        out_shape=jax.ShapeDtypeStruct((N_GRAPHS, D), jnp.float32),
        scratch_shapes=[pltpu.VMEM((N_GRAPHS, D), jnp.float32)],
    )(m_stack, W1, b1.reshape(1, D), W2, b2.reshape(1, D),
      ln_g.reshape(1, D), ln_b.reshape(1, D), batch3d,
      Wf1, bf1.reshape(1, 2 * D), Wf2, bf2.reshape(1, D))


def kernel(x, edge_index, batch, W_proj, b_proj, W1, b1, W2, b2, ln_g, ln_b,
           Wf1, bf1, Wf2, bf2):
    x_pad = jnp.pad(x, ((0, N_PAD - N_NODES), (0, 0)))
    src = jnp.pad(edge_index[0], (0, E_PAD - N_EDGES))
    dst = jnp.pad(edge_index[1], (0, E_PAD - N_EDGES),
                  constant_values=N_PAD - 1)

    batch3d = jnp.pad(batch, (0, N_PAD - N_NODES),
                      constant_values=N_GRAPHS).reshape(N_ROW_BLKS, 1, ROW_BLK)

    h = _project(x_pad, W_proj, b_proj)
    for i in range(N_LAYERS - 1):
        m = _sc_agg(h, src, dst)
        h = _layer_mlp(m, W1[i], b1[i], W2[i], b2[i], ln_g[i], ln_b[i])
    m = _sc_agg(h, src, dst)
    i = N_LAYERS - 1
    return _pool_mlp(m, W1[i], b1[i], W2[i], b2[i], ln_g[i], ln_b[i],
                     batch3d, Wf1, bf1, Wf2, bf2)

# --- scband reference (transcript-rebuilt; emitter-appended) ---
"""Pipeline reference for scband-graph-encoder-63634235457844 (READ-ONLY COPY).

The authoritative reference and input builder live on the scoring server;
editing this copy changes nothing except your own understanding.
"""

import jax, jax.numpy as jnp
import numpy as np

N_NODES = 10000
N_EDGES = 320000
D = 128
N_LAYERS = 5
N_GRAPHS = 16


def setup_inputs(seed: int = 0) -> dict:
    key = jax.random.key(seed)
    ks = jax.random.split(key, 12)
    x = jax.random.normal(ks[0], (N_NODES, D), dtype=jnp.float32)
    edge_index = jax.random.randint(ks[1], (2, N_EDGES), 0, N_NODES, dtype=jnp.int32)
    batch = jnp.sort(jax.random.randint(ks[2], (N_NODES,), 0, N_GRAPHS, dtype=jnp.int32))
    sc = 0.05
    W_proj = jax.random.normal(ks[3], (D, D), dtype=jnp.float32) * sc
    b_proj = jnp.zeros((D,), dtype=jnp.float32)
    W1 = jax.random.normal(ks[4], (N_LAYERS, D, D), dtype=jnp.float32) * sc
    b1 = jnp.zeros((N_LAYERS, D), dtype=jnp.float32)
    W2 = jax.random.normal(ks[5], (N_LAYERS, D, D), dtype=jnp.float32) * sc
    b2 = jnp.zeros((N_LAYERS, D), dtype=jnp.float32)
    ln_g = jnp.ones((N_LAYERS, D), dtype=jnp.float32)
    ln_b = jnp.zeros((N_LAYERS, D), dtype=jnp.float32)
    Wf1 = jax.random.normal(ks[6], (D, 2 * D), dtype=jnp.float32) * sc
    bf1 = jnp.zeros((2 * D,), dtype=jnp.float32)
    Wf2 = jax.random.normal(ks[7], (2 * D, D), dtype=jnp.float32) * sc
    bf2 = jnp.zeros((D,), dtype=jnp.float32)
    return {
        "x": x, "edge_index": edge_index, "batch": batch,
        "W_proj": W_proj, "b_proj": b_proj,
        "W1": W1, "b1": b1, "W2": W2, "b2": b2,
        "ln_g": ln_g, "ln_b": ln_b,
        "Wf1": Wf1, "bf1": bf1, "Wf2": Wf2, "bf2": bf2,
    }


def _layer_norm(h, g, b, eps=1e-5):
    mu = jnp.mean(h, axis=-1, keepdims=True)
    var = jnp.mean((h - mu) ** 2, axis=-1, keepdims=True)
    return (h - mu) / jnp.sqrt(var + eps) * g + b


def reference(x, edge_index, batch, W_proj, b_proj, W1, b1, W2, b2, ln_g, ln_b, Wf1, bf1, Wf2, bf2):
    # projection
    h = x @ W_proj + b_proj
    src = edge_index[0]
    dst = edge_index[1]
    for i in range(N_LAYERS):
        # GINConv: sum-aggregate neighbor messages x_j at dst, add (1+eps)*x with eps=0
        agg = jax.ops.segment_sum(h[src], dst, num_segments=N_NODES)
        m = agg + h
        # GIN MLP: Linear -> ReLU -> Linear
        m = jax.nn.relu(m @ W1[i] + b1[i]) @ W2[i] + b2[i]
        # outer relu + layernorm (as in GraphEncoder.forward)
        m = jax.nn.relu(m)
        h = _layer_norm(m, ln_g[i], ln_b[i])
    # global_add_pool over batch segment ids
    g = jax.ops.segment_sum(h, batch, num_segments=N_GRAPHS)
    # graph_forward: Linear(D, 2D) -> ReLU -> Linear(2D, D)
    out = jax.nn.relu(g @ Wf1 + bf1) @ Wf2 + bf2
    return out

if __name__ == "__main__":
    import jax
    _d = setup_inputs()
    print(jax.jit(kernel)(*tuple(_d.values())))

</pallas_src>

<mosaic_0001>
#map = affine_map<(d0, d1) -> (0, 0, 0)>
#map1 = affine_map<(d0, d1) -> (0)>
module attributes {stable_mosaic.version = 14 : i64} {
  func.func @agg_kernel(%arg0: i32, %arg1: i32, %arg2: memref<2x10240x64xf32, #tpu.memory_space<hbm>>, %arg3: memref<327680xi32, #tpu.memory_space<hbm>>, %arg4: memref<327680xi32, #tpu.memory_space<hbm>>, %arg5: memref<2x10240x64xf32, #tpu.memory_space<hbm>>, %arg6: memref<256xi32, #tpu.memory_space<vmem>>, %arg7: memref<256xi32, #tpu.memory_space<vmem>>, %arg8: memref<256xi32, #tpu.memory_space<vmem>>, %arg9: memref<256xi32, #tpu.memory_space<vmem>>, %arg10: memref<256xi32, #tpu.memory_space<vmem>>, %arg11: memref<256xi32, #tpu.memory_space<vmem>>, %arg12: memref<256xi32, #tpu.memory_space<vmem>>, %arg13: memref<256xi32, #tpu.memory_space<vmem>>, %arg14: memref<256x64xf32, #tpu.memory_space<vmem>>, %arg15: memref<256x64xf32, #tpu.memory_space<vmem>>, %arg16: memref<256x64xf32, #tpu.memory_space<vmem>>, %arg17: memref<256x64xf32, #tpu.memory_space<vmem>>, %arg18: memref<10240x64xf32, #tpu.memory_space<vmem_shared>>, %arg19: memref<!tpu.dma_semaphore, #tpu.memory_space<semaphore_mem>>, %arg20: memref<!tpu.dma_semaphore, #tpu.memory_space<semaphore_mem>>, %arg21: memref<!tpu.dma_semaphore, #tpu.memory_space<semaphore_mem>>, %arg22: memref<!tpu.dma_semaphore, #tpu.memory_space<semaphore_mem>>, %arg23: memref<!tpu.dma_semaphore, #tpu.memory_space<semaphore_mem>>, %arg24: memref<!tpu.dma_semaphore, #tpu.memory_space<semaphore_mem>>, %arg25: memref<!tpu.dma_semaphore, #tpu.memory_space<semaphore_mem>>, %arg26: memref<!tpu.dma_semaphore, #tpu.memory_space<semaphore_mem>>, %arg27: memref<!tpu.dma_semaphore, #tpu.memory_space<semaphore_mem>>, %arg28: memref<!tpu.dma_semaphore, #tpu.memory_space<semaphore_mem>>, %arg29: memref<!tpu.dma_semaphore, #tpu.memory_space<semaphore_mem>>, %arg30: memref<!tpu.dma_semaphore, #tpu.memory_space<semaphore_mem>>, %arg31: memref<!tpu.dma_semaphore, #tpu.memory_space<semaphore_mem>>, %arg32: memref<!tpu.dma_semaphore, #tpu.memory_space<semaphore_mem>>, %arg33: memref<!tpu.dma_semaphore, #tpu.memory_space<semaphore_mem>>, %arg34: memref<!tpu.dma_semaphore, #tpu.memory_space<semaphore_mem>>) attributes {dimension_semantics = [#tpu.dimension_semantics<core_parallel>, #tpu.dimension_semantics<subcore_parallel>], iteration_bounds = array<i64: 2, 16>, scalar_prefetch = 0 : i64, scratch_operands = 29 : i64, tpu.core_type = #tpu.core_type<sc_vector_subcore>, window_params = [{transform_indices = #map}, {transform_indices = #map1}, {transform_indices = #map1}, {transform_indices = #map}]} {
    %mul3A = arith.constant 640 : i32
    %mul3A_0 = arith.muli %arg1, %mul3A : i32
    %mul3A_1 = arith.constant 160 : i32
    %mul3A_2 = arith.muli %arg1, %mul3A_1 : i32
    %mul3A_3 = arith.constant 128 : i32
    %mul3A_4 = arith.muli %mul3A_2, %mul3A_3 : i32
    %dma_start3A = arith.constant 0 : i32
    %dma_start3A_5 = tpu.memref_slice %arg18[%mul3A_0, %dma_start3A] : memref<10240x64xf32, #tpu.memory_space<vmem_shared>> -> memref<640x64xf32, #tpu.memory_space<vmem_shared>>
    %dma_start3A_6 = arith.constant 0 : i32
    %dma_start3A_7 = arith.constant 0 : i32
    %dma_start3A_8 = tpu.memref_slice %arg2[%arg0, %dma_start3A_6, %dma_start3A_7] : memref<2x10240x64xf32, #tpu.memory_space<hbm>> -> memref<1x10240x64xf32, #tpu.memory_space<hbm>>
    %dma_start3A_9 = tpu.memref_squeeze %dma_start3A_8 : memref<1x10240x64xf32, #tpu.memory_space<hbm>> -> memref<10240x64xf32, #tpu.memory_space<hbm>>
    %dma_start3A_10 = arith.constant 0 : i32
    %dma_start3A_11 = tpu.memref_slice %dma_start3A_9[%mul3A_0, %dma_start3A_10] : memref<10240x64xf32, #tpu.memory_space<hbm>> -> memref<640x64xf32, #tpu.memory_space<hbm>>
    tpu.enqueue_dma source(%dma_start3A_11 : memref<640x64xf32, #tpu.memory_space<hbm>>) target(%dma_start3A_5 : memref<640x64xf32, #tpu.memory_space<vmem_shared>>) target_semaphore(%arg31 : memref<!tpu.dma_semaphore, #tpu.memory_space<semaphore_mem>>)
    %add3A = arith.constant 0 : i32
    %add3A_12 = arith.addi %mul3A_4, %add3A : i32
    "tpu.region"() ({
      %run_scoped3A = tpu.sem_alloc : memref<!tpu.dma_semaphore, #tpu.memory_space<semaphore_mem>>
      %dma_start3A_67 = tpu.memref_slice %arg3[%add3A_12] : memref<327680xi32, #tpu.memory_space<hbm>> -> memref<256xi32, #tpu.memory_space<hbm>>
      %dma_start3A_68 = tpu.memref_slice %arg3[%add3A_12] : memref<327680xi32, #tpu.memory_space<hbm>> -> memref<256xi32, #tpu.memory_space<hbm>>
      tpu.enqueue_dma source(%dma_start3A_68 : memref<256xi32, #tpu.memory_space<hbm>>) target(%arg6 : memref<256xi32, #tpu.memory_space<vmem>>) target_semaphore(%run_scoped3A : memref<!tpu.dma_semaphore, #tpu.memory_space<semaphore_mem>>)
      %dma_wait3A_69 = tpu.memref_slice %arg3[%add3A_12] : memref<327680xi32, #tpu.memory_space<hbm>> -> memref<256xi32, #tpu.memory_space<hbm>>
      %dma_wait3A_70 = tpu.memref_slice %arg3[%add3A_12] : memref<327680xi32, #tpu.memory_space<hbm>> -> memref<256xi32, #tpu.memory_space<hbm>>
      tpu.wait_dma2 semaphore(%run_scoped3A : memref<!tpu.dma_semaphore, #tpu.memory_space<semaphore_mem>>) src(%dma_wait3A_70 : memref<256xi32, #tpu.memory_space<hbm>>) dst(%arg6 : memref<256xi32, #tpu.memory_space<vmem>>)
      tpu.yield
    }) : () -> ()
    %add3A_13 = arith.constant 0 : i32
    %add3A_14 = arith.addi %mul3A_4, %add3A_13 : i32
    "tpu.region"() ({
      %run_scoped3A = tpu.sem_alloc : memref<!tpu.dma_semaphore, #tpu.memory_space<semaphore_mem>>
      %dma_start3A_67 = tpu.memref_slice %arg4[%add3A_14] : memref<327680xi32, #tpu.memory_space<hbm>> -> memref<256xi32, #tpu.memory_space<hbm>>
      %dma_start3A_68 = tpu.memref_slice %arg4[%add3A_14] : memref<327680xi32, #tpu.memory_space<hbm>> -> memref<256xi32, #tpu.memory_space<hbm>>
      tpu.enqueue_dma source(%dma_start3A_68 : memref<256xi32, #tpu.memory_space<hbm>>) target(%arg10 : memref<256xi32, #tpu.memory_space<vmem>>) target_semaphore(%run_scoped3A : memref<!tpu.dma_semaphore, #tpu.memory_space<semaphore_mem>>)
      %dma_wait3A_69 = tpu.memref_slice %arg4[%add3A_14] : memref<327680xi32, #tpu.memory_space<hbm>> -> memref<256xi32, #tpu.memory_space<hbm>>
      %dma_wait3A_70 = tpu.memref_slice %arg4[%add3A_14] : memref<327680xi32, #tpu.memory_space<hbm>> -> memref<256xi32, #tpu.memory_space<hbm>>
      tpu.wait_dma2 semaphore(%run_scoped3A : memref<!tpu.dma_semaphore, #tpu.memory_space<semaphore_mem>>) src(%dma_wait3A_70 : memref<256xi32, #tpu.memory_space<hbm>>) dst(%arg10 : memref<256xi32, #tpu.memory_space<vmem>>)
      tpu.yield
    }) : () -> ()
    %add3A_15 = arith.constant 256 : i32
    %add3A_16 = arith.addi %mul3A_4, %add3A_15 : i32
    "tpu.region"() ({
      %run_scoped3A = tpu.sem_alloc : memref<!tpu.dma_semaphore, #tpu.memory_space<semaphore_mem>>
      %dma_start3A_67 = tpu.memref_slice %arg3[%add3A_16] : memref<327680xi32, #tpu.memory_space<hbm>> -> memref<256xi32, #tpu.memory_space<hbm>>
      %dma_start3A_68 = tpu.memref_slice %arg3[%add3A_16] : memref<327680xi32, #tpu.memory_space<hbm>> -> memref<256xi32, #tpu.memory_space<hbm>>
      tpu.enqueue_dma source(%dma_start3A_68 : memref<256xi32, #tpu.memory_space<hbm>>) target(%arg7 : memref<256xi32, #tpu.memory_space<vmem>>) target_semaphore(%run_scoped3A : memref<!tpu.dma_semaphore, #tpu.memory_space<semaphore_mem>>)
      %dma_wait3A_69 = tpu.memref_slice %arg3[%add3A_16] : memref<327680xi32, #tpu.memory_space<hbm>> -> memref<256xi32, #tpu.memory_space<hbm>>
      %dma_wait3A_70 = tpu.memref_slice %arg3[%add3A_16] : memref<327680xi32, #tpu.memory_space<hbm>> -> memref<256xi32, #tpu.memory_space<hbm>>
      tpu.wait_dma2 semaphore(%run_scoped3A : memref<!tpu.dma_semaphore, #tpu.memory_space<semaphore_mem>>) src(%dma_wait3A_70 : memref<256xi32, #tpu.memory_space<hbm>>) dst(%arg7 : memref<256xi32, #tpu.memory_space<vmem>>)
      tpu.yield
    }) : () -> ()
    %add3A_17 = arith.constant 256 : i32
    %add3A_18 = arith.addi %mul3A_4, %add3A_17 : i32
    "tpu.region"() ({
      %run_scoped3A = tpu.sem_alloc : memref<!tpu.dma_semaphore, #tpu.memory_space<semaphore_mem>>
      %dma_start3A_67 = tpu.memref_slice %arg4[%add3A_18] : memref<327680xi32, #tpu.memory_space<hbm>> -> memref<256xi32, #tpu.memory_space<hbm>>
      %dma_start3A_68 = tpu.memref_slice %arg4[%add3A_18] : memref<327680xi32, #tpu.memory_space<hbm>> -> memref<256xi32, #tpu.memory_space<hbm>>
      tpu.enqueue_dma source(%dma_start3A_68 : memref<256xi32, #tpu.memory_space<hbm>>) target(%arg11 : memref<256xi32, #tpu.memory_space<vmem>>) target_semaphore(%run_scoped3A : memref<!tpu.dma_semaphore, #tpu.memory_space<semaphore_mem>>)
      %dma_wait3A_69 = tpu.memref_slice %arg4[%add3A_18] : memref<327680xi32, #tpu.memory_space<hbm>> -> memref<256xi32, #tpu.memory_space<hbm>>
      %dma_wait3A_70 = tpu.memref_slice %arg4[%add3A_18] : memref<327680xi32, #tpu.memory_space<hbm>> -> memref<256xi32, #tpu.memory_space<hbm>>
      tpu.wait_dma2 semaphore(%run_scoped3A : memref<!tpu.dma_semaphore, #tpu.memory_space<semaphore_mem>>) src(%dma_wait3A_70 : memref<256xi32, #tpu.memory_space<hbm>>) dst(%arg11 : memref<256xi32, #tpu.memory_space<vmem>>)
      tpu.yield
    }) : () -> ()
    %add3A_19 = arith.constant 512 : i32
    %add3A_20 = arith.addi %mul3A_4, %add3A_19 : i32
    "tpu.region"() ({
      %run_scoped3A = tpu.sem_alloc : memref<!tpu.dma_semaphore, #tpu.memory_space<semaphore_mem>>
      %dma_start3A_67 = tpu.memref_slice %arg3[%add3A_20] : memref<327680xi32, #tpu.memory_space<hbm>> -> memref<256xi32, #tpu.memory_space<hbm>>
      %dma_start3A_68 = tpu.memref_slice %arg3[%add3A_20] : memref<327680xi32, #tpu.memory_space<hbm>> -> memref<256xi32, #tpu.memory_space<hbm>>
      tpu.enqueue_dma source(%dma_start3A_68 : memref<256xi32, #tpu.memory_space<hbm>>) target(%arg8 : memref<256xi32, #tpu.memory_space<vmem>>) target_semaphore(%run_scoped3A : memref<!tpu.dma_semaphore, #tpu.memory_space<semaphore_mem>>)
      %dma_wait3A_69 = tpu.memref_slice %arg3[%add3A_20] : memref<327680xi32, #tpu.memory_space<hbm>> -> memref<256xi32, #tpu.memory_space<hbm>>
      %dma_wait3A_70 = tpu.memref_slice %arg3[%add3A_20] : memref<327680xi32, #tpu.memory_space<hbm>> -> memref<256xi32, #tpu.memory_space<hbm>>
      tpu.wait_dma2 semaphore(%run_scoped3A : memref<!tpu.dma_semaphore, #tpu.memory_space<semaphore_mem>>) src(%dma_wait3A_70 : memref<256xi32, #tpu.memory_space<hbm>>) dst(%arg8 : memref<256xi32, #tpu.memory_space<vmem>>)
      tpu.yield
    }) : () -> ()
    %add3A_21 = arith.constant 512 : i32
    %add3A_22 = arith.addi %mul3A_4, %add3A_21 : i32
    "tpu.region"() ({
      %run_scoped3A = tpu.sem_alloc : memref<!tpu.dma_semaphore, #tpu.memory_space<semaphore_mem>>
      %dma_start3A_67 = tpu.memref_slice %arg4[%add3A_22] : memref<327680xi32, #tpu.memory_space<hbm>> -> memref<256xi32, #tpu.memory_space<hbm>>
      %dma_start3A_68 = tpu.memref_slice %arg4[%add3A_22] : memref<327680xi32, #tpu.memory_space<hbm>> -> memref<256xi32, #tpu.memory_space<hbm>>
      tpu.enqueue_dma source(%dma_start3A_68 : memref<256xi32, #tpu.memory_space<hbm>>) target(%arg12 : memref<256xi32, #tpu.memory_space<vmem>>) target_semaphore(%run_scoped3A : memref<!tpu.dma_semaphore, #tpu.memory_space<semaphore_mem>>)
      %dma_wait3A_69 = tpu.memref_slice %arg4[%add3A_22] : memref<327680xi32, #tpu.memory_space<hbm>> -> memref<256xi32, #tpu.memory_space<hbm>>
      %dma_wait3A_70 = tpu.memref_slice %arg4[%add3A_22] : memref<327680xi32, #tpu.memory_space<hbm>> -> memref<256xi32, #tpu.memory_space<hbm>>
      tpu.wait_dma2 semaphore(%run_scoped3A : memref<!tpu.dma_semaphore, #tpu.memory_space<semaphore_mem>>) src(%dma_wait3A_70 : memref<256xi32, #tpu.memory_space<hbm>>) dst(%arg12 : memref<256xi32, #tpu.memory_space<vmem>>)
      tpu.yield
    }) : () -> ()
    %add3A_23 = arith.constant 768 : i32
    %add3A_24 = arith.addi %mul3A_4, %add3A_23 : i32
    "tpu.region"() ({
      %run_scoped3A = tpu.sem_alloc : memref<!tpu.dma_semaphore, #tpu.memory_space<semaphore_mem>>
      %dma_start3A_67 = tpu.memref_slice %arg3[%add3A_24] : memref<327680xi32, #tpu.memory_space<hbm>> -> memref<256xi32, #tpu.memory_space<hbm>>
      %dma_start3A_68 = tpu.memref_slice %arg3[%add3A_24] : memref<327680xi32, #tpu.memory_space<hbm>> -> memref<256xi32, #tpu.memory_space<hbm>>
      tpu.enqueue_dma source(%dma_start3A_68 : memref<256xi32, #tpu.memory_space<hbm>>) target(%arg9 : memref<256xi32, #tpu.memory_space<vmem>>) target_semaphore(%run_scoped3A : memref<!tpu.dma_semaphore, #tpu.memory_space<semaphore_mem>>)
      %dma_wait3A_69 = tpu.memref_slice %arg3[%add3A_24] : memref<327680xi32, #tpu.memory_space<hbm>> -> memref<256xi32, #tpu.memory_space<hbm>>
      %dma_wait3A_70 = tpu.memref_slice %arg3[%add3A_24] : memref<327680xi32, #tpu.memory_space<hbm>> -> memref<256xi32, #tpu.memory_space<hbm>>
      tpu.wait_dma2 semaphore(%run_scoped3A : memref<!tpu.dma_semaphore, #tpu.memory_space<semaphore_mem>>) src(%dma_wait3A_70 : memref<256xi32, #tpu.memory_space<hbm>>) dst(%arg9 : memref<256xi32, #tpu.memory_space<vmem>>)
      tpu.yield
    }) : () -> ()
    %add3A_25 = arith.constant 768 : i32
    %add3A_26 = arith.addi %mul3A_4, %add3A_25 : i32
    "tpu.region"() ({
      %run_scoped3A = tpu.sem_alloc : memref<!tpu.dma_semaphore, #tpu.memory_space<semaphore_mem>>
      %dma_start3A_67 = tpu.memref_slice %arg4[%add3A_26] : memref<327680xi32, #tpu.memory_space<hbm>> -> memref<256xi32, #tpu.memory_space<hbm>>
      %dma_start3A_68 = tpu.memref_slice %arg4[%add3A_26] : memref<327680xi32, #tpu.memory_space<hbm>> -> memref<256xi32, #tpu.memory_space<hbm>>
      tpu.enqueue_dma source(%dma_start3A_68 : memref<256xi32, #tpu.memory_space<hbm>>) target(%arg13 : memref<256xi32, #tpu.memory_space<vmem>>) target_semaphore(%run_scoped3A : memref<!tpu.dma_semaphore, #tpu.memory_space<semaphore_mem>>)
      %dma_wait3A_69 = tpu.memref_slice %arg4[%add3A_26] : memref<327680xi32, #tpu.memory_space<hbm>> -> memref<256xi32, #tpu.memory_space<hbm>>
      %dma_wait3A_70 = tpu.memref_slice %arg4[%add3A_26] : memref<327680xi32, #tpu.memory_space<hbm>> -> memref<256xi32, #tpu.memory_space<hbm>>
      tpu.wait_dma2 semaphore(%run_scoped3A : memref<!tpu.dma_semaphore, #tpu.memory_space<semaphore_mem>>) src(%dma_wait3A_70 : memref<256xi32, #tpu.memory_space<hbm>>) dst(%arg13 : memref<256xi32, #tpu.memory_space<vmem>>)
      tpu.yield
    }) : () -> ()
    %dma_start3A_27 = arith.constant 0 : i32
    %dma_start3A_28 = arith.constant 0 : i32
    %dma_start3A_29 = tpu.memref_slice %arg2[%arg0, %dma_start3A_27, %dma_start3A_28] : memref<2x10240x64xf32, #tpu.memory_space<hbm>> -> memref<1x10240x64xf32, #tpu.memory_space<hbm>>
    %dma_start3A_30 = tpu.memref_squeeze %dma_start3A_29 : memref<1x10240x64xf32, #tpu.memory_space<hbm>> -> memref<10240x64xf32, #tpu.memory_space<hbm>>
    %dma_start3A_31 = arith.constant 0 : i32
    %dma_start3A_32 = arith.constant 0 : i32
    %dma_start3A_33 = tpu.memref_slice %dma_start3A_30[%dma_start3A_31, %dma_start3A_32] : memref<10240x64xf32, #tpu.memory_space<hbm>> -> memref<10240x64xf32, #tpu.memory_space<hbm>>
    tpu.enqueue_indirect_dma source(%dma_start3A_33 : memref<10240x64xf32, #tpu.memory_space<hbm>>) target(%arg14 : memref<256x64xf32, #tpu.memory_space<vmem>>) offsets(%arg6 : memref<256xi32, #tpu.memory_space<vmem>>) semaphore(%arg19 : memref<!tpu.dma_semaphore, #tpu.memory_space<semaphore_mem>>)
    %dma_start3A_34 = arith.constant 0 : i32
    %dma_start3A_35 = arith.constant 0 : i32
    %dma_start3A_36 = tpu.memref_slice %arg2[%arg0, %dma_start3A_34, %dma_start3A_35] : memref<2x10240x64xf32, #tpu.memory_space<hbm>> -> memref<1x10240x64xf32, #tpu.memory_space<hbm>>
    %dma_start3A_37 = tpu.memref_squeeze %dma_start3A_36 : memref<1x10240x64xf32, #tpu.memory_space<hbm>> -> memref<10240x64xf32, #tpu.memory_space<hbm>>
    %dma_start3A_38 = arith.constant 0 : i32
    %dma_start3A_39 = arith.constant 0 : i32
    %dma_start3A_40 = tpu.memref_slice %dma_start3A_37[%dma_start3A_38, %dma_start3A_39] : memref<10240x64xf32, #tpu.memory_space<hbm>> -> memref<10240x64xf32, #tpu.memory_space<hbm>>
    tpu.enqueue_indirect_dma source(%dma_start3A_40 : memref<10240x64xf32, #tpu.memory_space<hbm>>) target(%arg15 : memref<256x64xf32, #tpu.memory_space<vmem>>) offsets(%arg7 : memref<256xi32, #tpu.memory_space<vmem>>) semaphore(%arg20 : memref<!tpu.dma_semaphore, #tpu.memory_space<semaphore_mem>>)
    %dma_start3A_41 = arith.constant 0 : i32
    %dma_start3A_42 = arith.constant 0 : i32
    %dma_start3A_43 = tpu.memref_slice %arg2[%arg0, %dma_start3A_41, %dma_start3A_42] : memref<2x10240x64xf32, #tpu.memory_space<hbm>> -> memref<1x10240x64xf32, #tpu.memory_space<hbm>>
    %dma_start3A_44 = tpu.memref_squeeze %dma_start3A_43 : memref<1x10240x64xf32, #tpu.memory_space<hbm>> -> memref<10240x64xf32, #tpu.memory_space<hbm>>
    %dma_start3A_45 = arith.constant 0 : i32
    %dma_start3A_46 = arith.constant 0 : i32
    %dma_start3A_47 = tpu.memref_slice %dma_start3A_44[%dma_start3A_45, %dma_start3A_46] : memref<10240x64xf32, #tpu.memory_space<hbm>> -> memref<10240x64xf32, #tpu.memory_space<hbm>>
    tpu.enqueue_indirect_dma source(%dma_start3A_47 : memref<10240x64xf32, #tpu.memory_space<hbm>>) target(%arg16 : memref<256x64xf32, #tpu.memory_space<vmem>>) offsets(%arg8 : memref<256xi32, #tpu.memory_space<vmem>>) semaphore(%arg21 : memref<!tpu.dma_semaphore, #tpu.memory_space<semaphore_mem>>)
    %dma_start3A_48 = arith.constant 0 : i32
    %dma_start3A_49 = arith.constant 0 : i32
    %dma_start3A_50 = tpu.memref_slice %arg2[%arg0, %dma_start3A_48, %dma_start3A_49] : memref<2x10240x64xf32, #tpu.memory_space<hbm>> -> memref<1x10240x64xf32, #tpu.memory_space<hbm>>
    %dma_start3A_51 = tpu.memref_squeeze %dma_start3A_50 : memref<1x10240x64xf32, #tpu.memory_space<hbm>> -> memref<10240x64xf32, #tpu.memory_space<hbm>>
    %dma_start3A_52 = arith.constant 0 : i32
    %dma_start3A_53 = arith.constant 0 : i32
    %dma_start3A_54 = tpu.memref_slice %dma_start3A_51[%dma_start3A_52, %dma_start3A_53] : memref<10240x64xf32, #tpu.memory_space<hbm>> -> memref<10240x64xf32, #tpu.memory_space<hbm>>
    tpu.enqueue_indirect_dma source(%dma_start3A_54 : memref<10240x64xf32, #tpu.memory_space<hbm>>) target(%arg17 : memref<256x64xf32, #tpu.memory_space<vmem>>) offsets(%arg9 : memref<256xi32, #tpu.memory_space<vmem>>) semaphore(%arg22 : memref<!tpu.dma_semaphore, #tpu.memory_space<semaphore_mem>>)
    %dma_wait3A = arith.constant 0 : i32
    %dma_wait3A_55 = tpu.memref_slice %arg18[%mul3A_0, %dma_wait3A] : memref<10240x64xf32, #tpu.memory_space<vmem_shared>> -> memref<640x64xf32, #tpu.memory_space<vmem_shared>>
    %dma_wait3A_56 = arith.constant 0 : i32
    %dma_wait3A_57 = arith.constant 0 : i32
    %dma_wait3A_58 = tpu.memref_slice %arg2[%arg0, %dma_wait3A_56, %dma_wait3A_57] : memref<2x10240x64xf32, #tpu.memory_space<hbm>> -> memref<1x10240x64xf32, #tpu.memory_space<hbm>>
    %dma_wait3A_59 = tpu.memref_squeeze %dma_wait3A_58 : memref<1x10240x64xf32, #tpu.memory_space<hbm>> -> memref<10240x64xf32, #tpu.memory_space<hbm>>
    %dma_wait3A_60 = arith.constant 0 : i32
    %dma_wait3A_61 = tpu.memref_slice %dma_wait3A_59[%mul3A_0, %dma_wait3A_60] : memref<10240x64xf32, #tpu.memory_space<hbm>> -> memref<640x64xf32, #tpu.memory_space<hbm>>
    tpu.wait_dma2 semaphore(%arg31 : memref<!tpu.dma_semaphore, #tpu.memory_space<semaphore_mem>>) src(%dma_wait3A_61 : memref<640x64xf32, #tpu.memory_space<hbm>>) dst(%dma_wait3A_55 : memref<640x64xf32, #tpu.memory_space<vmem_shared>>)
    %barrier3A = arith.constant 0 : index
    tpu.barrier barrier_id(%barrier3A)
    %scan3A = arith.constant 0 : i32
    %scan3A_62 = arith.constant 20 : i32
    %scan3A_63 = arith.addi %scan3A, %scan3A_62 : i32
    %scan3A_64 = arith.constant 1 : i32
    scf.for %scan3A_67 = %scan3A to %scan3A_63 step %scan3A_64  : i32 {
      %mul3A_68 = arith.constant 4 : i32
      %mul3A_69 = arith.muli %scan3A_67, %mul3A_68 : i32
      %add3A_70 = arith.constant 0 : i32
      %add3A_71 = arith.addi %add3A_70, %mul3A_69 : i32
      %add3A_72 = arith.constant 0 : i32
      %add3A_73 = arith.addi %add3A_71, %add3A_72 : i32
      %dma_wait3A_74 = arith.constant 0 : i32
      %dma_wait3A_75 = arith.constant 0 : i32
      %dma_wait3A_76 = tpu.memref_slice %arg2[%arg0, %dma_wait3A_74, %dma_wait3A_75] : memref<2x10240x64xf32, #tpu.memory_space<hbm>> -> memref<1x10240x64xf32, #tpu.memory_space<hbm>>
      %dma_wait3A_77 = tpu.memref_squeeze %dma_wait3A_76 : memref<1x10240x64xf32, #tpu.memory_space<hbm>> -> memref<10240x64xf32, #tpu.memory_space<hbm>>
      %dma_wait3A_78 = arith.constant 0 : i32
      %dma_wait3A_79 = arith.constant 0 : i32
      %dma_wait3A_80 = tpu.memref_slice %dma_wait3A_77[%dma_wait3A_78, %dma_wait3A_79] : memref<10240x64xf32, #tpu.memory_space<hbm>> -> memref<128x64xf32, #tpu.memory_space<hbm>>
      %dma_wait3A_81 = arith.constant 0 : i32
      %dma_wait3A_82 = arith.constant 0 : i32
      %dma_wait3A_83 = tpu.memref_slice %arg2[%arg0, %dma_wait3A_81, %dma_wait3A_82] : memref<2x10240x64xf32, #tpu.memory_space<hbm>> -> memref<1x10240x64xf32, #tpu.memory_space<hbm>>
      %dma_wait3A_84 = tpu.memref_squeeze %dma_wait3A_83 : memref<1x10240x64xf32, #tpu.memory_space<hbm>> -> memref<10240x64xf32, #tpu.memory_space<hbm>>
      %dma_wait3A_85 = arith.constant 0 : i32
      %dma_wait3A_86 = arith.constant 0 : i32
      %dma_wait3A_87 = tpu.memref_slice %dma_wait3A_84[%dma_wait3A_85, %dma_wait3A_86] : memref<10240x64xf32, #tpu.memory_space<hbm>> -> memref<128x64xf32, #tpu.memory_space<hbm>>
      tpu.wait_dma2 semaphore(%arg19 : memref<!tpu.dma_semaphore, #tpu.memory_space<semaphore_mem>>) src(%dma_wait3A_87 : memref<128x64xf32, #tpu.memory_space<hbm>>) dst(%arg14 : memref<256x64xf32, #tpu.memory_space<vmem>>)
      %ge3A = arith.constant 4 : i32
      %ge3A_88 = arith.cmpi sge, %add3A_73, %ge3A : i32
      %convert_element_type3A = arith.extui %ge3A_88 : i1 to i32
      %cond3A = arith.constant 0 : i32
      %cond3A_89 = arith.cmpi ne, %convert_element_type3A, %cond3A : i32
      scf.if %cond3A_89 {
        %dma_wait3A_240 = arith.constant 0 : i32
        %dma_wait3A_241 = tpu.memref_slice %arg3[%dma_wait3A_240] : memref<327680xi32, #tpu.memory_space<hbm>> -> memref<256xi32, #tpu.memory_space<hbm>>
        %dma_wait3A_242 = arith.constant 0 : i32
        %dma_wait3A_243 = tpu.memref_slice %arg3[%dma_wait3A_242] : memref<327680xi32, #tpu.memory_space<hbm>> -> memref<256xi32, #tpu.memory_space<hbm>>
        tpu.wait_dma2 semaphore(%arg31 : memref<!tpu.dma_semaphore, #tpu.memory_space<semaphore_mem>>) src(%dma_wait3A_243 : memref<256xi32, #tpu.memory_space<hbm>>) dst(%arg10 : memref<256xi32, #tpu.memory_space<vmem>>)
      } else {
      }
      %dma_start3A_90 = arith.constant 0 : i32
      %dma_start3A_91 = arith.constant 0 : i32
      %dma_start3A_92 = tpu.memref_slice %arg18[%dma_start3A_90, %dma_start3A_91] : memref<10240x64xf32, #tpu.memory_space<vmem_shared>> -> memref<10240x64xf32, #tpu.memory_space<vmem_shared>>
      tpu.enqueue_indirect_dma source(%arg14 : memref<256x64xf32, #tpu.memory_space<vmem>>) target(%dma_start3A_92 : memref<10240x64xf32, #tpu.memory_space<vmem_shared>>) offsets(%arg10 : memref<256xi32, #tpu.memory_space<vmem>>) semaphore(%arg23 : memref<!tpu.dma_semaphore, #tpu.memory_space<semaphore_mem>>) {add = true}
      %add3A_93 = arith.constant 4 : i32
      %add3A_94 = arith.addi %add3A_73, %add3A_93 : i32
      %lt3A = arith.constant 80 : i32
      %lt3A_95 = arith.cmpi slt, %add3A_94, %lt3A : i32
      %convert_element_type3A_96 = arith.extui %lt3A_95 : i1 to i32
      %cond3A_97 = arith.constant 0 : i32
      %cond3A_98 = arith.cmpi ne, %convert_element_type3A_96, %cond3A_97 : i32
      scf.if %cond3A_98 {
        %add3A_240 = arith.constant 4 : i32
        %add3A_241 = arith.addi %add3A_73, %add3A_240 : i32
        %mul3A_242 = arith.constant 256 : i32
        %mul3A_243 = arith.muli %add3A_241, %mul3A_242 : i32
        %add3A_244 = arith.addi %mul3A_4, %mul3A_243 : i32
        %dma_start3A_245 = tpu.memref_slice %arg3[%add3A_244] : memref<327680xi32, #tpu.memory_space<hbm>> -> memref<256xi32, #tpu.memory_space<hbm>>
        %dma_start3A_246 = tpu.memref_slice %arg3[%add3A_244] : memref<327680xi32, #tpu.memory_space<hbm>> -> memref<256xi32, #tpu.memory_space<hbm>>
        tpu.enqueue_dma source(%dma_start3A_246 : memref<256xi32, #tpu.memory_space<hbm>>) target(%arg6 : memref<256xi32, #tpu.memory_space<vmem>>) target_semaphore(%arg27 : memref<!tpu.dma_semaphore, #tpu.memory_space<semaphore_mem>>)
      } else {
      }
      %add3A_99 = arith.constant 1 : i32
      %add3A_100 = arith.addi %add3A_71, %add3A_99 : i32
      %dma_wait3A_101 = arith.constant 0 : i32
      %dma_wait3A_102 = arith.constant 0 : i32
      %dma_wait3A_103 = tpu.memref_slice %arg2[%arg0, %dma_wait3A_101, %dma_wait3A_102] : memref<2x10240x64xf32, #tpu.memory_space<hbm>> -> memref<1x10240x64xf32, #tpu.memory_space<hbm>>
      %dma_wait3A_104 = tpu.memref_squeeze %dma_wait3A_103 : memref<1x10240x64xf32, #tpu.memory_space<hbm>> -> memref<10240x64xf32, #tpu.memory_space<hbm>>
      %dma_wait3A_105 = arith.constant 0 : i32
      %dma_wait3A_106 = arith.constant 0 : i32
      %dma_wait3A_107 = tpu.memref_slice %dma_wait3A_104[%dma_wait3A_105, %dma_wait3A_106] : memref<10240x64xf32, #tpu.memory_space<hbm>> -> memref<128x64xf32, #tpu.memory_space<hbm>>
      %dma_wait3A_108 = arith.constant 0 : i32
      %dma_wait3A_109 = arith.constant 0 : i32
      %dma_wait3A_110 = tpu.memref_slice %arg2[%arg0, %dma_wait3A_108, %dma_wait3A_109] : memref<2x10240x64xf32, #tpu.memory_space<hbm>> -> memref<1x10240x64xf32, #tpu.memory_space<hbm>>
      %dma_wait3A_111 = tpu.memref_squeeze %dma_wait3A_110 : memref<1x10240x64xf32, #tpu.memory_space<hbm>> -> memref<10240x64xf32, #tpu.memory_space<hbm>>
      %dma_wait3A_112 = arith.constant 0 : i32
      %dma_wait3A_113 = arith.constant 0 : i32
      %dma_wait3A_114 = tpu.memref_slice %dma_wait3A_111[%dma_wait3A_112, %dma_wait3A_113] : memref<10240x64xf32, #tpu.memory_space<hbm>> -> memref<128x64xf32, #tpu.memory_space<hbm>>
      tpu.wait_dma2 semaphore(%arg20 : memref<!tpu.dma_semaphore, #tpu.memory_space<semaphore_mem>>) src(%dma_wait3A_114 : memref<128x64xf32, #tpu.memory_space<hbm>>) dst(%arg15 : memref<256x64xf32, #tpu.memory_space<vmem>>)
      %ge3A_115 = arith.constant 4 : i32
      %ge3A_116 = arith.cmpi sge, %add3A_100, %ge3A_115 : i32
      %convert_element_type3A_117 = arith.extui %ge3A_116 : i1 to i32
      %cond3A_118 = arith.constant 0 : i32
      %cond3A_119 = arith.cmpi ne, %convert_element_type3A_117, %cond3A_118 : i32
      scf.if %cond3A_119 {
        %dma_wait3A_240 = arith.constant 0 : i32
        %dma_wait3A_241 = tpu.memref_slice %arg3[%dma_wait3A_240] : memref<327680xi32, #tpu.memory_space<hbm>> -> memref<256xi32, #tpu.memory_space<hbm>>
        %dma_wait3A_242 = arith.constant 0 : i32
        %dma_wait3A_243 = tpu.memref_slice %arg3[%dma_wait3A_242] : memref<327680xi32, #tpu.memory_space<hbm>> -> memref<256xi32, #tpu.memory_space<hbm>>
        tpu.wait_dma2 semaphore(%arg32 : memref<!tpu.dma_semaphore, #tpu.memory_space<semaphore_mem>>) src(%dma_wait3A_243 : memref<256xi32, #tpu.memory_space<hbm>>) dst(%arg11 : memref<256xi32, #tpu.memory_space<vmem>>)
      } else {
      }
      %dma_start3A_120 = arith.constant 0 : i32
      %dma_start3A_121 = arith.constant 0 : i32
      %dma_start3A_122 = tpu.memref_slice %arg18[%dma_start3A_120, %dma_start3A_121] : memref<10240x64xf32, #tpu.memory_space<vmem_shared>> -> memref<10240x64xf32, #tpu.memory_space<vmem_shared>>
      tpu.enqueue_indirect_dma source(%arg15 : memref<256x64xf32, #tpu.memory_space<vmem>>) target(%dma_start3A_122 : memref<10240x64xf32, #tpu.memory_space<vmem_shared>>) offsets(%arg11 : memref<256xi32, #tpu.memory_space<vmem>>) semaphore(%arg24 : memref<!tpu.dma_semaphore, #tpu.memory_space<semaphore_mem>>) {add = true}
      %add3A_123 = arith.constant 4 : i32
      %add3A_124 = arith.addi %add3A_100, %add3A_123 : i32
      %lt3A_125 = arith.constant 80 : i32
      %lt3A_126 = arith.cmpi slt, %add3A_124, %lt3A_125 : i32
      %convert_element_type3A_127 = arith.extui %lt3A_126 : i1 to i32
      %cond3A_128 = arith.constant 0 : i32
      %cond3A_129 = arith.cmpi ne, %convert_element_type3A_127, %cond3A_128 : i32
      scf.if %cond3A_129 {
        %add3A_240 = arith.constant 4 : i32
        %add3A_241 = arith.addi %add3A_100, %add3A_240 : i32
        %mul3A_242 = arith.constant 256 : i32
        %mul3A_243 = arith.muli %add3A_241, %mul3A_242 : i32
        %add3A_244 = arith.addi %mul3A_4, %mul3A_243 : i32
        %dma_start3A_245 = tpu.memref_slice %arg3[%add3A_244] : memref<327680xi32, #tpu.memory_space<hbm>> -> memref<256xi32, #tpu.memory_space<hbm>>
        %dma_start3A_246 = tpu.memref_slice %arg3[%add3A_244] : memref<327680xi32, #tpu.memory_space<hbm>> -> memref<256xi32, #tpu.memory_space<hbm>>
        tpu.enqueue_dma source(%dma_start3A_246 : memref<256xi32, #tpu.memory_space<hbm>>) target(%arg7 : memref<256xi32, #tpu.memory_space<vmem>>) target_semaphore(%arg28 : memref<!tpu.dma_semaphore, #tpu.memory_space<semaphore_mem>>)
      } else {
      }
      %add3A_130 = arith.constant 2 : i32
      %add3A_131 = arith.addi %add3A_71, %add3A_130 : i32
      %dma_wait3A_132 = arith.constant 0 : i32
      %dma_wait3A_133 = arith.constant 0 : i32
      %dma_wait3A_134 = tpu.memref_slice %arg2[%arg0, %dma_wait3A_132, %dma_wait3A_133] : memref<2x10240x64xf32, #tpu.memory_space<hbm>> -> memref<1x10240x64xf32, #tpu.memory_space<hbm>>
      %dma_wait3A_135 = tpu.memref_squeeze %dma_wait3A_134 : memref<1x10240x64xf32, #tpu.memory_space<hbm>> -> memref<10240x64xf32, #tpu.memory_space<hbm>>
      %dma_wait3A_136 = arith.constant 0 : i32
      %dma_wait3A_137 = arith.constant 0 : i32
      %dma_wait3A_138 = tpu.memref_slice %dma_wait3A_135[%dma_wait3A_136, %dma_wait3A_137] : memref<10240x64xf32, #tpu.memory_space<hbm>> -> memref<128x64xf32, #tpu.memory_space<hbm>>
      %dma_wait3A_139 = arith.constant 0 : i32
      %dma_wait3A_140 = arith.constant 0 : i32
      %dma_wait3A_141 = tpu.memref_slice %arg2[%arg0, %dma_wait3A_139, %dma_wait3A_140] : memref<2x10240x64xf32, #tpu.memory_space<hbm>> -> memref<1x10240x64xf32, #tpu.memory_space<hbm>>
      %dma_wait3A_142 = tpu.memref_squeeze %dma_wait3A_141 : memref<1x10240x64xf32, #tpu.memory_space<hbm>> -> memref<10240x64xf32, #tpu.memory_space<hbm>>
      %dma_wait3A_143 = arith.constant 0 : i32
      %dma_wait3A_144 = arith.constant 0 : i32
      %dma_wait3A_145 = tpu.memref_slice %dma_wait3A_142[%dma_wait3A_143, %dma_wait3A_144] : memref<10240x64xf32, #tpu.memory_space<hbm>> -> memref<128x64xf32, #tpu.memory_space<hbm>>
      tpu.wait_dma2 semaphore(%arg21 : memref<!tpu.dma_semaphore, #tpu.memory_space<semaphore_mem>>) src(%dma_wait3A_145 : memref<128x64xf32, #tpu.memory_space<hbm>>) dst(%arg16 : memref<256x64xf32, #tpu.memory_space<vmem>>)
      %ge3A_146 = arith.constant 4 : i32
      %ge3A_147 = arith.cmpi sge, %add3A_131, %ge3A_146 : i32
      %convert_element_type3A_148 = arith.extui %ge3A_147 : i1 to i32
      %cond3A_149 = arith.constant 0 : i32
      %cond3A_150 = arith.cmpi ne, %convert_element_type3A_148, %cond3A_149 : i32
      scf.if %cond3A_150 {
        %dma_wait3A_240 = arith.constant 0 : i32
        %dma_wait3A_241 = tpu.memref_slice %arg3[%dma_wait3A_240] : memref<327680xi32, #tpu.memory_space<hbm>> -> memref<256xi32, #tpu.memory_space<hbm>>
        %dma_wait3A_242 = arith.constant 0 : i32
        %dma_wait3A_243 = tpu.memref_slice %arg3[%dma_wait3A_242] : memref<327680xi32, #tpu.memory_space<hbm>> -> memref<256xi32, #tpu.memory_space<hbm>>
        tpu.wait_dma2 semaphore(%arg33 : memref<!tpu.dma_semaphore, #tpu.memory_space<semaphore_mem>>) src(%dma_wait3A_243 : memref<256xi32, #tpu.memory_space<hbm>>) dst(%arg12 : memref<256xi32, #tpu.memory_space<vmem>>)
      } else {
      }
      %dma_start3A_151 = arith.constant 0 : i32
      %dma_start3A_152 = arith.constant 0 : i32
      %dma_start3A_153 = tpu.memref_slice %arg18[%dma_start3A_151, %dma_start3A_152] : memref<10240x64xf32, #tpu.memory_space<vmem_shared>> -> memref<10240x64xf32, #tpu.memory_space<vmem_shared>>
      tpu.enqueue_indirect_dma source(%arg16 : memref<256x64xf32, #tpu.memory_space<vmem>>) target(%dma_start3A_153 : memref<10240x64xf32, #tpu.memory_space<vmem_shared>>) offsets(%arg12 : memref<256xi32, #tpu.memory_space<vmem>>) semaphore(%arg25 : memref<!tpu.dma_semaphore, #tpu.memory_space<semaphore_mem>>) {add = true}
      %add3A_154 = arith.constant 4 : i32
      %add3A_155 = arith.addi %add3A_131, %add3A_154 : i32
      %lt3A_156 = arith.constant 80 : i32
      %lt3A_157 = arith.cmpi slt, %add3A_155, %lt3A_156 : i32
      %convert_element_type3A_158 = arith.extui %lt3A_157 : i1 to i32
      %cond3A_159 = arith.constant 0 : i32
      %cond3A_160 = arith.cmpi ne, %convert_element_type3A_158, %cond3A_159 : i32
      scf.if %cond3A_160 {
        %add3A_240 = arith.constant 4 : i32
        %add3A_241 = arith.addi %add3A_131, %add3A_240 : i32
        %mul3A_242 = arith.constant 256 : i32
        %mul3A_243 = arith.muli %add3A_241, %mul3A_242 : i32
        %add3A_244 = arith.addi %mul3A_4, %mul3A_243 : i32
        %dma_start3A_245 = tpu.memref_slice %arg3[%add3A_244] : memref<327680xi32, #tpu.memory_space<hbm>> -> memref<256xi32, #tpu.memory_space<hbm>>
        %dma_start3A_246 = tpu.memref_slice %arg3[%add3A_244] : memref<327680xi32, #tpu.memory_space<hbm>> -> memref<256xi32, #tpu.memory_space<hbm>>
        tpu.enqueue_dma source(%dma_start3A_246 : memref<256xi32, #tpu.memory_space<hbm>>) target(%arg8 : memref<256xi32, #tpu.memory_space<vmem>>) target_semaphore(%arg29 : memref<!tpu.dma_semaphore, #tpu.memory_space<semaphore_mem>>)
      } else {
      }
      %add3A_161 = arith.constant 3 : i32
      %add3A_162 = arith.addi %add3A_71, %add3A_161 : i32
      %dma_wait3A_163 = arith.constant 0 : i32
      %dma_wait3A_164 = arith.constant 0 : i32
      %dma_wait3A_165 = tpu.memref_slice %arg2[%arg0, %dma_wait3A_163, %dma_wait3A_164] : memref<2x10240x64xf32, #tpu.memory_space<hbm>> -> memref<1x10240x64xf32, #tpu.memory_space<hbm>>
      %dma_wait3A_166 = tpu.memref_squeeze %dma_wait3A_165 : memref<1x10240x64xf32, #tpu.memory_space<hbm>> -> memref<10240x64xf32, #tpu.memory_space<hbm>>
      %dma_wait3A_167 = arith.constant 0 : i32
      %dma_wait3A_168 = arith.constant 0 : i32
      %dma_wait3A_169 = tpu.memref_slice %dma_wait3A_166[%dma_wait3A_167, %dma_wait3A_168] : memref<10240x64xf32, #tpu.memory_space<hbm>> -> memref<128x64xf32, #tpu.memory_space<hbm>>
      %dma_wait3A_170 = arith.constant 0 : i32
      %dma_wait3A_171 = arith.constant 0 : i32
      %dma_wait3A_172 = tpu.memref_slice %arg2[%arg0, %dma_wait3A_170, %dma_wait3A_171] : memref<2x10240x64xf32, #tpu.memory_space<hbm>> -> memref<1x10240x64xf32, #tpu.memory_space<hbm>>
      %dma_wait3A_173 = tpu.memref_squeeze %dma_wait3A_172 : memref<1x10240x64xf32, #tpu.memory_space<hbm>> -> memref<10240x64xf32, #tpu.memory_space<hbm>>
      %dma_wait3A_174 = arith.constant 0 : i32
      %dma_wait3A_175 = arith.constant 0 : i32
      %dma_wait3A_176 = tpu.memref_slice %dma_wait3A_173[%dma_wait3A_174, %dma_wait3A_175] : memref<10240x64xf32, #tpu.memory_space<hbm>> -> memref<128x64xf32, #tpu.memory_space<hbm>>
      tpu.wait_dma2 semaphore(%arg22 : memref<!tpu.dma_semaphore, #tpu.memory_space<semaphore_mem>>) src(%dma_wait3A_176 : memref<128x64xf32, #tpu.memory_space<hbm>>) dst(%arg17 : memref<256x64xf32, #tpu.memory_space<vmem>>)
      %ge3A_177 = arith.constant 4 : i32
      %ge3A_178 = arith.cmpi sge, %add3A_162, %ge3A_177 : i32
      %convert_element_type3A_179 = arith.extui %ge3A_178 : i1 to i32
      %cond3A_180 = arith.constant 0 : i32
      %cond3A_181 = arith.cmpi ne, %convert_element_type3A_179, %cond3A_180 : i32
      scf.if %cond3A_181 {
        %dma_wait3A_240 = arith.constant 0 : i32
        %dma_wait3A_241 = tpu.memref_slice %arg3[%dma_wait3A_240] : memref<327680xi32, #tpu.memory_space<hbm>> -> memref<256xi32, #tpu.memory_space<hbm>>
        %dma_wait3A_242 = arith.constant 0 : i32
        %dma_wait3A_243 = tpu.memref_slice %arg3[%dma_wait3A_242] : memref<327680xi32, #tpu.memory_space<hbm>> -> memref<256xi32, #tpu.memory_space<hbm>>
        tpu.wait_dma2 semaphore(%arg34 : memref<!tpu.dma_semaphore, #tpu.memory_space<semaphore_mem>>) src(%dma_wait3A_243 : memref<256xi32, #tpu.memory_space<hbm>>) dst(%arg13 : memref<256xi32, #tpu.memory_space<vmem>>)
      } else {
      }
      %dma_start3A_182 = arith.constant 0 : i32
      %dma_start3A_183 = arith.constant 0 : i32
      %dma_start3A_184 = tpu.memref_slice %arg18[%dma_start3A_182, %dma_start3A_183] : memref<10240x64xf32, #tpu.memory_space<vmem_shared>> -> memref<10240x64xf32, #tpu.memory_space<vmem_shared>>
      tpu.enqueue_indirect_dma source(%arg17 : memref<256x64xf32, #tpu.memory_space<vmem>>) target(%dma_start3A_184 : memref<10240x64xf32, #tpu.memory_space<vmem_shared>>) offsets(%arg13 : memref<256xi32, #tpu.memory_space<vmem>>) semaphore(%arg26 : memref<!tpu.dma_semaphore, #tpu.memory_space<semaphore_mem>>) {add = true}
      %add3A_185 = arith.constant 4 : i32
      %add3A_186 = arith.addi %add3A_162, %add3A_185 : i32
      %lt3A_187 = arith.constant 80 : i32
      %lt3A_188 = arith.cmpi slt, %add3A_186, %lt3A_187 : i32
      %convert_element_type3A_189 = arith.extui %lt3A_188 : i1 to i32
      %cond3A_190 = arith.constant 0 : i32
      %cond3A_191 = arith.cmpi ne, %convert_element_type3A_189, %cond3A_190 : i32
      scf.if %cond3A_191 {
        %add3A_240 = arith.constant 4 : i32
        %add3A_241 = arith.addi %add3A_162, %add3A_240 : i32
        %mul3A_242 = arith.constant 256 : i32
        %mul3A_243 = arith.muli %add3A_241, %mul3A_242 : i32
        %add3A_244 = arith.addi %mul3A_4, %mul3A_243 : i32
        %dma_start3A_245 = tpu.memref_slice %arg3[%add3A_244] : memref<327680xi32, #tpu.memory_space<hbm>> -> memref<256xi32, #tpu.memory_space<hbm>>
        %dma_start3A_246 = tpu.memref_slice %arg3[%add3A_244] : memref<327680xi32, #tpu.memory_space<hbm>> -> memref<256xi32, #tpu.memory_space<hbm>>
        tpu.enqueue_dma source(%dma_start3A_246 : memref<256xi32, #tpu.memory_space<hbm>>) target(%arg9 : memref<256xi32, #tpu.memory_space<vmem>>) target_semaphore(%arg30 : memref<!tpu.dma_semaphore, #tpu.memory_space<semaphore_mem>>)
      } else {
      }
      %add3A_192 = arith.constant 0 : i32
      %add3A_193 = arith.addi %add3A_71, %add3A_192 : i32
      %dma_wait3A_194 = arith.constant 0 : i32
      %dma_wait3A_195 = arith.constant 0 : i32
      %dma_wait3A_196 = tpu.memref_slice %arg18[%dma_wait3A_194, %dma_wait3A_195] : memref<10240x64xf32, #tpu.memory_space<vmem_shared>> -> memref<10240x64xf32, #tpu.memory_space<vmem_shared>>
      tpu.wait_indirect_dma semaphore(%arg23 : memref<!tpu.dma_semaphore, #tpu.memory_space<semaphore_mem>>) src(%arg14 : memref<256x64xf32, #tpu.memory_space<vmem>>) dst(%dma_wait3A_196 : memref<10240x64xf32, #tpu.memory_space<vmem_shared>>)
      %add3A_197 = arith.constant 4 : i32
      %add3A_198 = arith.addi %add3A_193, %add3A_197 : i32
      %lt3A_199 = arith.constant 80 : i32
      %lt3A_200 = arith.cmpi slt, %add3A_198, %lt3A_199 : i32
      %convert_element_type3A_201 = arith.extui %lt3A_200 : i1 to i32
      %cond3A_202 = arith.constant 0 : i32
      %cond3A_203 = arith.cmpi ne, %convert_element_type3A_201, %cond3A_202 : i32
      scf.if %cond3A_203 {
        %add3A_240 = arith.constant 4 : i32
        %add3A_241 = arith.addi %add3A_193, %add3A_240 : i32
        %mul3A_242 = arith.constant 256 : i32
        %mul3A_243 = arith.muli %add3A_241, %mul3A_242 : i32
        %add3A_244 = arith.addi %mul3A_4, %mul3A_243 : i32
        %dma_start3A_245 = tpu.memref_slice %arg4[%add3A_244] : memref<327680xi32, #tpu.memory_space<hbm>> -> memref<256xi32, #tpu.memory_space<hbm>>
        %dma_start3A_246 = tpu.memref_slice %arg4[%add3A_244] : memref<327680xi32, #tpu.memory_space<hbm>> -> memref<256xi32, #tpu.memory_space<hbm>>
        tpu.enqueue_dma source(%dma_start3A_246 : memref<256xi32, #tpu.memory_space<hbm>>) target(%arg10 : memref<256xi32, #tpu.memory_space<vmem>>) target_semaphore(%arg31 : memref<!tpu.dma_semaphore, #tpu.memory_space<semaphore_mem>>)
        %dma_wait3A_247 = arith.constant 0 : i32
        %dma_wait3A_248 = tpu.memref_slice %arg3[%dma_wait3A_247] : memref<327680xi32, #tpu.memory_space<hbm>> -> memref<256xi32, #tpu.memory_space<hbm>>
        %dma_wait3A_249 = arith.constant 0 : i32
        %dma_wait3A_250 = tpu.memref_slice %arg3[%dma_wait3A_249] : memref<327680xi32, #tpu.memory_space<hbm>> -> memref<256xi32, #tpu.memory_space<hbm>>
        tpu.wait_dma2 semaphore(%arg27 : memref<!tpu.dma_semaphore, #tpu.memory_space<semaphore_mem>>) src(%dma_wait3A_250 : memref<256xi32, #tpu.memory_space<hbm>>) dst(%arg6 : memref<256xi32, #tpu.memory_space<vmem>>)
        %add3A_251 = arith.constant 4 : i32
        %add3A_252 = arith.addi %add3A_193, %add3A_251 : i32
        %dma_start3A_253 = arith.constant 0 : i32
        %dma_start3A_254 = arith.constant 0 : i32
        %dma_start3A_255 = tpu.memref_slice %arg2[%arg0, %dma_start3A_253, %dma_start3A_254] : memref<2x10240x64xf32, #tpu.memory_space<hbm>> -> memref<1x10240x64xf32, #tpu.memory_space<hbm>>
        %dma_start3A_256 = tpu.memref_squeeze %dma_start3A_255 : memref<1x10240x64xf32, #tpu.memory_space<hbm>> -> memref<10240x64xf32, #tpu.memory_space<hbm>>
        %dma_start3A_257 = arith.constant 0 : i32
        %dma_start3A_258 = arith.constant 0 : i32
        %dma_start3A_259 = tpu.memref_slice %dma_start3A_256[%dma_start3A_257, %dma_start3A_258] : memref<10240x64xf32, #tpu.memory_space<hbm>> -> memref<10240x64xf32, #tpu.memory_space<hbm>>
        tpu.enqueue_indirect_dma source(%dma_start3A_259 : memref<10240x64xf32, #tpu.memory_space<hbm>>) target(%arg14 : memref<256x64xf32, #tpu.memory_space<vmem>>) offsets(%arg6 : memref<256xi32, #tpu.memory_space<vmem>>) semaphore(%arg19 : memref<!tpu.dma_semaphore, #tpu.memory_space<semaphore_mem>>)
      } else {
      }
      %add3A_204 = arith.constant 1 : i32
      %add3A_205 = arith.addi %add3A_71, %add3A_204 : i32
      %dma_wait3A_206 = arith.constant 0 : i32
      %dma_wait3A_207 = arith.constant 0 : i32
      %dma_wait3A_208 = tpu.memref_slice %arg18[%dma_wait3A_206, %dma_wait3A_207] : memref<10240x64xf32, #tpu.memory_space<vmem_shared>> -> memref<10240x64xf32, #tpu.memory_space<vmem_shared>>
      tpu.wait_indirect_dma semaphore(%arg24 : memref<!tpu.dma_semaphore, #tpu.memory_space<semaphore_mem>>) src(%arg15 : memref<256x64xf32, #tpu.memory_space<vmem>>) dst(%dma_wait3A_208 : memref<10240x64xf32, #tpu.memory_space<vmem_shared>>)
      %add3A_209 = arith.constant 4 : i32
      %add3A_210 = arith.addi %add3A_205, %add3A_209 : i32
      %lt3A_211 = arith.constant 80 : i32
      %lt3A_212 = arith.cmpi slt, %add3A_210, %lt3A_211 : i32
      %convert_element_type3A_213 = arith.extui %lt3A_212 : i1 to i32
      %cond3A_214 = arith.constant 0 : i32
      %cond3A_215 = arith.cmpi ne, %convert_element_type3A_213, %cond3A_214 : i32
      scf.if %cond3A_215 {
        %add3A_240 = arith.constant 4 : i32
        %add3A_241 = arith.addi %add3A_205, %add3A_240 : i32
        %mul3A_242 = arith.constant 256 : i32
        %mul3A_243 = arith.muli %add3A_241, %mul3A_242 : i32
        %add3A_244 = arith.addi %mul3A_4, %mul3A_243 : i32
        %dma_start3A_245 = tpu.memref_slice %arg4[%add3A_244] : memref<327680xi32, #tpu.memory_space<hbm>> -> memref<256xi32, #tpu.memory_space<hbm>>
        %dma_start3A_246 = tpu.memref_slice %arg4[%add3A_244] : memref<327680xi32, #tpu.memory_space<hbm>> -> memref<256xi32, #tpu.memory_space<hbm>>
        tpu.enqueue_dma source(%dma_start3A_246 : memref<256xi32, #tpu.memory_space<hbm>>) target(%arg11 : memref<256xi32, #tpu.memory_space<vmem>>) target_semaphore(%arg32 : memref<!tpu.dma_semaphore, #tpu.memory_space<semaphore_mem>>)
        %dma_wait3A_247 = arith.constant 0 : i32
        %dma_wait3A_248 = tpu.memref_slice %arg3[%dma_wait3A_247] : memref<327680xi32, #tpu.memory_space<hbm>> -> memref<256xi32, #tpu.memory_space<hbm>>
        %dma_wait3A_249 = arith.constant 0 : i32
        %dma_wait3A_250 = tpu.memref_slice %arg3[%dma_wait3A_249] : memref<327680xi32, #tpu.memory_space<hbm>> -> memref<256xi32, #tpu.memory_space<hbm>>
        tpu.wait_dma2 semaphore(%arg28 : memref<!tpu.dma_semaphore, #tpu.memory_space<semaphore_mem>>) src(%dma_wait3A_250 : memref<256xi32, #tpu.memory_space<hbm>>) dst(%arg7 : memref<256xi32, #tpu.memory_space<vmem>>)
        %add3A_251 = arith.constant 4 : i32
        %add3A_252 = arith.addi %add3A_205, %add3A_251 : i32
        %dma_start3A_253 = arith.constant 0 : i32
        %dma_start3A_254 = arith.constant 0 : i32
        %dma_start3A_255 = tpu.memref_slice %arg2[%arg0, %dma_start3A_253, %dma_start3A_254] : memref<2x10240x64xf32, #tpu.memory_space<hbm>> -> memref<1x10240x64xf32, #tpu.memory_space<hbm>>
        %dma_start3A_256 = tpu.memref_squeeze %dma_start3A_255 : memref<1x10240x64xf32, #tpu.memory_space<hbm>> -> memref<10240x64xf32, #tpu.memory_space<hbm>>
        %dma_start3A_257 = arith.constant 0 : i32
        %dma_start3A_258 = arith.constant 0 : i32
        %dma_start3A_259 = tpu.memref_slice %dma_start3A_256[%dma_start3A_257, %dma_start3A_258] : memref<10240x64xf32, #tpu.memory_space<hbm>> -> memref<10240x64xf32, #tpu.memory_space<hbm>>
        tpu.enqueue_indirect_dma source(%dma_start3A_259 : memref<10240x64xf32, #tpu.memory_space<hbm>>) target(%arg15 : memref<256x64xf32, #tpu.memory_space<vmem>>) offsets(%arg7 : memref<256xi32, #tpu.memory_space<vmem>>) semaphore(%arg20 : memref<!tpu.dma_semaphore, #tpu.memory_space<semaphore_mem>>)
      } else {
      }
      %add3A_216 = arith.constant 2 : i32
      %add3A_217 = arith.addi %add3A_71, %add3A_216 : i32
      %dma_wait3A_218 = arith.constant 0 : i32
      %dma_wait3A_219 = arith.constant 0 : i32
      %dma_wait3A_220 = tpu.memref_slice %arg18[%dma_wait3A_218, %dma_wait3A_219] : memref<10240x64xf32, #tpu.memory_space<vmem_shared>> -> memref<10240x64xf32, #tpu.memory_space<vmem_shared>>
      tpu.wait_indirect_dma semaphore(%arg25 : memref<!tpu.dma_semaphore, #tpu.memory_space<semaphore_mem>>) src(%arg16 : memref<256x64xf32, #tpu.memory_space<vmem>>) dst(%dma_wait3A_220 : memref<10240x64xf32, #tpu.memory_space<vmem_shared>>)
      %add3A_221 = arith.constant 4 : i32
      %add3A_222 = arith.addi %add3A_217, %add3A_221 : i32
      %lt3A_223 = arith.constant 80 : i32
      %lt3A_224 = arith.cmpi slt, %add3A_222, %lt3A_223 : i32
      %convert_element_type3A_225 = arith.extui %lt3A_224 : i1 to i32
      %cond3A_226 = arith.constant 0 : i32
      %cond3A_227 = arith.cmpi ne, %convert_element_type3A_225, %cond3A_226 : i32
      scf.if %cond3A_227 {
        %add3A_240 = arith.constant 4 : i32
        %add3A_241 = arith.addi %add3A_217, %add3A_240 : i32
        %mul3A_242 = arith.constant 256 : i32
        %mul3A_243 = arith.muli %add3A_241, %mul3A_242 : i32
        %add3A_244 = arith.addi %mul3A_4, %mul3A_243 : i32
        %dma_start3A_245 = tpu.memref_slice %arg4[%add3A_244] : memref<327680xi32, #tpu.memory_space<hbm>> -> memref<256xi32, #tpu.memory_space<hbm>>
        %dma_start3A_246 = tpu.memref_slice %arg4[%add3A_244] : memref<327680xi32, #tpu.memory_space<hbm>> -> memref<256xi32, #tpu.memory_space<hbm>>
        tpu.enqueue_dma source(%dma_start3A_246 : memref<256xi32, #tpu.memory_space<hbm>>) target(%arg12 : memref<256xi32, #tpu.memory_space<vmem>>) target_semaphore(%arg33 : memref<!tpu.dma_semaphore, #tpu.memory_space<semaphore_mem>>)
        %dma_wait3A_247 = arith.constant 0 : i32
        %dma_wait3A_248 = tpu.memref_slice %arg3[%dma_wait3A_247] : memref<327680xi32, #tpu.memory_space<hbm>> -> memref<256xi32, #tpu.memory_space<hbm>>
        %dma_wait3A_249 = arith.constant 0 : i32
        %dma_wait3A_250 = tpu.memref_slice %arg3[%dma_wait3A_249] : memref<327680xi32, #tpu.memory_space<hbm>> -> memref<256xi32, #tpu.memory_space<hbm>>
        tpu.wait_dma2 semaphore(%arg29 : memref<!tpu.dma_semaphore, #tpu.memory_space<semaphore_mem>>) src(%dma_wait3A_250 : memref<256xi32, #tpu.memory_space<hbm>>) dst(%arg8 : memref<256xi32, #tpu.memory_space<vmem>>)
        %add3A_251 = arith.constant 4 : i32
        %add3A_252 = arith.addi %add3A_217, %add3A_251 : i32
        %dma_start3A_253 = arith.constant 0 : i32
        %dma_start3A_254 = arith.constant 0 : i32
        %dma_start3A_255 = tpu.memref_slice %arg2[%arg0, %dma_start3A_253, %dma_start3A_254] : memref<2x10240x64xf32, #tpu.memory_space<hbm>> -> memref<1x10240x64xf32, #tpu.memory_space<hbm>>
        %dma_start3A_256 = tpu.memref_squeeze %dma_start3A_255 : memref<1x10240x64xf32, #tpu.memory_space<hbm>> -> memref<10240x64xf32, #tpu.memory_space<hbm>>
        %dma_start3A_257 = arith.constant 0 : i32
        %dma_start3A_258 = arith.constant 0 : i32
        %dma_start3A_259 = tpu.memref_slice %dma_start3A_256[%dma_start3A_257, %dma_start3A_258] : memref<10240x64xf32, #tpu.memory_space<hbm>> -> memref<10240x64xf32, #tpu.memory_space<hbm>>
        tpu.enqueue_indirect_dma source(%dma_start3A_259 : memref<10240x64xf32, #tpu.memory_space<hbm>>) target(%arg16 : memref<256x64xf32, #tpu.memory_space<vmem>>) offsets(%arg8 : memref<256xi32, #tpu.memory_space<vmem>>) semaphore(%arg21 : memref<!tpu.dma_semaphore, #tpu.memory_space<semaphore_mem>>)
      } else {
      }
      %add3A_228 = arith.constant 3 : i32
      %add3A_229 = arith.addi %add3A_71, %add3A_228 : i32
      %dma_wait3A_230 = arith.constant 0 : i32
      %dma_wait3A_231 = arith.constant 0 : i32
      %dma_wait3A_232 = tpu.memref_slice %arg18[%dma_wait3A_230, %dma_wait3A_231] : memref<10240x64xf32, #tpu.memory_space<vmem_shared>> -> memref<10240x64xf32, #tpu.memory_space<vmem_shared>>
      tpu.wait_indirect_dma semaphore(%arg26 : memref<!tpu.dma_semaphore, #tpu.memory_space<semaphore_mem>>) src(%arg17 : memref<256x64xf32, #tpu.memory_space<vmem>>) dst(%dma_wait3A_232 : memref<10240x64xf32, #tpu.memory_space<vmem_shared>>)
      %add3A_233 = arith.constant 4 : i32
      %add3A_234 = arith.addi %add3A_229, %add3A_233 : i32
      %lt3A_235 = arith.constant 80 : i32
      %lt3A_236 = arith.cmpi slt, %add3A_234, %lt3A_235 : i32
      %convert_element_type3A_237 = arith.extui %lt3A_236 : i1 to i32
      %cond3A_238 = arith.constant 0 : i32
      %cond3A_239 = arith.cmpi ne, %convert_element_type3A_237, %cond3A_238 : i32
      scf.if %cond3A_239 {
        %add3A_240 = arith.constant 4 : i32
        %add3A_241 = arith.addi %add3A_229, %add3A_240 : i32
        %mul3A_242 = arith.constant 256 : i32
        %mul3A_243 = arith.muli %add3A_241, %mul3A_242 : i32
        %add3A_244 = arith.addi %mul3A_4, %mul3A_243 : i32
        %dma_start3A_245 = tpu.memref_slice %arg4[%add3A_244] : memref<327680xi32, #tpu.memory_space<hbm>> -> memref<256xi32, #tpu.memory_space<hbm>>
        %dma_start3A_246 = tpu.memref_slice %arg4[%add3A_244] : memref<327680xi32, #tpu.memory_space<hbm>> -> memref<256xi32, #tpu.memory_space<hbm>>
        tpu.enqueue_dma source(%dma_start3A_246 : memref<256xi32, #tpu.memory_space<hbm>>) target(%arg13 : memref<256xi32, #tpu.memory_space<vmem>>) target_semaphore(%arg34 : memref<!tpu.dma_semaphore, #tpu.memory_space<semaphore_mem>>)
        %dma_wait3A_247 = arith.constant 0 : i32
        %dma_wait3A_248 = tpu.memref_slice %arg3[%dma_wait3A_247] : memref<327680xi32, #tpu.memory_space<hbm>> -> memref<256xi32, #tpu.memory_space<hbm>>
        %dma_wait3A_249 = arith.constant 0 : i32
        %dma_wait3A_250 = tpu.memref_slice %arg3[%dma_wait3A_249] : memref<327680xi32, #tpu.memory_space<hbm>> -> memref<256xi32, #tpu.memory_space<hbm>>
        tpu.wait_dma2 semaphore(%arg30 : memref<!tpu.dma_semaphore, #tpu.memory_space<semaphore_mem>>) src(%dma_wait3A_250 : memref<256xi32, #tpu.memory_space<hbm>>) dst(%arg9 : memref<256xi32, #tpu.memory_space<vmem>>)
        %add3A_251 = arith.constant 4 : i32
        %add3A_252 = arith.addi %add3A_229, %add3A_251 : i32
        %dma_start3A_253 = arith.constant 0 : i32
        %dma_start3A_254 = arith.constant 0 : i32
        %dma_start3A_255 = tpu.memref_slice %arg2[%arg0, %dma_start3A_253, %dma_start3A_254] : memref<2x10240x64xf32, #tpu.memory_space<hbm>> -> memref<1x10240x64xf32, #tpu.memory_space<hbm>>
        %dma_start3A_256 = tpu.memref_squeeze %dma_start3A_255 : memref<1x10240x64xf32, #tpu.memory_space<hbm>> -> memref<10240x64xf32, #tpu.memory_space<hbm>>
        %dma_start3A_257 = arith.constant 0 : i32
        %dma_start3A_258 = arith.constant 0 : i32
        %dma_start3A_259 = tpu.memref_slice %dma_start3A_256[%dma_start3A_257, %dma_start3A_258] : memref<10240x64xf32, #tpu.memory_space<hbm>> -> memref<10240x64xf32, #tpu.memory_space<hbm>>
        tpu.enqueue_indirect_dma source(%dma_start3A_259 : memref<10240x64xf32, #tpu.memory_space<hbm>>) target(%arg17 : memref<256x64xf32, #tpu.memory_space<vmem>>) offsets(%arg9 : memref<256xi32, #tpu.memory_space<vmem>>) semaphore(%arg22 : memref<!tpu.dma_semaphore, #tpu.memory_space<semaphore_mem>>)
      } else {
      }
    }
    %scan3A_65 = arith.constant 20 : i32
    %barrier3A_66 = arith.constant 0 : index
    tpu.barrier barrier_id(%barrier3A_66)
    "tpu.region"() ({
      %run_scoped3A = tpu.sem_alloc : memref<!tpu.dma_semaphore, #tpu.memory_space<semaphore_mem>>
      %dma_start3A_67 = arith.constant 0 : i32
      %dma_start3A_68 = arith.constant 0 : i32
      %dma_start3A_69 = tpu.memref_slice %arg5[%arg0, %dma_start3A_67, %dma_start3A_68] : memref<2x10240x64xf32, #tpu.memory_space<hbm>> -> memref<1x10240x64xf32, #tpu.memory_space<hbm>>
      %dma_start3A_70 = tpu.memref_squeeze %dma_start3A_69 : memref<1x10240x64xf32, #tpu.memory_space<hbm>> -> memref<10240x64xf32, #tpu.memory_space<hbm>>
      %dma_start3A_71 = arith.constant 0 : i32
      %dma_start3A_72 = tpu.memref_slice %dma_start3A_70[%mul3A_0, %dma_start3A_71] : memref<10240x64xf32, #tpu.memory_space<hbm>> -> memref<640x64xf32, #tpu.memory_space<hbm>>
      %dma_start3A_73 = arith.constant 0 : i32
      %dma_start3A_74 = tpu.memref_slice %arg18[%mul3A_0, %dma_start3A_73] : memref<10240x64xf32, #tpu.memory_space<vmem_shared>> -> memref<640x64xf32, #tpu.memory_space<vmem_shared>>
      tpu.enqueue_dma source(%dma_start3A_74 : memref<640x64xf32, #tpu.memory_space<vmem_shared>>) target(%dma_start3A_72 : memref<640x64xf32, #tpu.memory_space<hbm>>) target_semaphore(%run_scoped3A : memref<!tpu.dma_semaphore, #tpu.memory_space<semaphore_mem>>)
      %dma_wait3A_75 = arith.constant 0 : i32
      %dma_wait3A_76 = arith.constant 0 : i32
      %dma_wait3A_77 = tpu.memref_slice %arg5[%arg0, %dma_wait3A_75, %dma_wait3A_76] : memref<2x10240x64xf32, #tpu.memory_space<hbm>> -> memref<1x10240x64xf32, #tpu.memory_space<hbm>>
      %dma_wait3A_78 = tpu.memref_squeeze %dma_wait3A_77 : memref<1x10240x64xf32, #tpu.memory_space<hbm>> -> memref<10240x64xf32, #tpu.memory_space<hbm>>
      %dma_wait3A_79 = arith.constant 0 : i32
      %dma_wait3A_80 = tpu.memref_slice %dma_wait3A_78[%mul3A_0, %dma_wait3A_79] : memref<10240x64xf32, #tpu.memory_space<hbm>> -> memref<640x64xf32, #tpu.memory_space<hbm>>
      %dma_wait3A_81 = arith.constant 0 : i32
      %dma_wait3A_82 = tpu.memref_slice %arg18[%mul3A_0, %dma_wait3A_81] : memref<10240x64xf32, #tpu.memory_space<vmem_shared>> -> memref<640x64xf32, #tpu.memory_space<vmem_shared>>
      tpu.wait_dma2 semaphore(%run_scoped3A : memref<!tpu.dma_semaphore, #tpu.memory_space<semaphore_mem>>) src(%dma_wait3A_82 : memref<640x64xf32, #tpu.memory_space<vmem_shared>>) dst(%dma_wait3A_80 : memref<640x64xf32, #tpu.memory_space<hbm>>)
      tpu.yield
    }) : () -> ()
    return
  }
}

#map = affine_map<(d0, d1) -> (0, 0, 0)>
#map1 = affine_map<(d0, d1) -> (0)>
module attributes {stable_mosaic.version = 14 : i64} {
  func.func @agg_kernel(%arg0: i32, %arg1: i32, %arg2: memref<2x10240x64xf32, #tpu.memory_space<hbm>>, %arg3: memref<327680xi32, #tpu.memory_space<hbm>>, %arg4: memref<327680xi32, #tpu.memory_space<hbm>>, %arg5: memref<2x10240x64xf32, #tpu.memory_space<hbm>>, %arg6: memref<256xi32, #tpu.memory_space<vmem>>, %arg7: memref<256xi32, #tpu.memory_space<vmem>>, %arg8: memref<256xi32, #tpu.memory_space<vmem>>, %arg9: memref<256xi32, #tpu.memory_space<vmem>>, %arg10: memref<256xi32, #tpu.memory_space<vmem>>, %arg11: memref<256xi32, #tpu.memory_space<vmem>>, %arg12: memref<256xi32, #tpu.memory_space<vmem>>, %arg13: memref<256xi32, #tpu.memory_space<vmem>>, %arg14: memref<256x64xf32, #tpu.memory_space<vmem>>, %arg15: memref<256x64xf32, #tpu.memory_space<vmem>>, %arg16: memref<256x64xf32, #tpu.memory_space<vmem>>, %arg17: memref<256x64xf32, #tpu.memory_space<vmem>>, %arg18: memref<10240x64xf32, #tpu.memory_space<vmem_shared>>, %arg19: memref<!tpu.dma_semaphore, #tpu.memory_space<semaphore_mem>>, %arg20: memref<!tpu.dma_semaphore, #tpu.memory_space<semaphore_mem>>, %arg21: memref<!tpu.dma_semaphore, #tpu.memory_space<semaphore_mem>>, %arg22: memref<!tpu.dma_semaphore, #tpu.memory_space<semaphore_mem>>, %arg23: memref<!tpu.dma_semaphore, #tpu.memory_space<semaphore_mem>>, %arg24: memref<!tpu.dma_semaphore, #tpu.memory_space<semaphore_mem>>, %arg25: memref<!tpu.dma_semaphore, #tpu.memory_space<semaphore_mem>>, %arg26: memref<!tpu.dma_semaphore, #tpu.memory_space<semaphore_mem>>, %arg27: memref<!tpu.dma_semaphore, #tpu.memory_space<semaphore_mem>>, %arg28: memref<!tpu.dma_semaphore, #tpu.memory_space<semaphore_mem>>, %arg29: memref<!tpu.dma_semaphore, #tpu.memory_space<semaphore_mem>>, %arg30: memref<!tpu.dma_semaphore, #tpu.memory_space<semaphore_mem>>, %arg31: memref<!tpu.dma_semaphore, #tpu.memory_space<semaphore_mem>>, %arg32: memref<!tpu.dma_semaphore, #tpu.memory_space<semaphore_mem>>, %arg33: memref<!tpu.dma_semaphore, #tpu.memory_space<semaphore_mem>>, %arg34: memref<!tpu.dma_semaphore, #tpu.memory_space<semaphore_mem>>) attributes {dimension_semantics = [#tpu.dimension_semantics<core_parallel>, #tpu.dimension_semantics<subcore_parallel>], iteration_bounds = array<i64: 2, 16>, scalar_prefetch = 0 : i64, scratch_operands = 29 : i64, tpu.core_type = #tpu.core_type<sc_vector_subcore>, window_params = [{transform_indices = #map}, {transform_indices = #map1}, {transform_indices = #map1}, {transform_indices = #map}]} {
    %mul3A = arith.constant 640 : i32
    %mul3A_0 = arith.muli %arg1, %mul3A : i32
    %mul3A_1 = arith.constant 160 : i32
    %mul3A_2 = arith.muli %arg1, %mul3A_1 : i32
    %mul3A_3 = arith.constant 128 : i32
    %mul3A_4 = arith.muli %mul3A_2, %mul3A_3 : i32
    %dma_start3A = arith.constant 0 : i32
    %dma_start3A_5 = tpu.memref_slice %arg18[%mul3A_0, %dma_start3A] : memref<10240x64xf32, #tpu.memory_space<vmem_shared>> -> memref<640x64xf32, #tpu.memory_space<vmem_shared>>
    %dma_start3A_6 = arith.constant 0 : i32
    %dma_start3A_7 = arith.constant 0 : i32
    %dma_start3A_8 = tpu.memref_slice %arg2[%arg0, %dma_start3A_6, %dma_start3A_7] : memref<2x10240x64xf32, #tpu.memory_space<hbm>> -> memref<1x10240x64xf32, #tpu.memory_space<hbm>>
    %dma_start3A_9 = tpu.memref_squeeze %dma_start3A_8 : memref<1x10240x64xf32, #tpu.memory_space<hbm>> -> memref<10240x64xf32, #tpu.memory_space<hbm>>
    %dma_start3A_10 = arith.constant 0 : i32
    %dma_start3A_11 = tpu.memref_slice %dma_start3A_9[%mul3A_0, %dma_start3A_10] : memref<10240x64xf32, #tpu.memory_space<hbm>> -> memref<640x64xf32, #tpu.memory_space<hbm>>
    tpu.enqueue_dma source(%dma_start3A_11 : memref<640x64xf32, #tpu.memory_space<hbm>>) target(%dma_start3A_5 : memref<640x64xf32, #tpu.memory_space<vmem_shared>>) target_semaphore(%arg31 : memref<!tpu.dma_semaphore, #tpu.memory_space<semaphore_mem>>)
    %add3A = arith.constant 0 : i32
    %add3A_12 = arith.addi %mul3A_4, %add3A : i32
    "tpu.region"() ({
      %run_scoped3A = tpu.sem_alloc : memref<!tpu.dma_semaphore, #tpu.memory_space<semaphore_mem>>
      %dma_start3A_67 = tpu.memref_slice %arg3[%add3A_12] : memref<327680xi32, #tpu.memory_space<hbm>> -> memref<256xi32, #tpu.memory_space<hbm>>
      %dma_start3A_68 = tpu.memref_slice %arg3[%add3A_12] : memref<327680xi32, #tpu.memory_space<hbm>> -> memref<256xi32, #tpu.memory_space<hbm>>
      tpu.enqueue_dma source(%dma_start3A_68 : memref<256xi32, #tpu.memory_space<hbm>>) target(%arg6 : memref<256xi32, #tpu.memory_space<vmem>>) target_semaphore(%run_scoped3A : memref<!tpu.dma_semaphore, #tpu.memory_space<semaphore_mem>>)
      %dma_wait3A_69 = tpu.memref_slice %arg3[%add3A_12] : memref<327680xi32, #tpu.memory_space<hbm>> -> memref<256xi32, #tpu.memory_space<hbm>>
      %dma_wait3A_70 = tpu.memref_slice %arg3[%add3A_12] : memref<327680xi32, #tpu.memory_space<hbm>> -> memref<256xi32, #tpu.memory_space<hbm>>
      tpu.wait_dma2 semaphore(%run_scoped3A : memref<!tpu.dma_semaphore, #tpu.memory_space<semaphore_mem>>) src(%dma_wait3A_70 : memref<256xi32, #tpu.memory_space<hbm>>) dst(%arg6 : memref<256xi32, #tpu.memory_space<vmem>>)
      tpu.yield
    }) : () -> ()
    %add3A_13 = arith.constant 0 : i32
    %add3A_14 = arith.addi %mul3A_4, %add3A_13 : i32
    "tpu.region"() ({
      %run_scoped3A = tpu.sem_alloc : memref<!tpu.dma_semaphore, #tpu.memory_space<semaphore_mem>>
      %dma_start3A_67 = tpu.memref_slice %arg4[%add3A_14] : memref<327680xi32, #tpu.memory_space<hbm>> -> memref<256xi32, #tpu.memory_space<hbm>>
      %dma_start3A_68 = tpu.memref_slice %arg4[%add3A_14] : memref<327680xi32, #tpu.memory_space<hbm>> -> memref<256xi32, #tpu.memory_space<hbm>>
      tpu.enqueue_dma source(%dma_start3A_68 : memref<256xi32, #tpu.memory_space<hbm>>) target(%arg10 : memref<256xi32, #tpu.memory_space<vmem>>) target_semaphore(%run_scoped3A : memref<!tpu.dma_semaphore, #tpu.memory_space<semaphore_mem>>)
      %dma_wait3A_69 = tpu.memref_slice %arg4[%add3A_14] : memref<327680xi32, #tpu.memory_space<hbm>> -> memref<256xi32, #tpu.memory_space<hbm>>
      %dma_wait3A_70 = tpu.memref_slice %arg4[%add3A_14] : memref<327680xi32, #tpu.memory_space<hbm>> -> memref<256xi32, #tpu.memory_space<hbm>>
      tpu.wait_dma2 semaphore(%run_scoped3A : memref<!tpu.dma_semaphore, #tpu.memory_space<semaphore_mem>>) src(%dma_wait3A_70 : memref<256xi32, #tpu.memory_space<hbm>>) dst(%arg10 : memref<256xi32, #tpu.memory_space<vmem>>)
      tpu.yield
    }) : () -> ()
    %add3A_15 = arith.constant 256 : i32
    %add3A_16 = arith.addi %mul3A_4, %add3A_15 : i32
    "tpu.region"() ({
      %run_scoped3A = tpu.sem_alloc : memref<!tpu.dma_semaphore, #tpu.memory_space<semaphore_mem>>
      %dma_start3A_67 = tpu.memref_slice %arg3[%add3A_16] : memref<327680xi32, #tpu.memory_space<hbm>> -> memref<256xi32, #tpu.memory_space<hbm>>
      %dma_start3A_68 = tpu.memref_slice %arg3[%add3A_16] : memref<327680xi32, #tpu.memory_space<hbm>> -> memref<256xi32, #tpu.memory_space<hbm>>
      tpu.enqueue_dma source(%dma_start3A_68 : memref<256xi32, #tpu.memory_space<hbm>>) target(%arg7 : memref<256xi32, #tpu.memory_space<vmem>>) target_semaphore(%run_scoped3A : memref<!tpu.dma_semaphore, #tpu.memory_space<semaphore_mem>>)
      %dma_wait3A_69 = tpu.memref_slice %arg3[%add3A_16] : memref<327680xi32, #tpu.memory_space<hbm>> -> memref<256xi32, #tpu.memory_space<hbm>>
      %dma_wait3A_70 = tpu.memref_slice %arg3[%add3A_16] : memref<327680xi32, #tpu.memory_space<hbm>> -> memref<256xi32, #tpu.memory_space<hbm>>
      tpu.wait_dma2 semaphore(%run_scoped3A : memref<!tpu.dma_semaphore, #tpu.memory_space<semaphore_mem>>) src(%dma_wait3A_70 : memref<256xi32, #tpu.memory_space<hbm>>) dst(%arg7 : memref<256xi32, #tpu.memory_space<vmem>>)
      tpu.yield
    }) : () -> ()
    %add3A_17 = arith.constant 256 : i32
    %add3A_18 = arith.addi %mul3A_4, %add3A_17 : i32
    "tpu.region"() ({
      %run_scoped3A = tpu.sem_alloc : memref<!tpu.dma_semaphore, #tpu.memory_space<semaphore_mem>>
      %dma_start3A_67 = tpu.memref_slice %arg4[%add3A_18] : memref<327680xi32, #tpu.memory_space<hbm>> -> memref<256xi32, #tpu.memory_space<hbm>>
      %dma_start3A_68 = tpu.memref_slice %arg4[%add3A_18] : memref<327680xi32, #tpu.memory_space<hbm>> -> memref<256xi32, #tpu.memory_space<hbm>>
      tpu.enqueue_dma source(%dma_start3A_68 : memref<256xi32, #tpu.memory_space<hbm>>) target(%arg11 : memref<256xi32, #tpu.memory_space<vmem>>) target_semaphore(%run_scoped3A : memref<!tpu.dma_semaphore, #tpu.memory_space<semaphore_mem>>)
      %dma_wait3A_69 = tpu.memref_slice %arg4[%add3A_18] : memref<327680xi32, #tpu.memory_space<hbm>> -> memref<256xi32, #tpu.memory_space<hbm>>
      %dma_wait3A_70 = tpu.memref_slice %arg4[%add3A_18] : memref<327680xi32, #tpu.memory_space<hbm>> -> memref<256xi32, #tpu.memory_space<hbm>>
      tpu.wait_dma2 semaphore(%run_scoped3A : memref<!tpu.dma_semaphore, #tpu.memory_space<semaphore_mem>>) src(%dma_wait3A_70 : memref<256xi32, #tpu.memory_space<hbm>>) dst(%arg11 : memref<256xi32, #tpu.memory_space<vmem>>)
      tpu.yield
    }) : () -> ()
    %add3A_19 = arith.constant 512 : i32
    %add3A_20 = arith.addi %mul3A_4, %add3A_19 : i32
    "tpu.region"() ({
      %run_scoped3A = tpu.sem_alloc : memref<!tpu.dma_semaphore, #tpu.memory_space<semaphore_mem>>
      %dma_start3A_67 = tpu.memref_slice %arg3[%add3A_20] : memref<327680xi32, #tpu.memory_space<hbm>> -> memref<256xi32, #tpu.memory_space<hbm>>
      %dma_start3A_68 = tpu.memref_slice %arg3[%add3A_20] : memref<327680xi32, #tpu.memory_space<hbm>> -> memref<256xi32, #tpu.memory_space<hbm>>
      tpu.enqueue_dma source(%dma_start3A_68 : memref<256xi32, #tpu.memory_space<hbm>>) target(%arg8 : memref<256xi32, #tpu.memory_space<vmem>>) target_semaphore(%run_scoped3A : memref<!tpu.dma_semaphore, #tpu.memory_space<semaphore_mem>>)
      %dma_wait3A_69 = tpu.memref_slice %arg3[%add3A_20] : memref<327680xi32, #tpu.memory_space<hbm>> -> memref<256xi32, #tpu.memory_space<hbm>>
      %dma_wait3A_70 = tpu.memref_slice %arg3[%add3A_20] : memref<327680xi32, #tpu.memory_space<hbm>> -> memref<256xi32, #tpu.memory_space<hbm>>
      tpu.wait_dma2 semaphore(%run_scoped3A : memref<!tpu.dma_semaphore, #tpu.memory_space<semaphore_mem>>) src(%dma_wait3A_70 : memref<256xi32, #tpu.memory_space<hbm>>) dst(%arg8 : memref<256xi32, #tpu.memory_space<vmem>>)
      tpu.yield
    }) : () -> ()
    %add3A_21 = arith.constant 512 : i32
    %add3A_22 = arith.addi %mul3A_4, %add3A_21 : i32
    "tpu.region"() ({
      %run_scoped3A = tpu.sem_alloc : memref<!tpu.dma_semaphore, #tpu.memory_space<semaphore_mem>>
      %dma_start3A_67 = tpu.memref_slice %arg4[%add3A_22] : memref<327680xi32, #tpu.memory_space<hbm>> -> memref<256xi32, #tpu.memory_space<hbm>>
      %dma_start3A_68 = tpu.memref_slice %arg4[%add3A_22] : memref<327680xi32, #tpu.memory_space<hbm>> -> memref<256xi32, #tpu.memory_space<hbm>>
      tpu.enqueue_dma source(%dma_start3A_68 : memref<256xi32, #tpu.memory_space<hbm>>) target(%arg12 : memref<256xi32, #tpu.memory_space<vmem>>) target_semaphore(%run_scoped3A : memref<!tpu.dma_semaphore, #tpu.memory_space<semaphore_mem>>)
      %dma_wait3A_69 = tpu.memref_slice %arg4[%add3A_22] : memref<327680xi32, #tpu.memory_space<hbm>> -> memref<256xi32, #tpu.memory_space<hbm>>
      %dma_wait3A_70 = tpu.memref_slice %arg4[%add3A_22] : memref<327680xi32, #tpu.memory_space<hbm>> -> memref<256xi32, #tpu.memory_space<hbm>>
      tpu.wait_dma2 semaphore(%run_scoped3A : memref<!tpu.dma_semaphore, #tpu.memory_space<semaphore_mem>>) src(%dma_wait3A_70 : memref<256xi32, #tpu.memory_space<hbm>>) dst(%arg12 : memref<256xi32, #tpu.memory_space<vmem>>)
      tpu.yield
    }) : () -> ()
    %add3A_23 = arith.constant 768 : i32
    %add3A_24 = arith.addi %mul3A_4, %add3A_23 : i32
    "tpu.region"() ({
      %run_scoped3A = tpu.sem_alloc : memref<!tpu.dma_semaphore, #tpu.memory_space<semaphore_mem>>
      %dma_start3A_67 = tpu.memref_slice %arg3[%add3A_24] : memref<327680xi32, #tpu.memory_space<hbm>> -> memref<256xi32, #tpu.memory_space<hbm>>
      %dma_start3A_68 = tpu.memref_slice %arg3[%add3A_24] : memref<327680xi32, #tpu.memory_space<hbm>> -> memref<256xi32, #tpu.memory_space<hbm>>
      tpu.enqueue_dma source(%dma_start3A_68 : memref<256xi32, #tpu.memory_space<hbm>>) target(%arg9 : memref<256xi32, #tpu.memory_space<vmem>>) target_semaphore(%run_scoped3A : memref<!tpu.dma_semaphore, #tpu.memory_space<semaphore_mem>>)
      %dma_wait3A_69 = tpu.memref_slice %arg3[%add3A_24] : memref<327680xi32, #tpu.memory_space<hbm>> -> memref<256xi32, #tpu.memory_space<hbm>>
      %dma_wait3A_70 = tpu.memref_slice %arg3[%add3A_24] : memref<327680xi32, #tpu.memory_space<hbm>> -> memref<256xi32, #tpu.memory_space<hbm>>
      tpu.wait_dma2 semaphore(%run_scoped3A : memref<!tpu.dma_semaphore, #tpu.memory_space<semaphore_mem>>) src(%dma_wait3A_70 : memref<256xi32, #tpu.memory_space<hbm>>) dst(%arg9 : memref<256xi32, #tpu.memory_space<vmem>>)
      tpu.yield
    }) : () -> ()
    %add3A_25 = arith.constant 768 : i32
    %add3A_26 = arith.addi %mul3A_4, %add3A_25 : i32
    "tpu.region"() ({
      %run_scoped3A = tpu.sem_alloc : memref<!tpu.dma_semaphore, #tpu.memory_space<semaphore_mem>>
      %dma_start3A_67 = tpu.memref_slice %arg4[%add3A_26] : memref<327680xi32, #tpu.memory_space<hbm>> -> memref<256xi32, #tpu.memory_space<hbm>>
      %dma_start3A_68 = tpu.memref_slice %arg4[%add3A_26] : memref<327680xi32, #tpu.memory_space<hbm>> -> memref<256xi32, #tpu.memory_space<hbm>>
      tpu.enqueue_dma source(%dma_start3A_68 : memref<256xi32, #tpu.memory_space<hbm>>) target(%arg13 : memref<256xi32, #tpu.memory_space<vmem>>) target_semaphore(%run_scoped3A : memref<!tpu.dma_semaphore, #tpu.memory_space<semaphore_mem>>)
      %dma_wait3A_69 = tpu.memref_slice %arg4[%add3A_26] : memref<327680xi32, #tpu.memory_space<hbm>> -> memref<256xi32, #tpu.memory_space<hbm>>
      %dma_wait3A_70 = tpu.memref_slice %arg4[%add3A_26] : memref<327680xi32, #tpu.memory_space<hbm>> -> memref<256xi32, #tpu.memory_space<hbm>>
      tpu.wait_dma2 semaphore(%run_scoped3A : memref<!tpu.dma_semaphore, #tpu.memory_space<semaphore_mem>>) src(%dma_wait3A_70 : memref<256xi32, #tpu.memory_space<hbm>>) dst(%arg13 : memref<256xi32, #tpu.memory_space<vmem>>)
      tpu.yield
    }) : () -> ()
    %dma_start3A_27 = arith.constant 0 : i32
    %dma_start3A_28 = arith.constant 0 : i32
    %dma_start3A_29 = tpu.memref_slice %arg2[%arg0, %dma_start3A_27, %dma_start3A_28] : memref<2x10240x64xf32, #tpu.memory_space<hbm>> -> memref<1x10240x64xf32, #tpu.memory_space<hbm>>
    %dma_start3A_30 = tpu.memref_squeeze %dma_start3A_29 : memref<1x10240x64xf32, #tpu.memory_space<hbm>> -> memref<10240x64xf32, #tpu.memory_space<hbm>>
    %dma_start3A_31 = arith.constant 0 : i32
    %dma_start3A_32 = arith.constant 0 : i32
    %dma_start3A_33 = tpu.memref_slice %dma_start3A_30[%dma_start3A_31, %dma_start3A_32] : memref<10240x64xf32, #tpu.memory_space<hbm>> -> memref<10240x64xf32, #tpu.memory_space<hbm>>
    tpu.enqueue_indirect_dma source(%dma_start3A_33 : memref<10240x64xf32, #tpu.memory_space<hbm>>) target(%arg14 : memref<256x64xf32, #tpu.memory_space<vmem>>) offsets(%arg6 : memref<256xi32, #tpu.memory_space<vmem>>) semaphore(%arg19 : memref<!tpu.dma_semaphore, #tpu.memory_space<semaphore_mem>>)
    %dma_start3A_34 = arith.constant 0 : i32
    %dma_start3A_35 = arith.constant 0 : i32
    %dma_start3A_36 = tpu.memref_slice %arg2[%arg0, %dma_start3A_34, %dma_start3A_35] : memref<2x10240x64xf32, #tpu.memory_space<hbm>> -> memref<1x10240x64xf32, #tpu.memory_space<hbm>>
    %dma_start3A_37 = tpu.memref_squeeze %dma_start3A_36 : memref<1x10240x64xf32, #tpu.memory_space<hbm>> -> memref<10240x64xf32, #tpu.memory_space<hbm>>
    %dma_start3A_38 = arith.constant 0 : i32
    %dma_start3A_39 = arith.constant 0 : i32
    %dma_start3A_40 = tpu.memref_slice %dma_start3A_37[%dma_start3A_38, %dma_start3A_39] : memref<10240x64xf32, #tpu.memory_space<hbm>> -> memref<10240x64xf32, #tpu.memory_space<hbm>>
    tpu.enqueue_indirect_dma source(%dma_start3A_40 : memref<10240x64xf32, #tpu.memory_space<hbm>>) target(%arg15 : memref<256x64xf32, #tpu.memory_space<vmem>>) offsets(%arg7 : memref<256xi32, #tpu.memory_space<vmem>>) semaphore(%arg20 : memref<!tpu.dma_semaphore, #tpu.memory_space<semaphore_mem>>)
    %dma_start3A_41 = arith.constant 0 : i32
    %dma_start3A_42 = arith.constant 0 : i32
    %dma_start3A_43 = tpu.memref_slice %arg2[%arg0, %dma_start3A_41, %dma_start3A_42] : memref<2x10240x64xf32, #tpu.memory_space<hbm>> -> memref<1x10240x64xf32, #tpu.memory_space<hbm>>
    %dma_start3A_44 = tpu.memref_squeeze %dma_start3A_43 : memref<1x10240x64xf32, #tpu.memory_space<hbm>> -> memref<10240x64xf32, #tpu.memory_space<hbm>>
    %dma_start3A_45 = arith.constant 0 : i32
    %dma_start3A_46 = arith.constant 0 : i32
    %dma_start3A_47 = tpu.memref_slice %dma_start3A_44[%dma_start3A_45, %dma_start3A_46] : memref<10240x64xf32, #tpu.memory_space<hbm>> -> memref<10240x64xf32, #tpu.memory_space<hbm>>
    tpu.enqueue_indirect_dma source(%dma_start3A_47 : memref<10240x64xf32, #tpu.memory_space<hbm>>) target(%arg16 : memref<256x64xf32, #tpu.memory_space<vmem>>) offsets(%arg8 : memref<256xi32, #tpu.memory_space<vmem>>) semaphore(%arg21 : memref<!tpu.dma_semaphore, #tpu.memory_space<semaphore_mem>>)
    %dma_start3A_48 = arith.constant 0 : i32
    %dma_start3A_49 = arith.constant 0 : i32
    %dma_start3A_50 = tpu.memref_slice %arg2[%arg0, %dma_start3A_48, %dma_start3A_49] : memref<2x10240x64xf32, #tpu.memory_space<hbm>> -> memref<1x10240x64xf32, #tpu.memory_space<hbm>>
    %dma_start3A_51 = tpu.memref_squeeze %dma_start3A_50 : memref<1x10240x64xf32, #tpu.memory_space<hbm>> -> memref<10240x64xf32, #tpu.memory_space<hbm>>
    %dma_start3A_52 = arith.constant 0 : i32
    %dma_start3A_53 = arith.constant 0 : i32
    %dma_start3A_54 = tpu.memref_slice %dma_start3A_51[%dma_start3A_52, %dma_start3A_53] : memref<10240x64xf32, #tpu.memory_space<hbm>> -> memref<10240x64xf32, #tpu.memory_space<hbm>>
    tpu.enqueue_indirect_dma source(%dma_start3A_54 : memref<10240x64xf32, #tpu.memory_space<hbm>>) target(%arg17 : memref<256x64xf32, #tpu.memory_space<vmem>>) offsets(%arg9 : memref<256xi32, #tpu.memory_space<vmem>>) semaphore(%arg22 : memref<!tpu.dma_semaphore, #tpu.memory_space<semaphore_mem>>)
    %dma_wait3A = arith.constant 0 : i32
    %dma_wait3A_55 = tpu.memref_slice %arg18[%mul3A_0, %dma_wait3A] : memref<10240x64xf32, #tpu.memory_space<vmem_shared>> -> memref<640x64xf32, #tpu.memory_space<vmem_shared>>
    %dma_wait3A_56 = arith.constant 0 : i32
    %dma_wait3A_57 = arith.constant 0 : i32
    %dma_wait3A_58 = tpu.memref_slice %arg2[%arg0, %dma_wait3A_56, %dma_wait3A_57] : memref<2x10240x64xf32, #tpu.memory_space<hbm>> -> memref<1x10240x64xf32, #tpu.memory_space<hbm>>
    %dma_wait3A_59 = tpu.memref_squeeze %dma_wait3A_58 : memref<1x10240x64xf32, #tpu.memory_space<hbm>> -> memref<10240x64xf32, #tpu.memory_space<hbm>>
    %dma_wait3A_60 = arith.constant 0 : i32
    %dma_wait3A_61 = tpu.memref_slice %dma_wait3A_59[%mul3A_0, %dma_wait3A_60] : memref<10240x64xf32, #tpu.memory_space<hbm>> -> memref<640x64xf32, #tpu.memory_space<hbm>>
    tpu.wait_dma2 semaphore(%arg31 : memref<!tpu.dma_semaphore, #tpu.memory_space<semaphore_mem>>) src(%dma_wait3A_61 : memref<640x64xf32, #tpu.memory_space<hbm>>) dst(%dma_wait3A_55 : memref<640x64xf32, #tpu.memory_space<vmem_shared>>)
    %barrier3A = arith.constant 0 : index
    tpu.barrier barrier_id(%barrier3A)
    %scan3A = arith.constant 0 : i32
    %scan3A_62 = arith.constant 20 : i32
    %scan3A_63 = arith.addi %scan3A, %scan3A_62 : i32
    %scan3A_64 = arith.constant 1 : i32
    scf.for %scan3A_67 = %scan3A to %scan3A_63 step %scan3A_64  : i32 {
      %mul3A_68 = arith.constant 4 : i32
      %mul3A_69 = arith.muli %scan3A_67, %mul3A_68 : i32
      %add3A_70 = arith.constant 0 : i32
      %add3A_71 = arith.addi %add3A_70, %mul3A_69 : i32
      %add3A_72 = arith.constant 0 : i32
      %add3A_73 = arith.addi %add3A_71, %add3A_72 : i32
      %dma_wait3A_74 = arith.constant 0 : i32
      %dma_wait3A_75 = arith.constant 0 : i32
      %dma_wait3A_76 = tpu.memref_slice %arg2[%arg0, %dma_wait3A_74, %dma_wait3A_75] : memref<2x10240x64xf32, #tpu.memory_space<hbm>> -> memref<1x10240x64xf32, #tpu.memory_space<hbm>>
      %dma_wait3A_77 = tpu.memref_squeeze %dma_wait3A_76 : memref<1x10240x64xf32, #tpu.memory_space<hbm>> -> memref<10240x64xf32, #tpu.memory_space<hbm>>
      %dma_wait3A_78 = arith.constant 0 : i32
      %dma_wait3A_79 = arith.constant 0 : i32
      %dma_wait3A_80 = tpu.memref_slice %dma_wait3A_77[%dma_wait3A_78, %dma_wait3A_79] : memref<10240x64xf32, #tpu.memory_space<hbm>> -> memref<128x64xf32, #tpu.memory_space<hbm>>
      %dma_wait3A_81 = arith.constant 0 : i32
      %dma_wait3A_82 = arith.constant 0 : i32
      %dma_wait3A_83 = tpu.memref_slice %arg2[%arg0, %dma_wait3A_81, %dma_wait3A_82] : memref<2x10240x64xf32, #tpu.memory_space<hbm>> -> memref<1x10240x64xf32, #tpu.memory_space<hbm>>
      %dma_wait3A_84 = tpu.memref_squeeze %dma_wait3A_83 : memref<1x10240x64xf32, #tpu.memory_space<hbm>> -> memref<10240x64xf32, #tpu.memory_space<hbm>>
      %dma_wait3A_85 = arith.constant 0 : i32
      %dma_wait3A_86 = arith.constant 0 : i32
      %dma_wait3A_87 = tpu.memref_slice %dma_wait3A_84[%dma_wait3A_85, %dma_wait3A_86] : memref<10240x64xf32, #tpu.memory_space<hbm>> -> memref<128x64xf32, #tpu.memory_space<hbm>>
      tpu.wait_dma2 semaphore(%arg19 : memref<!tpu.dma_semaphore, #tpu.memory_space<semaphore_mem>>) src(%dma_wait3A_87 : memref<128x64xf32, #tpu.memory_space<hbm>>) dst(%arg14 : memref<256x64xf32, #tpu.memory_space<vmem>>)
      %ge3A = arith.constant 4 : i32
      %ge3A_88 = arith.cmpi sge, %add3A_73, %ge3A : i32
      %convert_element_type3A = arith.extui %ge3A_88 : i1 to i32
      %cond3A = arith.constant 0 : i32
      %cond3A_89 = arith.cmpi ne, %convert_element_type3A, %cond3A : i32
      scf.if %cond3A_89 {
        %dma_wait3A_240 = arith.constant 0 : i32
        %dma_wait3A_241 = tpu.memref_slice %arg3[%dma_wait3A_240] : memref<327680xi32, #tpu.memory_space<hbm>> -> memref<256xi32, #tpu.memory_space<hbm>>
        %dma_wait3A_242 = arith.constant 0 : i32
        %dma_wait3A_243 = tpu.memref_slice %arg3[%dma_wait3A_242] : memref<327680xi32, #tpu.memory_space<hbm>> -> memref<256xi32, #tpu.memory_space<hbm>>
        tpu.wait_dma2 semaphore(%arg31 : memref<!tpu.dma_semaphore, #tpu.memory_space<semaphore_mem>>) src(%dma_wait3A_243 : memref<256xi32, #tpu.memory_space<hbm>>) dst(%arg10 : memref<256xi32, #tpu.memory_space<vmem>>)
      } else {
      }
      %dma_start3A_90 = arith.constant 0 : i32
      %dma_start3A_91 = arith.constant 0 : i32
      %dma_start3A_92 = tpu.memref_slice %arg18[%dma_start3A_90, %dma_start3A_91] : memref<10240x64xf32, #tpu.memory_space<vmem_shared>> -> memref<10240x64xf32, #tpu.memory_space<vmem_shared>>
      tpu.enqueue_indirect_dma source(%arg14 : memref<256x64xf32, #tpu.memory_space<vmem>>) target(%dma_start3A_92 : memref<10240x64xf32, #tpu.memory_space<vmem_shared>>) offsets(%arg10 : memref<256xi32, #tpu.memory_space<vmem>>) semaphore(%arg23 : memref<!tpu.dma_semaphore, #tpu.memory_space<semaphore_mem>>) {add = true}
      %add3A_93 = arith.constant 4 : i32
      %add3A_94 = arith.addi %add3A_73, %add3A_93 : i32
      %lt3A = arith.constant 80 : i32
      %lt3A_95 = arith.cmpi slt, %add3A_94, %lt3A : i32
      %convert_element_type3A_96 = arith.extui %lt3A_95 : i1 to i32
      %cond3A_97 = arith.constant 0 : i32
      %cond3A_98 = arith.cmpi ne, %convert_element_type3A_96, %cond3A_97 : i32
      scf.if %cond3A_98 {
        %add3A_240 = arith.constant 4 : i32
        %add3A_241 = arith.addi %add3A_73, %add3A_240 : i32
        %mul3A_242 = arith.constant 256 : i32
        %mul3A_243 = arith.muli %add3A_241, %mul3A_242 : i32
        %add3A_244 = arith.addi %mul3A_4, %mul3A_243 : i32
        %dma_start3A_245 = tpu.memref_slice %arg3[%add3A_244] : memref<327680xi32, #tpu.memory_space<hbm>> -> memref<256xi32, #tpu.memory_space<hbm>>
        %dma_start3A_246 = tpu.memref_slice %arg3[%add3A_244] : memref<327680xi32, #tpu.memory_space<hbm>> -> memref<256xi32, #tpu.memory_space<hbm>>
        tpu.enqueue_dma source(%dma_start3A_246 : memref<256xi32, #tpu.memory_space<hbm>>) target(%arg6 : memref<256xi32, #tpu.memory_space<vmem>>) target_semaphore(%arg27 : memref<!tpu.dma_semaphore, #tpu.memory_space<semaphore_mem>>)
      } else {
      }
      %add3A_99 = arith.constant 1 : i32
      %add3A_100 = arith.addi %add3A_71, %add3A_99 : i32
      %dma_wait3A_101 = arith.constant 0 : i32
      %dma_wait3A_102 = arith.constant 0 : i32
      %dma_wait3A_103 = tpu.memref_slice %arg2[%arg0, %dma_wait3A_101, %dma_wait3A_102] : memref<2x10240x64xf32, #tpu.memory_space<hbm>> -> memref<1x10240x64xf32, #tpu.memory_space<hbm>>
      %dma_wait3A_104 = tpu.memref_squeeze %dma_wait3A_103 : memref<1x10240x64xf32, #tpu.memory_space<hbm>> -> memref<10240x64xf32, #tpu.memory_space<hbm>>
      %dma_wait3A_105 = arith.constant 0 : i32
      %dma_wait3A_106 = arith.constant 0 : i32
      %dma_wait3A_107 = tpu.memref_slice %dma_wait3A_104[%dma_wait3A_105, %dma_wait3A_106] : memref<10240x64xf32, #tpu.memory_space<hbm>> -> memref<128x64xf32, #tpu.memory_space<hbm>>
      %dma_wait3A_108 = arith.constant 0 : i32
      %dma_wait3A_109 = arith.constant 0 : i32
      %dma_wait3A_110 = tpu.memref_slice %arg2[%arg0, %dma_wait3A_108, %dma_wait3A_109] : memref<2x10240x64xf32, #tpu.memory_space<hbm>> -> memref<1x10240x64xf32, #tpu.memory_space<hbm>>
      %dma_wait3A_111 = tpu.memref_squeeze %dma_wait3A_110 : memref<1x10240x64xf32, #tpu.memory_space<hbm>> -> memref<10240x64xf32, #tpu.memory_space<hbm>>
      %dma_wait3A_112 = arith.constant 0 : i32
      %dma_wait3A_113 = arith.constant 0 : i32
      %dma_wait3A_114 = tpu.memref_slice %dma_wait3A_111[%dma_wait3A_112, %dma_wait3A_113] : memref<10240x64xf32, #tpu.memory_space<hbm>> -> memref<128x64xf32, #tpu.memory_space<hbm>>
      tpu.wait_dma2 semaphore(%arg20 : memref<!tpu.dma_semaphore, #tpu.memory_space<semaphore_mem>>) src(%dma_wait3A_114 : memref<128x64xf32, #tpu.memory_space<hbm>>) dst(%arg15 : memref<256x64xf32, #tpu.memory_space<vmem>>)
      %ge3A_115 = arith.constant 4 : i32
      %ge3A_116 = arith.cmpi sge, %add3A_100, %ge3A_115 : i32
      %convert_element_type3A_117 = arith.extui %ge3A_116 : i1 to i32
      %cond3A_118 = arith.constant 0 : i32
      %cond3A_119 = arith.cmpi ne, %convert_element_type3A_117, %cond3A_118 : i32
      scf.if %cond3A_119 {
        %dma_wait3A_240 = arith.constant 0 : i32
        %dma_wait3A_241 = tpu.memref_slice %arg3[%dma_wait3A_240] : memref<327680xi32, #tpu.memory_space<hbm>> -> memref<256xi32, #tpu.memory_space<hbm>>
        %dma_wait3A_242 = arith.constant 0 : i32
        %dma_wait3A_243 = tpu.memref_slice %arg3[%dma_wait3A_242] : memref<327680xi32, #tpu.memory_space<hbm>> -> memref<256xi32, #tpu.memory_space<hbm>>
        tpu.wait_dma2 semaphore(%arg32 : memref<!tpu.dma_semaphore, #tpu.memory_space<semaphore_mem>>) src(%dma_wait3A_243 : memref<256xi32, #tpu.memory_space<hbm>>) dst(%arg11 : memref<256xi32, #tpu.memory_space<vmem>>)
      } else {
      }
      %dma_start3A_120 = arith.constant 0 : i32
      %dma_start3A_121 = arith.constant 0 : i32
      %dma_start3A_122 = tpu.memref_slice %arg18[%dma_start3A_120, %dma_start3A_121] : memref<10240x64xf32, #tpu.memory_space<vmem_shared>> -> memref<10240x64xf32, #tpu.memory_space<vmem_shared>>
      tpu.enqueue_indirect_dma source(%arg15 : memref<256x64xf32, #tpu.memory_space<vmem>>) target(%dma_start3A_122 : memref<10240x64xf32, #tpu.memory_space<vmem_shared>>) offsets(%arg11 : memref<256xi32, #tpu.memory_space<vmem>>) semaphore(%arg24 : memref<!tpu.dma_semaphore, #tpu.memory_space<semaphore_mem>>) {add = true}
      %add3A_123 = arith.constant 4 : i32
      %add3A_124 = arith.addi %add3A_100, %add3A_123 : i32
      %lt3A_125 = arith.constant 80 : i32
      %lt3A_126 = arith.cmpi slt, %add3A_124, %lt3A_125 : i32
      %convert_element_type3A_127 = arith.extui %lt3A_126 : i1 to i32
      %cond3A_128 = arith.constant 0 : i32
      %cond3A_129 = arith.cmpi ne, %convert_element_type3A_127, %cond3A_128 : i32
      scf.if %cond3A_129 {
        %add3A_240 = arith.constant 4 : i32
        %add3A_241 = arith.addi %add3A_100, %add3A_240 : i32
        %mul3A_242 = arith.constant 256 : i32
        %mul3A_243 = arith.muli %add3A_241, %mul3A_242 : i32
        %add3A_244 = arith.addi %mul3A_4, %mul3A_243 : i32
        %dma_start3A_245 = tpu.memref_slice %arg3[%add3A_244] : memref<327680xi32, #tpu.memory_space<hbm>> -> memref<256xi32, #tpu.memory_space<hbm>>
        %dma_start3A_246 = tpu.memref_slice %arg3[%add3A_244] : memref<327680xi32, #tpu.memory_space<hbm>> -> memref<256xi32, #tpu.memory_space<hbm>>
        tpu.enqueue_dma source(%dma_start3A_246 : memref<256xi32, #tpu.memory_space<hbm>>) target(%arg7 : memref<256xi32, #tpu.memory_space<vmem>>) target_semaphore(%arg28 : memref<!tpu.dma_semaphore, #tpu.memory_space<semaphore_mem>>)
      } else {
      }
      %add3A_130 = arith.constant 2 : i32
      %add3A_131 = arith.addi %add3A_71, %add3A_130 : i32
      %dma_wait3A_132 = arith.constant 0 : i32
      %dma_wait3A_133 = arith.constant 0 : i32
      %dma_wait3A_134 = tpu.memref_slice %arg2[%arg0, %dma_wait3A_132, %dma_wait3A_133] : memref<2x10240x64xf32, #tpu.memory_space<hbm>> -> memref<1x10240x64xf32, #tpu.memory_space<hbm>>
      %dma_wait3A_135 = tpu.memref_squeeze %dma_wait3A_134 : memref<1x10240x64xf32, #tpu.memory_space<hbm>> -> memref<10240x64xf32, #tpu.memory_space<hbm>>
      %dma_wait3A_136 = arith.constant 0 : i32
      %dma_wait3A_137 = arith.constant 0 : i32
      %dma_wait3A_138 = tpu.memref_slice %dma_wait3A_135[%dma_wait3A_136, %dma_wait3A_137] : memref<10240x64xf32, #tpu.memory_space<hbm>> -> memref<128x64xf32, #tpu.memory_space<hbm>>
      %dma_wait3A_139 = arith.constant 0 : i32
      %dma_wait3A_140 = arith.constant 0 : i32
      %dma_wait3A_141 = tpu.memref_slice %arg2[%arg0, %dma_wait3A_139, %dma_wait3A_140] : memref<2x10240x64xf32, #tpu.memory_space<hbm>> -> memref<1x10240x64xf32, #tpu.memory_space<hbm>>
      %dma_wait3A_142 = tpu.memref_squeeze %dma_wait3A_141 : memref<1x10240x64xf32, #tpu.memory_space<hbm>> -> memref<10240x64xf32, #tpu.memory_space<hbm>>
      %dma_wait3A_143 = arith.constant 0 : i32
      %dma_wait3A_144 = arith.constant 0 : i32
      %dma_wait3A_145 = tpu.memref_slice %dma_wait3A_142[%dma_wait3A_143, %dma_wait3A_144] : memref<10240x64xf32, #tpu.memory_space<hbm>> -> memref<128x64xf32, #tpu.memory_space<hbm>>
      tpu.wait_dma2 semaphore(%arg21 : memref<!tpu.dma_semaphore, #tpu.memory_space<semaphore_mem>>) src(%dma_wait3A_145 : memref<128x64xf32, #tpu.memory_space<hbm>>) dst(%arg16 : memref<256x64xf32, #tpu.memory_space<vmem>>)
      %ge3A_146 = arith.constant 4 : i32
      %ge3A_147 = arith.cmpi sge, %add3A_131, %ge3A_146 : i32
      %convert_element_type3A_148 = arith.extui %ge3A_147 : i1 to i32
      %cond3A_149 = arith.constant 0 : i32
      %cond3A_150 = arith.cmpi ne, %convert_element_type3A_148, %cond3A_149 : i32
      scf.if %cond3A_150 {
        %dma_wait3A_240 = arith.constant 0 : i32
        %dma_wait3A_241 = tpu.memref_slice %arg3[%dma_wait3A_240] : memref<327680xi32, #tpu.memory_space<hbm>> -> memref<256xi32, #tpu.memory_space<hbm>>
        %dma_wait3A_242 = arith.constant 0 : i32
        %dma_wait3A_243 = tpu.memref_slice %arg3[%dma_wait3A_242] : memref<327680xi32, #tpu.memory_space<hbm>> -> memref<256xi32, #tpu.memory_space<hbm>>
        tpu.wait_dma2 semaphore(%arg33 : memref<!tpu.dma_semaphore, #tpu.memory_space<semaphore_mem>>) src(%dma_wait3A_243 : memref<256xi32, #tpu.memory_space<hbm>>) dst(%arg12 : memref<256xi32, #tpu.memory_space<vmem>>)
      } else {
      }
      %dma_start3A_151 = arith.constant 0 : i32
      %dma_start3A_152 = arith.constant 0 : i32
      %dma_start3A_153 = tpu.memref_slice %arg18[%dma_start3A_151, %dma_start3A_152] : memref<10240x64xf32, #tpu.memory_space<vmem_shared>> -> memref<10240x64xf32, #tpu.memory_space<vmem_shared>>
      tpu.enqueue_indirect_dma source(%arg16 : memref<256x64xf32, #tpu.memory_space<vmem>>) target(%dma_start3A_153 : memref<10240x64xf32, #tpu.memory_space<vmem_shared>>) offsets(%arg12 : memref<256xi32, #tpu.memory_space<vmem>>) semaphore(%arg25 : memref<!tpu.dma_semaphore, #tpu.memory_space<semaphore_mem>>) {add = true}
      %add3A_154 = arith.constant 4 : i32
      %add3A_155 = arith.addi %add3A_131, %add3A_154 : i32
      %lt3A_156 = arith.constant 80 : i32
      %lt3A_157 = arith.cmpi slt, %add3A_155, %lt3A_156 : i32
      %convert_element_type3A_158 = arith.extui %lt3A_157 : i1 to i32
      %cond3A_159 = arith.constant 0 : i32
      %cond3A_160 = arith.cmpi ne, %convert_element_type3A_158, %cond3A_159 : i32
      scf.if %cond3A_160 {
        %add3A_240 = arith.constant 4 : i32
        %add3A_241 = arith.addi %add3A_131, %add3A_240 : i32
        %mul3A_242 = arith.constant 256 : i32
        %mul3A_243 = arith.muli %add3A_241, %mul3A_242 : i32
        %add3A_244 = arith.addi %mul3A_4, %mul3A_243 : i32
        %dma_start3A_245 = tpu.memref_slice %arg3[%add3A_244] : memref<327680xi32, #tpu.memory_space<hbm>> -> memref<256xi32, #tpu.memory_space<hbm>>
        %dma_start3A_246 = tpu.memref_slice %arg3[%add3A_244] : memref<327680xi32, #tpu.memory_space<hbm>> -> memref<256xi32, #tpu.memory_space<hbm>>
        tpu.enqueue_dma source(%dma_start3A_246 : memref<256xi32, #tpu.memory_space<hbm>>) target(%arg8 : memref<256xi32, #tpu.memory_space<vmem>>) target_semaphore(%arg29 : memref<!tpu.dma_semaphore, #tpu.memory_space<semaphore_mem>>)
      } else {
      }
      %add3A_161 = arith.constant 3 : i32
      %add3A_162 = arith.addi %add3A_71, %add3A_161 : i32
      %dma_wait3A_163 = arith.constant 0 : i32
      %dma_wait3A_164 = arith.constant 0 : i32
      %dma_wait3A_165 = tpu.memref_slice %arg2[%arg0, %dma_wait3A_163, %dma_wait3A_164] : memref<2x10240x64xf32, #tpu.memory_space<hbm>> -> memref<1x10240x64xf32, #tpu.memory_space<hbm>>
      %dma_wait3A_166 = tpu.memref_squeeze %dma_wait3A_165 : memref<1x10240x64xf32, #tpu.memory_space<hbm>> -> memref<10240x64xf32, #tpu.memory_space<hbm>>
      %dma_wait3A_167 = arith.constant 0 : i32
      %dma_wait3A_168 = arith.constant 0 : i32
      %dma_wait3A_169 = tpu.memref_slice %dma_wait3A_166[%dma_wait3A_167, %dma_wait3A_168] : memref<10240x64xf32, #tpu.memory_space<hbm>> -> memref<128x64xf32, #tpu.memory_space<hbm>>
      %dma_wait3A_170 = arith.constant 0 : i32
      %dma_wait3A_171 = arith.constant 0 : i32
      %dma_wait3A_172 = tpu.memref_slice %arg2[%arg0, %dma_wait3A_170, %dma_wait3A_171] : memref<2x10240x64xf32, #tpu.memory_space<hbm>> -> memref<1x10240x64xf32, #tpu.memory_space<hbm>>
      %dma_wait3A_173 = tpu.memref_squeeze %dma_wait3A_172 : memref<1x10240x64xf32, #tpu.memory_space<hbm>> -> memref<10240x64xf32, #tpu.memory_space<hbm>>
      %dma_wait3A_174 = arith.constant 0 : i32
      %dma_wait3A_175 = arith.constant 0 : i32
      %dma_wait3A_176 = tpu.memref_slice %dma_wait3A_173[%dma_wait3A_174, %dma_wait3A_175] : memref<10240x64xf32, #tpu.memory_space<hbm>> -> memref<128x64xf32, #tpu.memory_space<hbm>>
      tpu.wait_dma2 semaphore(%arg22 : memref<!tpu.dma_semaphore, #tpu.memory_space<semaphore_mem>>) src(%dma_wait3A_176 : memref<128x64xf32, #tpu.memory_space<hbm>>) dst(%arg17 : memref<256x64xf32, #tpu.memory_space<vmem>>)
      %ge3A_177 = arith.constant 4 : i32
      %ge3A_178 = arith.cmpi sge, %add3A_162, %ge3A_177 : i32
      %convert_element_type3A_179 = arith.extui %ge3A_178 : i1 to i32
      %cond3A_180 = arith.constant 0 : i32
      %cond3A_181 = arith.cmpi ne, %convert_element_type3A_179, %cond3A_180 : i32
      scf.if %cond3A_181 {
        %dma_wait3A_240 = arith.constant 0 : i32
        %dma_wait3A_241 = tpu.memref_slice %arg3[%dma_wait3A_240] : memref<327680xi32, #tpu.memory_space<hbm>> -> memref<256xi32, #tpu.memory_space<hbm>>
        %dma_wait3A_242 = arith.constant 0 : i32
        %dma_wait3A_243 = tpu.memref_slice %arg3[%dma_wait3A_242] : memref<327680xi32, #tpu.memory_space<hbm>> -> memref<256xi32, #tpu.memory_space<hbm>>
        tpu.wait_dma2 semaphore(%arg34 : memref<!tpu.dma_semaphore, #tpu.memory_space<semaphore_mem>>) src(%dma_wait3A_243 : memref<256xi32, #tpu.memory_space<hbm>>) dst(%arg13 : memref<256xi32, #tpu.memory_space<vmem>>)
      } else {
      }
      %dma_start3A_182 = arith.constant 0 : i32
      %dma_start3A_183 = arith.constant 0 : i32
      %dma_start3A_184 = tpu.memref_slice %arg18[%dma_start3A_182, %dma_start3A_183] : memref<10240x64xf32, #tpu.memory_space<vmem_shared>> -> memref<10240x64xf32, #tpu.memory_space<vmem_shared>>
      tpu.enqueue_indirect_dma source(%arg17 : memref<256x64xf32, #tpu.memory_space<vmem>>) target(%dma_start3A_184 : memref<10240x64xf32, #tpu.memory_space<vmem_shared>>) offsets(%arg13 : memref<256xi32, #tpu.memory_space<vmem>>) semaphore(%arg26 : memref<!tpu.dma_semaphore, #tpu.memory_space<semaphore_mem>>) {add = true}
      %add3A_185 = arith.constant 4 : i32
      %add3A_186 = arith.addi %add3A_162, %add3A_185 : i32
      %lt3A_187 = arith.constant 80 : i32
      %lt3A_188 = arith.cmpi slt, %add3A_186, %lt3A_187 : i32
      %convert_element_type3A_189 = arith.extui %lt3A_188 : i1 to i32
      %cond3A_190 = arith.constant 0 : i32
      %cond3A_191 = arith.cmpi ne, %convert_element_type3A_189, %cond3A_190 : i32
      scf.if %cond3A_191 {
        %add3A_240 = arith.constant 4 : i32
        %add3A_241 = arith.addi %add3A_162, %add3A_240 : i32
        %mul3A_242 = arith.constant 256 : i32
        %mul3A_243 = arith.muli %add3A_241, %mul3A_242 : i32
        %add3A_244 = arith.addi %mul3A_4, %mul3A_243 : i32
        %dma_start3A_245 = tpu.memref_slice %arg3[%add3A_244] : memref<327680xi32, #tpu.memory_space<hbm>> -> memref<256xi32, #tpu.memory_space<hbm>>
        %dma_start3A_246 = tpu.memref_slice %arg3[%add3A_244] : memref<327680xi32, #tpu.memory_space<hbm>> -> memref<256xi32, #tpu.memory_space<hbm>>
        tpu.enqueue_dma source(%dma_start3A_246 : memref<256xi32, #tpu.memory_space<hbm>>) target(%arg9 : memref<256xi32, #tpu.memory_space<vmem>>) target_semaphore(%arg30 : memref<!tpu.dma_semaphore, #tpu.memory_space<semaphore_mem>>)
      } else {
      }
      %add3A_192 = arith.constant 0 : i32
      %add3A_193 = arith.addi %add3A_71, %add3A_192 : i32
      %dma_wait3A_194 = arith.constant 0 : i32
      %dma_wait3A_195 = arith.constant 0 : i32
      %dma_wait3A_196 = tpu.memref_slice %arg18[%dma_wait3A_194, %dma_wait3A_195] : memref<10240x64xf32, #tpu.memory_space<vmem_shared>> -> memref<10240x64xf32, #tpu.memory_space<vmem_shared>>
      tpu.wait_indirect_dma semaphore(%arg23 : memref<!tpu.dma_semaphore, #tpu.memory_space<semaphore_mem>>) src(%arg14 : memref<256x64xf32, #tpu.memory_space<vmem>>) dst(%dma_wait3A_196 : memref<10240x64xf32, #tpu.memory_space<vmem_shared>>)
      %add3A_197 = arith.constant 4 : i32
      %add3A_198 = arith.addi %add3A_193, %add3A_197 : i32
      %lt3A_199 = arith.constant 80 : i32
      %lt3A_200 = arith.cmpi slt, %add3A_198, %lt3A_199 : i32
      %convert_element_type3A_201 = arith.extui %lt3A_200 : i1 to i32
      %cond3A_202 = arith.constant 0 : i32
      %cond3A_203 = arith.cmpi ne, %convert_element_type3A_201, %cond3A_202 : i32
      scf.if %cond3A_203 {
        %add3A_240 = arith.constant 4 : i32
        %add3A_241 = arith.addi %add3A_193, %add3A_240 : i32
        %mul3A_242 = arith.constant 256 : i32
        %mul3A_243 = arith.muli %add3A_241, %mul3A_242 : i32
        %add3A_244 = arith.addi %mul3A_4, %mul3A_243 : i32
        %dma_start3A_245 = tpu.memref_slice %arg4[%add3A_244] : memref<327680xi32, #tpu.memory_space<hbm>> -> memref<256xi32, #tpu.memory_space<hbm>>
        %dma_start3A_246 = tpu.memref_slice %arg4[%add3A_244] : memref<327680xi32, #tpu.memory_space<hbm>> -> memref<256xi32, #tpu.memory_space<hbm>>
        tpu.enqueue_dma source(%dma_start3A_246 : memref<256xi32, #tpu.memory_space<hbm>>) target(%arg10 : memref<256xi32, #tpu.memory_space<vmem>>) target_semaphore(%arg31 : memref<!tpu.dma_semaphore, #tpu.memory_space<semaphore_mem>>)
        %dma_wait3A_247 = arith.constant 0 : i32
        %dma_wait3A_248 = tpu.memref_slice %arg3[%dma_wait3A_247] : memref<327680xi32, #tpu.memory_space<hbm>> -> memref<256xi32, #tpu.memory_space<hbm>>
        %dma_wait3A_249 = arith.constant 0 : i32
        %dma_wait3A_250 = tpu.memref_slice %arg3[%dma_wait3A_249] : memref<327680xi32, #tpu.memory_space<hbm>> -> memref<256xi32, #tpu.memory_space<hbm>>
        tpu.wait_dma2 semaphore(%arg27 : memref<!tpu.dma_semaphore, #tpu.memory_space<semaphore_mem>>) src(%dma_wait3A_250 : memref<256xi32, #tpu.memory_space<hbm>>) dst(%arg6 : memref<256xi32, #tpu.memory_space<vmem>>)
        %add3A_251 = arith.constant 4 : i32
        %add3A_252 = arith.addi %add3A_193, %add3A_251 : i32
        %dma_start3A_253 = arith.constant 0 : i32
        %dma_start3A_254 = arith.constant 0 : i32
        %dma_start3A_255 = tpu.memref_slice %arg2[%arg0, %dma_start3A_253, %dma_start3A_254] : memref<2x10240x64xf32, #tpu.memory_space<hbm>> -> memref<1x10240x64xf32, #tpu.memory_space<hbm>>
        %dma_start3A_256 = tpu.memref_squeeze %dma_start3A_255 : memref<1x10240x64xf32, #tpu.memory_space<hbm>> -> memref<10240x64xf32, #tpu.memory_space<hbm>>
        %dma_start3A_257 = arith.constant 0 : i32
        %dma_start3A_258 = arith.constant 0 : i32
        %dma_start3A_259 = tpu.memref_slice %dma_start3A_256[%dma_start3A_257, %dma_start3A_258] : memref<10240x64xf32, #tpu.memory_space<hbm>> -> memref<10240x64xf32, #tpu.memory_space<hbm>>
        tpu.enqueue_indirect_dma source(%dma_start3A_259 : memref<10240x64xf32, #tpu.memory_space<hbm>>) target(%arg14 : memref<256x64xf32, #tpu.memory_space<vmem>>) offsets(%arg6 : memref<256xi32, #tpu.memory_space<vmem>>) semaphore(%arg19 : memref<!tpu.dma_semaphore, #tpu.memory_space<semaphore_mem>>)
      } else {
      }
      %add3A_204 = arith.constant 1 : i32
      %add3A_205 = arith.addi %add3A_71, %add3A_204 : i32
      %dma_wait3A_206 = arith.constant 0 : i32
      %dma_wait3A_207 = arith.constant 0 : i32
      %dma_wait3A_208 = tpu.memref_slice %arg18[%dma_wait3A_206, %dma_wait3A_207] : memref<10240x64xf32, #tpu.memory_space<vmem_shared>> -> memref<10240x64xf32, #tpu.memory_space<vmem_shared>>
      tpu.wait_indirect_dma semaphore(%arg24 : memref<!tpu.dma_semaphore, #tpu.memory_space<semaphore_mem>>) src(%arg15 : memref<256x64xf32, #tpu.memory_space<vmem>>) dst(%dma_wait3A_208 : memref<10240x64xf32, #tpu.memory_space<vmem_shared>>)
      %add3A_209 = arith.constant 4 : i32
      %add3A_210 = arith.addi %add3A_205, %add3A_209 : i32
      %lt3A_211 = arith.constant 80 : i32
      %lt3A_212 = arith.cmpi slt, %add3A_210, %lt3A_211 : i32
      %convert_element_type3A_213 = arith.extui %lt3A_212 : i1 to i32
      %cond3A_214 = arith.constant 0 : i32
      %cond3A_215 = arith.cmpi ne, %convert_element_type3A_213, %cond3A_214 : i32
      scf.if %cond3A_215 {
        %add3A_240 = arith.constant 4 : i32
        %add3A_241 = arith.addi %add3A_205, %add3A_240 : i32
        %mul3A_242 = arith.constant 256 : i32
        %mul3A_243 = arith.muli %add3A_241, %mul3A_242 : i32
        %add3A_244 = arith.addi %mul3A_4, %mul3A_243 : i32
        %dma_start3A_245 = tpu.memref_slice %arg4[%add3A_244] : memref<327680xi32, #tpu.memory_space<hbm>> -> memref<256xi32, #tpu.memory_space<hbm>>
        %dma_start3A_246 = tpu.memref_slice %arg4[%add3A_244] : memref<327680xi32, #tpu.memory_space<hbm>> -> memref<256xi32, #tpu.memory_space<hbm>>
        tpu.enqueue_dma source(%dma_start3A_246 : memref<256xi32, #tpu.memory_space<hbm>>) target(%arg11 : memref<256xi32, #tpu.memory_space<vmem>>) target_semaphore(%arg32 : memref<!tpu.dma_semaphore, #tpu.memory_space<semaphore_mem>>)
        %dma_wait3A_247 = arith.constant 0 : i32
        %dma_wait3A_248 = tpu.memref_slice %arg3[%dma_wait3A_247] : memref<327680xi32, #tpu.memory_space<hbm>> -> memref<256xi32, #tpu.memory_space<hbm>>
        %dma_wait3A_249 = arith.constant 0 : i32
        %dma_wait3A_250 = tpu.memref_slice %arg3[%dma_wait3A_249] : memref<327680xi32, #tpu.memory_space<hbm>> -> memref<256xi32, #tpu.memory_space<hbm>>
        tpu.wait_dma2 semaphore(%arg28 : memref<!tpu.dma_semaphore, #tpu.memory_space<semaphore_mem>>) src(%dma_wait3A_250 : memref<256xi32, #tpu.memory_space<hbm>>) dst(%arg7 : memref<256xi32, #tpu.memory_space<vmem>>)
        %add3A_251 = arith.constant 4 : i32
        %add3A_252 = arith.addi %add3A_205, %add3A_251 : i32
        %dma_start3A_253 = arith.constant 0 : i32
        %dma_start3A_254 = arith.constant 0 : i32
        %dma_start3A_255 = tpu.memref_slice %arg2[%arg0, %dma_start3A_253, %dma_start3A_254] : memref<2x10240x64xf32, #tpu.memory_space<hbm>> -> memref<1x10240x64xf32, #tpu.memory_space<hbm>>
        %dma_start3A_256 = tpu.memref_squeeze %dma_start3A_255 : memref<1x10240x64xf32, #tpu.memory_space<hbm>> -> memref<10240x64xf32, #tpu.memory_space<hbm>>
        %dma_start3A_257 = arith.constant 0 : i32
        %dma_start3A_258 = arith.constant 0 : i32
        %dma_start3A_259 = tpu.memref_slice %dma_start3A_256[%dma_start3A_257, %dma_start3A_258] : memref<10240x64xf32, #tpu.memory_space<hbm>> -> memref<10240x64xf32, #tpu.memory_space<hbm>>
        tpu.enqueue_indirect_dma source(%dma_start3A_259 : memref<10240x64xf32, #tpu.memory_space<hbm>>) target(%arg15 : memref<256x64xf32, #tpu.memory_space<vmem>>) offsets(%arg7 : memref<256xi32, #tpu.memory_space<vmem>>) semaphore(%arg20 : memref<!tpu.dma_semaphore, #tpu.memory_space<semaphore_mem>>)
      } else {
      }
      %add3A_216 = arith.constant 2 : i32
      %add3A_217 = arith.addi %add3A_71, %add3A_216 : i32
      %dma_wait3A_218 = arith.constant 0 : i32
      %dma_wait3A_219 = arith.constant 0 : i32
      %dma_wait3A_220 = tpu.memref_slice %arg18[%dma_wait3A_218, %dma_wait3A_219] : memref<10240x64xf32, #tpu.memory_space<vmem_shared>> -> memref<10240x64xf32, #tpu.memory_space<vmem_shared>>
      tpu.wait_indirect_dma semaphore(%arg25 : memref<!tpu.dma_semaphore, #tpu.memory_space<semaphore_mem>>) src(%arg16 : memref<256x64xf32, #tpu.memory_space<vmem>>) dst(%dma_wait3A_220 : memref<10240x64xf32, #tpu.memory_space<vmem_shared>>)
      %add3A_221 = arith.constant 4 : i32
      %add3A_222 = arith.addi %add3A_217, %add3A_221 : i32
      %lt3A_223 = arith.constant 80 : i32
      %lt3A_224 = arith.cmpi slt, %add3A_222, %lt3A_223 : i32
      %convert_element_type3A_225 = arith.extui %lt3A_224 : i1 to i32
      %cond3A_226 = arith.constant 0 : i32
      %cond3A_227 = arith.cmpi ne, %convert_element_type3A_225, %cond3A_226 : i32
      scf.if %cond3A_227 {
        %add3A_240 = arith.constant 4 : i32
        %add3A_241 = arith.addi %add3A_217, %add3A_240 : i32
        %mul3A_242 = arith.constant 256 : i32
        %mul3A_243 = arith.muli %add3A_241, %mul3A_242 : i32
        %add3A_244 = arith.addi %mul3A_4, %mul3A_243 : i32
        %dma_start3A_245 = tpu.memref_slice %arg4[%add3A_244] : memref<327680xi32, #tpu.memory_space<hbm>> -> memref<256xi32, #tpu.memory_space<hbm>>
        %dma_start3A_246 = tpu.memref_slice %arg4[%add3A_244] : memref<327680xi32, #tpu.memory_space<hbm>> -> memref<256xi32, #tpu.memory_space<hbm>>
        tpu.enqueue_dma source(%dma_start3A_246 : memref<256xi32, #tpu.memory_space<hbm>>) target(%arg12 : memref<256xi32, #tpu.memory_space<vmem>>) target_semaphore(%arg33 : memref<!tpu.dma_semaphore, #tpu.memory_space<semaphore_mem>>)
        %dma_wait3A_247 = arith.constant 0 : i32
        %dma_wait3A_248 = tpu.memref_slice %arg3[%dma_wait3A_247] : memref<327680xi32, #tpu.memory_space<hbm>> -> memref<256xi32, #tpu.memory_space<hbm>>
        %dma_wait3A_249 = arith.constant 0 : i32
        %dma_wait3A_250 = tpu.memref_slice %arg3[%dma_wait3A_249] : memref<327680xi32, #tpu.memory_space<hbm>> -> memref<256xi32, #tpu.memory_space<hbm>>
        tpu.wait_dma2 semaphore(%arg29 : memref<!tpu.dma_semaphore, #tpu.memory_space<semaphore_mem>>) src(%dma_wait3A_250 : memref<256xi32, #tpu.memory_space<hbm>>) dst(%arg8 : memref<256xi32, #tpu.memory_space<vmem>>)
        %add3A_251 = arith.constant 4 : i32
        %add3A_252 = arith.addi %add3A_217, %add3A_251 : i32
        %dma_start3A_253 = arith.constant 0 : i32
        %dma_start3A_254 = arith.constant 0 : i32
        %dma_start3A_255 = tpu.memref_slice %arg2[%arg0, %dma_start3A_253, %dma_start3A_254] : memref<2x10240x64xf32, #tpu.memory_space<hbm>> -> memref<1x10240x64xf32, #tpu.memory_space<hbm>>
        %dma_start3A_256 = tpu.memref_squeeze %dma_start3A_255 : memref<1x10240x64xf32, #tpu.memory_space<hbm>> -> memref<10240x64xf32, #tpu.memory_space<hbm>>
        %dma_start3A_257 = arith.constant 0 : i32
        %dma_start3A_258 = arith.constant 0 : i32
        %dma_start3A_259 = tpu.memref_slice %dma_start3A_256[%dma_start3A_257, %dma_start3A_258] : memref<10240x64xf32, #tpu.memory_space<hbm>> -> memref<10240x64xf32, #tpu.memory_space<hbm>>
        tpu.enqueue_indirect_dma source(%dma_start3A_259 : memref<10240x64xf32, #tpu.memory_space<hbm>>) target(%arg16 : memref<256x64xf32, #tpu.memory_space<vmem>>) offsets(%arg8 : memref<256xi32, #tpu.memory_space<vmem>>) semaphore(%arg21 : memref<!tpu.dma_semaphore, #tpu.memory_space<semaphore_mem>>)
      } else {
      }
      %add3A_228 = arith.constant 3 : i32
      %add3A_229 = arith.addi %add3A_71, %add3A_228 : i32
      %dma_wait3A_230 = arith.constant 0 : i32
      %dma_wait3A_231 = arith.constant 0 : i32
      %dma_wait3A_232 = tpu.memref_slice %arg18[%dma_wait3A_230, %dma_wait3A_231] : memref<10240x64xf32, #tpu.memory_space<vmem_shared>> -> memref<10240x64xf32, #tpu.memory_space<vmem_shared>>
      tpu.wait_indirect_dma semaphore(%arg26 : memref<!tpu.dma_semaphore, #tpu.memory_space<semaphore_mem>>) src(%arg17 : memref<256x64xf32, #tpu.memory_space<vmem>>) dst(%dma_wait3A_232 : memref<10240x64xf32, #tpu.memory_space<vmem_shared>>)
      %add3A_233 = arith.constant 4 : i32
      %add3A_234 = arith.addi %add3A_229, %add3A_233 : i32
      %lt3A_235 = arith.constant 80 : i32
      %lt3A_236 = arith.cmpi slt, %add3A_234, %lt3A_235 : i32
      %convert_element_type3A_237 = arith.extui %lt3A_236 : i1 to i32
      %cond3A_238 = arith.constant 0 : i32
      %cond3A_239 = arith.cmpi ne, %convert_element_type3A_237, %cond3A_238 : i32
      scf.if %cond3A_239 {
        %add3A_240 = arith.constant 4 : i32
        %add3A_241 = arith.addi %add3A_229, %add3A_240 : i32
        %mul3A_242 = arith.constant 256 : i32
        %mul3A_243 = arith.muli %add3A_241, %mul3A_242 : i32
        %add3A_244 = arith.addi %mul3A_4, %mul3A_243 : i32
        %dma_start3A_245 = tpu.memref_slice %arg4[%add3A_244] : memref<327680xi32, #tpu.memory_space<hbm>> -> memref<256xi32, #tpu.memory_space<hbm>>
        %dma_start3A_246 = tpu.memref_slice %arg4[%add3A_244] : memref<327680xi32, #tpu.memory_space<hbm>> -> memref<256xi32, #tpu.memory_space<hbm>>
        tpu.enqueue_dma source(%dma_start3A_246 : memref<256xi32, #tpu.memory_space<hbm>>) target(%arg13 : memref<256xi32, #tpu.memory_space<vmem>>) target_semaphore(%arg34 : memref<!tpu.dma_semaphore, #tpu.memory_space<semaphore_mem>>)
        %dma_wait3A_247 = arith.constant 0 : i32
        %dma_wait3A_248 = tpu.memref_slice %arg3[%dma_wait3A_247] : memref<327680xi32, #tpu.memory_space<hbm>> -> memref<256xi32, #tpu.memory_space<hbm>>
        %dma_wait3A_249 = arith.constant 0 : i32
        %dma_wait3A_250 = tpu.memref_slice %arg3[%dma_wait3A_249] : memref<327680xi32, #tpu.memory_space<hbm>> -> memref<256xi32, #tpu.memory_space<hbm>>
        tpu.wait_dma2 semaphore(%arg30 : memref<!tpu.dma_semaphore, #tpu.memory_space<semaphore_mem>>) src(%dma_wait3A_250 : memref<256xi32, #tpu.memory_space<hbm>>) dst(%arg9 : memref<256xi32, #tpu.memory_space<vmem>>)
        %add3A_251 = arith.constant 4 : i32
        %add3A_252 = arith.addi %add3A_229, %add3A_251 : i32
        %dma_start3A_253 = arith.constant 0 : i32
        %dma_start3A_254 = arith.constant 0 : i32
        %dma_start3A_255 = tpu.memref_slice %arg2[%arg0, %dma_start3A_253, %dma_start3A_254] : memref<2x10240x64xf32, #tpu.memory_space<hbm>> -> memref<1x10240x64xf32, #tpu.memory_space<hbm>>
        %dma_start3A_256 = tpu.memref_squeeze %dma_start3A_255 : memref<1x10240x64xf32, #tpu.memory_space<hbm>> -> memref<10240x64xf32, #tpu.memory_space<hbm>>
        %dma_start3A_257 = arith.constant 0 : i32
        %dma_start3A_258 = arith.constant 0 : i32
        %dma_start3A_259 = tpu.memref_slice %dma_start3A_256[%dma_start3A_257, %dma_start3A_258] : memref<10240x64xf32, #tpu.memory_space<hbm>> -> memref<10240x64xf32, #tpu.memory_space<hbm>>
        tpu.enqueue_indirect_dma source(%dma_start3A_259 : memref<10240x64xf32, #tpu.memory_space<hbm>>) target(%arg17 : memref<256x64xf32, #tpu.memory_space<vmem>>) offsets(%arg9 : memref<256xi32, #tpu.memory_space<vmem>>) semaphore(%arg22 : memref<!tpu.dma_semaphore, #tpu.memory_space<semaphore_mem>>)
      } else {
      }
    }
    %scan3A_65 = arith.constant 20 : i32
    %barrier3A_66 = arith.constant 0 : index
    tpu.barrier barrier_id(%barrier3A_66)
    "tpu.region"() ({
      %run_scoped3A = tpu.sem_alloc : memref<!tpu.dma_semaphore, #tpu.memory_space<semaphore_mem>>
      %dma_start3A_67 = arith.constant 0 : i32
      %dma_start3A_68 = arith.constant 0 : i32
      %dma_start3A_69 = tpu.memref_slice %arg5[%arg0, %dma_start3A_67, %dma_start3A_68] : memref<2x10240x64xf32, #tpu.memory_space<hbm>> -> memref<1x10240x64xf32, #tpu.memory_space<hbm>>
      %dma_start3A_70 = tpu.memref_squeeze %dma_start3A_69 : memref<1x10240x64xf32, #tpu.memory_space<hbm>> -> memref<10240x64xf32, #tpu.memory_space<hbm>>
      %dma_start3A_71 = arith.constant 0 : i32
      %dma_start3A_72 = tpu.memref_slice %dma_start3A_70[%mul3A_0, %dma_start3A_71] : memref<10240x64xf32, #tpu.memory_space<hbm>> -> memref<640x64xf32, #tpu.memory_space<hbm>>
      %dma_start3A_73 = arith.constant 0 : i32
      %dma_start3A_74 = tpu.memref_slice %arg18[%mul3A_0, %dma_start3A_73] : memref<10240x64xf32, #tpu.memory_space<vmem_shared>> -> memref<640x64xf32, #tpu.memory_space<vmem_shared>>
      tpu.enqueue_dma source(%dma_start3A_74 : memref<640x64xf32, #tpu.memory_space<vmem_shared>>) target(%dma_start3A_72 : memref<640x64xf32, #tpu.memory_space<hbm>>) target_semaphore(%run_scoped3A : memref<!tpu.dma_semaphore, #tpu.memory_space<semaphore_mem>>)
      %dma_wait3A_75 = arith.constant 0 : i32
      %dma_wait3A_76 = arith.constant 0 : i32
      %dma_wait3A_77 = tpu.memref_slice %arg5[%arg0, %dma_wait3A_75, %dma_wait3A_76] : memref<2x10240x64xf32, #tpu.memory_space<hbm>> -> memref<1x10240x64xf32, #tpu.memory_space<hbm>>
      %dma_wait3A_78 = tpu.memref_squeeze %dma_wait3A_77 : memref<1x10240x64xf32, #tpu.memory_space<hbm>> -> memref<10240x64xf32, #tpu.memory_space<hbm>>
      %dma_wait3A_79 = arith.constant 0 : i32
      %dma_wait3A_80 = tpu.memref_slice %dma_wait3A_78[%mul3A_0, %dma_wait3A_79] : memref<10240x64xf32, #tpu.memory_space<hbm>> -> memref<640x64xf32, #tpu.memory_space<hbm>>
      %dma_wait3A_81 = arith.constant 0 : i32
      %dma_wait3A_82 = tpu.memref_slice %arg18[%mul3A_0, %dma_wait3A_81] : memref<10240x64xf32, #tpu.memory_space<vmem_shared>> -> memref<640x64xf32, #tpu.memory_space<vmem_shared>>
      tpu.wait_dma2 semaphore(%run_scoped3A : memref<!tpu.dma_semaphore, #tpu.memory_space<semaphore_mem>>) src(%dma_wait3A_82 : memref<640x64xf32, #tpu.memory_space<vmem_shared>>) dst(%dma_wait3A_80 : memref<640x64xf32, #tpu.memory_space<hbm>>)
      tpu.yield
    }) : () -> ()
    return
  }
}

#map = affine_map<(d0, d1) -> (0, 0, 0)>
#map1 = affine_map<(d0, d1) -> (0)>
module attributes {stable_mosaic.version = 14 : i64} {
  func.func @agg_kernel(%arg0: i32, %arg1: i32, %arg2: memref<2x10240x64xf32, #tpu.memory_space<hbm>>, %arg3: memref<327680xi32, #tpu.memory_space<hbm>>, %arg4: memref<327680xi32, #tpu.memory_space<hbm>>, %arg5: memref<2x10240x64xf32, #tpu.memory_space<hbm>>, %arg6: memref<256xi32, #tpu.memory_space<vmem>>, %arg7: memref<256xi32, #tpu.memory_space<vmem>>, %arg8: memref<256xi32, #tpu.memory_space<vmem>>, %arg9: memref<256xi32, #tpu.memory_space<vmem>>, %arg10: memref<256xi32, #tpu.memory_space<vmem>>, %arg11: memref<256xi32, #tpu.memory_space<vmem>>, %arg12: memref<256xi32, #tpu.memory_space<vmem>>, %arg13: memref<256xi32, #tpu.memory_space<vmem>>, %arg14: memref<256x64xf32, #tpu.memory_space<vmem>>, %arg15: memref<256x64xf32, #tpu.memory_space<vmem>>, %arg16: memref<256x64xf32, #tpu.memory_space<vmem>>, %arg17: memref<256x64xf32, #tpu.memory_space<vmem>>, %arg18: memref<10240x64xf32, #tpu.memory_space<vmem_shared>>, %arg19: memref<!tpu.dma_semaphore, #tpu.memory_space<semaphore_mem>>, %arg20: memref<!tpu.dma_semaphore, #tpu.memory_space<semaphore_mem>>, %arg21: memref<!tpu.dma_semaphore, #tpu.memory_space<semaphore_mem>>, %arg22: memref<!tpu.dma_semaphore, #tpu.memory_space<semaphore_mem>>, %arg23: memref<!tpu.dma_semaphore, #tpu.memory_space<semaphore_mem>>, %arg24: memref<!tpu.dma_semaphore, #tpu.memory_space<semaphore_mem>>, %arg25: memref<!tpu.dma_semaphore, #tpu.memory_space<semaphore_mem>>, %arg26: memref<!tpu.dma_semaphore, #tpu.memory_space<semaphore_mem>>, %arg27: memref<!tpu.dma_semaphore, #tpu.memory_space<semaphore_mem>>, %arg28: memref<!tpu.dma_semaphore, #tpu.memory_space<semaphore_mem>>, %arg29: memref<!tpu.dma_semaphore, #tpu.memory_space<semaphore_mem>>, %arg30: memref<!tpu.dma_semaphore, #tpu.memory_space<semaphore_mem>>, %arg31: memref<!tpu.dma_semaphore, #tpu.memory_space<semaphore_mem>>, %arg32: memref<!tpu.dma_semaphore, #tpu.memory_space<semaphore_mem>>, %arg33: memref<!tpu.dma_semaphore, #tpu.memory_space<semaphore_mem>>, %arg34: memref<!tpu.dma_semaphore, #tpu.memory_space<semaphore_mem>>) attributes {dimension_semantics = [#tpu.dimension_semantics<core_parallel>, #tpu.dimension_semantics<subcore_parallel>], iteration_bounds = array<i64: 2, 16>, scalar_prefetch = 0 : i64, scratch_operands = 29 : i64, tpu.core_type = #tpu.core_type<sc_vector_subcore>, window_params = [{transform_indices = #map}, {transform_indices = #map1}, {transform_indices = #map1}, {transform_indices = #map}]} {
    %mul3A = arith.constant 640 : i32
    %mul3A_0 = arith.muli %arg1, %mul3A : i32
    %mul3A_1 = arith.constant 160 : i32
    %mul3A_2 = arith.muli %arg1, %mul3A_1 : i32
    %mul3A_3 = arith.constant 128 : i32
    %mul3A_4 = arith.muli %mul3A_2, %mul3A_3 : i32
    %dma_start3A = arith.constant 0 : i32
    %dma_start3A_5 = tpu.memref_slice %arg18[%mul3A_0, %dma_start3A] : memref<10240x64xf32, #tpu.memory_space<vmem_shared>> -> memref<640x64xf32, #tpu.memory_space<vmem_shared>>
    %dma_start3A_6 = arith.constant 0 : i32
    %dma_start3A_7 = arith.constant 0 : i32
    %dma_start3A_8 = tpu.memref_slice %arg2[%arg0, %dma_start3A_6, %dma_start3A_7] : memref<2x10240x64xf32, #tpu.memory_space<hbm>> -> memref<1x10240x64xf32, #tpu.memory_space<hbm>>
    %dma_start3A_9 = tpu.memref_squeeze %dma_start3A_8 : memref<1x10240x64xf32, #tpu.memory_space<hbm>> -> memref<10240x64xf32, #tpu.memory_space<hbm>>
    %dma_start3A_10 = arith.constant 0 : i32
    %dma_start3A_11 = tpu.memref_slice %dma_start3A_9[%mul3A_0, %dma_start3A_10] : memref<10240x64xf32, #tpu.memory_space<hbm>> -> memref<640x64xf32, #tpu.memory_space<hbm>>
    tpu.enqueue_dma source(%dma_start3A_11 : memref<640x64xf32, #tpu.memory_space<hbm>>) target(%dma_start3A_5 : memref<640x64xf32, #tpu.memory_space<vmem_shared>>) target_semaphore(%arg31 : memref<!tpu.dma_semaphore, #tpu.memory_space<semaphore_mem>>)
    %add3A = arith.constant 0 : i32
    %add3A_12 = arith.addi %mul3A_4, %add3A : i32
    "tpu.region"() ({
      %run_scoped3A = tpu.sem_alloc : memref<!tpu.dma_semaphore, #tpu.memory_space<semaphore_mem>>
      %dma_start3A_67 = tpu.memref_slice %arg3[%add3A_12] : memref<327680xi32, #tpu.memory_space<hbm>> -> memref<256xi32, #tpu.memory_space<hbm>>
      %dma_start3A_68 = tpu.memref_slice %arg3[%add3A_12] : memref<327680xi32, #tpu.memory_space<hbm>> -> memref<256xi32, #tpu.memory_space<hbm>>
      tpu.enqueue_dma source(%dma_start3A_68 : memref<256xi32, #tpu.memory_space<hbm>>) target(%arg6 : memref<256xi32, #tpu.memory_space<vmem>>) target_semaphore(%run_scoped3A : memref<!tpu.dma_semaphore, #tpu.memory_space<semaphore_mem>>)
      %dma_wait3A_69 = tpu.memref_slice %arg3[%add3A_12] : memref<327680xi32, #tpu.memory_space<hbm>> -> memref<256xi32, #tpu.memory_space<hbm>>
      %dma_wait3A_70 = tpu.memref_slice %arg3[%add3A_12] : memref<327680xi32, #tpu.memory_space<hbm>> -> memref<256xi32, #tpu.memory_space<hbm>>
      tpu.wait_dma2 semaphore(%run_scoped3A : memref<!tpu.dma_semaphore, #tpu.memory_space<semaphore_mem>>) src(%dma_wait3A_70 : memref<256xi32, #tpu.memory_space<hbm>>) dst(%arg6 : memref<256xi32, #tpu.memory_space<vmem>>)
      tpu.yield
    }) : () -> ()
    %add3A_13 = arith.constant 0 : i32
    %add3A_14 = arith.addi %mul3A_4, %add3A_13 : i32
    "tpu.region"() ({
      %run_scoped3A = tpu.sem_alloc : memref<!tpu.dma_semaphore, #tpu.memory_space<semaphore_mem>>
      %dma_start3A_67 = tpu.memref_slice %arg4[%add3A_14] : memref<327680xi32, #tpu.memory_space<hbm>> -> memref<256xi32, #tpu.memory_space<hbm>>
      %dma_start3A_68 = tpu.memref_slice %arg4[%add3A_14] : memref<327680xi32, #tpu.memory_space<hbm>> -> memref<256xi32, #tpu.memory_space<hbm>>
      tpu.enqueue_dma source(%dma_start3A_68 : memref<256xi32, #tpu.memory_space<hbm>>) target(%arg10 : memref<256xi32, #tpu.memory_space<vmem>>) target_semaphore(%run_scoped3A : memref<!tpu.dma_semaphore, #tpu.memory_space<semaphore_mem>>)
      %dma_wait3A_69 = tpu.memref_slice %arg4[%add3A_14] : memref<327680xi32, #tpu.memory_space<hbm>> -> memref<256xi32, #tpu.memory_space<hbm>>
      %dma_wait3A_70 = tpu.memref_slice %arg4[%add3A_14] : memref<327680xi32, #tpu.memory_space<hbm>> -> memref<256xi32, #tpu.memory_space<hbm>>
      tpu.wait_dma2 semaphore(%run_scoped3A : memref<!tpu.dma_semaphore, #tpu.memory_space<semaphore_mem>>) src(%dma_wait3A_70 : memref<256xi32, #tpu.memory_space<hbm>>) dst(%arg10 : memref<256xi32, #tpu.memory_space<vmem>>)
      tpu.yield
    }) : () -> ()
    %add3A_15 = arith.constant 256 : i32
    %add3A_16 = arith.addi %mul3A_4, %add3A_15 : i32
    "tpu.region"() ({
      %run_scoped3A = tpu.sem_alloc : memref<!tpu.dma_semaphore, #tpu.memory_space<semaphore_mem>>
      %dma_start3A_67 = tpu.memref_slice %arg3[%add3A_16] : memref<327680xi32, #tpu.memory_space<hbm>> -> memref<256xi32, #tpu.memory_space<hbm>>
      %dma_start3A_68 = tpu.memref_slice %arg3[%add3A_16] : memref<327680xi32, #tpu.memory_space<hbm>> -> memref<256xi32, #tpu.memory_space<hbm>>
      tpu.enqueue_dma source(%dma_start3A_68 : memref<256xi32, #tpu.memory_space<hbm>>) target(%arg7 : memref<256xi32, #tpu.memory_space<vmem>>) target_semaphore(%run_scoped3A : memref<!tpu.dma_semaphore, #tpu.memory_space<semaphore_mem>>)
      %dma_wait3A_69 = tpu.memref_slice %arg3[%add3A_16] : memref<327680xi32, #tpu.memory_space<hbm>> -> memref<256xi32, #tpu.memory_space<hbm>>
      %dma_wait3A_70 = tpu.memref_slice %arg3[%add3A_16] : memref<327680xi32, #tpu.memory_space<hbm>> -> memref<256xi32, #tpu.memory_space<hbm>>
      tpu.wait_dma2 semaphore(%run_scoped3A : memref<!tpu.dma_semaphore, #tpu.memory_space<semaphore_mem>>) src(%dma_wait3A_70 : memref<256xi32, #tpu.memory_space<hbm>>) dst(%arg7 : memref<256xi32, #tpu.memory_space<vmem>>)
      tpu.yield
    }) : () -> ()
    %add3A_17 = arith.constant 256 : i32
    %add3A_18 = arith.addi %mul3A_4, %add3A_17 : i32
    "tpu.region"() ({
      %run_scoped3A = tpu.sem_alloc : memref<!tpu.dma_semaphore, #tpu.memory_space<semaphore_mem>>
      %dma_start3A_67 = tpu.memref_slice %arg4[%add3A_18] : memref<327680xi32, #tpu.memory_space<hbm>> -> memref<256xi32, #tpu.memory_space<hbm>>
      %dma_start3A_68 = tpu.memref_slice %arg4[%add3A_18] : memref<327680xi32, #tpu.memory_space<hbm>> -> memref<256xi32, #tpu.memory_space<hbm>>
      tpu.enqueue_dma source(%dma_start3A_68 : memref<256xi32, #tpu.memory_space<hbm>>) target(%arg11 : memref<256xi32, #tpu.memory_space<vmem>>) target_semaphore(%run_scoped3A : memref<!tpu.dma_semaphore, #tpu.memory_space<semaphore_mem>>)
      %dma_wait3A_69 = tpu.memref_slice %arg4[%add3A_18] : memref<327680xi32, #tpu.memory_space<hbm>> -> memref<256xi32, #tpu.memory_space<hbm>>
      %dma_wait3A_70 = tpu.memref_slice %arg4[%add3A_18] : memref<327680xi32, #tpu.memory_space<hbm>> -> memref<256xi32, #tpu.memory_space<hbm>>
      tpu.wait_dma2 semaphore(%run_scoped3A : memref<!tpu.dma_semaphore, #tpu.memory_space<semaphore_mem>>) src(%dma_wait3A_70 : memref<256xi32, #tpu.memory_space<hbm>>) dst(%arg11 : memref<256xi32, #tpu.memory_space<vmem>>)
      tpu.yield
    }) : () -> ()
    %add3A_19 = arith.constant 512 : i32
    %add3A_20 = arith.addi %mul3A_4, %add3A_19 : i32
    "tpu.region"() ({
      %run_scoped3A = tpu.sem_alloc : memref<!tpu.dma_semaphore, #tpu.memory_space<semaphore_mem>>
      %dma_start3A_67 = tpu.memref_slice %arg3[%add3A_20] : memref<327680xi32, #tpu.memory_space<hbm>> -> memref<256xi32, #tpu.memory_space<hbm>>
      %dma_start3A_68 = tpu.memref_slice %arg3[%add3A_20] : memref<327680xi32, #tpu.memory_space<hbm>> -> memref<256xi32, #tpu.memory_space<hbm>>
      tpu.enqueue_dma source(%dma_start3A_68 : memref<256xi32, #tpu.memory_space<hbm>>) target(%arg8 : memref<256xi32, #tpu.memory_space<vmem>>) target_semaphore(%run_scoped3A : memref<!tpu.dma_semaphore, #tpu.memory_space<semaphore_mem>>)
      %dma_wait3A_69 = tpu.memref_slice %arg3[%add3A_20] : memref<327680xi32, #tpu.memory_space<hbm>> -> memref<256xi32, #tpu.memory_space<hbm>>
      %dma_wait3A_70 = tpu.memref_slice %arg3[%add3A_20] : memref<327680xi32, #tpu.memory_space<hbm>> -> memref<256xi32, #tpu.memory_space<hbm>>
      tpu.wait_dma2 semaphore(%run_scoped3A : memref<!tpu.dma_semaphore, #tpu.memory_space<semaphore_mem>>) src(%dma_wait3A_70 : memref<256xi32, #tpu.memory_space<hbm>>) dst(%arg8 : memref<256xi32, #tpu.memory_space<vmem>>)
      tpu.yield
    }) : () -> ()
    %add3A_21 = arith.constant 512 : i32
    %add3A_22 = arith.addi %mul3A_4, %add3A_21 : i32
    "tpu.region"() ({
      %run_scoped3A = tpu.sem_alloc : memref<!tpu.dma_semaphore, #tpu.memory_space<semaphore_mem>>
      %dma_start3A_67 = tpu.memref_slice %arg4[%add3A_22] : memref<327680xi32, #tpu.memory_space<hbm>> -> memref<256xi32, #tpu.memory_space<hbm>>
      %dma_start3A_68 = tpu.memref_slice %arg4[%add3A_22] : memref<327680xi32, #tpu.memory_space<hbm>> -> memref<256xi32, #tpu.memory_space<hbm>>
      tpu.enqueue_dma source(%dma_start3A_68 : memref<256xi32, #tpu.memory_space<hbm>>) target(%arg12 : memref<256xi32, #tpu.memory_space<vmem>>) target_semaphore(%run_scoped3A : memref<!tpu.dma_semaphore, #tpu.memory_space<semaphore_mem>>)
      %dma_wait3A_69 = tpu.memref_slice %arg4[%add3A_22] : memref<327680xi32, #tpu.memory_space<hbm>> -> memref<256xi32, #tpu.memory_space<hbm>>
      %dma_wait3A_70 = tpu.memref_slice %arg4[%add3A_22] : memref<327680xi32, #tpu.memory_space<hbm>> -> memref<256xi32, #tpu.memory_space<hbm>>
      tpu.wait_dma2 semaphore(%run_scoped3A : memref<!tpu.dma_semaphore, #tpu.memory_space<semaphore_mem>>) src(%dma_wait3A_70 : memref<256xi32, #tpu.memory_space<hbm>>) dst(%arg12 : memref<256xi32, #tpu.memory_space<vmem>>)
      tpu.yield
    }) : () -> ()
    %add3A_23 = arith.constant 768 : i32
    %add3A_24 = arith.addi %mul3A_4, %add3A_23 : i32
    "tpu.region"() ({
      %run_scoped3A = tpu.sem_alloc : memref<!tpu.dma_semaphore, #tpu.memory_space<semaphore_mem>>
      %dma_start3A_67 = tpu.memref_slice %arg3[%add3A_24] : memref<327680xi32, #tpu.memory_space<hbm>> -> memref<256xi32, #tpu.memory_space<hbm>>
      %dma_start3A_68 = tpu.memref_slice %arg3[%add3A_24] : memref<327680xi32, #tpu.memory_space<hbm>> -> memref<256xi32, #tpu.memory_space<hbm>>
      tpu.enqueue_dma source(%dma_start3A_68 : memref<256xi32, #tpu.memory_space<hbm>>) target(%arg9 : memref<256xi32, #tpu.memory_space<vmem>>) target_semaphore(%run_scoped3A : memref<!tpu.dma_semaphore, #tpu.memory_space<semaphore_mem>>)
      %dma_wait3A_69 = tpu.memref_slice %arg3[%add3A_24] : memref<327680xi32, #tpu.memory_space<hbm>> -> memref<256xi32, #tpu.memory_space<hbm>>
      %dma_wait3A_70 = tpu.memref_slice %arg3[%add3A_24] : memref<327680xi32, #tpu.memory_space<hbm>> -> memref<256xi32, #tpu.memory_space<hbm>>
      tpu.wait_dma2 semaphore(%run_scoped3A : memref<!tpu.dma_semaphore, #tpu.memory_space<semaphore_mem>>) src(%dma_wait3A_70 : memref<256xi32, #tpu.memory_space<hbm>>) dst(%arg9 : memref<256xi32, #tpu.memory_space<vmem>>)
      tpu.yield
    }) : () -> ()
    %add3A_25 = arith.constant 768 : i32
    %add3A_26 = arith.addi %mul3A_4, %add3A_25 : i32
    "tpu.region"() ({
      %run_scoped3A = tpu.sem_alloc : memref<!tpu.dma_semaphore, #tpu.memory_space<semaphore_mem>>
      %dma_start3A_67 = tpu.memref_slice %arg4[%add3A_26] : memref<327680xi32, #tpu.memory_space<hbm>> -> memref<256xi32, #tpu.memory_space<hbm>>
      %dma_start3A_68 = tpu.memref_slice %arg4[%add3A_26] : memref<327680xi32, #tpu.memory_space<hbm>> -> memref<256xi32, #tpu.memory_space<hbm>>
      tpu.enqueue_dma source(%dma_start3A_68 : memref<256xi32, #tpu.memory_space<hbm>>) target(%arg13 : memref<256xi32, #tpu.memory_space<vmem>>) target_semaphore(%run_scoped3A : memref<!tpu.dma_semaphore, #tpu.memory_space<semaphore_mem>>)
      %dma_wait3A_69 = tpu.memref_slice %arg4[%add3A_26] : memref<327680xi32, #tpu.memory_space<hbm>> -> memref<256xi32, #tpu.memory_space<hbm>>
      %dma_wait3A_70 = tpu.memref_slice %arg4[%add3A_26] : memref<327680xi32, #tpu.memory_space<hbm>> -> memref<256xi32, #tpu.memory_space<hbm>>
      tpu.wait_dma2 semaphore(%run_scoped3A : memref<!tpu.dma_semaphore, #tpu.memory_space<semaphore_mem>>) src(%dma_wait3A_70 : memref<256xi32, #tpu.memory_space<hbm>>) dst(%arg13 : memref<256xi32, #tpu.memory_space<vmem>>)
      tpu.yield
    }) : () -> ()
    %dma_start3A_27 = arith.constant 0 : i32
    %dma_start3A_28 = arith.constant 0 : i32
    %dma_start3A_29 = tpu.memref_slice %arg2[%arg0, %dma_start3A_27, %dma_start3A_28] : memref<2x10240x64xf32, #tpu.memory_space<hbm>> -> memref<1x10240x64xf32, #tpu.memory_space<hbm>>
    %dma_start3A_30 = tpu.memref_squeeze %dma_start3A_29 : memref<1x10240x64xf32, #tpu.memory_space<hbm>> -> memref<10240x64xf32, #tpu.memory_space<hbm>>
    %dma_start3A_31 = arith.constant 0 : i32
    %dma_start3A_32 = arith.constant 0 : i32
    %dma_start3A_33 = tpu.memref_slice %dma_start3A_30[%dma_start3A_31, %dma_start3A_32] : memref<10240x64xf32, #tpu.memory_space<hbm>> -> memref<10240x64xf32, #tpu.memory_space<hbm>>
    tpu.enqueue_indirect_dma source(%dma_start3A_33 : memref<10240x64xf32, #tpu.memory_space<hbm>>) target(%arg14 : memref<256x64xf32, #tpu.memory_space<vmem>>) offsets(%arg6 : memref<256xi32, #tpu.memory_space<vmem>>) semaphore(%arg19 : memref<!tpu.dma_semaphore, #tpu.memory_space<semaphore_mem>>)
    %dma_start3A_34 = arith.constant 0 : i32
    %dma_start3A_35 = arith.constant 0 : i32
    %dma_start3A_36 = tpu.memref_slice %arg2[%arg0, %dma_start3A_34, %dma_start3A_35] : memref<2x10240x64xf32, #tpu.memory_space<hbm>> -> memref<1x10240x64xf32, #tpu.memory_space<hbm>>
    %dma_start3A_37 = tpu.memref_squeeze %dma_start3A_36 : memref<1x10240x64xf32, #tpu.memory_space<hbm>> -> memref<10240x64xf32, #tpu.memory_space<hbm>>
    %dma_start3A_38 = arith.constant 0 : i32
    %dma_start3A_39 = arith.constant 0 : i32
    %dma_start3A_40 = tpu.memref_slice %dma_start3A_37[%dma_start3A_38, %dma_start3A_39] : memref<10240x64xf32, #tpu.memory_space<hbm>> -> memref<10240x64xf32, #tpu.memory_space<hbm>>
    tpu.enqueue_indirect_dma source(%dma_start3A_40 : memref<10240x64xf32, #tpu.memory_space<hbm>>) target(%arg15 : memref<256x64xf32, #tpu.memory_space<vmem>>) offsets(%arg7 : memref<256xi32, #tpu.memory_space<vmem>>) semaphore(%arg20 : memref<!tpu.dma_semaphore, #tpu.memory_space<semaphore_mem>>)
    %dma_start3A_41 = arith.constant 0 : i32
    %dma_start3A_42 = arith.constant 0 : i32
    %dma_start3A_43 = tpu.memref_slice %arg2[%arg0, %dma_start3A_41, %dma_start3A_42] : memref<2x10240x64xf32, #tpu.memory_space<hbm>> -> memref<1x10240x64xf32, #tpu.memory_space<hbm>>
    %dma_start3A_44 = tpu.memref_squeeze %dma_start3A_43 : memref<1x10240x64xf32, #tpu.memory_space<hbm>> -> memref<10240x64xf32, #tpu.memory_space<hbm>>
    %dma_start3A_45 = arith.constant 0 : i32
    %dma_start3A_46 = arith.constant 0 : i32
    %dma_start3A_47 = tpu.memref_slice %dma_start3A_44[%dma_start3A_45, %dma_start3A_46] : memref<10240x64xf32, #tpu.memory_space<hbm>> -> memref<10240x64xf32, #tpu.memory_space<hbm>>
    tpu.enqueue_indirect_dma source(%dma_start3A_47 : memref<10240x64xf32, #tpu.memory_space<hbm>>) target(%arg16 : memref<256x64xf32, #tpu.memory_space<vmem>>) offsets(%arg8 : memref<256xi32, #tpu.memory_space<vmem>>) semaphore(%arg21 : memref<!tpu.dma_semaphore, #tpu.memory_space<semaphore_mem>>)
    %dma_start3A_48 = arith.constant 0 : i32
    %dma_start3A_49 = arith.constant 0 : i32
    %dma_start3A_50 = tpu.memref_slice %arg2[%arg0, %dma_start3A_48, %dma_start3A_49] : memref<2x10240x64xf32, #tpu.memory_space<hbm>> -> memref<1x10240x64xf32, #tpu.memory_space<hbm>>
    %dma_start3A_51 = tpu.memref_squeeze %dma_start3A_50 : memref<1x10240x64xf32, #tpu.memory_space<hbm>> -> memref<10240x64xf32, #tpu.memory_space<hbm>>
    %dma_start3A_52 = arith.constant 0 : i32
    %dma_start3A_53 = arith.constant 0 : i32
    %dma_start3A_54 = tpu.memref_slice %dma_start3A_51[%dma_start3A_52, %dma_start3A_53] : memref<10240x64xf32, #tpu.memory_space<hbm>> -> memref<10240x64xf32, #tpu.memory_space<hbm>>
    tpu.enqueue_indirect_dma source(%dma_start3A_54 : memref<10240x64xf32, #tpu.memory_space<hbm>>) target(%arg17 : memref<256x64xf32, #tpu.memory_space<vmem>>) offsets(%arg9 : memref<256xi32, #tpu.memory_space<vmem>>) semaphore(%arg22 : memref<!tpu.dma_semaphore, #tpu.memory_space<semaphore_mem>>)
    %dma_wait3A = arith.constant 0 : i32
    %dma_wait3A_55 = tpu.memref_slice %arg18[%mul3A_0, %dma_wait3A] : memref<10240x64xf32, #tpu.memory_space<vmem_shared>> -> memref<640x64xf32, #tpu.memory_space<vmem_shared>>
    %dma_wait3A_56 = arith.constant 0 : i32
    %dma_wait3A_57 = arith.constant 0 : i32
    %dma_wait3A_58 = tpu.memref_slice %arg2[%arg0, %dma_wait3A_56, %dma_wait3A_57] : memref<2x10240x64xf32, #tpu.memory_space<hbm>> -> memref<1x10240x64xf32, #tpu.memory_space<hbm>>
    %dma_wait3A_59 = tpu.memref_squeeze %dma_wait3A_58 : memref<1x10240x64xf32, #tpu.memory_space<hbm>> -> memref<10240x64xf32, #tpu.memory_space<hbm>>
    %dma_wait3A_60 = arith.constant 0 : i32
    %dma_wait3A_61 = tpu.memref_slice %dma_wait3A_59[%mul3A_0, %dma_wait3A_60] : memref<10240x64xf32, #tpu.memory_space<hbm>> -> memref<640x64xf32, #tpu.memory_space<hbm>>
    tpu.wait_dma2 semaphore(%arg31 : memref<!tpu.dma_semaphore, #tpu.memory_space<semaphore_mem>>) src(%dma_wait3A_61 : memref<640x64xf32, #tpu.memory_space<hbm>>) dst(%dma_wait3A_55 : memref<640x64xf32, #tpu.memory_space<vmem_shared>>)
    %barrier3A = arith.constant 0 : index
    tpu.barrier barrier_id(%barrier3A)
    %scan3A = arith.constant 0 : i32
    %scan3A_62 = arith.constant 20 : i32
    %scan3A_63 = arith.addi %scan3A, %scan3A_62 : i32
    %scan3A_64 = arith.constant 1 : i32
    scf.for %scan3A_67 = %scan3A to %scan3A_63 step %scan3A_64  : i32 {
      %mul3A_68 = arith.constant 4 : i32
      %mul3A_69 = arith.muli %scan3A_67, %mul3A_68 : i32
      %add3A_70 = arith.constant 0 : i32
      %add3A_71 = arith.addi %add3A_70, %mul3A_69 : i32
      %add3A_72 = arith.constant 0 : i32
      %add3A_73 = arith.addi %add3A_71, %add3A_72 : i32
      %dma_wait3A_74 = arith.constant 0 : i32
      %dma_wait3A_75 = arith.constant 0 : i32
      %dma_wait3A_76 = tpu.memref_slice %arg2[%arg0, %dma_wait3A_74, %dma_wait3A_75] : memref<2x10240x64xf32, #tpu.memory_space<hbm>> -> memref<1x10240x64xf32, #tpu.memory_space<hbm>>
      %dma_wait3A_77 = tpu.memref_squeeze %dma_wait3A_76 : memref<1x10240x64xf32, #tpu.memory_space<hbm>> -> memref<10240x64xf32, #tpu.memory_space<hbm>>
      %dma_wait3A_78 = arith.constant 0 : i32
      %dma_wait3A_79 = arith.constant 0 : i32
      %dma_wait3A_80 = tpu.memref_slice %dma_wait3A_77[%dma_wait3A_78, %dma_wait3A_79] : memref<10240x64xf32, #tpu.memory_space<hbm>> -> memref<128x64xf32, #tpu.memory_space<hbm>>
      %dma_wait3A_81 = arith.constant 0 : i32
      %dma_wait3A_82 = arith.constant 0 : i32
      %dma_wait3A_83 = tpu.memref_slice %arg2[%arg0, %dma_wait3A_81, %dma_wait3A_82] : memref<2x10240x64xf32, #tpu.memory_space<hbm>> -> memref<1x10240x64xf32, #tpu.memory_space<hbm>>
      %dma_wait3A_84 = tpu.memref_squeeze %dma_wait3A_83 : memref<1x10240x64xf32, #tpu.memory_space<hbm>> -> memref<10240x64xf32, #tpu.memory_space<hbm>>
      %dma_wait3A_85 = arith.constant 0 : i32
      %dma_wait3A_86 = arith.constant 0 : i32
      %dma_wait3A_87 = tpu.memref_slice %dma_wait3A_84[%dma_wait3A_85, %dma_wait3A_86] : memref<10240x64xf32, #tpu.memory_space<hbm>> -> memref<128x64xf32, #tpu.memory_space<hbm>>
      tpu.wait_dma2 semaphore(%arg19 : memref<!tpu.dma_semaphore, #tpu.memory_space<semaphore_mem>>) src(%dma_wait3A_87 : memref<128x64xf32, #tpu.memory_space<hbm>>) dst(%arg14 : memref<256x64xf32, #tpu.memory_space<vmem>>)
      %ge3A = arith.constant 4 : i32
      %ge3A_88 = arith.cmpi sge, %add3A_73, %ge3A : i32
      %convert_element_type3A = arith.extui %ge3A_88 : i1 to i32
      %cond3A = arith.constant 0 : i32
      %cond3A_89 = arith.cmpi ne, %convert_element_type3A, %cond3A : i32
      scf.if %cond3A_89 {
        %dma_wait3A_240 = arith.constant 0 : i32
        %dma_wait3A_241 = tpu.memref_slice %arg3[%dma_wait3A_240] : memref<327680xi32, #tpu.memory_space<hbm>> -> memref<256xi32, #tpu.memory_space<hbm>>
        %dma_wait3A_242 = arith.constant 0 : i32
        %dma_wait3A_243 = tpu.memref_slice %arg3[%dma_wait3A_242] : memref<327680xi32, #tpu.memory_space<hbm>> -> memref<256xi32, #tpu.memory_space<hbm>>
        tpu.wait_dma2 semaphore(%arg31 : memref<!tpu.dma_semaphore, #tpu.memory_space<semaphore_mem>>) src(%dma_wait3A_243 : memref<256xi32, #tpu.memory_space<hbm>>) dst(%arg10 : memref<256xi32, #tpu.memory_space<vmem>>)
      } else {
      }
      %dma_start3A_90 = arith.constant 0 : i32
      %dma_start3A_91 = arith.constant 0 : i32
      %dma_start3A_92 = tpu.memref_slice %arg18[%dma_start3A_90, %dma_start3A_91] : memref<10240x64xf32, #tpu.memory_space<vmem_shared>> -> memref<10240x64xf32, #tpu.memory_space<vmem_shared>>
      tpu.enqueue_indirect_dma source(%arg14 : memref<256x64xf32, #tpu.memory_space<vmem>>) target(%dma_start3A_92 : memref<10240x64xf32, #tpu.memory_space<vmem_shared>>) offsets(%arg10 : memref<256xi32, #tpu.memory_space<vmem>>) semaphore(%arg23 : memref<!tpu.dma_semaphore, #tpu.memory_space<semaphore_mem>>) {add = true}
      %add3A_93 = arith.constant 4 : i32
      %add3A_94 = arith.addi %add3A_73, %add3A_93 : i32
      %lt3A = arith.constant 80 : i32
      %lt3A_95 = arith.cmpi slt, %add3A_94, %lt3A : i32
      %convert_element_type3A_96 = arith.extui %lt3A_95 : i1 to i32
      %cond3A_97 = arith.constant 0 : i32
      %cond3A_98 = arith.cmpi ne, %convert_element_type3A_96, %cond3A_97 : i32
      scf.if %cond3A_98 {
        %add3A_240 = arith.constant 4 : i32
        %add3A_241 = arith.addi %add3A_73, %add3A_240 : i32
        %mul3A_242 = arith.constant 256 : i32
        %mul3A_243 = arith.muli %add3A_241, %mul3A_242 : i32
        %add3A_244 = arith.addi %mul3A_4, %mul3A_243 : i32
        %dma_start3A_245 = tpu.memref_slice %arg3[%add3A_244] : memref<327680xi32, #tpu.memory_space<hbm>> -> memref<256xi32, #tpu.memory_space<hbm>>
        %dma_start3A_246 = tpu.memref_slice %arg3[%add3A_244] : memref<327680xi32, #tpu.memory_space<hbm>> -> memref<256xi32, #tpu.memory_space<hbm>>
        tpu.enqueue_dma source(%dma_start3A_246 : memref<256xi32, #tpu.memory_space<hbm>>) target(%arg6 : memref<256xi32, #tpu.memory_space<vmem>>) target_semaphore(%arg27 : memref<!tpu.dma_semaphore, #tpu.memory_space<semaphore_mem>>)
      } else {
      }
      %add3A_99 = arith.constant 1 : i32
      %add3A_100 = arith.addi %add3A_71, %add3A_99 : i32
      %dma_wait3A_101 = arith.constant 0 : i32
      %dma_wait3A_102 = arith.constant 0 : i32
      %dma_wait3A_103 = tpu.memref_slice %arg2[%arg0, %dma_wait3A_101, %dma_wait3A_102] : memref<2x10240x64xf32, #tpu.memory_space<hbm>> -> memref<1x10240x64xf32, #tpu.memory_space<hbm>>
      %dma_wait3A_104 = tpu.memref_squeeze %dma_wait3A_103 : memref<1x10240x64xf32, #tpu.memory_space<hbm>> -> memref<10240x64xf32, #tpu.memory_space<hbm>>
      %dma_wait3A_105 = arith.constant 0 : i32
      %dma_wait3A_106 = arith.constant 0 : i32
      %dma_wait3A_107 = tpu.memref_slice %dma_wait3A_104[%dma_wait3A_105, %dma_wait3A_106] : memref<10240x64xf32, #tpu.memory_space<hbm>> -> memref<128x64xf32, #tpu.memory_space<hbm>>
      %dma_wait3A_108 = arith.constant 0 : i32
      %dma_wait3A_109 = arith.constant 0 : i32
      %dma_wait3A_110 = tpu.memref_slice %arg2[%arg0, %dma_wait3A_108, %dma_wait3A_109] : memref<2x10240x64xf32, #tpu.memory_space<hbm>> -> memref<1x10240x64xf32, #tpu.memory_space<hbm>>
      %dma_wait3A_111 = tpu.memref_squeeze %dma_wait3A_110 : memref<1x10240x64xf32, #tpu.memory_space<hbm>> -> memref<10240x64xf32, #tpu.memory_space<hbm>>
      %dma_wait3A_112 = arith.constant 0 : i32
      %dma_wait3A_113 = arith.constant 0 : i32
      %dma_wait3A_114 = tpu.memref_slice %dma_wait3A_111[%dma_wait3A_112, %dma_wait3A_113] : memref<10240x64xf32, #tpu.memory_space<hbm>> -> memref<128x64xf32, #tpu.memory_space<hbm>>
      tpu.wait_dma2 semaphore(%arg20 : memref<!tpu.dma_semaphore, #tpu.memory_space<semaphore_mem>>) src(%dma_wait3A_114 : memref<128x64xf32, #tpu.memory_space<hbm>>) dst(%arg15 : memref<256x64xf32, #tpu.memory_space<vmem>>)
      %ge3A_115 = arith.constant 4 : i32
      %ge3A_116 = arith.cmpi sge, %add3A_100, %ge3A_115 : i32
      %convert_element_type3A_117 = arith.extui %ge3A_116 : i1 to i32
      %cond3A_118 = arith.constant 0 : i32
      %cond3A_119 = arith.cmpi ne, %convert_element_type3A_117, %cond3A_118 : i32
      scf.if %cond3A_119 {
        %dma_wait3A_240 = arith.constant 0 : i32
        %dma_wait3A_241 = tpu.memref_slice %arg3[%dma_wait3A_240] : memref<327680xi32, #tpu.memory_space<hbm>> -> memref<256xi32, #tpu.memory_space<hbm>>
        %dma_wait3A_242 = arith.constant 0 : i32
        %dma_wait3A_243 = tpu.memref_slice %arg3[%dma_wait3A_242] : memref<327680xi32, #tpu.memory_space<hbm>> -> memref<256xi32, #tpu.memory_space<hbm>>
        tpu.wait_dma2 semaphore(%arg32 : memref<!tpu.dma_semaphore, #tpu.memory_space<semaphore_mem>>) src(%dma_wait3A_243 : memref<256xi32, #tpu.memory_space<hbm>>) dst(%arg11 : memref<256xi32, #tpu.memory_space<vmem>>)
      } else {
      }
      %dma_start3A_120 = arith.constant 0 : i32
      %dma_start3A_121 = arith.constant 0 : i32
      %dma_start3A_122 = tpu.memref_slice %arg18[%dma_start3A_120, %dma_start3A_121] : memref<10240x64xf32, #tpu.memory_space<vmem_shared>> -> memref<10240x64xf32, #tpu.memory_space<vmem_shared>>
      tpu.enqueue_indirect_dma source(%arg15 : memref<256x64xf32, #tpu.memory_space<vmem>>) target(%dma_start3A_122 : memref<10240x64xf32, #tpu.memory_space<vmem_shared>>) offsets(%arg11 : memref<256xi32, #tpu.memory_space<vmem>>) semaphore(%arg24 : memref<!tpu.dma_semaphore, #tpu.memory_space<semaphore_mem>>) {add = true}
      %add3A_123 = arith.constant 4 : i32
      %add3A_124 = arith.addi %add3A_100, %add3A_123 : i32
      %lt3A_125 = arith.constant 80 : i32
      %lt3A_126 = arith.cmpi slt, %add3A_124, %lt3A_125 : i32
      %convert_element_type3A_127 = arith.extui %lt3A_126 : i1 to i32
      %cond3A_128 = arith.constant 0 : i32
      %cond3A_129 = arith.cmpi ne, %convert_element_type3A_127, %cond3A_128 : i32
      scf.if %cond3A_129 {
        %add3A_240 = arith.constant 4 : i32
        %add3A_241 = arith.addi %add3A_100, %add3A_240 : i32
        %mul3A_242 = arith.constant 256 : i32
        %mul3A_243 = arith.muli %add3A_241, %mul3A_242 : i32
        %add3A_244 = arith.addi %mul3A_4, %mul3A_243 : i32
        %dma_start3A_245 = tpu.memref_slice %arg3[%add3A_244] : memref<327680xi32, #tpu.memory_space<hbm>> -> memref<256xi32, #tpu.memory_space<hbm>>
        %dma_start3A_246 = tpu.memref_slice %arg3[%add3A_244] : memref<327680xi32, #tpu.memory_space<hbm>> -> memref<256xi32, #tpu.memory_space<hbm>>
        tpu.enqueue_dma source(%dma_start3A_246 : memref<256xi32, #tpu.memory_space<hbm>>) target(%arg7 : memref<256xi32, #tpu.memory_space<vmem>>) target_semaphore(%arg28 : memref<!tpu.dma_semaphore, #tpu.memory_space<semaphore_mem>>)
      } else {
      }
      %add3A_130 = arith.constant 2 : i32
      %add3A_131 = arith.addi %add3A_71, %add3A_130 : i32
      %dma_wait3A_132 = arith.constant 0 : i32
      %dma_wait3A_133 = arith.constant 0 : i32
      %dma_wait3A_134 = tpu.memref_slice %arg2[%arg0, %dma_wait3A_132, %dma_wait3A_133] : memref<2x10240x64xf32, #tpu.memory_space<hbm>> -> memref<1x10240x64xf32, #tpu.memory_space<hbm>>
      %dma_wait3A_135 = tpu.memref_squeeze %dma_wait3A_134 : memref<1x10240x64xf32, #tpu.memory_space<hbm>> -> memref<10240x64xf32, #tpu.memory_space<hbm>>
      %dma_wait3A_136 = arith.constant 0 : i32
      %dma_wait3A_137 = arith.constant 0 : i32
      %dma_wait3A_138 = tpu.memref_slice %dma_wait3A_135[%dma_wait3A_136, %dma_wait3A_137] : memref<10240x64xf32, #tpu.memory_space<hbm>> -> memref<128x64xf32, #tpu.memory_space<hbm>>
      %dma_wait3A_139 = arith.constant 0 : i32
      %dma_wait3A_140 = arith.constant 0 : i32
      %dma_wait3A_141 = tpu.memref_slice %arg2[%arg0, %dma_wait3A_139, %dma_wait3A_140] : memref<2x10240x64xf32, #tpu.memory_space<hbm>> -> memref<1x10240x64xf32, #tpu.memory_space<hbm>>
      %dma_wait3A_142 = tpu.memref_squeeze %dma_wait3A_141 : memref<1x10240x64xf32, #tpu.memory_space<hbm>> -> memref<10240x64xf32, #tpu.memory_space<hbm>>
      %dma_wait3A_143 = arith.constant 0 : i32
      %dma_wait3A_144 = arith.constant 0 : i32
      %dma_wait3A_145 = tpu.memref_slice %dma_wait3A_142[%dma_wait3A_143, %dma_wait3A_144] : memref<10240x64xf32, #tpu.memory_space<hbm>> -> memref<128x64xf32, #tpu.memory_space<hbm>>
      tpu.wait_dma2 semaphore(%arg21 : memref<!tpu.dma_semaphore, #tpu.memory_space<semaphore_mem>>) src(%dma_wait3A_145 : memref<128x64xf32, #tpu.memory_space<hbm>>) dst(%arg16 : memref<256x64xf32, #tpu.memory_space<vmem>>)
      %ge3A_146 = arith.constant 4 : i32
      %ge3A_147 = arith.cmpi sge, %add3A_131, %ge3A_146 : i32
      %convert_element_type3A_148 = arith.extui %ge3A_147 : i1 to i32
      %cond3A_149 = arith.constant 0 : i32
      %cond3A_150 = arith.cmpi ne, %convert_element_type3A_148, %cond3A_149 : i32
      scf.if %cond3A_150 {
        %dma_wait3A_240 = arith.constant 0 : i32
        %dma_wait3A_241 = tpu.memref_slice %arg3[%dma_wait3A_240] : memref<327680xi32, #tpu.memory_space<hbm>> -> memref<256xi32, #tpu.memory_space<hbm>>
        %dma_wait3A_242 = arith.constant 0 : i32
        %dma_wait3A_243 = tpu.memref_slice %arg3[%dma_wait3A_242] : memref<327680xi32, #tpu.memory_space<hbm>> -> memref<256xi32, #tpu.memory_space<hbm>>
        tpu.wait_dma2 semaphore(%arg33 : memref<!tpu.dma_semaphore, #tpu.memory_space<semaphore_mem>>) src(%dma_wait3A_243 : memref<256xi32, #tpu.memory_space<hbm>>) dst(%arg12 : memref<256xi32, #tpu.memory_space<vmem>>)
      } else {
      }
      %dma_start3A_151 = arith.constant 0 : i32
      %dma_start3A_152 = arith.constant 0 : i32
      %dma_start3A_153 = tpu.memref_slice %arg18[%dma_start3A_151, %dma_start3A_152] : memref<10240x64xf32, #tpu.memory_space<vmem_shared>> -> memref<10240x64xf32, #tpu.memory_space<vmem_shared>>
      tpu.enqueue_indirect_dma source(%arg16 : memref<256x64xf32, #tpu.memory_space<vmem>>) target(%dma_start3A_153 : memref<10240x64xf32, #tpu.memory_space<vmem_shared>>) offsets(%arg12 : memref<256xi32, #tpu.memory_space<vmem>>) semaphore(%arg25 : memref<!tpu.dma_semaphore, #tpu.memory_space<semaphore_mem>>) {add = true}
      %add3A_154 = arith.constant 4 : i32
      %add3A_155 = arith.addi %add3A_131, %add3A_154 : i32
      %lt3A_156 = arith.constant 80 : i32
      %lt3A_157 = arith.cmpi slt, %add3A_155, %lt3A_156 : i32
      %convert_element_type3A_158 = arith.extui %lt3A_157 : i1 to i32
      %cond3A_159 = arith.constant 0 : i32
      %cond3A_160 = arith.cmpi ne, %convert_element_type3A_158, %cond3A_159 : i32
      scf.if %cond3A_160 {
        %add3A_240 = arith.constant 4 : i32
        %add3A_241 = arith.addi %add3A_131, %add3A_240 : i32
        %mul3A_242 = arith.constant 256 : i32
        %mul3A_243 = arith.muli %add3A_241, %mul3A_242 : i32
        %add3A_244 = arith.addi %mul3A_4, %mul3A_243 : i32
        %dma_start3A_245 = tpu.memref_slice %arg3[%add3A_244] : memref<327680xi32, #tpu.memory_space<hbm>> -> memref<256xi32, #tpu.memory_space<hbm>>
        %dma_start3A_246 = tpu.memref_slice %arg3[%add3A_244] : memref<327680xi32, #tpu.memory_space<hbm>> -> memref<256xi32, #tpu.memory_space<hbm>>
        tpu.enqueue_dma source(%dma_start3A_246 : memref<256xi32, #tpu.memory_space<hbm>>) target(%arg8 : memref<256xi32, #tpu.memory_space<vmem>>) target_semaphore(%arg29 : memref<!tpu.dma_semaphore, #tpu.memory_space<semaphore_mem>>)
      } else {
      }
      %add3A_161 = arith.constant 3 : i32
      %add3A_162 = arith.addi %add3A_71, %add3A_161 : i32
      %dma_wait3A_163 = arith.constant 0 : i32
      %dma_wait3A_164 = arith.constant 0 : i32
      %dma_wait3A_165 = tpu.memref_slice %arg2[%arg0, %dma_wait3A_163, %dma_wait3A_164] : memref<2x10240x64xf32, #tpu.memory_space<hbm>> -> memref<1x10240x64xf32, #tpu.memory_space<hbm>>
      %dma_wait3A_166 = tpu.memref_squeeze %dma_wait3A_165 : memref<1x10240x64xf32, #tpu.memory_space<hbm>> -> memref<10240x64xf32, #tpu.memory_space<hbm>>
      %dma_wait3A_167 = arith.constant 0 : i32
      %dma_wait3A_168 = arith.constant 0 : i32
      %dma_wait3A_169 = tpu.memref_slice %dma_wait3A_166[%dma_wait3A_167, %dma_wait3A_168] : memref<10240x64xf32, #tpu.memory_space<hbm>> -> memref<128x64xf32, #tpu.memory_space<hbm>>
      %dma_wait3A_170 = arith.constant 0 : i32
      %dma_wait3A_171 = arith.constant 0 : i32
      %dma_wait3A_172 = tpu.memref_slice %arg2[%arg0, %dma_wait3A_170, %dma_wait3A_171] : memref<2x10240x64xf32, #tpu.memory_space<hbm>> -> memref<1x10240x64xf32, #tpu.memory_space<hbm>>
      %dma_wait3A_173 = tpu.memref_squeeze %dma_wait3A_172 : memref<1x10240x64xf32, #tpu.memory_space<hbm>> -> memref<10240x64xf32, #tpu.memory_space<hbm>>
      %dma_wait3A_174 = arith.constant 0 : i32
      %dma_wait3A_175 = arith.constant 0 : i32
      %dma_wait3A_176 = tpu.memref_slice %dma_wait3A_173[%dma_wait3A_174, %dma_wait3A_175] : memref<10240x64xf32, #tpu.memory_space<hbm>> -> memref<128x64xf32, #tpu.memory_space<hbm>>
      tpu.wait_dma2 semaphore(%arg22 : memref<!tpu.dma_semaphore, #tpu.memory_space<semaphore_mem>>) src(%dma_wait3A_176 : memref<128x64xf32, #tpu.memory_space<hbm>>) dst(%arg17 : memref<256x64xf32, #tpu.memory_space<vmem>>)
      %ge3A_177 = arith.constant 4 : i32
      %ge3A_178 = arith.cmpi sge, %add3A_162, %ge3A_177 : i32
      %convert_element_type3A_179 = arith.extui %ge3A_178 : i1 to i32
      %cond3A_180 = arith.constant 0 : i32
      %cond3A_181 = arith.cmpi ne, %convert_element_type3A_179, %cond3A_180 : i32
      scf.if %cond3A_181 {
        %dma_wait3A_240 = arith.constant 0 : i32
        %dma_wait3A_241 = tpu.memref_slice %arg3[%dma_wait3A_240] : memref<327680xi32, #tpu.memory_space<hbm>> -> memref<256xi32, #tpu.memory_space<hbm>>
        %dma_wait3A_242 = arith.constant 0 : i32
        %dma_wait3A_243 = tpu.memref_slice %arg3[%dma_wait3A_242] : memref<327680xi32, #tpu.memory_space<hbm>> -> memref<256xi32, #tpu.memory_space<hbm>>
        tpu.wait_dma2 semaphore(%arg34 : memref<!tpu.dma_semaphore, #tpu.memory_space<semaphore_mem>>) src(%dma_wait3A_243 : memref<256xi32, #tpu.memory_space<hbm>>) dst(%arg13 : memref<256xi32, #tpu.memory_space<vmem>>)
      } else {
      }
      %dma_start3A_182 = arith.constant 0 : i32
      %dma_start3A_183 = arith.constant 0 : i32
      %dma_start3A_184 = tpu.memref_slice %arg18[%dma_start3A_182, %dma_start3A_183] : memref<10240x64xf32, #tpu.memory_space<vmem_shared>> -> memref<10240x64xf32, #tpu.memory_space<vmem_shared>>
      tpu.enqueue_indirect_dma source(%arg17 : memref<256x64xf32, #tpu.memory_space<vmem>>) target(%dma_start3A_184 : memref<10240x64xf32, #tpu.memory_space<vmem_shared>>) offsets(%arg13 : memref<256xi32, #tpu.memory_space<vmem>>) semaphore(%arg26 : memref<!tpu.dma_semaphore, #tpu.memory_space<semaphore_mem>>) {add = true}
      %add3A_185 = arith.constant 4 : i32
      %add3A_186 = arith.addi %add3A_162, %add3A_185 : i32
      %lt3A_187 = arith.constant 80 : i32
      %lt3A_188 = arith.cmpi slt, %add3A_186, %lt3A_187 : i32
      %convert_element_type3A_189 = arith.extui %lt3A_188 : i1 to i32
      %cond3A_190 = arith.constant 0 : i32
      %cond3A_191 = arith.cmpi ne, %convert_element_type3A_189, %cond3A_190 : i32
      scf.if %cond3A_191 {
        %add3A_240 = arith.constant 4 : i32
        %add3A_241 = arith.addi %add3A_162, %add3A_240 : i32
        %mul3A_242 = arith.constant 256 : i32
        %mul3A_243 = arith.muli %add3A_241, %mul3A_242 : i32
        %add3A_244 = arith.addi %mul3A_4, %mul3A_243 : i32
        %dma_start3A_245 = tpu.memref_slice %arg3[%add3A_244] : memref<327680xi32, #tpu.memory_space<hbm>> -> memref<256xi32, #tpu.memory_space<hbm>>
        %dma_start3A_246 = tpu.memref_slice %arg3[%add3A_244] : memref<327680xi32, #tpu.memory_space<hbm>> -> memref<256xi32, #tpu.memory_space<hbm>>
        tpu.enqueue_dma source(%dma_start3A_246 : memref<256xi32, #tpu.memory_space<hbm>>) target(%arg9 : memref<256xi32, #tpu.memory_space<vmem>>) target_semaphore(%arg30 : memref<!tpu.dma_semaphore, #tpu.memory_space<semaphore_mem>>)
      } else {
      }
      %add3A_192 = arith.constant 0 : i32
      %add3A_193 = arith.addi %add3A_71, %add3A_192 : i32
      %dma_wait3A_194 = arith.constant 0 : i32
      %dma_wait3A_195 = arith.constant 0 : i32
      %dma_wait3A_196 = tpu.memref_slice %arg18[%dma_wait3A_194, %dma_wait3A_195] : memref<10240x64xf32, #tpu.memory_space<vmem_shared>> -> memref<10240x64xf32, #tpu.memory_space<vmem_shared>>
      tpu.wait_indirect_dma semaphore(%arg23 : memref<!tpu.dma_semaphore, #tpu.memory_space<semaphore_mem>>) src(%arg14 : memref<256x64xf32, #tpu.memory_space<vmem>>) dst(%dma_wait3A_196 : memref<10240x64xf32, #tpu.memory_space<vmem_shared>>)
      %add3A_197 = arith.constant 4 : i32
      %add3A_198 = arith.addi %add3A_193, %add3A_197 : i32
      %lt3A_199 = arith.constant 80 : i32
      %lt3A_200 = arith.cmpi slt, %add3A_198, %lt3A_199 : i32
      %convert_element_type3A_201 = arith.extui %lt3A_200 : i1 to i32
      %cond3A_202 = arith.constant 0 : i32
      %cond3A_203 = arith.cmpi ne, %convert_element_type3A_201, %cond3A_202 : i32
      scf.if %cond3A_203 {
        %add3A_240 = arith.constant 4 : i32
        %add3A_241 = arith.addi %add3A_193, %add3A_240 : i32
        %mul3A_242 = arith.constant 256 : i32
        %mul3A_243 = arith.muli %add3A_241, %mul3A_242 : i32
        %add3A_244 = arith.addi %mul3A_4, %mul3A_243 : i32
        %dma_start3A_245 = tpu.memref_slice %arg4[%add3A_244] : memref<327680xi32, #tpu.memory_space<hbm>> -> memref<256xi32, #tpu.memory_space<hbm>>
        %dma_start3A_246 = tpu.memref_slice %arg4[%add3A_244] : memref<327680xi32, #tpu.memory_space<hbm>> -> memref<256xi32, #tpu.memory_space<hbm>>
        tpu.enqueue_dma source(%dma_start3A_246 : memref<256xi32, #tpu.memory_space<hbm>>) target(%arg10 : memref<256xi32, #tpu.memory_space<vmem>>) target_semaphore(%arg31 : memref<!tpu.dma_semaphore, #tpu.memory_space<semaphore_mem>>)
        %dma_wait3A_247 = arith.constant 0 : i32
        %dma_wait3A_248 = tpu.memref_slice %arg3[%dma_wait3A_247] : memref<327680xi32, #tpu.memory_space<hbm>> -> memref<256xi32, #tpu.memory_space<hbm>>
        %dma_wait3A_249 = arith.constant 0 : i32
        %dma_wait3A_250 = tpu.memref_slice %arg3[%dma_wait3A_249] : memref<327680xi32, #tpu.memory_space<hbm>> -> memref<256xi32, #tpu.memory_space<hbm>>
        tpu.wait_dma2 semaphore(%arg27 : memref<!tpu.dma_semaphore, #tpu.memory_space<semaphore_mem>>) src(%dma_wait3A_250 : memref<256xi32, #tpu.memory_space<hbm>>) dst(%arg6 : memref<256xi32, #tpu.memory_space<vmem>>)
        %add3A_251 = arith.constant 4 : i32
        %add3A_252 = arith.addi %add3A_193, %add3A_251 : i32
        %dma_start3A_253 = arith.constant 0 : i32
        %dma_start3A_254 = arith.constant 0 : i32
        %dma_start3A_255 = tpu.memref_slice %arg2[%arg0, %dma_start3A_253, %dma_start3A_254] : memref<2x10240x64xf32, #tpu.memory_space<hbm>> -> memref<1x10240x64xf32, #tpu.memory_space<hbm>>
        %dma_start3A_256 = tpu.memref_squeeze %dma_start3A_255 : memref<1x10240x64xf32, #tpu.memory_space<hbm>> -> memref<10240x64xf32, #tpu.memory_space<hbm>>
        %dma_start3A_257 = arith.constant 0 : i32
        %dma_start3A_258 = arith.constant 0 : i32
        %dma_start3A_259 = tpu.memref_slice %dma_start3A_256[%dma_start3A_257, %dma_start3A_258] : memref<10240x64xf32, #tpu.memory_space<hbm>> -> memref<10240x64xf32, #tpu.memory_space<hbm>>
        tpu.enqueue_indirect_dma source(%dma_start3A_259 : memref<10240x64xf32, #tpu.memory_space<hbm>>) target(%arg14 : memref<256x64xf32, #tpu.memory_space<vmem>>) offsets(%arg6 : memref<256xi32, #tpu.memory_space<vmem>>) semaphore(%arg19 : memref<!tpu.dma_semaphore, #tpu.memory_space<semaphore_mem>>)
      } else {
      }
      %add3A_204 = arith.constant 1 : i32
      %add3A_205 = arith.addi %add3A_71, %add3A_204 : i32
      %dma_wait3A_206 = arith.constant 0 : i32
      %dma_wait3A_207 = arith.constant 0 : i32
      %dma_wait3A_208 = tpu.memref_slice %arg18[%dma_wait3A_206, %dma_wait3A_207] : memref<10240x64xf32, #tpu.memory_space<vmem_shared>> -> memref<10240x64xf32, #tpu.memory_space<vmem_shared>>
      tpu.wait_indirect_dma semaphore(%arg24 : memref<!tpu.dma_semaphore, #tpu.memory_space<semaphore_mem>>) src(%arg15 : memref<256x64xf32, #tpu.memory_space<vmem>>) dst(%dma_wait3A_208 : memref<10240x64xf32, #tpu.memory_space<vmem_shared>>)
      %add3A_209 = arith.constant 4 : i32
      %add3A_210 = arith.addi %add3A_205, %add3A_209 : i32
      %lt3A_211 = arith.constant 80 : i32
      %lt3A_212 = arith.cmpi slt, %add3A_210, %lt3A_211 : i32
      %convert_element_type3A_213 = arith.extui %lt3A_212 : i1 to i32
      %cond3A_214 = arith.constant 0 : i32
      %cond3A_215 = arith.cmpi ne, %convert_element_type3A_213, %cond3A_214 : i32
      scf.if %cond3A_215 {
        %add3A_240 = arith.constant 4 : i32
        %add3A_241 = arith.addi %add3A_205, %add3A_240 : i32
        %mul3A_242 = arith.constant 256 : i32
        %mul3A_243 = arith.muli %add3A_241, %mul3A_242 : i32
        %add3A_244 = arith.addi %mul3A_4, %mul3A_243 : i32
        %dma_start3A_245 = tpu.memref_slice %arg4[%add3A_244] : memref<327680xi32, #tpu.memory_space<hbm>> -> memref<256xi32, #tpu.memory_space<hbm>>
        %dma_start3A_246 = tpu.memref_slice %arg4[%add3A_244] : memref<327680xi32, #tpu.memory_space<hbm>> -> memref<256xi32, #tpu.memory_space<hbm>>
        tpu.enqueue_dma source(%dma_start3A_246 : memref<256xi32, #tpu.memory_space<hbm>>) target(%arg11 : memref<256xi32, #tpu.memory_space<vmem>>) target_semaphore(%arg32 : memref<!tpu.dma_semaphore, #tpu.memory_space<semaphore_mem>>)
        %dma_wait3A_247 = arith.constant 0 : i32
        %dma_wait3A_248 = tpu.memref_slice %arg3[%dma_wait3A_247] : memref<327680xi32, #tpu.memory_space<hbm>> -> memref<256xi32, #tpu.memory_space<hbm>>
        %dma_wait3A_249 = arith.constant 0 : i32
        %dma_wait3A_250 = tpu.memref_slice %arg3[%dma_wait3A_249] : memref<327680xi32, #tpu.memory_space<hbm>> -> memref<256xi32, #tpu.memory_space<hbm>>
        tpu.wait_dma2 semaphore(%arg28 : memref<!tpu.dma_semaphore, #tpu.memory_space<semaphore_mem>>) src(%dma_wait3A_250 : memref<256xi32, #tpu.memory_space<hbm>>) dst(%arg7 : memref<256xi32, #tpu.memory_space<vmem>>)
        %add3A_251 = arith.constant 4 : i32
        %add3A_252 = arith.addi %add3A_205, %add3A_251 : i32
        %dma_start3A_253 = arith.constant 0 : i32
        %dma_start3A_254 = arith.constant 0 : i32
        %dma_start3A_255 = tpu.memref_slice %arg2[%arg0, %dma_start3A_253, %dma_start3A_254] : memref<2x10240x64xf32, #tpu.memory_space<hbm>> -> memref<1x10240x64xf32, #tpu.memory_space<hbm>>
        %dma_start3A_256 = tpu.memref_squeeze %dma_start3A_255 : memref<1x10240x64xf32, #tpu.memory_space<hbm>> -> memref<10240x64xf32, #tpu.memory_space<hbm>>
        %dma_start3A_257 = arith.constant 0 : i32
        %dma_start3A_258 = arith.constant 0 : i32
        %dma_start3A_259 = tpu.memref_slice %dma_start3A_256[%dma_start3A_257, %dma_start3A_258] : memref<10240x64xf32, #tpu.memory_space<hbm>> -> memref<10240x64xf32, #tpu.memory_space<hbm>>
        tpu.enqueue_indirect_dma source(%dma_start3A_259 : memref<10240x64xf32, #tpu.memory_space<hbm>>) target(%arg15 : memref<256x64xf32, #tpu.memory_space<vmem>>) offsets(%arg7 : memref<256xi32, #tpu.memory_space<vmem>>) semaphore(%arg20 : memref<!tpu.dma_semaphore, #tpu.memory_space<semaphore_mem>>)
      } else {
      }
      %add3A_216 = arith.constant 2 : i32
      %add3A_217 = arith.addi %add3A_71, %add3A_216 : i32
      %dma_wait3A_218 = arith.constant 0 : i32
      %dma_wait3A_219 = arith.constant 0 : i32
      %dma_wait3A_220 = tpu.memref_slice %arg18[%dma_wait3A_218, %dma_wait3A_219] : memref<10240x64xf32, #tpu.memory_space<vmem_shared>> -> memref<10240x64xf32, #tpu.memory_space<vmem_shared>>
      tpu.wait_indirect_dma semaphore(%arg25 : memref<!tpu.dma_semaphore, #tpu.memory_space<semaphore_mem>>) src(%arg16 : memref<256x64xf32, #tpu.memory_space<vmem>>) dst(%dma_wait3A_220 : memref<10240x64xf32, #tpu.memory_space<vmem_shared>>)
      %add3A_221 = arith.constant 4 : i32
      %add3A_222 = arith.addi %add3A_217, %add3A_221 : i32
      %lt3A_223 = arith.constant 80 : i32
      %lt3A_224 = arith.cmpi slt, %add3A_222, %lt3A_223 : i32
      %convert_element_type3A_225 = arith.extui %lt3A_224 : i1 to i32
      %cond3A_226 = arith.constant 0 : i32
      %cond3A_227 = arith.cmpi ne, %convert_element_type3A_225, %cond3A_226 : i32
      scf.if %cond3A_227 {
        %add3A_240 = arith.constant 4 : i32
        %add3A_241 = arith.addi %add3A_217, %add3A_240 : i32
        %mul3A_242 = arith.constant 256 : i32
        %mul3A_243 = arith.muli %add3A_241, %mul3A_242 : i32
        %add3A_244 = arith.addi %mul3A_4, %mul3A_243 : i32
        %dma_start3A_245 = tpu.memref_slice %arg4[%add3A_244] : memref<327680xi32, #tpu.memory_space<hbm>> -> memref<256xi32, #tpu.memory_space<hbm>>
        %dma_start3A_246 = tpu.memref_slice %arg4[%add3A_244] : memref<327680xi32, #tpu.memory_space<hbm>> -> memref<256xi32, #tpu.memory_space<hbm>>
        tpu.enqueue_dma source(%dma_start3A_246 : memref<256xi32, #tpu.memory_space<hbm>>) target(%arg12 : memref<256xi32, #tpu.memory_space<vmem>>) target_semaphore(%arg33 : memref<!tpu.dma_semaphore, #tpu.memory_space<semaphore_mem>>)
        %dma_wait3A_247 = arith.constant 0 : i32
        %dma_wait3A_248 = tpu.memref_slice %arg3[%dma_wait3A_247] : memref<327680xi32, #tpu.memory_space<hbm>> -> memref<256xi32, #tpu.memory_space<hbm>>
        %dma_wait3A_249 = arith.constant 0 : i32
        %dma_wait3A_250 = tpu.memref_slice %arg3[%dma_wait3A_249] : memref<327680xi32, #tpu.memory_space<hbm>> -> memref<256xi32, #tpu.memory_space<hbm>>
        tpu.wait_dma2 semaphore(%arg29 : memref<!tpu.dma_semaphore, #tpu.memory_space<semaphore_mem>>) src(%dma_wait3A_250 : memref<256xi32, #tpu.memory_space<hbm>>) dst(%arg8 : memref<256xi32, #tpu.memory_space<vmem>>)
        %add3A_251 = arith.constant 4 : i32
        %add3A_252 = arith.addi %add3A_217, %add3A_251 : i32
        %dma_start3A_253 = arith.constant 0 : i32
        %dma_start3A_254 = arith.constant 0 : i32
        %dma_start3A_255 = tpu.memref_slice %arg2[%arg0, %dma_start3A_253, %dma_start3A_254] : memref<2x10240x64xf32, #tpu.memory_space<hbm>> -> memref<1x10240x64xf32, #tpu.memory_space<hbm>>
        %dma_start3A_256 = tpu.memref_squeeze %dma_start3A_255 : memref<1x10240x64xf32, #tpu.memory_space<hbm>> -> memref<10240x64xf32, #tpu.memory_space<hbm>>
        %dma_start3A_257 = arith.constant 0 : i32
        %dma_start3A_258 = arith.constant 0 : i32
        %dma_start3A_259 = tpu.memref_slice %dma_start3A_256[%dma_start3A_257, %dma_start3A_258] : memref<10240x64xf32, #tpu.memory_space<hbm>> -> memref<10240x64xf32, #tpu.memory_space<hbm>>
        tpu.enqueue_indirect_dma source(%dma_start3A_259 : memref<10240x64xf32, #tpu.memory_space<hbm>>) target(%arg16 : memref<256x64xf32, #tpu.memory_space<vmem>>) offsets(%arg8 : memref<256xi32, #tpu.memory_space<vmem>>) semaphore(%arg21 : memref<!tpu.dma_semaphore, #tpu.memory_space<semaphore_mem>>)
      } else {
      }
      %add3A_228 = arith.constant 3 : i32
      %add3A_229 = arith.addi %add3A_71, %add3A_228 : i32
      %dma_wait3A_230 = arith.constant 0 : i32
      %dma_wait3A_231 = arith.constant 0 : i32
      %dma_wait3A_232 = tpu.memref_slice %arg18[%dma_wait3A_230, %dma_wait3A_231] : memref<10240x64xf32, #tpu.memory_space<vmem_shared>> -> memref<10240x64xf32, #tpu.memory_space<vmem_shared>>
      tpu.wait_indirect_dma semaphore(%arg26 : memref<!tpu.dma_semaphore, #tpu.memory_space<semaphore_mem>>) src(%arg17 : memref<256x64xf32, #tpu.memory_space<vmem>>) dst(%dma_wait3A_232 : memref<10240x64xf32, #tpu.memory_space<vmem_shared>>)
      %add3A_233 = arith.constant 4 : i32
      %add3A_234 = arith.addi %add3A_229, %add3A_233 : i32
      %lt3A_235 = arith.constant 80 : i32
      %lt3A_236 = arith.cmpi slt, %add3A_234, %lt3A_235 : i32
      %convert_element_type3A_237 = arith.extui %lt3A_236 : i1 to i32
      %cond3A_238 = arith.constant 0 : i32
      %cond3A_239 = arith.cmpi ne, %convert_element_type3A_237, %cond3A_238 : i32
      scf.if %cond3A_239 {
        %add3A_240 = arith.constant 4 : i32
        %add3A_241 = arith.addi %add3A_229, %add3A_240 : i32
        %mul3A_242 = arith.constant 256 : i32
        %mul3A_243 = arith.muli %add3A_241, %mul3A_242 : i32
        %add3A_244 = arith.addi %mul3A_4, %mul3A_243 : i32
        %dma_start3A_245 = tpu.memref_slice %arg4[%add3A_244] : memref<327680xi32, #tpu.memory_space<hbm>> -> memref<256xi32, #tpu.memory_space<hbm>>
        %dma_start3A_246 = tpu.memref_slice %arg4[%add3A_244] : memref<327680xi32, #tpu.memory_space<hbm>> -> memref<256xi32, #tpu.memory_space<hbm>>
        tpu.enqueue_dma source(%dma_start3A_246 : memref<256xi32, #tpu.memory_space<hbm>>) target(%arg13 : memref<256xi32, #tpu.memory_space<vmem>>) target_semaphore(%arg34 : memref<!tpu.dma_semaphore, #tpu.memory_space<semaphore_mem>>)
        %dma_wait3A_247 = arith.constant 0 : i32
        %dma_wait3A_248 = tpu.memref_slice %arg3[%dma_wait3A_247] : memref<327680xi32, #tpu.memory_space<hbm>> -> memref<256xi32, #tpu.memory_space<hbm>>
        %dma_wait3A_249 = arith.constant 0 : i32
        %dma_wait3A_250 = tpu.memref_slice %arg3[%dma_wait3A_249] : memref<327680xi32, #tpu.memory_space<hbm>> -> memref<256xi32, #tpu.memory_space<hbm>>
        tpu.wait_dma2 semaphore(%arg30 : memref<!tpu.dma_semaphore, #tpu.memory_space<semaphore_mem>>) src(%dma_wait3A_250 : memref<256xi32, #tpu.memory_space<hbm>>) dst(%arg9 : memref<256xi32, #tpu.memory_space<vmem>>)
        %add3A_251 = arith.constant 4 : i32
        %add3A_252 = arith.addi %add3A_229, %add3A_251 : i32
        %dma_start3A_253 = arith.constant 0 : i32
        %dma_start3A_254 = arith.constant 0 : i32
        %dma_start3A_255 = tpu.memref_slice %arg2[%arg0, %dma_start3A_253, %dma_start3A_254] : memref<2x10240x64xf32, #tpu.memory_space<hbm>> -> memref<1x10240x64xf32, #tpu.memory_space<hbm>>
        %dma_start3A_256 = tpu.memref_squeeze %dma_start3A_255 : memref<1x10240x64xf32, #tpu.memory_space<hbm>> -> memref<10240x64xf32, #tpu.memory_space<hbm>>
        %dma_start3A_257 = arith.constant 0 : i32
        %dma_start3A_258 = arith.constant 0 : i32
        %dma_start3A_259 = tpu.memref_slice %dma_start3A_256[%dma_start3A_257, %dma_start3A_258] : memref<10240x64xf32, #tpu.memory_space<hbm>> -> memref<10240x64xf32, #tpu.memory_space<hbm>>
        tpu.enqueue_indirect_dma source(%dma_start3A_259 : memref<10240x64xf32, #tpu.memory_space<hbm>>) target(%arg17 : memref<256x64xf32, #tpu.memory_space<vmem>>) offsets(%arg9 : memref<256xi32, #tpu.memory_space<vmem>>) semaphore(%arg22 : memref<!tpu.dma_semaphore, #tpu.memory_space<semaphore_mem>>)
      } else {
      }
    }
    %scan3A_65 = arith.constant 20 : i32
    %barrier3A_66 = arith.constant 0 : index
    tpu.barrier barrier_id(%barrier3A_66)
    "tpu.region"() ({
      %run_scoped3A = tpu.sem_alloc : memref<!tpu.dma_semaphore, #tpu.memory_space<semaphore_mem>>
      %dma_start3A_67 = arith.constant 0 : i32
      %dma_start3A_68 = arith.constant 0 : i32
      %dma_start3A_69 = tpu.memref_slice %arg5[%arg0, %dma_start3A_67, %dma_start3A_68] : memref<2x10240x64xf32, #tpu.memory_space<hbm>> -> memref<1x10240x64xf32, #tpu.memory_space<hbm>>
      %dma_start3A_70 = tpu.memref_squeeze %dma_start3A_69 : memref<1x10240x64xf32, #tpu.memory_space<hbm>> -> memref<10240x64xf32, #tpu.memory_space<hbm>>
      %dma_start3A_71 = arith.constant 0 : i32
      %dma_start3A_72 = tpu.memref_slice %dma_start3A_70[%mul3A_0, %dma_start3A_71] : memref<10240x64xf32, #tpu.memory_space<hbm>> -> memref<640x64xf32, #tpu.memory_space<hbm>>
      %dma_start3A_73 = arith.constant 0 : i32
      %dma_start3A_74 = tpu.memref_slice %arg18[%mul3A_0, %dma_start3A_73] : memref<10240x64xf32, #tpu.memory_space<vmem_shared>> -> memref<640x64xf32, #tpu.memory_space<vmem_shared>>
      tpu.enqueue_dma source(%dma_start3A_74 : memref<640x64xf32, #tpu.memory_space<vmem_shared>>) target(%dma_start3A_72 : memref<640x64xf32, #tpu.memory_space<hbm>>) target_semaphore(%run_scoped3A : memref<!tpu.dma_semaphore, #tpu.memory_space<semaphore_mem>>)
      %dma_wait3A_75 = arith.constant 0 : i32
      %dma_wait3A_76 = arith.constant 0 : i32
      %dma_wait3A_77 = tpu.memref_slice %arg5[%arg0, %dma_wait3A_75, %dma_wait3A_76] : memref<2x10240x64xf32, #tpu.memory_space<hbm>> -> memref<1x10240x64xf32, #tpu.memory_space<hbm>>
      %dma_wait3A_78 = tpu.memref_squeeze %dma_wait3A_77 : memref<1x10240x64xf32, #tpu.memory_space<hbm>> -> memref<10240x64xf32, #tpu.memory_space<hbm>>
      %dma_wait3A_79 = arith.constant 0 : i32
      %dma_wait3A_80 = tpu.memref_slice %dma_wait3A_78[%mul3A_0, %dma_wait3A_79] : memref<10240x64xf32, #tpu.memory_space<hbm>> -> memref<640x64xf32, #tpu.memory_space<hbm>>
      %dma_wait3A_81 = arith.constant 0 : i32
      %dma_wait3A_82 = tpu.memref_slice %arg18[%mul3A_0, %dma_wait3A_81] : memref<10240x64xf32, #tpu.memory_space<vmem_shared>> -> memref<640x64xf32, #tpu.memory_space<vmem_shared>>
      tpu.wait_dma2 semaphore(%run_scoped3A : memref<!tpu.dma_semaphore, #tpu.memory_space<semaphore_mem>>) src(%dma_wait3A_82 : memref<640x64xf32, #tpu.memory_space<vmem_shared>>) dst(%dma_wait3A_80 : memref<640x64xf32, #tpu.memory_space<hbm>>)
      tpu.yield
    }) : () -> ()
    return
  }
}

#map = affine_map<(d0, d1) -> (0, 0, 0)>
#map1 = affine_map<(d0, d1) -> (0)>
module attributes {stable_mosaic.version = 14 : i64} {
  func.func @agg_kernel(%arg0: i32, %arg1: i32, %arg2: memref<2x10240x64xf32, #tpu.memory_space<hbm>>, %arg3: memref<327680xi32, #tpu.memory_space<hbm>>, %arg4: memref<327680xi32, #tpu.memory_space<hbm>>, %arg5: memref<2x10240x64xf32, #tpu.memory_space<hbm>>, %arg6: memref<256xi32, #tpu.memory_space<vmem>>, %arg7: memref<256xi32, #tpu.memory_space<vmem>>, %arg8: memref<256xi32, #tpu.memory_space<vmem>>, %arg9: memref<256xi32, #tpu.memory_space<vmem>>, %arg10: memref<256xi32, #tpu.memory_space<vmem>>, %arg11: memref<256xi32, #tpu.memory_space<vmem>>, %arg12: memref<256xi32, #tpu.memory_space<vmem>>, %arg13: memref<256xi32, #tpu.memory_space<vmem>>, %arg14: memref<256x64xf32, #tpu.memory_space<vmem>>, %arg15: memref<256x64xf32, #tpu.memory_space<vmem>>, %arg16: memref<256x64xf32, #tpu.memory_space<vmem>>, %arg17: memref<256x64xf32, #tpu.memory_space<vmem>>, %arg18: memref<10240x64xf32, #tpu.memory_space<vmem_shared>>, %arg19: memref<!tpu.dma_semaphore, #tpu.memory_space<semaphore_mem>>, %arg20: memref<!tpu.dma_semaphore, #tpu.memory_space<semaphore_mem>>, %arg21: memref<!tpu.dma_semaphore, #tpu.memory_space<semaphore_mem>>, %arg22: memref<!tpu.dma_semaphore, #tpu.memory_space<semaphore_mem>>, %arg23: memref<!tpu.dma_semaphore, #tpu.memory_space<semaphore_mem>>, %arg24: memref<!tpu.dma_semaphore, #tpu.memory_space<semaphore_mem>>, %arg25: memref<!tpu.dma_semaphore, #tpu.memory_space<semaphore_mem>>, %arg26: memref<!tpu.dma_semaphore, #tpu.memory_space<semaphore_mem>>, %arg27: memref<!tpu.dma_semaphore, #tpu.memory_space<semaphore_mem>>, %arg28: memref<!tpu.dma_semaphore, #tpu.memory_space<semaphore_mem>>, %arg29: memref<!tpu.dma_semaphore, #tpu.memory_space<semaphore_mem>>, %arg30: memref<!tpu.dma_semaphore, #tpu.memory_space<semaphore_mem>>, %arg31: memref<!tpu.dma_semaphore, #tpu.memory_space<semaphore_mem>>, %arg32: memref<!tpu.dma_semaphore, #tpu.memory_space<semaphore_mem>>, %arg33: memref<!tpu.dma_semaphore, #tpu.memory_space<semaphore_mem>>, %arg34: memref<!tpu.dma_semaphore, #tpu.memory_space<semaphore_mem>>) attributes {dimension_semantics = [#tpu.dimension_semantics<core_parallel>, #tpu.dimension_semantics<subcore_parallel>], iteration_bounds = array<i64: 2, 16>, scalar_prefetch = 0 : i64, scratch_operands = 29 : i64, tpu.core_type = #tpu.core_type<sc_vector_subcore>, window_params = [{transform_indices = #map}, {transform_indices = #map1}, {transform_indices = #map1}, {transform_indices = #map}]} {
    %mul3A = arith.constant 640 : i32
    %mul3A_0 = arith.muli %arg1, %mul3A : i32
    %mul3A_1 = arith.constant 160 : i32
    %mul3A_2 = arith.muli %arg1, %mul3A_1 : i32
    %mul3A_3 = arith.constant 128 : i32
    %mul3A_4 = arith.muli %mul3A_2, %mul3A_3 : i32
    %dma_start3A = arith.constant 0 : i32
    %dma_start3A_5 = tpu.memref_slice %arg18[%mul3A_0, %dma_start3A] : memref<10240x64xf32, #tpu.memory_space<vmem_shared>> -> memref<640x64xf32, #tpu.memory_space<vmem_shared>>
    %dma_start3A_6 = arith.constant 0 : i32
    %dma_start3A_7 = arith.constant 0 : i32
    %dma_start3A_8 = tpu.memref_slice %arg2[%arg0, %dma_start3A_6, %dma_start3A_7] : memref<2x10240x64xf32, #tpu.memory_space<hbm>> -> memref<1x10240x64xf32, #tpu.memory_space<hbm>>
    %dma_start3A_9 = tpu.memref_squeeze %dma_start3A_8 : memref<1x10240x64xf32, #tpu.memory_space<hbm>> -> memref<10240x64xf32, #tpu.memory_space<hbm>>
    %dma_start3A_10 = arith.constant 0 : i32
    %dma_start3A_11 = tpu.memref_slice %dma_start3A_9[%mul3A_0, %dma_start3A_10] : memref<10240x64xf32, #tpu.memory_space<hbm>> -> memref<640x64xf32, #tpu.memory_space<hbm>>
    tpu.enqueue_dma source(%dma_start3A_11 : memref<640x64xf32, #tpu.memory_space<hbm>>) target(%dma_start3A_5 : memref<640x64xf32, #tpu.memory_space<vmem_shared>>) target_semaphore(%arg31 : memref<!tpu.dma_semaphore, #tpu.memory_space<semaphore_mem>>)
    %add3A = arith.constant 0 : i32
    %add3A_12 = arith.addi %mul3A_4, %add3A : i32
    "tpu.region"() ({
      %run_scoped3A = tpu.sem_alloc : memref<!tpu.dma_semaphore, #tpu.memory_space<semaphore_mem>>
      %dma_start3A_67 = tpu.memref_slice %arg3[%add3A_12] : memref<327680xi32, #tpu.memory_space<hbm>> -> memref<256xi32, #tpu.memory_space<hbm>>
      %dma_start3A_68 = tpu.memref_slice %arg3[%add3A_12] : memref<327680xi32, #tpu.memory_space<hbm>> -> memref<256xi32, #tpu.memory_space<hbm>>
      tpu.enqueue_dma source(%dma_start3A_68 : memref<256xi32, #tpu.memory_space<hbm>>) target(%arg6 : memref<256xi32, #tpu.memory_space<vmem>>) target_semaphore(%run_scoped3A : memref<!tpu.dma_semaphore, #tpu.memory_space<semaphore_mem>>)
      %dma_wait3A_69 = tpu.memref_slice %arg3[%add3A_12] : memref<327680xi32, #tpu.memory_space<hbm>> -> memref<256xi32, #tpu.memory_space<hbm>>
      %dma_wait3A_70 = tpu.memref_slice %arg3[%add3A_12] : memref<327680xi32, #tpu.memory_space<hbm>> -> memref<256xi32, #tpu.memory_space<hbm>>
      tpu.wait_dma2 semaphore(%run_scoped3A : memref<!tpu.dma_semaphore, #tpu.memory_space<semaphore_mem>>) src(%dma_wait3A_70 : memref<256xi32, #tpu.memory_space<hbm>>) dst(%arg6 : memref<256xi32, #tpu.memory_space<vmem>>)
      tpu.yield
    }) : () -> ()
    %add3A_13 = arith.constant 0 : i32
    %add3A_14 = arith.addi %mul3A_4, %add3A_13 : i32
    "tpu.region"() ({
      %run_scoped3A = tpu.sem_alloc : memref<!tpu.dma_semaphore, #tpu.memory_space<semaphore_mem>>
      %dma_start3A_67 = tpu.memref_slice %arg4[%add3A_14] : memref<327680xi32, #tpu.memory_space<hbm>> -> memref<256xi32, #tpu.memory_space<hbm>>
      %dma_start3A_68 = tpu.memref_slice %arg4[%add3A_14] : memref<327680xi32, #tpu.memory_space<hbm>> -> memref<256xi32, #tpu.memory_space<hbm>>
      tpu.enqueue_dma source(%dma_start3A_68 : memref<256xi32, #tpu.memory_space<hbm>>) target(%arg10 : memref<256xi32, #tpu.memory_space<vmem>>) target_semaphore(%run_scoped3A : memref<!tpu.dma_semaphore, #tpu.memory_space<semaphore_mem>>)
      %dma_wait3A_69 = tpu.memref_slice %arg4[%add3A_14] : memref<327680xi32, #tpu.memory_space<hbm>> -> memref<256xi32, #tpu.memory_space<hbm>>
      %dma_wait3A_70 = tpu.memref_slice %arg4[%add3A_14] : memref<327680xi32, #tpu.memory_space<hbm>> -> memref<256xi32, #tpu.memory_space<hbm>>
      tpu.wait_dma2 semaphore(%run_scoped3A : memref<!tpu.dma_semaphore, #tpu.memory_space<semaphore_mem>>) src(%dma_wait3A_70 : memref<256xi32, #tpu.memory_space<hbm>>) dst(%arg10 : memref<256xi32, #tpu.memory_space<vmem>>)
      tpu.yield
    }) : () -> ()
    %add3A_15 = arith.constant 256 : i32
    %add3A_16 = arith.addi %mul3A_4, %add3A_15 : i32
    "tpu.region"() ({
      %run_scoped3A = tpu.sem_alloc : memref<!tpu.dma_semaphore, #tpu.memory_space<semaphore_mem>>
      %dma_start3A_67 = tpu.memref_slice %arg3[%add3A_16] : memref<327680xi32, #tpu.memory_space<hbm>> -> memref<256xi32, #tpu.memory_space<hbm>>
      %dma_start3A_68 = tpu.memref_slice %arg3[%add3A_16] : memref<327680xi32, #tpu.memory_space<hbm>> -> memref<256xi32, #tpu.memory_space<hbm>>
      tpu.enqueue_dma source(%dma_start3A_68 : memref<256xi32, #tpu.memory_space<hbm>>) target(%arg7 : memref<256xi32, #tpu.memory_space<vmem>>) target_semaphore(%run_scoped3A : memref<!tpu.dma_semaphore, #tpu.memory_space<semaphore_mem>>)
      %dma_wait3A_69 = tpu.memref_slice %arg3[%add3A_16] : memref<327680xi32, #tpu.memory_space<hbm>> -> memref<256xi32, #tpu.memory_space<hbm>>
      %dma_wait3A_70 = tpu.memref_slice %arg3[%add3A_16] : memref<327680xi32, #tpu.memory_space<hbm>> -> memref<256xi32, #tpu.memory_space<hbm>>
      tpu.wait_dma2 semaphore(%run_scoped3A : memref<!tpu.dma_semaphore, #tpu.memory_space<semaphore_mem>>) src(%dma_wait3A_70 : memref<256xi32, #tpu.memory_space<hbm>>) dst(%arg7 : memref<256xi32, #tpu.memory_space<vmem>>)
      tpu.yield
    }) : () -> ()
    %add3A_17 = arith.constant 256 : i32
    %add3A_18 = arith.addi %mul3A_4, %add3A_17 : i32
    "tpu.region"() ({
      %run_scoped3A = tpu.sem_alloc : memref<!tpu.dma_semaphore, #tpu.memory_space<semaphore_mem>>
      %dma_start3A_67 = tpu.memref_slice %arg4[%add3A_18] : memref<327680xi32, #tpu.memory_space<hbm>> -> memref<256xi32, #tpu.memory_space<hbm>>
      %dma_start3A_68 = tpu.memref_slice %arg4[%add3A_18] : memref<327680xi32, #tpu.memory_space<hbm>> -> memref<256xi32, #tpu.memory_space<hbm>>
      tpu.enqueue_dma source(%dma_start3A_68 : memref<256xi32, #tpu.memory_space<hbm>>) target(%arg11 : memref<256xi32, #tpu.memory_space<vmem>>) target_semaphore(%run_scoped3A : memref<!tpu.dma_semaphore, #tpu.memory_space<semaphore_mem>>)
      %dma_wait3A_69 = tpu.memref_slice %arg4[%add3A_18] : memref<327680xi32, #tpu.memory_space<hbm>> -> memref<256xi32, #tpu.memory_space<hbm>>
      %dma_wait3A_70 = tpu.memref_slice %arg4[%add3A_18] : memref<327680xi32, #tpu.memory_space<hbm>> -> memref<256xi32, #tpu.memory_space<hbm>>
      tpu.wait_dma2 semaphore(%run_scoped3A : memref<!tpu.dma_semaphore, #tpu.memory_space<semaphore_mem>>) src(%dma_wait3A_70 : memref<256xi32, #tpu.memory_space<hbm>>) dst(%arg11 : memref<256xi32, #tpu.memory_space<vmem>>)
      tpu.yield
    }) : () -> ()
    %add3A_19 = arith.constant 512 : i32
    %add3A_20 = arith.addi %mul3A_4, %add3A_19 : i32
    "tpu.region"() ({
      %run_scoped3A = tpu.sem_alloc : memref<!tpu.dma_semaphore, #tpu.memory_space<semaphore_mem>>
      %dma_start3A_67 = tpu.memref_slice %arg3[%add3A_20] : memref<327680xi32, #tpu.memory_space<hbm>> -> memref<256xi32, #tpu.memory_space<hbm>>
      %dma_start3A_68 = tpu.memref_slice %arg3[%add3A_20] : memref<327680xi32, #tpu.memory_space<hbm>> -> memref<256xi32, #tpu.memory_space<hbm>>
      tpu.enqueue_dma source(%dma_start3A_68 : memref<256xi32, #tpu.memory_space<hbm>>) target(%arg8 : memref<256xi32, #tpu.memory_space<vmem>>) target_semaphore(%run_scoped3A : memref<!tpu.dma_semaphore, #tpu.memory_space<semaphore_mem>>)
      %dma_wait3A_69 = tpu.memref_slice %arg3[%add3A_20] : memref<327680xi32, #tpu.memory_space<hbm>> -> memref<256xi32, #tpu.memory_space<hbm>>
      %dma_wait3A_70 = tpu.memref_slice %arg3[%add3A_20] : memref<327680xi32, #tpu.memory_space<hbm>> -> memref<256xi32, #tpu.memory_space<hbm>>
      tpu.wait_dma2 semaphore(%run_scoped3A : memref<!tpu.dma_semaphore, #tpu.memory_space<semaphore_mem>>) src(%dma_wait3A_70 : memref<256xi32, #tpu.memory_space<hbm>>) dst(%arg8 : memref<256xi32, #tpu.memory_space<vmem>>)
      tpu.yield
    }) : () -> ()
    %add3A_21 = arith.constant 512 : i32
    %add3A_22 = arith.addi %mul3A_4, %add3A_21 : i32
    "tpu.region"() ({
      %run_scoped3A = tpu.sem_alloc : memref<!tpu.dma_semaphore, #tpu.memory_space<semaphore_mem>>
      %dma_start3A_67 = tpu.memref_slice %arg4[%add3A_22] : memref<327680xi32, #tpu.memory_space<hbm>> -> memref<256xi32, #tpu.memory_space<hbm>>
      %dma_start3A_68 = tpu.memref_slice %arg4[%add3A_22] : memref<327680xi32, #tpu.memory_space<hbm>> -> memref<256xi32, #tpu.memory_space<hbm>>
      tpu.enqueue_dma source(%dma_start3A_68 : memref<256xi32, #tpu.memory_space<hbm>>) target(%arg12 : memref<256xi32, #tpu.memory_space<vmem>>) target_semaphore(%run_scoped3A : memref<!tpu.dma_semaphore, #tpu.memory_space<semaphore_mem>>)
      %dma_wait3A_69 = tpu.memref_slice %arg4[%add3A_22] : memref<327680xi32, #tpu.memory_space<hbm>> -> memref<256xi32, #tpu.memory_space<hbm>>
      %dma_wait3A_70 = tpu.memref_slice %arg4[%add3A_22] : memref<327680xi32, #tpu.memory_space<hbm>> -> memref<256xi32, #tpu.memory_space<hbm>>
      tpu.wait_dma2 semaphore(%run_scoped3A : memref<!tpu.dma_semaphore, #tpu.memory_space<semaphore_mem>>) src(%dma_wait3A_70 : memref<256xi32, #tpu.memory_space<hbm>>) dst(%arg12 : memref<256xi32, #tpu.memory_space<vmem>>)
      tpu.yield
    }) : () -> ()
    %add3A_23 = arith.constant 768 : i32
    %add3A_24 = arith.addi %mul3A_4, %add3A_23 : i32
    "tpu.region"() ({
      %run_scoped3A = tpu.sem_alloc : memref<!tpu.dma_semaphore, #tpu.memory_space<semaphore_mem>>
      %dma_start3A_67 = tpu.memref_slice %arg3[%add3A_24] : memref<327680xi32, #tpu.memory_space<hbm>> -> memref<256xi32, #tpu.memory_space<hbm>>
      %dma_start3A_68 = tpu.memref_slice %arg3[%add3A_24] : memref<327680xi32, #tpu.memory_space<hbm>> -> memref<256xi32, #tpu.memory_space<hbm>>
      tpu.enqueue_dma source(%dma_start3A_68 : memref<256xi32, #tpu.memory_space<hbm>>) target(%arg9 : memref<256xi32, #tpu.memory_space<vmem>>) target_semaphore(%run_scoped3A : memref<!tpu.dma_semaphore, #tpu.memory_space<semaphore_mem>>)
      %dma_wait3A_69 = tpu.memref_slice %arg3[%add3A_24] : memref<327680xi32, #tpu.memory_space<hbm>> -> memref<256xi32, #tpu.memory_space<hbm>>
      %dma_wait3A_70 = tpu.memref_slice %arg3[%add3A_24] : memref<327680xi32, #tpu.memory_space<hbm>> -> memref<256xi32, #tpu.memory_space<hbm>>
      tpu.wait_dma2 semaphore(%run_scoped3A : memref<!tpu.dma_semaphore, #tpu.memory_space<semaphore_mem>>) src(%dma_wait3A_70 : memref<256xi32, #tpu.memory_space<hbm>>) dst(%arg9 : memref<256xi32, #tpu.memory_space<vmem>>)
      tpu.yield
    }) : () -> ()
    %add3A_25 = arith.constant 768 : i32
    %add3A_26 = arith.addi %mul3A_4, %add3A_25 : i32
    "tpu.region"() ({
      %run_scoped3A = tpu.sem_alloc : memref<!tpu.dma_semaphore, #tpu.memory_space<semaphore_mem>>
      %dma_start3A_67 = tpu.memref_slice %arg4[%add3A_26] : memref<327680xi32, #tpu.memory_space<hbm>> -> memref<256xi32, #tpu.memory_space<hbm>>
      %dma_start3A_68 = tpu.memref_slice %arg4[%add3A_26] : memref<327680xi32, #tpu.memory_space<hbm>> -> memref<256xi32, #tpu.memory_space<hbm>>
      tpu.enqueue_dma source(%dma_start3A_68 : memref<256xi32, #tpu.memory_space<hbm>>) target(%arg13 : memref<256xi32, #tpu.memory_space<vmem>>) target_semaphore(%run_scoped3A : memref<!tpu.dma_semaphore, #tpu.memory_space<semaphore_mem>>)
      %dma_wait3A_69 = tpu.memref_slice %arg4[%add3A_26] : memref<327680xi32, #tpu.memory_space<hbm>> -> memref<256xi32, #tpu.memory_space<hbm>>
      %dma_wait3A_70 = tpu.memref_slice %arg4[%add3A_26] : memref<327680xi32, #tpu.memory_space<hbm>> -> memref<256xi32, #tpu.memory_space<hbm>>
      tpu.wait_dma2 semaphore(%run_scoped3A : memref<!tpu.dma_semaphore, #tpu.memory_space<semaphore_mem>>) src(%dma_wait3A_70 : memref<256xi32, #tpu.memory_space<hbm>>) dst(%arg13 : memref<256xi32, #tpu.memory_space<vmem>>)
      tpu.yield
    }) : () -> ()
    %dma_start3A_27 = arith.constant 0 : i32
    %dma_start3A_28 = arith.constant 0 : i32
    %dma_start3A_29 = tpu.memref_slice %arg2[%arg0, %dma_start3A_27, %dma_start3A_28] : memref<2x10240x64xf32, #tpu.memory_space<hbm>> -> memref<1x10240x64xf32, #tpu.memory_space<hbm>>
    %dma_start3A_30 = tpu.memref_squeeze %dma_start3A_29 : memref<1x10240x64xf32, #tpu.memory_space<hbm>> -> memref<10240x64xf32, #tpu.memory_space<hbm>>
    %dma_start3A_31 = arith.constant 0 : i32
    %dma_start3A_32 = arith.constant 0 : i32
    %dma_start3A_33 = tpu.memref_slice %dma_start3A_30[%dma_start3A_31, %dma_start3A_32] : memref<10240x64xf32, #tpu.memory_space<hbm>> -> memref<10240x64xf32, #tpu.memory_space<hbm>>
    tpu.enqueue_indirect_dma source(%dma_start3A_33 : memref<10240x64xf32, #tpu.memory_space<hbm>>) target(%arg14 : memref<256x64xf32, #tpu.memory_space<vmem>>) offsets(%arg6 : memref<256xi32, #tpu.memory_space<vmem>>) semaphore(%arg19 : memref<!tpu.dma_semaphore, #tpu.memory_space<semaphore_mem>>)
    %dma_start3A_34 = arith.constant 0 : i32
    %dma_start3A_35 = arith.constant 0 : i32
    %dma_start3A_36 = tpu.memref_slice %arg2[%arg0, %dma_start3A_34, %dma_start3A_35] : memref<2x10240x64xf32, #tpu.memory_space<hbm>> -> memref<1x10240x64xf32, #tpu.memory_space<hbm>>
    %dma_start3A_37 = tpu.memref_squeeze %dma_start3A_36 : memref<1x10240x64xf32, #tpu.memory_space<hbm>> -> memref<10240x64xf32, #tpu.memory_space<hbm>>
    %dma_start3A_38 = arith.constant 0 : i32
    %dma_start3A_39 = arith.constant 0 : i32
    %dma_start3A_40 = tpu.memref_slice %dma_start3A_37[%dma_start3A_38, %dma_start3A_39] : memref<10240x64xf32, #tpu.memory_space<hbm>> -> memref<10240x64xf32, #tpu.memory_space<hbm>>
    tpu.enqueue_indirect_dma source(%dma_start3A_40 : memref<10240x64xf32, #tpu.memory_space<hbm>>) target(%arg15 : memref<256x64xf32, #tpu.memory_space<vmem>>) offsets(%arg7 : memref<256xi32, #tpu.memory_space<vmem>>) semaphore(%arg20 : memref<!tpu.dma_semaphore, #tpu.memory_space<semaphore_mem>>)
    %dma_start3A_41 = arith.constant 0 : i32
    %dma_start3A_42 = arith.constant 0 : i32
    %dma_start3A_43 = tpu.memref_slice %arg2[%arg0, %dma_start3A_41, %dma_start3A_42] : memref<2x10240x64xf32, #tpu.memory_space<hbm>> -> memref<1x10240x64xf32, #tpu.memory_space<hbm>>
    %dma_start3A_44 = tpu.memref_squeeze %dma_start3A_43 : memref<1x10240x64xf32, #tpu.memory_space<hbm>> -> memref<10240x64xf32, #tpu.memory_space<hbm>>
    %dma_start3A_45 = arith.constant 0 : i32
    %dma_start3A_46 = arith.constant 0 : i32
    %dma_start3A_47 = tpu.memref_slice %dma_start3A_44[%dma_start3A_45, %dma_start3A_46] : memref<10240x64xf32, #tpu.memory_space<hbm>> -> memref<10240x64xf32, #tpu.memory_space<hbm>>
    tpu.enqueue_indirect_dma source(%dma_start3A_47 : memref<10240x64xf32, #tpu.memory_space<hbm>>) target(%arg16 : memref<256x64xf32, #tpu.memory_space<vmem>>) offsets(%arg8 : memref<256xi32, #tpu.memory_space<vmem>>) semaphore(%arg21 : memref<!tpu.dma_semaphore, #tpu.memory_space<semaphore_mem>>)
    %dma_start3A_48 = arith.constant 0 : i32
    %dma_start3A_49 = arith.constant 0 : i32
    %dma_start3A_50 = tpu.memref_slice %arg2[%arg0, %dma_start3A_48, %dma_start3A_49] : memref<2x10240x64xf32, #tpu.memory_space<hbm>> -> memref<1x10240x64xf32, #tpu.memory_space<hbm>>
    %dma_start3A_51 = tpu.memref_squeeze %dma_start3A_50 : memref<1x10240x64xf32, #tpu.memory_space<hbm>> -> memref<10240x64xf32, #tpu.memory_space<hbm>>
    %dma_start3A_52 = arith.constant 0 : i32
    %dma_start3A_53 = arith.constant 0 : i32
    %dma_start3A_54 = tpu.memref_slice %dma_start3A_51[%dma_start3A_52, %dma_start3A_53] : memref<10240x64xf32, #tpu.memory_space<hbm>> -> memref<10240x64xf32, #tpu.memory_space<hbm>>
    tpu.enqueue_indirect_dma source(%dma_start3A_54 : memref<10240x64xf32, #tpu.memory_space<hbm>>) target(%arg17 : memref<256x64xf32, #tpu.memory_space<vmem>>) offsets(%arg9 : memref<256xi32, #tpu.memory_space<vmem>>) semaphore(%arg22 : memref<!tpu.dma_semaphore, #tpu.memory_space<semaphore_mem>>)
    %dma_wait3A = arith.constant 0 : i32
    %dma_wait3A_55 = tpu.memref_slice %arg18[%mul3A_0, %dma_wait3A] : memref<10240x64xf32, #tpu.memory_space<vmem_shared>> -> memref<640x64xf32, #tpu.memory_space<vmem_shared>>
    %dma_wait3A_56 = arith.constant 0 : i32
    %dma_wait3A_57 = arith.constant 0 : i32
    %dma_wait3A_58 = tpu.memref_slice %arg2[%arg0, %dma_wait3A_56, %dma_wait3A_57] : memref<2x10240x64xf32, #tpu.memory_space<hbm>> -> memref<1x10240x64xf32, #tpu.memory_space<hbm>>
    %dma_wait3A_59 = tpu.memref_squeeze %dma_wait3A_58 : memref<1x10240x64xf32, #tpu.memory_space<hbm>> -> memref<10240x64xf32, #tpu.memory_space<hbm>>
    %dma_wait3A_60 = arith.constant 0 : i32
    %dma_wait3A_61 = tpu.memref_slice %dma_wait3A_59[%mul3A_0, %dma_wait3A_60] : memref<10240x64xf32, #tpu.memory_space<hbm>> -> memref<640x64xf32, #tpu.memory_space<hbm>>
    tpu.wait_dma2 semaphore(%arg31 : memref<!tpu.dma_semaphore, #tpu.memory_space<semaphore_mem>>) src(%dma_wait3A_61 : memref<640x64xf32, #tpu.memory_space<hbm>>) dst(%dma_wait3A_55 : memref<640x64xf32, #tpu.memory_space<vmem_shared>>)
    %barrier3A = arith.constant 0 : index
    tpu.barrier barrier_id(%barrier3A)
    %scan3A = arith.constant 0 : i32
    %scan3A_62 = arith.constant 20 : i32
    %scan3A_63 = arith.addi %scan3A, %scan3A_62 : i32
    %scan3A_64 = arith.constant 1 : i32
    scf.for %scan3A_67 = %scan3A to %scan3A_63 step %scan3A_64  : i32 {
      %mul3A_68 = arith.constant 4 : i32
      %mul3A_69 = arith.muli %scan3A_67, %mul3A_68 : i32
      %add3A_70 = arith.constant 0 : i32
      %add3A_71 = arith.addi %add3A_70, %mul3A_69 : i32
      %add3A_72 = arith.constant 0 : i32
      %add3A_73 = arith.addi %add3A_71, %add3A_72 : i32
      %dma_wait3A_74 = arith.constant 0 : i32
      %dma_wait3A_75 = arith.constant 0 : i32
      %dma_wait3A_76 = tpu.memref_slice %arg2[%arg0, %dma_wait3A_74, %dma_wait3A_75] : memref<2x10240x64xf32, #tpu.memory_space<hbm>> -> memref<1x10240x64xf32, #tpu.memory_space<hbm>>
      %dma_wait3A_77 = tpu.memref_squeeze %dma_wait3A_76 : memref<1x10240x64xf32, #tpu.memory_space<hbm>> -> memref<10240x64xf32, #tpu.memory_space<hbm>>
      %dma_wait3A_78 = arith.constant 0 : i32
      %dma_wait3A_79 = arith.constant 0 : i32
      %dma_wait3A_80 = tpu.memref_slice %dma_wait3A_77[%dma_wait3A_78, %dma_wait3A_79] : memref<10240x64xf32, #tpu.memory_space<hbm>> -> memref<128x64xf32, #tpu.memory_space<hbm>>
      %dma_wait3A_81 = arith.constant 0 : i32
      %dma_wait3A_82 = arith.constant 0 : i32
      %dma_wait3A_83 = tpu.memref_slice %arg2[%arg0, %dma_wait3A_81, %dma_wait3A_82] : memref<2x10240x64xf32, #tpu.memory_space<hbm>> -> memref<1x10240x64xf32, #tpu.memory_space<hbm>>
      %dma_wait3A_84 = tpu.memref_squeeze %dma_wait3A_83 : memref<1x10240x64xf32, #tpu.memory_space<hbm>> -> memref<10240x64xf32, #tpu.memory_space<hbm>>
      %dma_wait3A_85 = arith.constant 0 : i32
      %dma_wait3A_86 = arith.constant 0 : i32
      %dma_wait3A_87 = tpu.memref_slice %dma_wait3A_84[%dma_wait3A_85, %dma_wait3A_86] : memref<10240x64xf32, #tpu.memory_space<hbm>> -> memref<128x64xf32, #tpu.memory_space<hbm>>
      tpu.wait_dma2 semaphore(%arg19 : memref<!tpu.dma_semaphore, #tpu.memory_space<semaphore_mem>>) src(%dma_wait3A_87 : memref<128x64xf32, #tpu.memory_space<hbm>>) dst(%arg14 : memref<256x64xf32, #tpu.memory_space<vmem>>)
      %ge3A = arith.constant 4 : i32
      %ge3A_88 = arith.cmpi sge, %add3A_73, %ge3A : i32
      %convert_element_type3A = arith.extui %ge3A_88 : i1 to i32
      %cond3A = arith.constant 0 : i32
      %cond3A_89 = arith.cmpi ne, %convert_element_type3A, %cond3A : i32
      scf.if %cond3A_89 {
        %dma_wait3A_240 = arith.constant 0 : i32
        %dma_wait3A_241 = tpu.memref_slice %arg3[%dma_wait3A_240] : memref<327680xi32, #tpu.memory_space<hbm>> -> memref<256xi32, #tpu.memory_space<hbm>>
        %dma_wait3A_242 = arith.constant 0 : i32
        %dma_wait3A_243 = tpu.memref_slice %arg3[%dma_wait3A_242] : memref<327680xi32, #tpu.memory_space<hbm>> -> memref<256xi32, #tpu.memory_space<hbm>>
        tpu.wait_dma2 semaphore(%arg31 : memref<!tpu.dma_semaphore, #tpu.memory_space<semaphore_mem>>) src(%dma_wait3A_243 : memref<256xi32, #tpu.memory_space<hbm>>) dst(%arg10 : memref<256xi32, #tpu.memory_space<vmem>>)
      } else {
      }
      %dma_start3A_90 = arith.constant 0 : i32
      %dma_start3A_91 = arith.constant 0 : i32
      %dma_start3A_92 = tpu.memref_slice %arg18[%dma_start3A_90, %dma_start3A_91] : memref<10240x64xf32, #tpu.memory_space<vmem_shared>> -> memref<10240x64xf32, #tpu.memory_space<vmem_shared>>
      tpu.enqueue_indirect_dma source(%arg14 : memref<256x64xf32, #tpu.memory_space<vmem>>) target(%dma_start3A_92 : memref<10240x64xf32, #tpu.memory_space<vmem_shared>>) offsets(%arg10 : memref<256xi32, #tpu.memory_space<vmem>>) semaphore(%arg23 : memref<!tpu.dma_semaphore, #tpu.memory_space<semaphore_mem>>) {add = true}
      %add3A_93 = arith.constant 4 : i32
      %add3A_94 = arith.addi %add3A_73, %add3A_93 : i32
      %lt3A = arith.constant 80 : i32
      %lt3A_95 = arith.cmpi slt, %add3A_94, %lt3A : i32
      %convert_element_type3A_96 = arith.extui %lt3A_95 : i1 to i32
      %cond3A_97 = arith.constant 0 : i32
      %cond3A_98 = arith.cmpi ne, %convert_element_type3A_96, %cond3A_97 : i32
      scf.if %cond3A_98 {
        %add3A_240 = arith.constant 4 : i32
        %add3A_241 = arith.addi %add3A_73, %add3A_240 : i32
        %mul3A_242 = arith.constant 256 : i32
        %mul3A_243 = arith.muli %add3A_241, %mul3A_242 : i32
        %add3A_244 = arith.addi %mul3A_4, %mul3A_243 : i32
        %dma_start3A_245 = tpu.memref_slice %arg3[%add3A_244] : memref<327680xi32, #tpu.memory_space<hbm>> -> memref<256xi32, #tpu.memory_space<hbm>>
        %dma_start3A_246 = tpu.memref_slice %arg3[%add3A_244] : memref<327680xi32, #tpu.memory_space<hbm>> -> memref<256xi32, #tpu.memory_space<hbm>>
        tpu.enqueue_dma source(%dma_start3A_246 : memref<256xi32, #tpu.memory_space<hbm>>) target(%arg6 : memref<256xi32, #tpu.memory_space<vmem>>) target_semaphore(%arg27 : memref<!tpu.dma_semaphore, #tpu.memory_space<semaphore_mem>>)
      } else {
      }
      %add3A_99 = arith.constant 1 : i32
      %add3A_100 = arith.addi %add3A_71, %add3A_99 : i32
      %dma_wait3A_101 = arith.constant 0 : i32
      %dma_wait3A_102 = arith.constant 0 : i32
      %dma_wait3A_103 = tpu.memref_slice %arg2[%arg0, %dma_wait3A_101, %dma_wait3A_102] : memref<2x10240x64xf32, #tpu.memory_space<hbm>> -> memref<1x10240x64xf32, #tpu.memory_space<hbm>>
      %dma_wait3A_104 = tpu.memref_squeeze %dma_wait3A_103 : memref<1x10240x64xf32, #tpu.memory_space<hbm>> -> memref<10240x64xf32, #tpu.memory_space<hbm>>
      %dma_wait3A_105 = arith.constant 0 : i32
      %dma_wait3A_106 = arith.constant 0 : i32
      %dma_wait3A_107 = tpu.memref_slice %dma_wait3A_104[%dma_wait3A_105, %dma_wait3A_106] : memref<10240x64xf32, #tpu.memory_space<hbm>> -> memref<128x64xf32, #tpu.memory_space<hbm>>
      %dma_wait3A_108 = arith.constant 0 : i32
      %dma_wait3A_109 = arith.constant 0 : i32
      %dma_wait3A_110 = tpu.memref_slice %arg2[%arg0, %dma_wait3A_108, %dma_wait3A_109] : memref<2x10240x64xf32, #tpu.memory_space<hbm>> -> memref<1x10240x64xf32, #tpu.memory_space<hbm>>
      %dma_wait3A_111 = tpu.memref_squeeze %dma_wait3A_110 : memref<1x10240x64xf32, #tpu.memory_space<hbm>> -> memref<10240x64xf32, #tpu.memory_space<hbm>>
      %dma_wait3A_112 = arith.constant 0 : i32
      %dma_wait3A_113 = arith.constant 0 : i32
      %dma_wait3A_114 = tpu.memref_slice %dma_wait3A_111[%dma_wait3A_112, %dma_wait3A_113] : memref<10240x64xf32, #tpu.memory_space<hbm>> -> memref<128x64xf32, #tpu.memory_space<hbm>>
      tpu.wait_dma2 semaphore(%arg20 : memref<!tpu.dma_semaphore, #tpu.memory_space<semaphore_mem>>) src(%dma_wait3A_114 : memref<128x64xf32, #tpu.memory_space<hbm>>) dst(%arg15 : memref<256x64xf32, #tpu.memory_space<vmem>>)
      %ge3A_115 = arith.constant 4 : i32
      %ge3A_116 = arith.cmpi sge, %add3A_100, %ge3A_115 : i32
      %convert_element_type3A_117 = arith.extui %ge3A_116 : i1 to i32
      %cond3A_118 = arith.constant 0 : i32
      %cond3A_119 = arith.cmpi ne, %convert_element_type3A_117, %cond3A_118 : i32
      scf.if %cond3A_119 {
        %dma_wait3A_240 = arith.constant 0 : i32
        %dma_wait3A_241 = tpu.memref_slice %arg3[%dma_wait3A_240] : memref<327680xi32, #tpu.memory_space<hbm>> -> memref<256xi32, #tpu.memory_space<hbm>>
        %dma_wait3A_242 = arith.constant 0 : i32
        %dma_wait3A_243 = tpu.memref_slice %arg3[%dma_wait3A_242] : memref<327680xi32, #tpu.memory_space<hbm>> -> memref<256xi32, #tpu.memory_space<hbm>>
        tpu.wait_dma2 semaphore(%arg32 : memref<!tpu.dma_semaphore, #tpu.memory_space<semaphore_mem>>) src(%dma_wait3A_243 : memref<256xi32, #tpu.memory_space<hbm>>) dst(%arg11 : memref<256xi32, #tpu.memory_space<vmem>>)
      } else {
      }
      %dma_start3A_120 = arith.constant 0 : i32
      %dma_start3A_121 = arith.constant 0 : i32
      %dma_start3A_122 = tpu.memref_slice %arg18[%dma_start3A_120, %dma_start3A_121] : memref<10240x64xf32, #tpu.memory_space<vmem_shared>> -> memref<10240x64xf32, #tpu.memory_space<vmem_shared>>
      tpu.enqueue_indirect_dma source(%arg15 : memref<256x64xf32, #tpu.memory_space<vmem>>) target(%dma_start3A_122 : memref<10240x64xf32, #tpu.memory_space<vmem_shared>>) offsets(%arg11 : memref<256xi32, #tpu.memory_space<vmem>>) semaphore(%arg24 : memref<!tpu.dma_semaphore, #tpu.memory_space<semaphore_mem>>) {add = true}
      %add3A_123 = arith.constant 4 : i32
      %add3A_124 = arith.addi %add3A_100, %add3A_123 : i32
      %lt3A_125 = arith.constant 80 : i32
      %lt3A_126 = arith.cmpi slt, %add3A_124, %lt3A_125 : i32
      %convert_element_type3A_127 = arith.extui %lt3A_126 : i1 to i32
      %cond3A_128 = arith.constant 0 : i32
      %cond3A_129 = arith.cmpi ne, %convert_element_type3A_127, %cond3A_128 : i32
      scf.if %cond3A_129 {
        %add3A_240 = arith.constant 4 : i32
        %add3A_241 = arith.addi %add3A_100, %add3A_240 : i32
        %mul3A_242 = arith.constant 256 : i32
        %mul3A_243 = arith.muli %add3A_241, %mul3A_242 : i32
        %add3A_244 = arith.addi %mul3A_4, %mul3A_243 : i32
        %dma_start3A_245 = tpu.memref_slice %arg3[%add3A_244] : memref<327680xi32, #tpu.memory_space<hbm>> -> memref<256xi32, #tpu.memory_space<hbm>>
        %dma_start3A_246 = tpu.memref_slice %arg3[%add3A_244] : memref<327680xi32, #tpu.memory_space<hbm>> -> memref<256xi32, #tpu.memory_space<hbm>>
        tpu.enqueue_dma source(%dma_start3A_246 : memref<256xi32, #tpu.memory_space<hbm>>) target(%arg7 : memref<256xi32, #tpu.memory_space<vmem>>) target_semaphore(%arg28 : memref<!tpu.dma_semaphore, #tpu.memory_space<semaphore_mem>>)
      } else {
      }
      %add3A_130 = arith.constant 2 : i32
      %add3A_131 = arith.addi %add3A_71, %add3A_130 : i32
      %dma_wait3A_132 = arith.constant 0 : i32
      %dma_wait3A_133 = arith.constant 0 : i32
      %dma_wait3A_134 = tpu.memref_slice %arg2[%arg0, %dma_wait3A_132, %dma_wait3A_133] : memref<2x10240x64xf32, #tpu.memory_space<hbm>> -> memref<1x10240x64xf32, #tpu.memory_space<hbm>>
      %dma_wait3A_135 = tpu.memref_squeeze %dma_wait3A_134 : memref<1x10240x64xf32, #tpu.memory_space<hbm>> -> memref<10240x64xf32, #tpu.memory_space<hbm>>
      %dma_wait3A_136 = arith.constant 0 : i32
      %dma_wait3A_137 = arith.constant 0 : i32
      %dma_wait3A_138 = tpu.memref_slice %dma_wait3A_135[%dma_wait3A_136, %dma_wait3A_137] : memref<10240x64xf32, #tpu.memory_space<hbm>> -> memref<128x64xf32, #tpu.memory_space<hbm>>
      %dma_wait3A_139 = arith.constant 0 : i32
      %dma_wait3A_140 = arith.constant 0 : i32
      %dma_wait3A_141 = tpu.memref_slice %arg2[%arg0, %dma_wait3A_139, %dma_wait3A_140] : memref<2x10240x64xf32, #tpu.memory_space<hbm>> -> memref<1x10240x64xf32, #tpu.memory_space<hbm>>
      %dma_wait3A_142 = tpu.memref_squeeze %dma_wait3A_141 : memref<1x10240x64xf32, #tpu.memory_space<hbm>> -> memref<10240x64xf32, #tpu.memory_space<hbm>>
      %dma_wait3A_143 = arith.constant 0 : i32
      %dma_wait3A_144 = arith.constant 0 : i32
      %dma_wait3A_145 = tpu.memref_slice %dma_wait3A_142[%dma_wait3A_143, %dma_wait3A_144] : memref<10240x64xf32, #tpu.memory_space<hbm>> -> memref<128x64xf32, #tpu.memory_space<hbm>>
      tpu.wait_dma2 semaphore(%arg21 : memref<!tpu.dma_semaphore, #tpu.memory_space<semaphore_mem>>) src(%dma_wait3A_145 : memref<128x64xf32, #tpu.memory_space<hbm>>) dst(%arg16 : memref<256x64xf32, #tpu.memory_space<vmem>>)
      %ge3A_146 = arith.constant 4 : i32
      %ge3A_147 = arith.cmpi sge, %add3A_131, %ge3A_146 : i32
      %convert_element_type3A_148 = arith.extui %ge3A_147 : i1 to i32
      %cond3A_149 = arith.constant 0 : i32
      %cond3A_150 = arith.cmpi ne, %convert_element_type3A_148, %cond3A_149 : i32
      scf.if %cond3A_150 {
        %dma_wait3A_240 = arith.constant 0 : i32
        %dma_wait3A_241 = tpu.memref_slice %arg3[%dma_wait3A_240] : memref<327680xi32, #tpu.memory_space<hbm>> -> memref<256xi32, #tpu.memory_space<hbm>>
        %dma_wait3A_242 = arith.constant 0 : i32
        %dma_wait3A_243 = tpu.memref_slice %arg3[%dma_wait3A_242] : memref<327680xi32, #tpu.memory_space<hbm>> -> memref<256xi32, #tpu.memory_space<hbm>>
        tpu.wait_dma2 semaphore(%arg33 : memref<!tpu.dma_semaphore, #tpu.memory_space<semaphore_mem>>) src(%dma_wait3A_243 : memref<256xi32, #tpu.memory_space<hbm>>) dst(%arg12 : memref<256xi32, #tpu.memory_space<vmem>>)
      } else {
      }
      %dma_start3A_151 = arith.constant 0 : i32
      %dma_start3A_152 = arith.constant 0 : i32
      %dma_start3A_153 = tpu.memref_slice %arg18[%dma_start3A_151, %dma_start3A_152] : memref<10240x64xf32, #tpu.memory_space<vmem_shared>> -> memref<10240x64xf32, #tpu.memory_space<vmem_shared>>
      tpu.enqueue_indirect_dma source(%arg16 : memref<256x64xf32, #tpu.memory_space<vmem>>) target(%dma_start3A_153 : memref<10240x64xf32, #tpu.memory_space<vmem_shared>>) offsets(%arg12 : memref<256xi32, #tpu.memory_space<vmem>>) semaphore(%arg25 : memref<!tpu.dma_semaphore, #tpu.memory_space<semaphore_mem>>) {add = true}
      %add3A_154 = arith.constant 4 : i32
      %add3A_155 = arith.addi %add3A_131, %add3A_154 : i32
      %lt3A_156 = arith.constant 80 : i32
      %lt3A_157 = arith.cmpi slt, %add3A_155, %lt3A_156 : i32
      %convert_element_type3A_158 = arith.extui %lt3A_157 : i1 to i32
      %cond3A_159 = arith.constant 0 : i32
      %cond3A_160 = arith.cmpi ne, %convert_element_type3A_158, %cond3A_159 : i32
      scf.if %cond3A_160 {
        %add3A_240 = arith.constant 4 : i32
        %add3A_241 = arith.addi %add3A_131, %add3A_240 : i32
        %mul3A_242 = arith.constant 256 : i32
        %mul3A_243 = arith.muli %add3A_241, %mul3A_242 : i32
        %add3A_244 = arith.addi %mul3A_4, %mul3A_243 : i32
        %dma_start3A_245 = tpu.memref_slice %arg3[%add3A_244] : memref<327680xi32, #tpu.memory_space<hbm>> -> memref<256xi32, #tpu.memory_space<hbm>>
        %dma_start3A_246 = tpu.memref_slice %arg3[%add3A_244] : memref<327680xi32, #tpu.memory_space<hbm>> -> memref<256xi32, #tpu.memory_space<hbm>>
        tpu.enqueue_dma source(%dma_start3A_246 : memref<256xi32, #tpu.memory_space<hbm>>) target(%arg8 : memref<256xi32, #tpu.memory_space<vmem>>) target_semaphore(%arg29 : memref<!tpu.dma_semaphore, #tpu.memory_space<semaphore_mem>>)
      } else {
      }
      %add3A_161 = arith.constant 3 : i32
      %add3A_162 = arith.addi %add3A_71, %add3A_161 : i32
      %dma_wait3A_163 = arith.constant 0 : i32
      %dma_wait3A_164 = arith.constant 0 : i32
      %dma_wait3A_165 = tpu.memref_slice %arg2[%arg0, %dma_wait3A_163, %dma_wait3A_164] : memref<2x10240x64xf32, #tpu.memory_space<hbm>> -> memref<1x10240x64xf32, #tpu.memory_space<hbm>>
      %dma_wait3A_166 = tpu.memref_squeeze %dma_wait3A_165 : memref<1x10240x64xf32, #tpu.memory_space<hbm>> -> memref<10240x64xf32, #tpu.memory_space<hbm>>
      %dma_wait3A_167 = arith.constant 0 : i32
      %dma_wait3A_168 = arith.constant 0 : i32
      %dma_wait3A_169 = tpu.memref_slice %dma_wait3A_166[%dma_wait3A_167, %dma_wait3A_168] : memref<10240x64xf32, #tpu.memory_space<hbm>> -> memref<128x64xf32, #tpu.memory_space<hbm>>
      %dma_wait3A_170 = arith.constant 0 : i32
      %dma_wait3A_171 = arith.constant 0 : i32
      %dma_wait3A_172 = tpu.memref_slice %arg2[%arg0, %dma_wait3A_170, %dma_wait3A_171] : memref<2x10240x64xf32, #tpu.memory_space<hbm>> -> memref<1x10240x64xf32, #tpu.memory_space<hbm>>
      %dma_wait3A_173 = tpu.memref_squeeze %dma_wait3A_172 : memref<1x10240x64xf32, #tpu.memory_space<hbm>> -> memref<10240x64xf32, #tpu.memory_space<hbm>>
      %dma_wait3A_174 = arith.constant 0 : i32
      %dma_wait3A_175 = arith.constant 0 : i32
      %dma_wait3A_176 = tpu.memref_slice %dma_wait3A_173[%dma_wait3A_174, %dma_wait3A_175] : memref<10240x64xf32, #tpu.memory_space<hbm>> -> memref<128x64xf32, #tpu.memory_space<hbm>>
      tpu.wait_dma2 semaphore(%arg22 : memref<!tpu.dma_semaphore, #tpu.memory_space<semaphore_mem>>) src(%dma_wait3A_176 : memref<128x64xf32, #tpu.memory_space<hbm>>) dst(%arg17 : memref<256x64xf32, #tpu.memory_space<vmem>>)
      %ge3A_177 = arith.constant 4 : i32
      %ge3A_178 = arith.cmpi sge, %add3A_162, %ge3A_177 : i32
      %convert_element_type3A_179 = arith.extui %ge3A_178 : i1 to i32
      %cond3A_180 = arith.constant 0 : i32
      %cond3A_181 = arith.cmpi ne, %convert_element_type3A_179, %cond3A_180 : i32
      scf.if %cond3A_181 {
        %dma_wait3A_240 = arith.constant 0 : i32
        %dma_wait3A_241 = tpu.memref_slice %arg3[%dma_wait3A_240] : memref<327680xi32, #tpu.memory_space<hbm>> -> memref<256xi32, #tpu.memory_space<hbm>>
        %dma_wait3A_242 = arith.constant 0 : i32
        %dma_wait3A_243 = tpu.memref_slice %arg3[%dma_wait3A_242] : memref<327680xi32, #tpu.memory_space<hbm>> -> memref<256xi32, #tpu.memory_space<hbm>>
        tpu.wait_dma2 semaphore(%arg34 : memref<!tpu.dma_semaphore, #tpu.memory_space<semaphore_mem>>) src(%dma_wait3A_243 : memref<256xi32, #tpu.memory_space<hbm>>) dst(%arg13 : memref<256xi32, #tpu.memory_space<vmem>>)
      } else {
      }
      %dma_start3A_182 = arith.constant 0 : i32
      %dma_start3A_183 = arith.constant 0 : i32
      %dma_start3A_184 = tpu.memref_slice %arg18[%dma_start3A_182, %dma_start3A_183] : memref<10240x64xf32, #tpu.memory_space<vmem_shared>> -> memref<10240x64xf32, #tpu.memory_space<vmem_shared>>
      tpu.enqueue_indirect_dma source(%arg17 : memref<256x64xf32, #tpu.memory_space<vmem>>) target(%dma_start3A_184 : memref<10240x64xf32, #tpu.memory_space<vmem_shared>>) offsets(%arg13 : memref<256xi32, #tpu.memory_space<vmem>>) semaphore(%arg26 : memref<!tpu.dma_semaphore, #tpu.memory_space<semaphore_mem>>) {add = true}
      %add3A_185 = arith.constant 4 : i32
      %add3A_186 = arith.addi %add3A_162, %add3A_185 : i32
      %lt3A_187 = arith.constant 80 : i32
      %lt3A_188 = arith.cmpi slt, %add3A_186, %lt3A_187 : i32
      %convert_element_type3A_189 = arith.extui %lt3A_188 : i1 to i32
      %cond3A_190 = arith.constant 0 : i32
      %cond3A_191 = arith.cmpi ne, %convert_element_type3A_189, %cond3A_190 : i32
      scf.if %cond3A_191 {
        %add3A_240 = arith.constant 4 : i32
        %add3A_241 = arith.addi %add3A_162, %add3A_240 : i32
        %mul3A_242 = arith.constant 256 : i32
        %mul3A_243 = arith.muli %add3A_241, %mul3A_242 : i32
        %add3A_244 = arith.addi %mul3A_4, %mul3A_243 : i32
        %dma_start3A_245 = tpu.memref_slice %arg3[%add3A_244] : memref<327680xi32, #tpu.memory_space<hbm>> -> memref<256xi32, #tpu.memory_space<hbm>>
        %dma_start3A_246 = tpu.memref_slice %arg3[%add3A_244] : memref<327680xi32, #tpu.memory_space<hbm>> -> memref<256xi32, #tpu.memory_space<hbm>>
        tpu.enqueue_dma source(%dma_start3A_246 : memref<256xi32, #tpu.memory_space<hbm>>) target(%arg9 : memref<256xi32, #tpu.memory_space<vmem>>) target_semaphore(%arg30 : memref<!tpu.dma_semaphore, #tpu.memory_space<semaphore_mem>>)
      } else {
      }
      %add3A_192 = arith.constant 0 : i32
      %add3A_193 = arith.addi %add3A_71, %add3A_192 : i32
      %dma_wait3A_194 = arith.constant 0 : i32
      %dma_wait3A_195 = arith.constant 0 : i32
      %dma_wait3A_196 = tpu.memref_slice %arg18[%dma_wait3A_194, %dma_wait3A_195] : memref<10240x64xf32, #tpu.memory_space<vmem_shared>> -> memref<10240x64xf32, #tpu.memory_space<vmem_shared>>
      tpu.wait_indirect_dma semaphore(%arg23 : memref<!tpu.dma_semaphore, #tpu.memory_space<semaphore_mem>>) src(%arg14 : memref<256x64xf32, #tpu.memory_space<vmem>>) dst(%dma_wait3A_196 : memref<10240x64xf32, #tpu.memory_space<vmem_shared>>)
      %add3A_197 = arith.constant 4 : i32
      %add3A_198 = arith.addi %add3A_193, %add3A_197 : i32
      %lt3A_199 = arith.constant 80 : i32
      %lt3A_200 = arith.cmpi slt, %add3A_198, %lt3A_199 : i32
      %convert_element_type3A_201 = arith.extui %lt3A_200 : i1 to i32
      %cond3A_202 = arith.constant 0 : i32
      %cond3A_203 = arith.cmpi ne, %convert_element_type3A_201, %cond3A_202 : i32
      scf.if %cond3A_203 {
        %add3A_240 = arith.constant 4 : i32
        %add3A_241 = arith.addi %add3A_193, %add3A_240 : i32
        %mul3A_242 = arith.constant 256 : i32
        %mul3A_243 = arith.muli %add3A_241, %mul3A_242 : i32
        %add3A_244 = arith.addi %mul3A_4, %mul3A_243 : i32
        %dma_start3A_245 = tpu.memref_slice %arg4[%add3A_244] : memref<327680xi32, #tpu.memory_space<hbm>> -> memref<256xi32, #tpu.memory_space<hbm>>
        %dma_start3A_246 = tpu.memref_slice %arg4[%add3A_244] : memref<327680xi32, #tpu.memory_space<hbm>> -> memref<256xi32, #tpu.memory_space<hbm>>
        tpu.enqueue_dma source(%dma_start3A_246 : memref<256xi32, #tpu.memory_space<hbm>>) target(%arg10 : memref<256xi32, #tpu.memory_space<vmem>>) target_semaphore(%arg31 : memref<!tpu.dma_semaphore, #tpu.memory_space<semaphore_mem>>)
        %dma_wait3A_247 = arith.constant 0 : i32
        %dma_wait3A_248 = tpu.memref_slice %arg3[%dma_wait3A_247] : memref<327680xi32, #tpu.memory_space<hbm>> -> memref<256xi32, #tpu.memory_space<hbm>>
        %dma_wait3A_249 = arith.constant 0 : i32
        %dma_wait3A_250 = tpu.memref_slice %arg3[%dma_wait3A_249] : memref<327680xi32, #tpu.memory_space<hbm>> -> memref<256xi32, #tpu.memory_space<hbm>>
        tpu.wait_dma2 semaphore(%arg27 : memref<!tpu.dma_semaphore, #tpu.memory_space<semaphore_mem>>) src(%dma_wait3A_250 : memref<256xi32, #tpu.memory_space<hbm>>) dst(%arg6 : memref<256xi32, #tpu.memory_space<vmem>>)
        %add3A_251 = arith.constant 4 : i32
        %add3A_252 = arith.addi %add3A_193, %add3A_251 : i32
        %dma_start3A_253 = arith.constant 0 : i32
        %dma_start3A_254 = arith.constant 0 : i32
        %dma_start3A_255 = tpu.memref_slice %arg2[%arg0, %dma_start3A_253, %dma_start3A_254] : memref<2x10240x64xf32, #tpu.memory_space<hbm>> -> memref<1x10240x64xf32, #tpu.memory_space<hbm>>
        %dma_start3A_256 = tpu.memref_squeeze %dma_start3A_255 : memref<1x10240x64xf32, #tpu.memory_space<hbm>> -> memref<10240x64xf32, #tpu.memory_space<hbm>>
        %dma_start3A_257 = arith.constant 0 : i32
        %dma_start3A_258 = arith.constant 0 : i32
        %dma_start3A_259 = tpu.memref_slice %dma_start3A_256[%dma_start3A_257, %dma_start3A_258] : memref<10240x64xf32, #tpu.memory_space<hbm>> -> memref<10240x64xf32, #tpu.memory_space<hbm>>
        tpu.enqueue_indirect_dma source(%dma_start3A_259 : memref<10240x64xf32, #tpu.memory_space<hbm>>) target(%arg14 : memref<256x64xf32, #tpu.memory_space<vmem>>) offsets(%arg6 : memref<256xi32, #tpu.memory_space<vmem>>) semaphore(%arg19 : memref<!tpu.dma_semaphore, #tpu.memory_space<semaphore_mem>>)
      } else {
      }
      %add3A_204 = arith.constant 1 : i32
      %add3A_205 = arith.addi %add3A_71, %add3A_204 : i32
      %dma_wait3A_206 = arith.constant 0 : i32
      %dma_wait3A_207 = arith.constant 0 : i32
      %dma_wait3A_208 = tpu.memref_slice %arg18[%dma_wait3A_206, %dma_wait3A_207] : memref<10240x64xf32, #tpu.memory_space<vmem_shared>> -> memref<10240x64xf32, #tpu.memory_space<vmem_shared>>
      tpu.wait_indirect_dma semaphore(%arg24 : memref<!tpu.dma_semaphore, #tpu.memory_space<semaphore_mem>>) src(%arg15 : memref<256x64xf32, #tpu.memory_space<vmem>>) dst(%dma_wait3A_208 : memref<10240x64xf32, #tpu.memory_space<vmem_shared>>)
      %add3A_209 = arith.constant 4 : i32
      %add3A_210 = arith.addi %add3A_205, %add3A_209 : i32
      %lt3A_211 = arith.constant 80 : i32
      %lt3A_212 = arith.cmpi slt, %add3A_210, %lt3A_211 : i32
      %convert_element_type3A_213 = arith.extui %lt3A_212 : i1 to i32
      %cond3A_214 = arith.constant 0 : i32
      %cond3A_215 = arith.cmpi ne, %convert_element_type3A_213, %cond3A_214 : i32
      scf.if %cond3A_215 {
        %add3A_240 = arith.constant 4 : i32
        %add3A_241 = arith.addi %add3A_205, %add3A_240 : i32
        %mul3A_242 = arith.constant 256 : i32
        %mul3A_243 = arith.muli %add3A_241, %mul3A_242 : i32
        %add3A_244 = arith.addi %mul3A_4, %mul3A_243 : i32
        %dma_start3A_245 = tpu.memref_slice %arg4[%add3A_244] : memref<327680xi32, #tpu.memory_space<hbm>> -> memref<256xi32, #tpu.memory_space<hbm>>
        %dma_start3A_246 = tpu.memref_slice %arg4[%add3A_244] : memref<327680xi32, #tpu.memory_space<hbm>> -> memref<256xi32, #tpu.memory_space<hbm>>
        tpu.enqueue_dma source(%dma_start3A_246 : memref<256xi32, #tpu.memory_space<hbm>>) target(%arg11 : memref<256xi32, #tpu.memory_space<vmem>>) target_semaphore(%arg32 : memref<!tpu.dma_semaphore, #tpu.memory_space<semaphore_mem>>)
        %dma_wait3A_247 = arith.constant 0 : i32
        %dma_wait3A_248 = tpu.memref_slice %arg3[%dma_wait3A_247] : memref<327680xi32, #tpu.memory_space<hbm>> -> memref<256xi32, #tpu.memory_space<hbm>>
        %dma_wait3A_249 = arith.constant 0 : i32
        %dma_wait3A_250 = tpu.memref_slice %arg3[%dma_wait3A_249] : memref<327680xi32, #tpu.memory_space<hbm>> -> memref<256xi32, #tpu.memory_space<hbm>>
        tpu.wait_dma2 semaphore(%arg28 : memref<!tpu.dma_semaphore, #tpu.memory_space<semaphore_mem>>) src(%dma_wait3A_250 : memref<256xi32, #tpu.memory_space<hbm>>) dst(%arg7 : memref<256xi32, #tpu.memory_space<vmem>>)
        %add3A_251 = arith.constant 4 : i32
        %add3A_252 = arith.addi %add3A_205, %add3A_251 : i32
        %dma_start3A_253 = arith.constant 0 : i32
        %dma_start3A_254 = arith.constant 0 : i32
        %dma_start3A_255 = tpu.memref_slice %arg2[%arg0, %dma_start3A_253, %dma_start3A_254] : memref<2x10240x64xf32, #tpu.memory_space<hbm>> -> memref<1x10240x64xf32, #tpu.memory_space<hbm>>
        %dma_start3A_256 = tpu.memref_squeeze %dma_start3A_255 : memref<1x10240x64xf32, #tpu.memory_space<hbm>> -> memref<10240x64xf32, #tpu.memory_space<hbm>>
        %dma_start3A_257 = arith.constant 0 : i32
        %dma_start3A_258 = arith.constant 0 : i32
        %dma_start3A_259 = tpu.memref_slice %dma_start3A_256[%dma_start3A_257, %dma_start3A_258] : memref<10240x64xf32, #tpu.memory_space<hbm>> -> memref<10240x64xf32, #tpu.memory_space<hbm>>
        tpu.enqueue_indirect_dma source(%dma_start3A_259 : memref<10240x64xf32, #tpu.memory_space<hbm>>) target(%arg15 : memref<256x64xf32, #tpu.memory_space<vmem>>) offsets(%arg7 : memref<256xi32, #tpu.memory_space<vmem>>) semaphore(%arg20 : memref<!tpu.dma_semaphore, #tpu.memory_space<semaphore_mem>>)
      } else {
      }
      %add3A_216 = arith.constant 2 : i32
      %add3A_217 = arith.addi %add3A_71, %add3A_216 : i32
      %dma_wait3A_218 = arith.constant 0 : i32
      %dma_wait3A_219 = arith.constant 0 : i32
      %dma_wait3A_220 = tpu.memref_slice %arg18[%dma_wait3A_218, %dma_wait3A_219] : memref<10240x64xf32, #tpu.memory_space<vmem_shared>> -> memref<10240x64xf32, #tpu.memory_space<vmem_shared>>
      tpu.wait_indirect_dma semaphore(%arg25 : memref<!tpu.dma_semaphore, #tpu.memory_space<semaphore_mem>>) src(%arg16 : memref<256x64xf32, #tpu.memory_space<vmem>>) dst(%dma_wait3A_220 : memref<10240x64xf32, #tpu.memory_space<vmem_shared>>)
      %add3A_221 = arith.constant 4 : i32
      %add3A_222 = arith.addi %add3A_217, %add3A_221 : i32
      %lt3A_223 = arith.constant 80 : i32
      %lt3A_224 = arith.cmpi slt, %add3A_222, %lt3A_223 : i32
      %convert_element_type3A_225 = arith.extui %lt3A_224 : i1 to i32
      %cond3A_226 = arith.constant 0 : i32
      %cond3A_227 = arith.cmpi ne, %convert_element_type3A_225, %cond3A_226 : i32
      scf.if %cond3A_227 {
        %add3A_240 = arith.constant 4 : i32
        %add3A_241 = arith.addi %add3A_217, %add3A_240 : i32
        %mul3A_242 = arith.constant 256 : i32
        %mul3A_243 = arith.muli %add3A_241, %mul3A_242 : i32
        %add3A_244 = arith.addi %mul3A_4, %mul3A_243 : i32
        %dma_start3A_245 = tpu.memref_slice %arg4[%add3A_244] : memref<327680xi32, #tpu.memory_space<hbm>> -> memref<256xi32, #tpu.memory_space<hbm>>
        %dma_start3A_246 = tpu.memref_slice %arg4[%add3A_244] : memref<327680xi32, #tpu.memory_space<hbm>> -> memref<256xi32, #tpu.memory_space<hbm>>
        tpu.enqueue_dma source(%dma_start3A_246 : memref<256xi32, #tpu.memory_space<hbm>>) target(%arg12 : memref<256xi32, #tpu.memory_space<vmem>>) target_semaphore(%arg33 : memref<!tpu.dma_semaphore, #tpu.memory_space<semaphore_mem>>)
        %dma_wait3A_247 = arith.constant 0 : i32
        %dma_wait3A_248 = tpu.memref_slice %arg3[%dma_wait3A_247] : memref<327680xi32, #tpu.memory_space<hbm>> -> memref<256xi32, #tpu.memory_space<hbm>>
        %dma_wait3A_249 = arith.constant 0 : i32
        %dma_wait3A_250 = tpu.memref_slice %arg3[%dma_wait3A_249] : memref<327680xi32, #tpu.memory_space<hbm>> -> memref<256xi32, #tpu.memory_space<hbm>>
        tpu.wait_dma2 semaphore(%arg29 : memref<!tpu.dma_semaphore, #tpu.memory_space<semaphore_mem>>) src(%dma_wait3A_250 : memref<256xi32, #tpu.memory_space<hbm>>) dst(%arg8 : memref<256xi32, #tpu.memory_space<vmem>>)
        %add3A_251 = arith.constant 4 : i32
        %add3A_252 = arith.addi %add3A_217, %add3A_251 : i32
        %dma_start3A_253 = arith.constant 0 : i32
        %dma_start3A_254 = arith.constant 0 : i32
        %dma_start3A_255 = tpu.memref_slice %arg2[%arg0, %dma_start3A_253, %dma_start3A_254] : memref<2x10240x64xf32, #tpu.memory_space<hbm>> -> memref<1x10240x64xf32, #tpu.memory_space<hbm>>
        %dma_start3A_256 = tpu.memref_squeeze %dma_start3A_255 : memref<1x10240x64xf32, #tpu.memory_space<hbm>> -> memref<10240x64xf32, #tpu.memory_space<hbm>>
        %dma_start3A_257 = arith.constant 0 : i32
        %dma_start3A_258 = arith.constant 0 : i32
        %dma_start3A_259 = tpu.memref_slice %dma_start3A_256[%dma_start3A_257, %dma_start3A_258] : memref<10240x64xf32, #tpu.memory_space<hbm>> -> memref<10240x64xf32, #tpu.memory_space<hbm>>
        tpu.enqueue_indirect_dma source(%dma_start3A_259 : memref<10240x64xf32, #tpu.memory_space<hbm>>) target(%arg16 : memref<256x64xf32, #tpu.memory_space<vmem>>) offsets(%arg8 : memref<256xi32, #tpu.memory_space<vmem>>) semaphore(%arg21 : memref<!tpu.dma_semaphore, #tpu.memory_space<semaphore_mem>>)
      } else {
      }
      %add3A_228 = arith.constant 3 : i32
      %add3A_229 = arith.addi %add3A_71, %add3A_228 : i32
      %dma_wait3A_230 = arith.constant 0 : i32
      %dma_wait3A_231 = arith.constant 0 : i32
      %dma_wait3A_232 = tpu.memref_slice %arg18[%dma_wait3A_230, %dma_wait3A_231] : memref<10240x64xf32, #tpu.memory_space<vmem_shared>> -> memref<10240x64xf32, #tpu.memory_space<vmem_shared>>
      tpu.wait_indirect_dma semaphore(%arg26 : memref<!tpu.dma_semaphore, #tpu.memory_space<semaphore_mem>>) src(%arg17 : memref<256x64xf32, #tpu.memory_space<vmem>>) dst(%dma_wait3A_232 : memref<10240x64xf32, #tpu.memory_space<vmem_shared>>)
      %add3A_233 = arith.constant 4 : i32
      %add3A_234 = arith.addi %add3A_229, %add3A_233 : i32
      %lt3A_235 = arith.constant 80 : i32
      %lt3A_236 = arith.cmpi slt, %add3A_234, %lt3A_235 : i32
      %convert_element_type3A_237 = arith.extui %lt3A_236 : i1 to i32
      %cond3A_238 = arith.constant 0 : i32
      %cond3A_239 = arith.cmpi ne, %convert_element_type3A_237, %cond3A_238 : i32
      scf.if %cond3A_239 {
        %add3A_240 = arith.constant 4 : i32
        %add3A_241 = arith.addi %add3A_229, %add3A_240 : i32
        %mul3A_242 = arith.constant 256 : i32
        %mul3A_243 = arith.muli %add3A_241, %mul3A_242 : i32
        %add3A_244 = arith.addi %mul3A_4, %mul3A_243 : i32
        %dma_start3A_245 = tpu.memref_slice %arg4[%add3A_244] : memref<327680xi32, #tpu.memory_space<hbm>> -> memref<256xi32, #tpu.memory_space<hbm>>
        %dma_start3A_246 = tpu.memref_slice %arg4[%add3A_244] : memref<327680xi32, #tpu.memory_space<hbm>> -> memref<256xi32, #tpu.memory_space<hbm>>
        tpu.enqueue_dma source(%dma_start3A_246 : memref<256xi32, #tpu.memory_space<hbm>>) target(%arg13 : memref<256xi32, #tpu.memory_space<vmem>>) target_semaphore(%arg34 : memref<!tpu.dma_semaphore, #tpu.memory_space<semaphore_mem>>)
        %dma_wait3A_247 = arith.constant 0 : i32
        %dma_wait3A_248 = tpu.memref_slice %arg3[%dma_wait3A_247] : memref<327680xi32, #tpu.memory_space<hbm>> -> memref<256xi32, #tpu.memory_space<hbm>>
        %dma_wait3A_249 = arith.constant 0 : i32
        %dma_wait3A_250 = tpu.memref_slice %arg3[%dma_wait3A_249] : memref<327680xi32, #tpu.memory_space<hbm>> -> memref<256xi32, #tpu.memory_space<hbm>>
        tpu.wait_dma2 semaphore(%arg30 : memref<!tpu.dma_semaphore, #tpu.memory_space<semaphore_mem>>) src(%dma_wait3A_250 : memref<256xi32, #tpu.memory_space<hbm>>) dst(%arg9 : memref<256xi32, #tpu.memory_space<vmem>>)
        %add3A_251 = arith.constant 4 : i32
        %add3A_252 = arith.addi %add3A_229, %add3A_251 : i32
        %dma_start3A_253 = arith.constant 0 : i32
        %dma_start3A_254 = arith.constant 0 : i32
        %dma_start3A_255 = tpu.memref_slice %arg2[%arg0, %dma_start3A_253, %dma_start3A_254] : memref<2x10240x64xf32, #tpu.memory_space<hbm>> -> memref<1x10240x64xf32, #tpu.memory_space<hbm>>
        %dma_start3A_256 = tpu.memref_squeeze %dma_start3A_255 : memref<1x10240x64xf32, #tpu.memory_space<hbm>> -> memref<10240x64xf32, #tpu.memory_space<hbm>>
        %dma_start3A_257 = arith.constant 0 : i32
        %dma_start3A_258 = arith.constant 0 : i32
        %dma_start3A_259 = tpu.memref_slice %dma_start3A_256[%dma_start3A_257, %dma_start3A_258] : memref<10240x64xf32, #tpu.memory_space<hbm>> -> memref<10240x64xf32, #tpu.memory_space<hbm>>
        tpu.enqueue_indirect_dma source(%dma_start3A_259 : memref<10240x64xf32, #tpu.memory_space<hbm>>) target(%arg17 : memref<256x64xf32, #tpu.memory_space<vmem>>) offsets(%arg9 : memref<256xi32, #tpu.memory_space<vmem>>) semaphore(%arg22 : memref<!tpu.dma_semaphore, #tpu.memory_space<semaphore_mem>>)
      } else {
      }
    }
    %scan3A_65 = arith.constant 20 : i32
    %barrier3A_66 = arith.constant 0 : index
    tpu.barrier barrier_id(%barrier3A_66)
    "tpu.region"() ({
      %run_scoped3A = tpu.sem_alloc : memref<!tpu.dma_semaphore, #tpu.memory_space<semaphore_mem>>
      %dma_start3A_67 = arith.constant 0 : i32
      %dma_start3A_68 = arith.constant 0 : i32
      %dma_start3A_69 = tpu.memref_slice %arg5[%arg0, %dma_start3A_67, %dma_start3A_68] : memref<2x10240x64xf32, #tpu.memory_space<hbm>> -> memref<1x10240x64xf32, #tpu.memory_space<hbm>>
      %dma_start3A_70 = tpu.memref_squeeze %dma_start3A_69 : memref<1x10240x64xf32, #tpu.memory_space<hbm>> -> memref<10240x64xf32, #tpu.memory_space<hbm>>
      %dma_start3A_71 = arith.constant 0 : i32
      %dma_start3A_72 = tpu.memref_slice %dma_start3A_70[%mul3A_0, %dma_start3A_71] : memref<10240x64xf32, #tpu.memory_space<hbm>> -> memref<640x64xf32, #tpu.memory_space<hbm>>
      %dma_start3A_73 = arith.constant 0 : i32
      %dma_start3A_74 = tpu.memref_slice %arg18[%mul3A_0, %dma_start3A_73] : memref<10240x64xf32, #tpu.memory_space<vmem_shared>> -> memref<640x64xf32, #tpu.memory_space<vmem_shared>>
      tpu.enqueue_dma source(%dma_start3A_74 : memref<640x64xf32, #tpu.memory_space<vmem_shared>>) target(%dma_start3A_72 : memref<640x64xf32, #tpu.memory_space<hbm>>) target_semaphore(%run_scoped3A : memref<!tpu.dma_semaphore, #tpu.memory_space<semaphore_mem>>)
      %dma_wait3A_75 = arith.constant 0 : i32
      %dma_wait3A_76 = arith.constant 0 : i32
      %dma_wait3A_77 = tpu.memref_slice %arg5[%arg0, %dma_wait3A_75, %dma_wait3A_76] : memref<2x10240x64xf32, #tpu.memory_space<hbm>> -> memref<1x10240x64xf32, #tpu.memory_space<hbm>>
      %dma_wait3A_78 = tpu.memref_squeeze %dma_wait3A_77 : memref<1x10240x64xf32, #tpu.memory_space<hbm>> -> memref<10240x64xf32, #tpu.memory_space<hbm>>
      %dma_wait3A_79 = arith.constant 0 : i32
      %dma_wait3A_80 = tpu.memref_slice %dma_wait3A_78[%mul3A_0, %dma_wait3A_79] : memref<10240x64xf32, #tpu.memory_space<hbm>> -> memref<640x64xf32, #tpu.memory_space<hbm>>
      %dma_wait3A_81 = arith.constant 0 : i32
      %dma_wait3A_82 = tpu.memref_slice %arg18[%mul3A_0, %dma_wait3A_81] : memref<10240x64xf32, #tpu.memory_space<vmem_shared>> -> memref<640x64xf32, #tpu.memory_space<vmem_shared>>
      tpu.wait_dma2 semaphore(%run_scoped3A : memref<!tpu.dma_semaphore, #tpu.memory_space<semaphore_mem>>) src(%dma_wait3A_82 : memref<640x64xf32, #tpu.memory_space<vmem_shared>>) dst(%dma_wait3A_80 : memref<640x64xf32, #tpu.memory_space<hbm>>)
      tpu.yield
    }) : () -> ()
    return
  }
}

#map = affine_map<(d0, d1) -> (0, 0, 0)>
#map1 = affine_map<(d0, d1) -> (0)>
module attributes {stable_mosaic.version = 14 : i64} {
  func.func @agg_kernel(%arg0: i32, %arg1: i32, %arg2: memref<2x10240x64xf32, #tpu.memory_space<hbm>>, %arg3: memref<327680xi32, #tpu.memory_space<hbm>>, %arg4: memref<327680xi32, #tpu.memory_space<hbm>>, %arg5: memref<2x10240x64xf32, #tpu.memory_space<hbm>>, %arg6: memref<256xi32, #tpu.memory_space<vmem>>, %arg7: memref<256xi32, #tpu.memory_space<vmem>>, %arg8: memref<256xi32, #tpu.memory_space<vmem>>, %arg9: memref<256xi32, #tpu.memory_space<vmem>>, %arg10: memref<256xi32, #tpu.memory_space<vmem>>, %arg11: memref<256xi32, #tpu.memory_space<vmem>>, %arg12: memref<256xi32, #tpu.memory_space<vmem>>, %arg13: memref<256xi32, #tpu.memory_space<vmem>>, %arg14: memref<256x64xf32, #tpu.memory_space<vmem>>, %arg15: memref<256x64xf32, #tpu.memory_space<vmem>>, %arg16: memref<256x64xf32, #tpu.memory_space<vmem>>, %arg17: memref<256x64xf32, #tpu.memory_space<vmem>>, %arg18: memref<10240x64xf32, #tpu.memory_space<vmem_shared>>, %arg19: memref<!tpu.dma_semaphore, #tpu.memory_space<semaphore_mem>>, %arg20: memref<!tpu.dma_semaphore, #tpu.memory_space<semaphore_mem>>, %arg21: memref<!tpu.dma_semaphore, #tpu.memory_space<semaphore_mem>>, %arg22: memref<!tpu.dma_semaphore, #tpu.memory_space<semaphore_mem>>, %arg23: memref<!tpu.dma_semaphore, #tpu.memory_space<semaphore_mem>>, %arg24: memref<!tpu.dma_semaphore, #tpu.memory_space<semaphore_mem>>, %arg25: memref<!tpu.dma_semaphore, #tpu.memory_space<semaphore_mem>>, %arg26: memref<!tpu.dma_semaphore, #tpu.memory_space<semaphore_mem>>, %arg27: memref<!tpu.dma_semaphore, #tpu.memory_space<semaphore_mem>>, %arg28: memref<!tpu.dma_semaphore, #tpu.memory_space<semaphore_mem>>, %arg29: memref<!tpu.dma_semaphore, #tpu.memory_space<semaphore_mem>>, %arg30: memref<!tpu.dma_semaphore, #tpu.memory_space<semaphore_mem>>, %arg31: memref<!tpu.dma_semaphore, #tpu.memory_space<semaphore_mem>>, %arg32: memref<!tpu.dma_semaphore, #tpu.memory_space<semaphore_mem>>, %arg33: memref<!tpu.dma_semaphore, #tpu.memory_space<semaphore_mem>>, %arg34: memref<!tpu.dma_semaphore, #tpu.memory_space<semaphore_mem>>) attributes {dimension_semantics = [#tpu.dimension_semantics<core_parallel>, #tpu.dimension_semantics<subcore_parallel>], iteration_bounds = array<i64: 2, 16>, scalar_prefetch = 0 : i64, scratch_operands = 29 : i64, tpu.core_type = #tpu.core_type<sc_vector_subcore>, window_params = [{transform_indices = #map}, {transform_indices = #map1}, {transform_indices = #map1}, {transform_indices = #map}]} {
    %mul3A = arith.constant 640 : i32
    %mul3A_0 = arith.muli %arg1, %mul3A : i32
    %mul3A_1 = arith.constant 160 : i32
    %mul3A_2 = arith.muli %arg1, %mul3A_1 : i32
    %mul3A_3 = arith.constant 128 : i32
    %mul3A_4 = arith.muli %mul3A_2, %mul3A_3 : i32
    %dma_start3A = arith.constant 0 : i32
    %dma_start3A_5 = tpu.memref_slice %arg18[%mul3A_0, %dma_start3A] : memref<10240x64xf32, #tpu.memory_space<vmem_shared>> -> memref<640x64xf32, #tpu.memory_space<vmem_shared>>
    %dma_start3A_6 = arith.constant 0 : i32
    %dma_start3A_7 = arith.constant 0 : i32
    %dma_start3A_8 = tpu.memref_slice %arg2[%arg0, %dma_start3A_6, %dma_start3A_7] : memref<2x10240x64xf32, #tpu.memory_space<hbm>> -> memref<1x10240x64xf32, #tpu.memory_space<hbm>>
    %dma_start3A_9 = tpu.memref_squeeze %dma_start3A_8 : memref<1x10240x64xf32, #tpu.memory_space<hbm>> -> memref<10240x64xf32, #tpu.memory_space<hbm>>
    %dma_start3A_10 = arith.constant 0 : i32
    %dma_start3A_11 = tpu.memref_slice %dma_start3A_9[%mul3A_0, %dma_start3A_10] : memref<10240x64xf32, #tpu.memory_space<hbm>> -> memref<640x64xf32, #tpu.memory_space<hbm>>
    tpu.enqueue_dma source(%dma_start3A_11 : memref<640x64xf32, #tpu.memory_space<hbm>>) target(%dma_start3A_5 : memref<640x64xf32, #tpu.memory_space<vmem_shared>>) target_semaphore(%arg31 : memref<!tpu.dma_semaphore, #tpu.memory_space<semaphore_mem>>)
    %add3A = arith.constant 0 : i32
    %add3A_12 = arith.addi %mul3A_4, %add3A : i32
    "tpu.region"() ({
      %run_scoped3A = tpu.sem_alloc : memref<!tpu.dma_semaphore, #tpu.memory_space<semaphore_mem>>
      %dma_start3A_67 = tpu.memref_slice %arg3[%add3A_12] : memref<327680xi32, #tpu.memory_space<hbm>> -> memref<256xi32, #tpu.memory_space<hbm>>
      %dma_start3A_68 = tpu.memref_slice %arg3[%add3A_12] : memref<327680xi32, #tpu.memory_space<hbm>> -> memref<256xi32, #tpu.memory_space<hbm>>
      tpu.enqueue_dma source(%dma_start3A_68 : memref<256xi32, #tpu.memory_space<hbm>>) target(%arg6 : memref<256xi32, #tpu.memory_space<vmem>>) target_semaphore(%run_scoped3A : memref<!tpu.dma_semaphore, #tpu.memory_space<semaphore_mem>>)
      %dma_wait3A_69 = tpu.memref_slice %arg3[%add3A_12] : memref<327680xi32, #tpu.memory_space<hbm>> -> memref<256xi32, #tpu.memory_space<hbm>>
      %dma_wait3A_70 = tpu.memref_slice %arg3[%add3A_12] : memref<327680xi32, #tpu.memory_space<hbm>> -> memref<256xi32, #tpu.memory_space<hbm>>
      tpu.wait_dma2 semaphore(%run_scoped3A : memref<!tpu.dma_semaphore, #tpu.memory_space<semaphore_mem>>) src(%dma_wait3A_70 : memref<256xi32, #tpu.memory_space<hbm>>) dst(%arg6 : memref<256xi32, #tpu.memory_space<vmem>>)
      tpu.yield
    }) : () -> ()
    %add3A_13 = arith.constant 0 : i32
    %add3A_14 = arith.addi %mul3A_4, %add3A_13 : i32
    "tpu.region"() ({
      %run_scoped3A = tpu.sem_alloc : memref<!tpu.dma_semaphore, #tpu.memory_space<semaphore_mem>>
      %dma_start3A_67 = tpu.memref_slice %arg4[%add3A_14] : memref<327680xi32, #tpu.memory_space<hbm>> -> memref<256xi32, #tpu.memory_space<hbm>>
      %dma_start3A_68 = tpu.memref_slice %arg4[%add3A_14] : memref<327680xi32, #tpu.memory_space<hbm>> -> memref<256xi32, #tpu.memory_space<hbm>>
      tpu.enqueue_dma source(%dma_start3A_68 : memref<256xi32, #tpu.memory_space<hbm>>) target(%arg10 : memref<256xi32, #tpu.memory_space<vmem>>) target_semaphore(%run_scoped3A : memref<!tpu.dma_semaphore, #tpu.memory_space<semaphore_mem>>)
      %dma_wait3A_69 = tpu.memref_slice %arg4[%add3A_14] : memref<327680xi32, #tpu.memory_space<hbm>> -> memref<256xi32, #tpu.memory_space<hbm>>
      %dma_wait3A_70 = tpu.memref_slice %arg4[%add3A_14] : memref<327680xi32, #tpu.memory_space<hbm>> -> memref<256xi32, #tpu.memory_space<hbm>>
      tpu.wait_dma2 semaphore(%run_scoped3A : memref<!tpu.dma_semaphore, #tpu.memory_space<semaphore_mem>>) src(%dma_wait3A_70 : memref<256xi32, #tpu.memory_space<hbm>>) dst(%arg10 : memref<256xi32, #tpu.memory_space<vmem>>)
      tpu.yield
    }) : () -> ()
    %add3A_15 = arith.constant 256 : i32
    %add3A_16 = arith.addi %mul3A_4, %add3A_15 : i32
    "tpu.region"() ({
      %run_scoped3A = tpu.sem_alloc : memref<!tpu.dma_semaphore, #tpu.memory_space<semaphore_mem>>
      %dma_start3A_67 = tpu.memref_slice %arg3[%add3A_16] : memref<327680xi32, #tpu.memory_space<hbm>> -> memref<256xi32, #tpu.memory_space<hbm>>
      %dma_start3A_68 = tpu.memref_slice %arg3[%add3A_16] : memref<327680xi32, #tpu.memory_space<hbm>> -> memref<256xi32, #tpu.memory_space<hbm>>
      tpu.enqueue_dma source(%dma_start3A_68 : memref<256xi32, #tpu.memory_space<hbm>>) target(%arg7 : memref<256xi32, #tpu.memory_space<vmem>>) target_semaphore(%run_scoped3A : memref<!tpu.dma_semaphore, #tpu.memory_space<semaphore_mem>>)
      %dma_wait3A_69 = tpu.memref_slice %arg3[%add3A_16] : memref<327680xi32, #tpu.memory_space<hbm>> -> memref<256xi32, #tpu.memory_space<hbm>>
      %dma_wait3A_70 = tpu.memref_slice %arg3[%add3A_16] : memref<327680xi32, #tpu.memory_space<hbm>> -> memref<256xi32, #tpu.memory_space<hbm>>
      tpu.wait_dma2 semaphore(%run_scoped3A : memref<!tpu.dma_semaphore, #tpu.memory_space<semaphore_mem>>) src(%dma_wait3A_70 : memref<256xi32, #tpu.memory_space<hbm>>) dst(%arg7 : memref<256xi32, #tpu.memory_space<vmem>>)
      tpu.yield
    }) : () -> ()
    %add3A_17 = arith.constant 256 : i32
    %add3A_18 = arith.addi %mul3A_4, %add3A_17 : i32
    "tpu.region"() ({
      %run_scoped3A = tpu.sem_alloc : memref<!tpu.dma_semaphore, #tpu.memory_space<semaphore_mem>>
      %dma_start3A_67 = tpu.memref_slice %arg4[%add3A_18] : memref<327680xi32, #tpu.memory_space<hbm>> -> memref<256xi32, #tpu.memory_space<hbm>>
      %dma_start3A_68 = tpu.memref_slice %arg4[%add3A_18] : memref<327680xi32, #tpu.memory_space<hbm>> -> memref<256xi32, #tpu.memory_space<hbm>>
      tpu.enqueue_dma source(%dma_start3A_68 : memref<256xi32, #tpu.memory_space<hbm>>) target(%arg11 : memref<256xi32, #tpu.memory_space<vmem>>) target_semaphore(%run_scoped3A : memref<!tpu.dma_semaphore, #tpu.memory_space<semaphore_mem>>)
      %dma_wait3A_69 = tpu.memref_slice %arg4[%add3A_18] : memref<327680xi32, #tpu.memory_space<hbm>> -> memref<256xi32, #tpu.memory_space<hbm>>
      %dma_wait3A_70 = tpu.memref_slice %arg4[%add3A_18] : memref<327680xi32, #tpu.memory_space<hbm>> -> memref<256xi32, #tpu.memory_space<hbm>>
      tpu.wait_dma2 semaphore(%run_scoped3A : memref<!tpu.dma_semaphore, #tpu.memory_space<semaphore_mem>>) src(%dma_wait3A_70 : memref<256xi32, #tpu.memory_space<hbm>>) dst(%arg11 : memref<256xi32, #tpu.memory_space<vmem>>)
      tpu.yield
    }) : () -> ()
    %add3A_19 = arith.constant 512 : i32
    %add3A_20 = arith.addi %mul3A_4, %add3A_19 : i32
    "tpu.region"() ({
      %run_scoped3A = tpu.sem_alloc : memref<!tpu.dma_semaphore, #tpu.memory_space<semaphore_mem>>
      %dma_start3A_67 = tpu.memref_slice %arg3[%add3A_20] : memref<327680xi32, #tpu.memory_space<hbm>> -> memref<256xi32, #tpu.memory_space<hbm>>
      %dma_start3A_68 = tpu.memref_slice %arg3[%add3A_20] : memref<327680xi32, #tpu.memory_space<hbm>> -> memref<256xi32, #tpu.memory_space<hbm>>
      tpu.enqueue_dma source(%dma_start3A_68 : memref<256xi32, #tpu.memory_space<hbm>>) target(%arg8 : memref<256xi32, #tpu.memory_space<vmem>>) target_semaphore(%run_scoped3A : memref<!tpu.dma_semaphore, #tpu.memory_space<semaphore_mem>>)
      %dma_wait3A_69 = tpu.memref_slice %arg3[%add3A_20] : memref<327680xi32, #tpu.memory_space<hbm>> -> memref<256xi32, #tpu.memory_space<hbm>>
      %dma_wait3A_70 = tpu.memref_slice %arg3[%add3A_20] : memref<327680xi32, #tpu.memory_space<hbm>> -> memref<256xi32, #tpu.memory_space<hbm>>
      tpu.wait_dma2 semaphore(%run_scoped3A : memref<!tpu.dma_semaphore, #tpu.memory_space<semaphore_mem>>) src(%dma_wait3A_70 : memref<256xi32, #tpu.memory_space<hbm>>) dst(%arg8 : memref<256xi32, #tpu.memory_space<vmem>>)
      tpu.yield
    }) : () -> ()
    %add3A_21 = arith.constant 512 : i32
    %add3A_22 = arith.addi %mul3A_4, %add3A_21 : i32
    "tpu.region"() ({
      %run_scoped3A = tpu.sem_alloc : memref<!tpu.dma_semaphore, #tpu.memory_space<semaphore_mem>>
      %dma_start3A_67 = tpu.memref_slice %arg4[%add3A_22] : memref<327680xi32, #tpu.memory_space<hbm>> -> memref<256xi32, #tpu.memory_space<hbm>>
      %dma_start3A_68 = tpu.memref_slice %arg4[%add3A_22] : memref<327680xi32, #tpu.memory_space<hbm>> -> memref<256xi32, #tpu.memory_space<hbm>>
      tpu.enqueue_dma source(%dma_start3A_68 : memref<256xi32, #tpu.memory_space<hbm>>) target(%arg12 : memref<256xi32, #tpu.memory_space<vmem>>) target_semaphore(%run_scoped3A : memref<!tpu.dma_semaphore, #tpu.memory_space<semaphore_mem>>)
      %dma_wait3A_69 = tpu.memref_slice %arg4[%add3A_22] : memref<327680xi32, #tpu.memory_space<hbm>> -> memref<256xi32, #tpu.memory_space<hbm>>
      %dma_wait3A_70 = tpu.memref_slice %arg4[%add3A_22] : memref<327680xi32, #tpu.memory_space<hbm>> -> memref<256xi32, #tpu.memory_space<hbm>>
      tpu.wait_dma2 semaphore(%run_scoped3A : memref<!tpu.dma_semaphore, #tpu.memory_space<semaphore_mem>>) src(%dma_wait3A_70 : memref<256xi32, #tpu.memory_space<hbm>>) dst(%arg12 : memref<256xi32, #tpu.memory_space<vmem>>)
      tpu.yield
    }) : () -> ()
    %add3A_23 = arith.constant 768 : i32
    %add3A_24 = arith.addi %mul3A_4, %add3A_23 : i32
    "tpu.region"() ({
      %run_scoped3A = tpu.sem_alloc : memref<!tpu.dma_semaphore, #tpu.memory_space<semaphore_mem>>
      %dma_start3A_67 = tpu.memref_slice %arg3[%add3A_24] : memref<327680xi32, #tpu.memory_space<hbm>> -> memref<256xi32, #tpu.memory_space<hbm>>
      %dma_start3A_68 = tpu.memref_slice %arg3[%add3A_24] : memref<327680xi32, #tpu.memory_space<hbm>> -> memref<256xi32, #tpu.memory_space<hbm>>
      tpu.enqueue_dma source(%dma_start3A_68 : memref<256xi32, #tpu.memory_space<hbm>>) target(%arg9 : memref<256xi32, #tpu.memory_space<vmem>>) target_semaphore(%run_scoped3A : memref<!tpu.dma_semaphore, #tpu.memory_space<semaphore_mem>>)
      %dma_wait3A_69 = tpu.memref_slice %arg3[%add3A_24] : memref<327680xi32, #tpu.memory_space<hbm>> -> memref<256xi32, #tpu.memory_space<hbm>>
      %dma_wait3A_70 = tpu.memref_slice %arg3[%add3A_24] : memref<327680xi32, #tpu.memory_space<hbm>> -> memref<256xi32, #tpu.memory_space<hbm>>
      tpu.wait_dma2 semaphore(%run_scoped3A : memref<!tpu.dma_semaphore, #tpu.memory_space<semaphore_mem>>) src(%dma_wait3A_70 : memref<256xi32, #tpu.memory_space<hbm>>) dst(%arg9 : memref<256xi32, #tpu.memory_space<vmem>>)
      tpu.yield
    }) : () -> ()
    %add3A_25 = arith.constant 768 : i32
    %add3A_26 = arith.addi %mul3A_4, %add3A_25 : i32
    "tpu.region"() ({
      %run_scoped3A = tpu.sem_alloc : memref<!tpu.dma_semaphore, #tpu.memory_space<semaphore_mem>>
      %dma_start3A_67 = tpu.memref_slice %arg4[%add3A_26] : memref<327680xi32, #tpu.memory_space<hbm>> -> memref<256xi32, #tpu.memory_space<hbm>>
      %dma_start3A_68 = tpu.memref_slice %arg4[%add3A_26] : memref<327680xi32, #tpu.memory_space<hbm>> -> memref<256xi32, #tpu.memory_space<hbm>>
      tpu.enqueue_dma source(%dma_start3A_68 : memref<256xi32, #tpu.memory_space<hbm>>) target(%arg13 : memref<256xi32, #tpu.memory_space<vmem>>) target_semaphore(%run_scoped3A : memref<!tpu.dma_semaphore, #tpu.memory_space<semaphore_mem>>)
      %dma_wait3A_69 = tpu.memref_slice %arg4[%add3A_26] : memref<327680xi32, #tpu.memory_space<hbm>> -> memref<256xi32, #tpu.memory_space<hbm>>
      %dma_wait3A_70 = tpu.memref_slice %arg4[%add3A_26] : memref<327680xi32, #tpu.memory_space<hbm>> -> memref<256xi32, #tpu.memory_space<hbm>>
      tpu.wait_dma2 semaphore(%run_scoped3A : memref<!tpu.dma_semaphore, #tpu.memory_space<semaphore_mem>>) src(%dma_wait3A_70 : memref<256xi32, #tpu.memory_space<hbm>>) dst(%arg13 : memref<256xi32, #tpu.memory_space<vmem>>)
      tpu.yield
    }) : () -> ()
    %dma_start3A_27 = arith.constant 0 : i32
    %dma_start3A_28 = arith.constant 0 : i32
    %dma_start3A_29 = tpu.memref_slice %arg2[%arg0, %dma_start3A_27, %dma_start3A_28] : memref<2x10240x64xf32, #tpu.memory_space<hbm>> -> memref<1x10240x64xf32, #tpu.memory_space<hbm>>
    %dma_start3A_30 = tpu.memref_squeeze %dma_start3A_29 : memref<1x10240x64xf32, #tpu.memory_space<hbm>> -> memref<10240x64xf32, #tpu.memory_space<hbm>>
    %dma_start3A_31 = arith.constant 0 : i32
    %dma_start3A_32 = arith.constant 0 : i32
    %dma_start3A_33 = tpu.memref_slice %dma_start3A_30[%dma_start3A_31, %dma_start3A_32] : memref<10240x64xf32, #tpu.memory_space<hbm>> -> memref<10240x64xf32, #tpu.memory_space<hbm>>
    tpu.enqueue_indirect_dma source(%dma_start3A_33 : memref<10240x64xf32, #tpu.memory_space<hbm>>) target(%arg14 : memref<256x64xf32, #tpu.memory_space<vmem>>) offsets(%arg6 : memref<256xi32, #tpu.memory_space<vmem>>) semaphore(%arg19 : memref<!tpu.dma_semaphore, #tpu.memory_space<semaphore_mem>>)
    %dma_start3A_34 = arith.constant 0 : i32
    %dma_start3A_35 = arith.constant 0 : i32
    %dma_start3A_36 = tpu.memref_slice %arg2[%arg0, %dma_start3A_34, %dma_start3A_35] : memref<2x10240x64xf32, #tpu.memory_space<hbm>> -> memref<1x10240x64xf32, #tpu.memory_space<hbm>>
    %dma_start3A_37 = tpu.memref_squeeze %dma_start3A_36 : memref<1x10240x64xf32, #tpu.memory_space<hbm>> -> memref<10240x64xf32, #tpu.memory_space<hbm>>
    %dma_start3A_38 = arith.constant 0 : i32
    %dma_start3A_39 = arith.constant 0 : i32
    %dma_start3A_40 = tpu.memref_slice %dma_start3A_37[%dma_start3A_38, %dma_start3A_39] : memref<10240x64xf32, #tpu.memory_space<hbm>> -> memref<10240x64xf32, #tpu.memory_space<hbm>>
    tpu.enqueue_indirect_dma source(%dma_start3A_40 : memref<10240x64xf32, #tpu.memory_space<hbm>>) target(%arg15 : memref<256x64xf32, #tpu.memory_space<vmem>>) offsets(%arg7 : memref<256xi32, #tpu.memory_space<vmem>>) semaphore(%arg20 : memref<!tpu.dma_semaphore, #tpu.memory_space<semaphore_mem>>)
    %dma_start3A_41 = arith.constant 0 : i32
    %dma_start3A_42 = arith.constant 0 : i32
    %dma_start3A_43 = tpu.memref_slice %arg2[%arg0, %dma_start3A_41, %dma_start3A_42] : memref<2x10240x64xf32, #tpu.memory_space<hbm>> -> memref<1x10240x64xf32, #tpu.memory_space<hbm>>
    %dma_start3A_44 = tpu.memref_squeeze %dma_start3A_43 : memref<1x10240x64xf32, #tpu.memory_space<hbm>> -> memref<10240x64xf32, #tpu.memory_space<hbm>>
    %dma_start3A_45 = arith.constant 0 : i32
    %dma_start3A_46 = arith.constant 0 : i32
    %dma_start3A_47 = tpu.memref_slice %dma_start3A_44[%dma_start3A_45, %dma_start3A_46] : memref<10240x64xf32, #tpu.memory_space<hbm>> -> memref<10240x64xf32, #tpu.memory_space<hbm>>
    tpu.enqueue_indirect_dma source(%dma_start3A_47 : memref<10240x64xf32, #tpu.memory_space<hbm>>) target(%arg16 : memref<256x64xf32, #tpu.memory_space<vmem>>) offsets(%arg8 : memref<256xi32, #tpu.memory_space<vmem>>) semaphore(%arg21 : memref<!tpu.dma_semaphore, #tpu.memory_space<semaphore_mem>>)
    %dma_start3A_48 = arith.constant 0 : i32
    %dma_start3A_49 = arith.constant 0 : i32
    %dma_start3A_50 = tpu.memref_slice %arg2[%arg0, %dma_start3A_48, %dma_start3A_49] : memref<2x10240x64xf32, #tpu.memory_space<hbm>> -> memref<1x10240x64xf32, #tpu.memory_space<hbm>>
    %dma_start3A_51 = tpu.memref_squeeze %dma_start3A_50 : memref<1x10240x64xf32, #tpu.memory_space<hbm>> -> memref<10240x64xf32, #tpu.memory_space<hbm>>
    %dma_start3A_52 = arith.constant 0 : i32
    %dma_start3A_53 = arith.constant 0 : i32
    %dma_start3A_54 = tpu.memref_slice %dma_start3A_51[%dma_start3A_52, %dma_start3A_53] : memref<10240x64xf32, #tpu.memory_space<hbm>> -> memref<10240x64xf32, #tpu.memory_space<hbm>>
    tpu.enqueue_indirect_dma source(%dma_start3A_54 : memref<10240x64xf32, #tpu.memory_space<hbm>>) target(%arg17 : memref<256x64xf32, #tpu.memory_space<vmem>>) offsets(%arg9 : memref<256xi32, #tpu.memory_space<vmem>>) semaphore(%arg22 : memref<!tpu.dma_semaphore, #tpu.memory_space<semaphore_mem>>)
    %dma_wait3A = arith.constant 0 : i32
    %dma_wait3A_55 = tpu.memref_slice %arg18[%mul3A_0, %dma_wait3A] : memref<10240x64xf32, #tpu.memory_space<vmem_shared>> -> memref<640x64xf32, #tpu.memory_space<vmem_shared>>
    %dma_wait3A_56 = arith.constant 0 : i32
    %dma_wait3A_57 = arith.constant 0 : i32
    %dma_wait3A_58 = tpu.memref_slice %arg2[%arg0, %dma_wait3A_56, %dma_wait3A_57] : memref<2x10240x64xf32, #tpu.memory_space<hbm>> -> memref<1x10240x64xf32, #tpu.memory_space<hbm>>
    %dma_wait3A_59 = tpu.memref_squeeze %dma_wait3A_58 : memref<1x10240x64xf32, #tpu.memory_space<hbm>> -> memref<10240x64xf32, #tpu.memory_space<hbm>>
    %dma_wait3A_60 = arith.constant 0 : i32
    %dma_wait3A_61 = tpu.memref_slice %dma_wait3A_59[%mul3A_0, %dma_wait3A_60] : memref<10240x64xf32, #tpu.memory_space<hbm>> -> memref<640x64xf32, #tpu.memory_space<hbm>>
    tpu.wait_dma2 semaphore(%arg31 : memref<!tpu.dma_semaphore, #tpu.memory_space<semaphore_mem>>) src(%dma_wait3A_61 : memref<640x64xf32, #tpu.memory_space<hbm>>) dst(%dma_wait3A_55 : memref<640x64xf32, #tpu.memory_space<vmem_shared>>)
    %barrier3A = arith.constant 0 : index
    tpu.barrier barrier_id(%barrier3A)
    %scan3A = arith.constant 0 : i32
    %scan3A_62 = arith.constant 20 : i32
    %scan3A_63 = arith.addi %scan3A, %scan3A_62 : i32
    %scan3A_64 = arith.constant 1 : i32
    scf.for %scan3A_67 = %scan3A to %scan3A_63 step %scan3A_64  : i32 {
      %mul3A_68 = arith.constant 4 : i32
      %mul3A_69 = arith.muli %scan3A_67, %mul3A_68 : i32
      %add3A_70 = arith.constant 0 : i32
      %add3A_71 = arith.addi %add3A_70, %mul3A_69 : i32
      %add3A_72 = arith.constant 0 : i32
      %add3A_73 = arith.addi %add3A_71, %add3A_72 : i32
      %dma_wait3A_74 = arith.constant 0 : i32
      %dma_wait3A_75 = arith.constant 0 : i32
      %dma_wait3A_76 = tpu.memref_slice %arg2[%arg0, %dma_wait3A_74, %dma_wait3A_75] : memref<2x10240x64xf32, #tpu.memory_space<hbm>> -> memref<1x10240x64xf32, #tpu.memory_space<hbm>>
      %dma_wait3A_77 = tpu.memref_squeeze %dma_wait3A_76 : memref<1x10240x64xf32, #tpu.memory_space<hbm>> -> memref<10240x64xf32, #tpu.memory_space<hbm>>
      %dma_wait3A_78 = arith.constant 0 : i32
      %dma_wait3A_79 = arith.constant 0 : i32
      %dma_wait3A_80 = tpu.memref_slice %dma_wait3A_77[%dma_wait3A_78, %dma_wait3A_79] : memref<10240x64xf32, #tpu.memory_space<hbm>> -> memref<128x64xf32, #tpu.memory_space<hbm>>
      %dma_wait3A_81 = arith.constant 0 : i32
      %dma_wait3A_82 = arith.constant 0 : i32
      %dma_wait3A_83 = tpu.memref_slice %arg2[%arg0, %dma_wait3A_81, %dma_wait3A_82] : memref<2x10240x64xf32, #tpu.memory_space<hbm>> -> memref<1x10240x64xf32, #tpu.memory_space<hbm>>
      %dma_wait3A_84 = tpu.memref_squeeze %dma_wait3A_83 : memref<1x10240x64xf32, #tpu.memory_space<hbm>> -> memref<10240x64xf32, #tpu.memory_space<hbm>>
      %dma_wait3A_85 = arith.constant 0 : i32
      %dma_wait3A_86 = arith.constant 0 : i32
      %dma_wait3A_87 = tpu.memref_slice %dma_wait3A_84[%dma_wait3A_85, %dma_wait3A_86] : memref<10240x64xf32, #tpu.memory_space<hbm>> -> memref<128x64xf32, #tpu.memory_space<hbm>>
      tpu.wait_dma2 semaphore(%arg19 : memref<!tpu.dma_semaphore, #tpu.memory_space<semaphore_mem>>) src(%dma_wait3A_87 : memref<128x64xf32, #tpu.memory_space<hbm>>) dst(%arg14 : memref<256x64xf32, #tpu.memory_space<vmem>>)
      %ge3A = arith.constant 4 : i32
      %ge3A_88 = arith.cmpi sge, %add3A_73, %ge3A : i32
      %convert_element_type3A = arith.extui %ge3A_88 : i1 to i32
      %cond3A = arith.constant 0 : i32
      %cond3A_89 = arith.cmpi ne, %convert_element_type3A, %cond3A : i32
      scf.if %cond3A_89 {
        %dma_wait3A_240 = arith.constant 0 : i32
        %dma_wait3A_241 = tpu.memref_slice %arg3[%dma_wait3A_240] : memref<327680xi32, #tpu.memory_space<hbm>> -> memref<256xi32, #tpu.memory_space<hbm>>
        %dma_wait3A_242 = arith.constant 0 : i32
        %dma_wait3A_243 = tpu.memref_slice %arg3[%dma_wait3A_242] : memref<327680xi32, #tpu.memory_space<hbm>> -> memref<256xi32, #tpu.memory_space<hbm>>
        tpu.wait_dma2 semaphore(%arg31 : memref<!tpu.dma_semaphore, #tpu.memory_space<semaphore_mem>>) src(%dma_wait3A_243 : memref<256xi32, #tpu.memory_space<hbm>>) dst(%arg10 : memref<256xi32, #tpu.memory_space<vmem>>)
      } else {
      }
      %dma_start3A_90 = arith.constant 0 : i32
      %dma_start3A_91 = arith.constant 0 : i32
      %dma_start3A_92 = tpu.memref_slice %arg18[%dma_start3A_90, %dma_start3A_91] : memref<10240x64xf32, #tpu.memory_space<vmem_shared>> -> memref<10240x64xf32, #tpu.memory_space<vmem_shared>>
      tpu.enqueue_indirect_dma source(%arg14 : memref<256x64xf32, #tpu.memory_space<vmem>>) target(%dma_start3A_92 : memref<10240x64xf32, #tpu.memory_space<vmem_shared>>) offsets(%arg10 : memref<256xi32, #tpu.memory_space<vmem>>) semaphore(%arg23 : memref<!tpu.dma_semaphore, #tpu.memory_space<semaphore_mem>>) {add = true}
      %add3A_93 = arith.constant 4 : i32
      %add3A_94 = arith.addi %add3A_73, %add3A_93 : i32
      %lt3A = arith.constant 80 : i32
      %lt3A_95 = arith.cmpi slt, %add3A_94, %lt3A : i32
      %convert_element_type3A_96 = arith.extui %lt3A_95 : i1 to i32
      %cond3A_97 = arith.constant 0 : i32
      %cond3A_98 = arith.cmpi ne, %convert_element_type3A_96, %cond3A_97 : i32
      scf.if %cond3A_98 {
        %add3A_240 = arith.constant 4 : i32
        %add3A_241 = arith.addi %add3A_73, %add3A_240 : i32
        %mul3A_242 = arith.constant 256 : i32
        %mul3A_243 = arith.muli %add3A_241, %mul3A_242 : i32
        %add3A_244 = arith.addi %mul3A_4, %mul3A_243 : i32
        %dma_start3A_245 = tpu.memref_slice %arg3[%add3A_244] : memref<327680xi32, #tpu.memory_space<hbm>> -> memref<256xi32, #tpu.memory_space<hbm>>
        %dma_start3A_246 = tpu.memref_slice %arg3[%add3A_244] : memref<327680xi32, #tpu.memory_space<hbm>> -> memref<256xi32, #tpu.memory_space<hbm>>
        tpu.enqueue_dma source(%dma_start3A_246 : memref<256xi32, #tpu.memory_space<hbm>>) target(%arg6 : memref<256xi32, #tpu.memory_space<vmem>>) target_semaphore(%arg27 : memref<!tpu.dma_semaphore, #tpu.memory_space<semaphore_mem>>)
      } else {
      }
      %add3A_99 = arith.constant 1 : i32
      %add3A_100 = arith.addi %add3A_71, %add3A_99 : i32
      %dma_wait3A_101 = arith.constant 0 : i32
      %dma_wait3A_102 = arith.constant 0 : i32
      %dma_wait3A_103 = tpu.memref_slice %arg2[%arg0, %dma_wait3A_101, %dma_wait3A_102] : memref<2x10240x64xf32, #tpu.memory_space<hbm>> -> memref<1x10240x64xf32, #tpu.memory_space<hbm>>
      %dma_wait3A_104 = tpu.memref_squeeze %dma_wait3A_103 : memref<1x10240x64xf32, #tpu.memory_space<hbm>> -> memref<10240x64xf32, #tpu.memory_space<hbm>>
      %dma_wait3A_105 = arith.constant 0 : i32
      %dma_wait3A_106 = arith.constant 0 : i32
      %dma_wait3A_107 = tpu.memref_slice %dma_wait3A_104[%dma_wait3A_105, %dma_wait3A_106] : memref<10240x64xf32, #tpu.memory_space<hbm>> -> memref<128x64xf32, #tpu.memory_space<hbm>>
      %dma_wait3A_108 = arith.constant 0 : i32
      %dma_wait3A_109 = arith.constant 0 : i32
      %dma_wait3A_110 = tpu.memref_slice %arg2[%arg0, %dma_wait3A_108, %dma_wait3A_109] : memref<2x10240x64xf32, #tpu.memory_space<hbm>> -> memref<1x10240x64xf32, #tpu.memory_space<hbm>>
      %dma_wait3A_111 = tpu.memref_squeeze %dma_wait3A_110 : memref<1x10240x64xf32, #tpu.memory_space<hbm>> -> memref<10240x64xf32, #tpu.memory_space<hbm>>
      %dma_wait3A_112 = arith.constant 0 : i32
      %dma_wait3A_113 = arith.constant 0 : i32
      %dma_wait3A_114 = tpu.memref_slice %dma_wait3A_111[%dma_wait3A_112, %dma_wait3A_113] : memref<10240x64xf32, #tpu.memory_space<hbm>> -> memref<128x64xf32, #tpu.memory_space<hbm>>
      tpu.wait_dma2 semaphore(%arg20 : memref<!tpu.dma_semaphore, #tpu.memory_space<semaphore_mem>>) src(%dma_wait3A_114 : memref<128x64xf32, #tpu.memory_space<hbm>>) dst(%arg15 : memref<256x64xf32, #tpu.memory_space<vmem>>)
      %ge3A_115 = arith.constant 4 : i32
      %ge3A_116 = arith.cmpi sge, %add3A_100, %ge3A_115 : i32
      %convert_element_type3A_117 = arith.extui %ge3A_116 : i1 to i32
      %cond3A_118 = arith.constant 0 : i32
      %cond3A_119 = arith.cmpi ne, %convert_element_type3A_117, %cond3A_118 : i32
      scf.if %cond3A_119 {
        %dma_wait3A_240 = arith.constant 0 : i32
        %dma_wait3A_241 = tpu.memref_slice %arg3[%dma_wait3A_240] : memref<327680xi32, #tpu.memory_space<hbm>> -> memref<256xi32, #tpu.memory_space<hbm>>
        %dma_wait3A_242 = arith.constant 0 : i32
        %dma_wait3A_243 = tpu.memref_slice %arg3[%dma_wait3A_242] : memref<327680xi32, #tpu.memory_space<hbm>> -> memref<256xi32, #tpu.memory_space<hbm>>
        tpu.wait_dma2 semaphore(%arg32 : memref<!tpu.dma_semaphore, #tpu.memory_space<semaphore_mem>>) src(%dma_wait3A_243 : memref<256xi32, #tpu.memory_space<hbm>>) dst(%arg11 : memref<256xi32, #tpu.memory_space<vmem>>)
      } else {
      }
      %dma_start3A_120 = arith.constant 0 : i32
      %dma_start3A_121 = arith.constant 0 : i32
      %dma_start3A_122 = tpu.memref_slice %arg18[%dma_start3A_120, %dma_start3A_121] : memref<10240x64xf32, #tpu.memory_space<vmem_shared>> -> memref<10240x64xf32, #tpu.memory_space<vmem_shared>>
      tpu.enqueue_indirect_dma source(%arg15 : memref<256x64xf32, #tpu.memory_space<vmem>>) target(%dma_start3A_122 : memref<10240x64xf32, #tpu.memory_space<vmem_shared>>) offsets(%arg11 : memref<256xi32, #tpu.memory_space<vmem>>) semaphore(%arg24 : memref<!tpu.dma_semaphore, #tpu.memory_space<semaphore_mem>>) {add = true}
      %add3A_123 = arith.constant 4 : i32
      %add3A_124 = arith.addi %add3A_100, %add3A_123 : i32
      %lt3A_125 = arith.constant 80 : i32
      %lt3A_126 = arith.cmpi slt, %add3A_124, %lt3A_125 : i32
      %convert_element_type3A_127 = arith.extui %lt3A_126 : i1 to i32
      %cond3A_128 = arith.constant 0 : i32
      %cond3A_129 = arith.cmpi ne, %convert_element_type3A_127, %cond3A_128 : i32
      scf.if %cond3A_129 {
        %add3A_240 = arith.constant 4 : i32
        %add3A_241 = arith.addi %add3A_100, %add3A_240 : i32
        %mul3A_242 = arith.constant 256 : i32
        %mul3A_243 = arith.muli %add3A_241, %mul3A_242 : i32
        %add3A_244 = arith.addi %mul3A_4, %mul3A_243 : i32
        %dma_start3A_245 = tpu.memref_slice %arg3[%add3A_244] : memref<327680xi32, #tpu.memory_space<hbm>> -> memref<256xi32, #tpu.memory_space<hbm>>
        %dma_start3A_246 = tpu.memref_slice %arg3[%add3A_244] : memref<327680xi32, #tpu.memory_space<hbm>> -> memref<256xi32, #tpu.memory_space<hbm>>
        tpu.enqueue_dma source(%dma_start3A_246 : memref<256xi32, #tpu.memory_space<hbm>>) target(%arg7 : memref<256xi32, #tpu.memory_space<vmem>>) target_semaphore(%arg28 : memref<!tpu.dma_semaphore, #tpu.memory_space<semaphore_mem>>)
      } else {
      }
      %add3A_130 = arith.constant 2 : i32
      %add3A_131 = arith.addi %add3A_71, %add3A_130 : i32
      %dma_wait3A_132 = arith.constant 0 : i32
      %dma_wait3A_133 = arith.constant 0 : i32
      %dma_wait3A_134 = tpu.memref_slice %arg2[%arg0, %dma_wait3A_132, %dma_wait3A_133] : memref<2x10240x64xf32, #tpu.memory_space<hbm>> -> memref<1x10240x64xf32, #tpu.memory_space<hbm>>
      %dma_wait3A_135 = tpu.memref_squeeze %dma_wait3A_134 : memref<1x10240x64xf32, #tpu.memory_space<hbm>> -> memref<10240x64xf32, #tpu.memory_space<hbm>>
      %dma_wait3A_136 = arith.constant 0 : i32
      %dma_wait3A_137 = arith.constant 0 : i32
      %dma_wait3A_138 = tpu.memref_slice %dma_wait3A_135[%dma_wait3A_136, %dma_wait3A_137] : memref<10240x64xf32, #tpu.memory_space<hbm>> -> memref<128x64xf32, #tpu.memory_space<hbm>>
      %dma_wait3A_139 = arith.constant 0 : i32
      %dma_wait3A_140 = arith.constant 0 : i32
      %dma_wait3A_141 = tpu.memref_slice %arg2[%arg0, %dma_wait3A_139, %dma_wait3A_140] : memref<2x10240x64xf32, #tpu.memory_space<hbm>> -> memref<1x10240x64xf32, #tpu.memory_space<hbm>>
      %dma_wait3A_142 = tpu.memref_squeeze %dma_wait3A_141 : memref<1x10240x64xf32, #tpu.memory_space<hbm>> -> memref<10240x64xf32, #tpu.memory_space<hbm>>
      %dma_wait3A_143 = arith.constant 0 : i32
      %dma_wait3A_144 = arith.constant 0 : i32
      %dma_wait3A_145 = tpu.memref_slice %dma_wait3A_142[%dma_wait3A_143, %dma_wait3A_144] : memref<10240x64xf32, #tpu.memory_space<hbm>> -> memref<128x64xf32, #tpu.memory_space<hbm>>
      tpu.wait_dma2 semaphore(%arg21 : memref<!tpu.dma_semaphore, #tpu.memory_space<semaphore_mem>>) src(%dma_wait3A_145 : memref<128x64xf32, #tpu.memory_space<hbm>>) dst(%arg16 : memref<256x64xf32, #tpu.memory_space<vmem>>)
      %ge3A_146 = arith.constant 4 : i32
      %ge3A_147 = arith.cmpi sge, %add3A_131, %ge3A_146 : i32
      %convert_element_type3A_148 = arith.extui %ge3A_147 : i1 to i32
      %cond3A_149 = arith.constant 0 : i32
      %cond3A_150 = arith.cmpi ne, %convert_element_type3A_148, %cond3A_149 : i32
      scf.if %cond3A_150 {
        %dma_wait3A_240 = arith.constant 0 : i32
        %dma_wait3A_241 = tpu.memref_slice %arg3[%dma_wait3A_240] : memref<327680xi32, #tpu.memory_space<hbm>> -> memref<256xi32, #tpu.memory_space<hbm>>
        %dma_wait3A_242 = arith.constant 0 : i32
        %dma_wait3A_243 = tpu.memref_slice %arg3[%dma_wait3A_242] : memref<327680xi32, #tpu.memory_space<hbm>> -> memref<256xi32, #tpu.memory_space<hbm>>
        tpu.wait_dma2 semaphore(%arg33 : memref<!tpu.dma_semaphore, #tpu.memory_space<semaphore_mem>>) src(%dma_wait3A_243 : memref<256xi32, #tpu.memory_space<hbm>>) dst(%arg12 : memref<256xi32, #tpu.memory_space<vmem>>)
      } else {
      }
      %dma_start3A_151 = arith.constant 0 : i32
      %dma_start3A_152 = arith.constant 0 : i32
      %dma_start3A_153 = tpu.memref_slice %arg18[%dma_start3A_151, %dma_start3A_152] : memref<10240x64xf32, #tpu.memory_space<vmem_shared>> -> memref<10240x64xf32, #tpu.memory_space<vmem_shared>>
      tpu.enqueue_indirect_dma source(%arg16 : memref<256x64xf32, #tpu.memory_space<vmem>>) target(%dma_start3A_153 : memref<10240x64xf32, #tpu.memory_space<vmem_shared>>) offsets(%arg12 : memref<256xi32, #tpu.memory_space<vmem>>) semaphore(%arg25 : memref<!tpu.dma_semaphore, #tpu.memory_space<semaphore_mem>>) {add = true}
      %add3A_154 = arith.constant 4 : i32
      %add3A_155 = arith.addi %add3A_131, %add3A_154 : i32
      %lt3A_156 = arith.constant 80 : i32
      %lt3A_157 = arith.cmpi slt, %add3A_155, %lt3A_156 : i32
      %convert_element_type3A_158 = arith.extui %lt3A_157 : i1 to i32
      %cond3A_159 = arith.constant 0 : i32
      %cond3A_160 = arith.cmpi ne, %convert_element_type3A_158, %cond3A_159 : i32
      scf.if %cond3A_160 {
        %add3A_240 = arith.constant 4 : i32
        %add3A_241 = arith.addi %add3A_131, %add3A_240 : i32
        %mul3A_242 = arith.constant 256 : i32
        %mul3A_243 = arith.muli %add3A_241, %mul3A_242 : i32
        %add3A_244 = arith.addi %mul3A_4, %mul3A_243 : i32
        %dma_start3A_245 = tpu.memref_slice %arg3[%add3A_244] : memref<327680xi32, #tpu.memory_space<hbm>> -> memref<256xi32, #tpu.memory_space<hbm>>
        %dma_start3A_246 = tpu.memref_slice %arg3[%add3A_244] : memref<327680xi32, #tpu.memory_space<hbm>> -> memref<256xi32, #tpu.memory_space<hbm>>
        tpu.enqueue_dma source(%dma_start3A_246 : memref<256xi32, #tpu.memory_space<hbm>>) target(%arg8 : memref<256xi32, #tpu.memory_space<vmem>>) target_semaphore(%arg29 : memref<!tpu.dma_semaphore, #tpu.memory_space<semaphore_mem>>)
      } else {
      }
      %add3A_161 = arith.constant 3 : i32
      %add3A_162 = arith.addi %add3A_71, %add3A_161 : i32
      %dma_wait3A_163 = arith.constant 0 : i32
      %dma_wait3A_164 = arith.constant 0 : i32
      %dma_wait3A_165 = tpu.memref_slice %arg2[%arg0, %dma_wait3A_163, %dma_wait3A_164] : memref<2x10240x64xf32, #tpu.memory_space<hbm>> -> memref<1x10240x64xf32, #tpu.memory_space<hbm>>
      %dma_wait3A_166 = tpu.memref_squeeze %dma_wait3A_165 : memref<1x10240x64xf32, #tpu.memory_space<hbm>> -> memref<10240x64xf32, #tpu.memory_space<hbm>>
      %dma_wait3A_167 = arith.constant 0 : i32
      %dma_wait3A_168 = arith.constant 0 : i32
      %dma_wait3A_169 = tpu.memref_slice %dma_wait3A_166[%dma_wait3A_167, %dma_wait3A_168] : memref<10240x64xf32, #tpu.memory_space<hbm>> -> memref<128x64xf32, #tpu.memory_space<hbm>>
      %dma_wait3A_170 = arith.constant 0 : i32
      %dma_wait3A_171 = arith.constant 0 : i32
      %dma_wait3A_172 = tpu.memref_slice %arg2[%arg0, %dma_wait3A_170, %dma_wait3A_171] : memref<2x10240x64xf32, #tpu.memory_space<hbm>> -> memref<1x10240x64xf32, #tpu.memory_space<hbm>>
      %dma_wait3A_173 = tpu.memref_squeeze %dma_wait3A_172 : memref<1x10240x64xf32, #tpu.memory_space<hbm>> -> memref<10240x64xf32, #tpu.memory_space<hbm>>
      %dma_wait3A_174 = arith.constant 0 : i32
      %dma_wait3A_175 = arith.constant 0 : i32
      %dma_wait3A_176 = tpu.memref_slice %dma_wait3A_173[%dma_wait3A_174, %dma_wait3A_175] : memref<10240x64xf32, #tpu.memory_space<hbm>> -> memref<128x64xf32, #tpu.memory_space<hbm>>
      tpu.wait_dma2 semaphore(%arg22 : memref<!tpu.dma_semaphore, #tpu.memory_space<semaphore_mem>>) src(%dma_wait3A_176 : memref<128x64xf32, #tpu.memory_space<hbm>>) dst(%arg17 : memref<256x64xf32, #tpu.memory_space<vmem>>)
      %ge3A_177 = arith.constant 4 : i32
      %ge3A_178 = arith.cmpi sge, %add3A_162, %ge3A_177 : i32
      %convert_element_type3A_179 = arith.extui %ge3A_178 : i1 to i32
      %cond3A_180 = arith.constant 0 : i32
      %cond3A_181 = arith.cmpi ne, %convert_element_type3A_179, %cond3A_180 : i32
      scf.if %cond3A_181 {
        %dma_wait3A_240 = arith.constant 0 : i32
        %dma_wait3A_241 = tpu.memref_slice %arg3[%dma_wait3A_240] : memref<327680xi32, #tpu.memory_space<hbm>> -> memref<256xi32, #tpu.memory_space<hbm>>
        %dma_wait3A_242 = arith.constant 0 : i32
        %dma_wait3A_243 = tpu.memref_slice %arg3[%dma_wait3A_242] : memref<327680xi32, #tpu.memory_space<hbm>> -> memref<256xi32, #tpu.memory_space<hbm>>
        tpu.wait_dma2 semaphore(%arg34 : memref<!tpu.dma_semaphore, #tpu.memory_space<semaphore_mem>>) src(%dma_wait3A_243 : memref<256xi32, #tpu.memory_space<hbm>>) dst(%arg13 : memref<256xi32, #tpu.memory_space<vmem>>)
      } else {
      }
      %dma_start3A_182 = arith.constant 0 : i32
      %dma_start3A_183 = arith.constant 0 : i32
      %dma_start3A_184 = tpu.memref_slice %arg18[%dma_start3A_182, %dma_start3A_183] : memref<10240x64xf32, #tpu.memory_space<vmem_shared>> -> memref<10240x64xf32, #tpu.memory_space<vmem_shared>>
      tpu.enqueue_indirect_dma source(%arg17 : memref<256x64xf32, #tpu.memory_space<vmem>>) target(%dma_start3A_184 : memref<10240x64xf32, #tpu.memory_space<vmem_shared>>) offsets(%arg13 : memref<256xi32, #tpu.memory_space<vmem>>) semaphore(%arg26 : memref<!tpu.dma_semaphore, #tpu.memory_space<semaphore_mem>>) {add = true}
      %add3A_185 = arith.constant 4 : i32
      %add3A_186 = arith.addi %add3A_162, %add3A_185 : i32
      %lt3A_187 = arith.constant 80 : i32
      %lt3A_188 = arith.cmpi slt, %add3A_186, %lt3A_187 : i32
      %convert_element_type3A_189 = arith.extui %lt3A_188 : i1 to i32
      %cond3A_190 = arith.constant 0 : i32
      %cond3A_191 = arith.cmpi ne, %convert_element_type3A_189, %cond3A_190 : i32
      scf.if %cond3A_191 {
        %add3A_240 = arith.constant 4 : i32
        %add3A_241 = arith.addi %add3A_162, %add3A_240 : i32
        %mul3A_242 = arith.constant 256 : i32
        %mul3A_243 = arith.muli %add3A_241, %mul3A_242 : i32
        %add3A_244 = arith.addi %mul3A_4, %mul3A_243 : i32
        %dma_start3A_245 = tpu.memref_slice %arg3[%add3A_244] : memref<327680xi32, #tpu.memory_space<hbm>> -> memref<256xi32, #tpu.memory_space<hbm>>
        %dma_start3A_246 = tpu.memref_slice %arg3[%add3A_244] : memref<327680xi32, #tpu.memory_space<hbm>> -> memref<256xi32, #tpu.memory_space<hbm>>
        tpu.enqueue_dma source(%dma_start3A_246 : memref<256xi32, #tpu.memory_space<hbm>>) target(%arg9 : memref<256xi32, #tpu.memory_space<vmem>>) target_semaphore(%arg30 : memref<!tpu.dma_semaphore, #tpu.memory_space<semaphore_mem>>)
      } else {
      }
      %add3A_192 = arith.constant 0 : i32
      %add3A_193 = arith.addi %add3A_71, %add3A_192 : i32
      %dma_wait3A_194 = arith.constant 0 : i32
      %dma_wait3A_195 = arith.constant 0 : i32
      %dma_wait3A_196 = tpu.memref_slice %arg18[%dma_wait3A_194, %dma_wait3A_195] : memref<10240x64xf32, #tpu.memory_space<vmem_shared>> -> memref<10240x64xf32, #tpu.memory_space<vmem_shared>>
      tpu.wait_indirect_dma semaphore(%arg23 : memref<!tpu.dma_semaphore, #tpu.memory_space<semaphore_mem>>) src(%arg14 : memref<256x64xf32, #tpu.memory_space<vmem>>) dst(%dma_wait3A_196 : memref<10240x64xf32, #tpu.memory_space<vmem_shared>>)
      %add3A_197 = arith.constant 4 : i32
      %add3A_198 = arith.addi %add3A_193, %add3A_197 : i32
      %lt3A_199 = arith.constant 80 : i32
      %lt3A_200 = arith.cmpi slt, %add3A_198, %lt3A_199 : i32
      %convert_element_type3A_201 = arith.extui %lt3A_200 : i1 to i32
      %cond3A_202 = arith.constant 0 : i32
      %cond3A_203 = arith.cmpi ne, %convert_element_type3A_201, %cond3A_202 : i32
      scf.if %cond3A_203 {
        %add3A_240 = arith.constant 4 : i32
        %add3A_241 = arith.addi %add3A_193, %add3A_240 : i32
        %mul3A_242 = arith.constant 256 : i32
        %mul3A_243 = arith.muli %add3A_241, %mul3A_242 : i32
        %add3A_244 = arith.addi %mul3A_4, %mul3A_243 : i32
        %dma_start3A_245 = tpu.memref_slice %arg4[%add3A_244] : memref<327680xi32, #tpu.memory_space<hbm>> -> memref<256xi32, #tpu.memory_space<hbm>>
        %dma_start3A_246 = tpu.memref_slice %arg4[%add3A_244] : memref<327680xi32, #tpu.memory_space<hbm>> -> memref<256xi32, #tpu.memory_space<hbm>>
        tpu.enqueue_dma source(%dma_start3A_246 : memref<256xi32, #tpu.memory_space<hbm>>) target(%arg10 : memref<256xi32, #tpu.memory_space<vmem>>) target_semaphore(%arg31 : memref<!tpu.dma_semaphore, #tpu.memory_space<semaphore_mem>>)
        %dma_wait3A_247 = arith.constant 0 : i32
        %dma_wait3A_248 = tpu.memref_slice %arg3[%dma_wait3A_247] : memref<327680xi32, #tpu.memory_space<hbm>> -> memref<256xi32, #tpu.memory_space<hbm>>
        %dma_wait3A_249 = arith.constant 0 : i32
        %dma_wait3A_250 = tpu.memref_slice %arg3[%dma_wait3A_249] : memref<327680xi32, #tpu.memory_space<hbm>> -> memref<256xi32, #tpu.memory_space<hbm>>
        tpu.wait_dma2 semaphore(%arg27 : memref<!tpu.dma_semaphore, #tpu.memory_space<semaphore_mem>>) src(%dma_wait3A_250 : memref<256xi32, #tpu.memory_space<hbm>>) dst(%arg6 : memref<256xi32, #tpu.memory_space<vmem>>)
        %add3A_251 = arith.constant 4 : i32
        %add3A_252 = arith.addi %add3A_193, %add3A_251 : i32
        %dma_start3A_253 = arith.constant 0 : i32
        %dma_start3A_254 = arith.constant 0 : i32
        %dma_start3A_255 = tpu.memref_slice %arg2[%arg0, %dma_start3A_253, %dma_start3A_254] : memref<2x10240x64xf32, #tpu.memory_space<hbm>> -> memref<1x10240x64xf32, #tpu.memory_space<hbm>>
        %dma_start3A_256 = tpu.memref_squeeze %dma_start3A_255 : memref<1x10240x64xf32, #tpu.memory_space<hbm>> -> memref<10240x64xf32, #tpu.memory_space<hbm>>
        %dma_start3A_257 = arith.constant 0 : i32
        %dma_start3A_258 = arith.constant 0 : i32
        %dma_start3A_259 = tpu.memref_slice %dma_start3A_256[%dma_start3A_257, %dma_start3A_258] : memref<10240x64xf32, #tpu.memory_space<hbm>> -> memref<10240x64xf32, #tpu.memory_space<hbm>>
        tpu.enqueue_indirect_dma source(%dma_start3A_259 : memref<10240x64xf32, #tpu.memory_space<hbm>>) target(%arg14 : memref<256x64xf32, #tpu.memory_space<vmem>>) offsets(%arg6 : memref<256xi32, #tpu.memory_space<vmem>>) semaphore(%arg19 : memref<!tpu.dma_semaphore, #tpu.memory_space<semaphore_mem>>)
      } else {
      }
      %add3A_204 = arith.constant 1 : i32
      %add3A_205 = arith.addi %add3A_71, %add3A_204 : i32
      %dma_wait3A_206 = arith.constant 0 : i32
      %dma_wait3A_207 = arith.constant 0 : i32
      %dma_wait3A_208 = tpu.memref_slice %arg18[%dma_wait3A_206, %dma_wait3A_207] : memref<10240x64xf32, #tpu.memory_space<vmem_shared>> -> memref<10240x64xf32, #tpu.memory_space<vmem_shared>>
      tpu.wait_indirect_dma semaphore(%arg24 : memref<!tpu.dma_semaphore, #tpu.memory_space<semaphore_mem>>) src(%arg15 : memref<256x64xf32, #tpu.memory_space<vmem>>) dst(%dma_wait3A_208 : memref<10240x64xf32, #tpu.memory_space<vmem_shared>>)
      %add3A_209 = arith.constant 4 : i32
      %add3A_210 = arith.addi %add3A_205, %add3A_209 : i32
      %lt3A_211 = arith.constant 80 : i32
      %lt3A_212 = arith.cmpi slt, %add3A_210, %lt3A_211 : i32
      %convert_element_type3A_213 = arith.extui %lt3A_212 : i1 to i32
      %cond3A_214 = arith.constant 0 : i32
      %cond3A_215 = arith.cmpi ne, %convert_element_type3A_213, %cond3A_214 : i32
      scf.if %cond3A_215 {
        %add3A_240 = arith.constant 4 : i32
        %add3A_241 = arith.addi %add3A_205, %add3A_240 : i32
        %mul3A_242 = arith.constant 256 : i32
        %mul3A_243 = arith.muli %add3A_241, %mul3A_242 : i32
        %add3A_244 = arith.addi %mul3A_4, %mul3A_243 : i32
        %dma_start3A_245 = tpu.memref_slice %arg4[%add3A_244] : memref<327680xi32, #tpu.memory_space<hbm>> -> memref<256xi32, #tpu.memory_space<hbm>>
        %dma_start3A_246 = tpu.memref_slice %arg4[%add3A_244] : memref<327680xi32, #tpu.memory_space<hbm>> -> memref<256xi32, #tpu.memory_space<hbm>>
        tpu.enqueue_dma source(%dma_start3A_246 : memref<256xi32, #tpu.memory_space<hbm>>) target(%arg11 : memref<256xi32, #tpu.memory_space<vmem>>) target_semaphore(%arg32 : memref<!tpu.dma_semaphore, #tpu.memory_space<semaphore_mem>>)
        %dma_wait3A_247 = arith.constant 0 : i32
        %dma_wait3A_248 = tpu.memref_slice %arg3[%dma_wait3A_247] : memref<327680xi32, #tpu.memory_space<hbm>> -> memref<256xi32, #tpu.memory_space<hbm>>
        %dma_wait3A_249 = arith.constant 0 : i32
        %dma_wait3A_250 = tpu.memref_slice %arg3[%dma_wait3A_249] : memref<327680xi32, #tpu.memory_space<hbm>> -> memref<256xi32, #tpu.memory_space<hbm>>
        tpu.wait_dma2 semaphore(%arg28 : memref<!tpu.dma_semaphore, #tpu.memory_space<semaphore_mem>>) src(%dma_wait3A_250 : memref<256xi32, #tpu.memory_space<hbm>>) dst(%arg7 : memref<256xi32, #tpu.memory_space<vmem>>)
        %add3A_251 = arith.constant 4 : i32
        %add3A_252 = arith.addi %add3A_205, %add3A_251 : i32
        %dma_start3A_253 = arith.constant 0 : i32
        %dma_start3A_254 = arith.constant 0 : i32
        %dma_start3A_255 = tpu.memref_slice %arg2[%arg0, %dma_start3A_253, %dma_start3A_254] : memref<2x10240x64xf32, #tpu.memory_space<hbm>> -> memref<1x10240x64xf32, #tpu.memory_space<hbm>>
        %dma_start3A_256 = tpu.memref_squeeze %dma_start3A_255 : memref<1x10240x64xf32, #tpu.memory_space<hbm>> -> memref<10240x64xf32, #tpu.memory_space<hbm>>
        %dma_start3A_257 = arith.constant 0 : i32
        %dma_start3A_258 = arith.constant 0 : i32
        %dma_start3A_259 = tpu.memref_slice %dma_start3A_256[%dma_start3A_257, %dma_start3A_258] : memref<10240x64xf32, #tpu.memory_space<hbm>> -> memref<10240x64xf32, #tpu.memory_space<hbm>>
        tpu.enqueue_indirect_dma source(%dma_start3A_259 : memref<10240x64xf32, #tpu.memory_space<hbm>>) target(%arg15 : memref<256x64xf32, #tpu.memory_space<vmem>>) offsets(%arg7 : memref<256xi32, #tpu.memory_space<vmem>>) semaphore(%arg20 : memref<!tpu.dma_semaphore, #tpu.memory_space<semaphore_mem>>)
      } else {
      }
      %add3A_216 = arith.constant 2 : i32
      %add3A_217 = arith.addi %add3A_71, %add3A_216 : i32
      %dma_wait3A_218 = arith.constant 0 : i32
      %dma_wait3A_219 = arith.constant 0 : i32
      %dma_wait3A_220 = tpu.memref_slice %arg18[%dma_wait3A_218, %dma_wait3A_219] : memref<10240x64xf32, #tpu.memory_space<vmem_shared>> -> memref<10240x64xf32, #tpu.memory_space<vmem_shared>>
      tpu.wait_indirect_dma semaphore(%arg25 : memref<!tpu.dma_semaphore, #tpu.memory_space<semaphore_mem>>) src(%arg16 : memref<256x64xf32, #tpu.memory_space<vmem>>) dst(%dma_wait3A_220 : memref<10240x64xf32, #tpu.memory_space<vmem_shared>>)
      %add3A_221 = arith.constant 4 : i32
      %add3A_222 = arith.addi %add3A_217, %add3A_221 : i32
      %lt3A_223 = arith.constant 80 : i32
      %lt3A_224 = arith.cmpi slt, %add3A_222, %lt3A_223 : i32
      %convert_element_type3A_225 = arith.extui %lt3A_224 : i1 to i32
      %cond3A_226 = arith.constant 0 : i32
      %cond3A_227 = arith.cmpi ne, %convert_element_type3A_225, %cond3A_226 : i32
      scf.if %cond3A_227 {
        %add3A_240 = arith.constant 4 : i32
        %add3A_241 = arith.addi %add3A_217, %add3A_240 : i32
        %mul3A_242 = arith.constant 256 : i32
        %mul3A_243 = arith.muli %add3A_241, %mul3A_242 : i32
        %add3A_244 = arith.addi %mul3A_4, %mul3A_243 : i32
        %dma_start3A_245 = tpu.memref_slice %arg4[%add3A_244] : memref<327680xi32, #tpu.memory_space<hbm>> -> memref<256xi32, #tpu.memory_space<hbm>>
        %dma_start3A_246 = tpu.memref_slice %arg4[%add3A_244] : memref<327680xi32, #tpu.memory_space<hbm>> -> memref<256xi32, #tpu.memory_space<hbm>>
        tpu.enqueue_dma source(%dma_start3A_246 : memref<256xi32, #tpu.memory_space<hbm>>) target(%arg12 : memref<256xi32, #tpu.memory_space<vmem>>) target_semaphore(%arg33 : memref<!tpu.dma_semaphore, #tpu.memory_space<semaphore_mem>>)
        %dma_wait3A_247 = arith.constant 0 : i32
        %dma_wait3A_248 = tpu.memref_slice %arg3[%dma_wait3A_247] : memref<327680xi32, #tpu.memory_space<hbm>> -> memref<256xi32, #tpu.memory_space<hbm>>
        %dma_wait3A_249 = arith.constant 0 : i32
        %dma_wait3A_250 = tpu.memref_slice %arg3[%dma_wait3A_249] : memref<327680xi32, #tpu.memory_space<hbm>> -> memref<256xi32, #tpu.memory_space<hbm>>
        tpu.wait_dma2 semaphore(%arg29 : memref<!tpu.dma_semaphore, #tpu.memory_space<semaphore_mem>>) src(%dma_wait3A_250 : memref<256xi32, #tpu.memory_space<hbm>>) dst(%arg8 : memref<256xi32, #tpu.memory_space<vmem>>)
        %add3A_251 = arith.constant 4 : i32
        %add3A_252 = arith.addi %add3A_217, %add3A_251 : i32
        %dma_start3A_253 = arith.constant 0 : i32
        %dma_start3A_254 = arith.constant 0 : i32
        %dma_start3A_255 = tpu.memref_slice %arg2[%arg0, %dma_start3A_253, %dma_start3A_254] : memref<2x10240x64xf32, #tpu.memory_space<hbm>> -> memref<1x10240x64xf32, #tpu.memory_space<hbm>>
        %dma_start3A_256 = tpu.memref_squeeze %dma_start3A_255 : memref<1x10240x64xf32, #tpu.memory_space<hbm>> -> memref<10240x64xf32, #tpu.memory_space<hbm>>
        %dma_start3A_257 = arith.constant 0 : i32
        %dma_start3A_258 = arith.constant 0 : i32
        %dma_start3A_259 = tpu.memref_slice %dma_start3A_256[%dma_start3A_257, %dma_start3A_258] : memref<10240x64xf32, #tpu.memory_space<hbm>> -> memref<10240x64xf32, #tpu.memory_space<hbm>>
        tpu.enqueue_indirect_dma source(%dma_start3A_259 : memref<10240x64xf32, #tpu.memory_space<hbm>>) target(%arg16 : memref<256x64xf32, #tpu.memory_space<vmem>>) offsets(%arg8 : memref<256xi32, #tpu.memory_space<vmem>>) semaphore(%arg21 : memref<!tpu.dma_semaphore, #tpu.memory_space<semaphore_mem>>)
      } else {
      }
      %add3A_228 = arith.constant 3 : i32
      %add3A_229 = arith.addi %add3A_71, %add3A_228 : i32
      %dma_wait3A_230 = arith.constant 0 : i32
      %dma_wait3A_231 = arith.constant 0 : i32
      %dma_wait3A_232 = tpu.memref_slice %arg18[%dma_wait3A_230, %dma_wait3A_231] : memref<10240x64xf32, #tpu.memory_space<vmem_shared>> -> memref<10240x64xf32, #tpu.memory_space<vmem_shared>>
      tpu.wait_indirect_dma semaphore(%arg26 : memref<!tpu.dma_semaphore, #tpu.memory_space<semaphore_mem>>) src(%arg17 : memref<256x64xf32, #tpu.memory_space<vmem>>) dst(%dma_wait3A_232 : memref<10240x64xf32, #tpu.memory_space<vmem_shared>>)
      %add3A_233 = arith.constant 4 : i32
      %add3A_234 = arith.addi %add3A_229, %add3A_233 : i32
      %lt3A_235 = arith.constant 80 : i32
      %lt3A_236 = arith.cmpi slt, %add3A_234, %lt3A_235 : i32
      %convert_element_type3A_237 = arith.extui %lt3A_236 : i1 to i32
      %cond3A_238 = arith.constant 0 : i32
      %cond3A_239 = arith.cmpi ne, %convert_element_type3A_237, %cond3A_238 : i32
      scf.if %cond3A_239 {
        %add3A_240 = arith.constant 4 : i32
        %add3A_241 = arith.addi %add3A_229, %add3A_240 : i32
        %mul3A_242 = arith.constant 256 : i32
        %mul3A_243 = arith.muli %add3A_241, %mul3A_242 : i32
        %add3A_244 = arith.addi %mul3A_4, %mul3A_243 : i32
        %dma_start3A_245 = tpu.memref_slice %arg4[%add3A_244] : memref<327680xi32, #tpu.memory_space<hbm>> -> memref<256xi32, #tpu.memory_space<hbm>>
        %dma_start3A_246 = tpu.memref_slice %arg4[%add3A_244] : memref<327680xi32, #tpu.memory_space<hbm>> -> memref<256xi32, #tpu.memory_space<hbm>>
        tpu.enqueue_dma source(%dma_start3A_246 : memref<256xi32, #tpu.memory_space<hbm>>) target(%arg13 : memref<256xi32, #tpu.memory_space<vmem>>) target_semaphore(%arg34 : memref<!tpu.dma_semaphore, #tpu.memory_space<semaphore_mem>>)
        %dma_wait3A_247 = arith.constant 0 : i32
        %dma_wait3A_248 = tpu.memref_slice %arg3[%dma_wait3A_247] : memref<327680xi32, #tpu.memory_space<hbm>> -> memref<256xi32, #tpu.memory_space<hbm>>
        %dma_wait3A_249 = arith.constant 0 : i32
        %dma_wait3A_250 = tpu.memref_slice %arg3[%dma_wait3A_249] : memref<327680xi32, #tpu.memory_space<hbm>> -> memref<256xi32, #tpu.memory_space<hbm>>
        tpu.wait_dma2 semaphore(%arg30 : memref<!tpu.dma_semaphore, #tpu.memory_space<semaphore_mem>>) src(%dma_wait3A_250 : memref<256xi32, #tpu.memory_space<hbm>>) dst(%arg9 : memref<256xi32, #tpu.memory_space<vmem>>)
        %add3A_251 = arith.constant 4 : i32
        %add3A_252 = arith.addi %add3A_229, %add3A_251 : i32
        %dma_start3A_253 = arith.constant 0 : i32
        %dma_start3A_254 = arith.constant 0 : i32
        %dma_start3A_255 = tpu.memref_slice %arg2[%arg0, %dma_start3A_253, %dma_start3A_254] : memref<2x10240x64xf32, #tpu.memory_space<hbm>> -> memref<1x10240x64xf32, #tpu.memory_space<hbm>>
        %dma_start3A_256 = tpu.memref_squeeze %dma_start3A_255 : memref<1x10240x64xf32, #tpu.memory_space<hbm>> -> memref<10240x64xf32, #tpu.memory_space<hbm>>
        %dma_start3A_257 = arith.constant 0 : i32
        %dma_start3A_258 = arith.constant 0 : i32
        %dma_start3A_259 = tpu.memref_slice %dma_start3A_256[%dma_start3A_257, %dma_start3A_258] : memref<10240x64xf32, #tpu.memory_space<hbm>> -> memref<10240x64xf32, #tpu.memory_space<hbm>>
        tpu.enqueue_indirect_dma source(%dma_start3A_259 : memref<10240x64xf32, #tpu.memory_space<hbm>>) target(%arg17 : memref<256x64xf32, #tpu.memory_space<vmem>>) offsets(%arg9 : memref<256xi32, #tpu.memory_space<vmem>>) semaphore(%arg22 : memref<!tpu.dma_semaphore, #tpu.memory_space<semaphore_mem>>)
      } else {
      }
    }
    %scan3A_65 = arith.constant 20 : i32
    %barrier3A_66 = arith.constant 0 : index
    tpu.barrier barrier_id(%barrier3A_66)
    "tpu.region"() ({
      %run_scoped3A = tpu.sem_alloc : memref<!tpu.dma_semaphore, #tpu.memory_space<semaphore_mem>>
      %dma_start3A_67 = arith.constant 0 : i32
      %dma_start3A_68 = arith.constant 0 : i32
      %dma_start3A_69 = tpu.memref_slice %arg5[%arg0, %dma_start3A_67, %dma_start3A_68] : memref<2x10240x64xf32, #tpu.memory_space<hbm>> -> memref<1x10240x64xf32, #tpu.memory_space<hbm>>
      %dma_start3A_70 = tpu.memref_squeeze %dma_start3A_69 : memref<1x10240x64xf32, #tpu.memory_space<hbm>> -> memref<10240x64xf32, #tpu.memory_space<hbm>>
      %dma_start3A_71 = arith.constant 0 : i32
      %dma_start3A_72 = tpu.memref_slice %dma_start3A_70[%mul3A_0, %dma_start3A_71] : memref<10240x64xf32, #tpu.memory_space<hbm>> -> memref<640x64xf32, #tpu.memory_space<hbm>>
      %dma_start3A_73 = arith.constant 0 : i32
      %dma_start3A_74 = tpu.memref_slice %arg18[%mul3A_0, %dma_start3A_73] : memref<10240x64xf32, #tpu.memory_space<vmem_shared>> -> memref<640x64xf32, #tpu.memory_space<vmem_shared>>
      tpu.enqueue_dma source(%dma_start3A_74 : memref<640x64xf32, #tpu.memory_space<vmem_shared>>) target(%dma_start3A_72 : memref<640x64xf32, #tpu.memory_space<hbm>>) target_semaphore(%run_scoped3A : memref<!tpu.dma_semaphore, #tpu.memory_space<semaphore_mem>>)
      %dma_wait3A_75 = arith.constant 0 : i32
      %dma_wait3A_76 = arith.constant 0 : i32
      %dma_wait3A_77 = tpu.memref_slice %arg5[%arg0, %dma_wait3A_75, %dma_wait3A_76] : memref<2x10240x64xf32, #tpu.memory_space<hbm>> -> memref<1x10240x64xf32, #tpu.memory_space<hbm>>
      %dma_wait3A_78 = tpu.memref_squeeze %dma_wait3A_77 : memref<1x10240x64xf32, #tpu.memory_space<hbm>> -> memref<10240x64xf32, #tpu.memory_space<hbm>>
      %dma_wait3A_79 = arith.constant 0 : i32
      %dma_wait3A_80 = tpu.memref_slice %dma_wait3A_78[%mul3A_0, %dma_wait3A_79] : memref<10240x64xf32, #tpu.memory_space<hbm>> -> memref<640x64xf32, #tpu.memory_space<hbm>>
      %dma_wait3A_81 = arith.constant 0 : i32
      %dma_wait3A_82 = tpu.memref_slice %arg18[%mul3A_0, %dma_wait3A_81] : memref<10240x64xf32, #tpu.memory_space<vmem_shared>> -> memref<640x64xf32, #tpu.memory_space<vmem_shared>>
      tpu.wait_dma2 semaphore(%run_scoped3A : memref<!tpu.dma_semaphore, #tpu.memory_space<semaphore_mem>>) src(%dma_wait3A_82 : memref<640x64xf32, #tpu.memory_space<vmem_shared>>) dst(%dma_wait3A_80 : memref<640x64xf32, #tpu.memory_space<hbm>>)
      tpu.yield
    }) : () -> ()
    return
  }
}

module attributes {stable_mosaic.version = 14 : i64} {
  func.func @_proj_kernel(%arg0: i32, %arg1: memref<512x128xf32, #tpu.memory_space<vmem>>, %arg2: memref<128x128xf32, #tpu.memory_space<vmem>>, %arg3: memref<1x128xf32, #tpu.memory_space<vmem>>, %arg4: memref<2x512x64xf32, #tpu.memory_space<vmem>>) attributes {dimension_semantics = [#tpu.dimension_semantics<arbitrary>], iteration_bounds = array<i64: 20>, scalar_prefetch = 0 : i64, scratch_operands = 0 : i64, tpu.core_type = #tpu.core_type<tc>, window_params = [{transform_indices = @transform_0, window_bounds = array<i64: 512, 128>}, {pipeline_mode = #tpu.pipeline_mode<synchronous>, transform_indices = @transform_1, window_bounds = array<i64: 128, 128>}, {pipeline_mode = #tpu.pipeline_mode<synchronous>, transform_indices = @transform_2, window_bounds = array<i64: 1, 128>}, {transform_indices = @transform_3, window_bounds = array<i64: 2, 512, 64>}]} {
    %get3A = arith.constant 0 : index
    %get3A_0 = arith.constant 0 : index
    %get3A_1 = vector.load %arg1[%get3A, %get3A_0] : memref<512x128xf32, #tpu.memory_space<vmem>>, vector<512x128xf32>
    %get3A_2 = arith.constant 0 : index
    %get3A_3 = arith.constant 0 : index
    %get3A_4 = vector.load %arg2[%get3A_2, %get3A_3] : memref<128x128xf32, #tpu.memory_space<vmem>>, vector<128x128xf32>
    %dot_general3A = arith.constant dense<0.000000e+00> : vector<512x128xf32>
    %dot_general3A_5 = tpu.matmul %get3A_1, %get3A_4, %dot_general3A {dimension_numbers = #tpu.dot_dimension_numbers<[1], [0], [0], [1], [0, 0, 1, 1], [], []>, transpose_lhs_hint = false} : vector<512x128xf32>, vector<128x128xf32>, vector<512x128xf32> -> vector<512x128xf32>
    %get3A_6 = arith.constant 0 : index
    %get3A_7 = arith.constant 0 : index
    %get3A_8 = vector.load %arg3[%get3A_6, %get3A_7] : memref<1x128xf32, #tpu.memory_space<vmem>>, vector<1x128xf32>
    %get3A_9 = vector.shape_cast %get3A_8 : vector<1x128xf32> to vector<128xf32>
    %broadcast_in_dim3A = vector.shape_cast %get3A_9 : vector<128xf32> to vector<1x128xf32>
    %add3A = vector.broadcast %broadcast_in_dim3A : vector<1x128xf32> to vector<512x128xf32>
    %add3A_10 = arith.addf %dot_general3A_5, %add3A : vector<512x128xf32>
    %slice3A = vector.extract_strided_slice %add3A_10 {offsets = [0, 0], sizes = [512, 64], strides = [1, 1]} : vector<512x128xf32> to vector<512x64xf32>
    %swap3A = arith.constant 0 : index
    %swap3A_11 = arith.constant 0 : index
    %swap3A_12 = arith.constant 0 : index
    %swap3A_13 = vector.load %arg4[%swap3A, %swap3A_11, %swap3A_12] : memref<2x512x64xf32, #tpu.memory_space<vmem>>, vector<1x512x64xf32>
    %swap3A_14 = vector.shape_cast %swap3A_13 : vector<1x512x64xf32> to vector<512x64xf32>
    %swap3A_15 = vector.shape_cast %slice3A : vector<512x64xf32> to vector<1x512x64xf32>
    tpu.vector_store %arg4[%swap3A, %swap3A_11, %swap3A_12], %swap3A_15 {strides = array<i32>} : memref<2x512x64xf32, #tpu.memory_space<vmem>>, vector<1x512x64xf32>,
    %slice3A_16 = vector.extract_strided_slice %add3A_10 {offsets = [0, 64], sizes = [512, 64], strides = [1, 1]} : vector<512x128xf32> to vector<512x64xf32>
    %swap3A_17 = arith.constant 1 : index
    %swap3A_18 = arith.constant 0 : index
    %swap3A_19 = arith.constant 0 : index
    %swap3A_20 = vector.load %arg4[%swap3A_17, %swap3A_18, %swap3A_19] : memref<2x512x64xf32, #tpu.memory_space<vmem>>, vector<1x512x64xf32>
    %swap3A_21 = vector.shape_cast %swap3A_20 : vector<1x512x64xf32> to vector<512x64xf32>
    %swap3A_22 = vector.shape_cast %slice3A_16 : vector<512x64xf32> to vector<1x512x64xf32>
    tpu.vector_store %arg4[%swap3A_17, %swap3A_18, %swap3A_19], %swap3A_22 {strides = array<i32>} : memref<2x512x64xf32, #tpu.memory_space<vmem>>, vector<1x512x64xf32>,
    return
  }
  func.func @transform_0(%arg0: i32) -> (i32, i32) {
    %c0_i32 = arith.constant 0 : i32
    %c0_i32_0 = arith.constant 0 : i32
    return %arg0, %c0_i32 : i32, i32
  }
  func.func @transform_1(%arg0: i32) -> (i32, i32) {
    %c0_i32 = arith.constant 0 : i32
    %c0_i32_0 = arith.constant 0 : i32
    %c0_i32_1 = arith.constant 0 : i32
    return %c0_i32, %c0_i32_0 : i32, i32
  }
  func.func @transform_2(%arg0: i32) -> (i32, i32) {
    %c0_i32 = arith.constant 0 : i32
    %c0_i32_0 = arith.constant 0 : i32
    %c0_i32_1 = arith.constant 0 : i32
    return %c0_i32, %c0_i32_0 : i32, i32
  }
  func.func @transform_3(%arg0: i32) -> (i32, i32, i32) {
    %c0_i32 = arith.constant 0 : i32
    %c0_i32_0 = arith.constant 0 : i32
    %c0_i32_1 = arith.constant 0 : i32
    return %c0_i32, %arg0, %c0_i32_0 : i32, i32, i32
  }
}

module attributes {stable_mosaic.version = 14 : i64} {
  func.func @_layer_kernel(%arg0: i32, %arg1: memref<2x512x64xf32, #tpu.memory_space<vmem>>, %arg2: memref<128x128xf32, #tpu.memory_space<vmem>>, %arg3: memref<1x128xf32, #tpu.memory_space<vmem>>, %arg4: memref<128x128xf32, #tpu.memory_space<vmem>>, %arg5: memref<1x128xf32, #tpu.memory_space<vmem>>, %arg6: memref<1x128xf32, #tpu.memory_space<vmem>>, %arg7: memref<1x128xf32, #tpu.memory_space<vmem>>, %arg8: memref<2x512x64xf32, #tpu.memory_space<vmem>>) attributes {dimension_semantics = [#tpu.dimension_semantics<arbitrary>], iteration_bounds = array<i64: 20>, scalar_prefetch = 0 : i64, scratch_operands = 0 : i64, tpu.core_type = #tpu.core_type<tc>, window_params = [{transform_indices = @transform_0, window_bounds = array<i64: 2, 512, 64>}, {pipeline_mode = #tpu.pipeline_mode<synchronous>, transform_indices = @transform_1, window_bounds = array<i64: 128, 128>}, {pipeline_mode = #tpu.pipeline_mode<synchronous>, transform_indices = @transform_2, window_bounds = array<i64: 1, 128>}, {pipeline_mode = #tpu.pipeline_mode<synchronous>, transform_indices = @transform_3, window_bounds = array<i64: 128, 128>}, {pipeline_mode = #tpu.pipeline_mode<synchronous>, transform_indices = @transform_4, window_bounds = array<i64: 1, 128>}, {pipeline_mode = #tpu.pipeline_mode<synchronous>, transform_indices = @transform_5, window_bounds = array<i64: 1, 128>}, {pipeline_mode = #tpu.pipeline_mode<synchronous>, transform_indices = @transform_6, window_bounds = array<i64: 1, 128>}, {transform_indices = @transform_7, window_bounds = array<i64: 2, 512, 64>}]} {
    %get3A = arith.constant 0 : index
    %get3A_0 = arith.constant 0 : index
    %get3A_1 = arith.constant 0 : index
    %get3A_2 = vector.load %arg1[%get3A, %get3A_0, %get3A_1] : memref<2x512x64xf32, #tpu.memory_space<vmem>>, vector<1x512x64xf32>
    %get3A_3 = vector.shape_cast %get3A_2 : vector<1x512x64xf32> to vector<512x64xf32>
    %get3A_4 = arith.constant 1 : index
    %get3A_5 = arith.constant 0 : index
    %get3A_6 = arith.constant 0 : index
    %get3A_7 = vector.load %arg1[%get3A_4, %get3A_5, %get3A_6] : memref<2x512x64xf32, #tpu.memory_space<vmem>>, vector<1x512x64xf32>
    %get3A_8 = vector.shape_cast %get3A_7 : vector<1x512x64xf32> to vector<512x64xf32>
    %get3A_9 = arith.constant 0 : index
    %get3A_10 = arith.constant 0 : index
    %get3A_11 = vector.load %arg2[%get3A_9, %get3A_10] : memref<128x128xf32, #tpu.memory_space<vmem>>, vector<64x128xf32>
    %dot_general3A = arith.constant dense<0.000000e+00> : vector<512x128xf32>
    %dot_general3A_12 = tpu.matmul %get3A_3, %get3A_11, %dot_general3A {dimension_numbers = #tpu.dot_dimension_numbers<[1], [0], [0], [1], [0, 0, 1, 1], [], []>, transpose_lhs_hint = false} : vector<512x64xf32>, vector<64x128xf32>, vector<512x128xf32> -> vector<512x128xf32>
    %get3A_13 = arith.constant 64 : index
    %get3A_14 = arith.constant 0 : index
    %get3A_15 = vector.load %arg2[%get3A_13, %get3A_14] : memref<128x128xf32, #tpu.memory_space<vmem>>, vector<64x128xf32>
    %dot_general3A_16 = arith.constant dense<0.000000e+00> : vector<512x128xf32>
    %dot_general3A_17 = tpu.matmul %get3A_8, %get3A_15, %dot_general3A_16 {dimension_numbers = #tpu.dot_dimension_numbers<[1], [0], [0], [1], [0, 0, 1, 1], [], []>, transpose_lhs_hint = false} : vector<512x64xf32>, vector<64x128xf32>, vector<512x128xf32> -> vector<512x128xf32>
    %add3A = arith.addf %dot_general3A_12, %dot_general3A_17 : vector<512x128xf32>
    %get3A_18 = arith.constant 0 : index
    %get3A_19 = arith.constant 0 : index
    %get3A_20 = vector.load %arg3[%get3A_18, %get3A_19] : memref<1x128xf32, #tpu.memory_space<vmem>>, vector<1x128xf32>
    %get3A_21 = vector.shape_cast %get3A_20 : vector<1x128xf32> to vector<128xf32>
    %broadcast_in_dim3A = vector.shape_cast %get3A_21 : vector<128xf32> to vector<1x128xf32>
    %add3A_22 = vector.broadcast %broadcast_in_dim3A : vector<1x128xf32> to vector<512x128xf32>
    %add3A_23 = arith.addf %add3A, %add3A_22 : vector<512x128xf32>
    %max3A = arith.constant 0.000000e+00 : f32
    %max3A_24 = vector.broadcast %max3A : f32 to vector<512x128xf32>
    %max3A_25 = arith.maximumf %add3A_23, %max3A_24 : vector<512x128xf32>
    %get3A_26 = arith.constant 0 : index
    %get3A_27 = arith.constant 0 : index
    %get3A_28 = vector.load %arg4[%get3A_26, %get3A_27] : memref<128x128xf32, #tpu.memory_space<vmem>>, vector<128x128xf32>
    %dot_general3A_29 = arith.constant dense<0.000000e+00> : vector<512x128xf32>
    %dot_general3A_30 = tpu.matmul %max3A_25, %get3A_28, %dot_general3A_29 {dimension_numbers = #tpu.dot_dimension_numbers<[1], [0], [0], [1], [0, 0, 1, 1], [], []>, transpose_lhs_hint = false} : vector<512x128xf32>, vector<128x128xf32>, vector<512x128xf32> -> vector<512x128xf32>
    %get3A_31 = arith.constant 0 : index
    %get3A_32 = arith.constant 0 : index
    %get3A_33 = vector.load %arg5[%get3A_31, %get3A_32] : memref<1x128xf32, #tpu.memory_space<vmem>>, vector<1x128xf32>
    %get3A_34 = vector.shape_cast %get3A_33 : vector<1x128xf32> to vector<128xf32>
    %broadcast_in_dim3A_35 = vector.shape_cast %get3A_34 : vector<128xf32> to vector<1x128xf32>
    %add3A_36 = vector.broadcast %broadcast_in_dim3A_35 : vector<1x128xf32> to vector<512x128xf32>
    %add3A_37 = arith.addf %dot_general3A_30, %add3A_36 : vector<512x128xf32>
    %max3A_38 = arith.constant 0.000000e+00 : f32
    %max3A_39 = vector.broadcast %max3A_38 : f32 to vector<512x128xf32>
    %max3A_40 = arith.maximumf %add3A_37, %max3A_39 : vector<512x128xf32>
    %reduce_sum3A = arith.constant dense<0.000000e+00> : vector<512xf32>
    %reduce_sum3A_41 = vector.multi_reduction <add>, %max3A_40, %reduce_sum3A [1] : vector<512x128xf32> to vector<512xf32>
    %broadcast_in_dim3A_42 = vector.shape_cast %reduce_sum3A_41 : vector<512xf32> to vector<512x1xf32>
    %div3A = arith.constant 1.280000e+02 : f32
    %div3A_43 = vector.broadcast %div3A : f32 to vector<512x1xf32>
    %div3A_44 = arith.divf %broadcast_in_dim3A_42, %div3A_43 : vector<512x1xf32>
    %sub3A = vector.broadcast %div3A_44 : vector<512x1xf32> to vector<512x128xf32>
    %sub3A_45 = arith.subf %max3A_40, %sub3A : vector<512x128xf32>
    %integer_pow3A = arith.mulf %sub3A_45, %sub3A_45 : vector<512x128xf32>
    %reduce_sum3A_46 = arith.constant dense<0.000000e+00> : vector<512xf32>
    %reduce_sum3A_47 = vector.multi_reduction <add>, %integer_pow3A, %reduce_sum3A_46 [1] : vector<512x128xf32> to vector<512xf32>
    %broadcast_in_dim3A_48 = vector.shape_cast %reduce_sum3A_47 : vector<512xf32> to vector<512x1xf32>
    %div3A_49 = arith.constant 1.280000e+02 : f32
    %div3A_50 = vector.broadcast %div3A_49 : f32 to vector<512x1xf32>
    %div3A_51 = arith.divf %broadcast_in_dim3A_48, %div3A_50 : vector<512x1xf32>
    %sub3A_52 = vector.broadcast %div3A_44 : vector<512x1xf32> to vector<512x128xf32>
    %sub3A_53 = arith.subf %max3A_40, %sub3A_52 : vector<512x128xf32>
    %add3A_54 = arith.constant 9.99999974E-6 : f32
    %add3A_55 = vector.broadcast %add3A_54 : f32 to vector<512x1xf32>
    %add3A_56 = arith.addf %div3A_51, %add3A_55 : vector<512x1xf32>
    %rsqrt3A = math.rsqrt %add3A_56 : vector<512x1xf32>
    %mul3A = vector.broadcast %rsqrt3A : vector<512x1xf32> to vector<512x128xf32>
    %mul3A_57 = arith.mulf %sub3A_53, %mul3A : vector<512x128xf32>
    %get3A_58 = arith.constant 0 : index
    %get3A_59 = arith.constant 0 : index
    %get3A_60 = vector.load %arg6[%get3A_58, %get3A_59] : memref<1x128xf32, #tpu.memory_space<vmem>>, vector<1x128xf32>
    %get3A_61 = vector.shape_cast %get3A_60 : vector<1x128xf32> to vector<128xf32>
    %broadcast_in_dim3A_62 = vector.shape_cast %get3A_61 : vector<128xf32> to vector<1x128xf32>
    %mul3A_63 = vector.broadcast %broadcast_in_dim3A_62 : vector<1x128xf32> to vector<512x128xf32>
    %mul3A_64 = arith.mulf %mul3A_57, %mul3A_63 : vector<512x128xf32>
    %get3A_65 = arith.constant 0 : index
    %get3A_66 = arith.constant 0 : index
    %get3A_67 = vector.load %arg7[%get3A_65, %get3A_66] : memref<1x128xf32, #tpu.memory_space<vmem>>, vector<1x128xf32>
    %get3A_68 = vector.shape_cast %get3A_67 : vector<1x128xf32> to vector<128xf32>
    %broadcast_in_dim3A_69 = vector.shape_cast %get3A_68 : vector<128xf32> to vector<1x128xf32>
    %add3A_70 = vector.broadcast %broadcast_in_dim3A_69 : vector<1x128xf32> to vector<512x128xf32>
    %add3A_71 = arith.addf %mul3A_64, %add3A_70 : vector<512x128xf32>
    %slice3A = vector.extract_strided_slice %add3A_71 {offsets = [0, 0], sizes = [512, 64], strides = [1, 1]} : vector<512x128xf32> to vector<512x64xf32>
    %swap3A = arith.constant 0 : index
    %swap3A_72 = arith.constant 0 : index
    %swap3A_73 = arith.constant 0 : index
    %swap3A_74 = vector.load %arg8[%swap3A, %swap3A_72, %swap3A_73] : memref<2x512x64xf32, #tpu.memory_space<vmem>>, vector<1x512x64xf32>
    %swap3A_75 = vector.shape_cast %swap3A_74 : vector<1x512x64xf32> to vector<512x64xf32>
    %swap3A_76 = vector.shape_cast %slice3A : vector<512x64xf32> to vector<1x512x64xf32>
    tpu.vector_store %arg8[%swap3A, %swap3A_72, %swap3A_73], %swap3A_76 {strides = array<i32>} : memref<2x512x64xf32, #tpu.memory_space<vmem>>, vector<1x512x64xf32>,
    %slice3A_77 = vector.extract_strided_slice %add3A_71 {offsets = [0, 64], sizes = [512, 64], strides = [1, 1]} : vector<512x128xf32> to vector<512x64xf32>
    %swap3A_78 = arith.constant 1 : index
    %swap3A_79 = arith.constant 0 : index
    %swap3A_80 = arith.constant 0 : index
    %swap3A_81 = vector.load %arg8[%swap3A_78, %swap3A_79, %swap3A_80] : memref<2x512x64xf32, #tpu.memory_space<vmem>>, vector<1x512x64xf32>
    %swap3A_82 = vector.shape_cast %swap3A_81 : vector<1x512x64xf32> to vector<512x64xf32>
    %swap3A_83 = vector.shape_cast %slice3A_77 : vector<512x64xf32> to vector<1x512x64xf32>
    tpu.vector_store %arg8[%swap3A_78, %swap3A_79, %swap3A_80], %swap3A_83 {strides = array<i32>} : memref<2x512x64xf32, #tpu.memory_space<vmem>>, vector<1x512x64xf32>,
    return
  }
  func.func @transform_0(%arg0: i32) -> (i32, i32, i32) {
    %c0_i32 = arith.constant 0 : i32
    %c0_i32_0 = arith.constant 0 : i32
    %c0_i32_1 = arith.constant 0 : i32
    return %c0_i32, %arg0, %c0_i32_0 : i32, i32, i32
  }
  func.func @transform_1(%arg0: i32) -> (i32, i32) {
    %c0_i32 = arith.constant 0 : i32
    %c0_i32_0 = arith.constant 0 : i32
    %c0_i32_1 = arith.constant 0 : i32
    return %c0_i32, %c0_i32_0 : i32, i32
  }
  func.func @transform_2(%arg0: i32) -> (i32, i32) {
    %c0_i32 = arith.constant 0 : i32
    %c0_i32_0 = arith.constant 0 : i32
    %c0_i32_1 = arith.constant 0 : i32
    return %c0_i32, %c0_i32_0 : i32, i32
  }
  func.func @transform_3(%arg0: i32) -> (i32, i32) {
    %c0_i32 = arith.constant 0 : i32
    %c0_i32_0 = arith.constant 0 : i32
    %c0_i32_1 = arith.constant 0 : i32
    return %c0_i32, %c0_i32_0 : i32, i32
  }
  func.func @transform_4(%arg0: i32) -> (i32, i32) {
    %c0_i32 = arith.constant 0 : i32
    %c0_i32_0 = arith.constant 0 : i32
    %c0_i32_1 = arith.constant 0 : i32
    return %c0_i32, %c0_i32_0 : i32, i32
  }
  func.func @transform_5(%arg0: i32) -> (i32, i32) {
    %c0_i32 = arith.constant 0 : i32
    %c0_i32_0 = arith.constant 0 : i32
    %c0_i32_1 = arith.constant 0 : i32
    return %c0_i32, %c0_i32_0 : i32, i32
  }
  func.func @transform_6(%arg0: i32) -> (i32, i32) {
    %c0_i32 = arith.constant 0 : i32
    %c0_i32_0 = arith.constant 0 : i32
    %c0_i32_1 = arith.constant 0 : i32
    return %c0_i32, %c0_i32_0 : i32, i32
  }
  func.func @transform_7(%arg0: i32) -> (i32, i32, i32) {
    %c0_i32 = arith.constant 0 : i32
    %c0_i32_0 = arith.constant 0 : i32
    %c0_i32_1 = arith.constant 0 : i32
    return %c0_i32, %arg0, %c0_i32_0 : i32, i32, i32
  }
}

module attributes {stable_mosaic.version = 14 : i64} {
  func.func @_pool_kernel(%arg0: i32, %arg1: memref<2x512x64xf32, #tpu.memory_space<vmem>>, %arg2: memref<128x128xf32, #tpu.memory_space<vmem>>, %arg3: memref<1x128xf32, #tpu.memory_space<vmem>>, %arg4: memref<128x128xf32, #tpu.memory_space<vmem>>, %arg5: memref<1x128xf32, #tpu.memory_space<vmem>>, %arg6: memref<1x128xf32, #tpu.memory_space<vmem>>, %arg7: memref<1x128xf32, #tpu.memory_space<vmem>>, %arg8: memref<1x1x512xi32, #tpu.memory_space<vmem>>, %arg9: memref<128x256xf32, #tpu.memory_space<vmem>>, %arg10: memref<1x256xf32, #tpu.memory_space<vmem>>, %arg11: memref<256x128xf32, #tpu.memory_space<vmem>>, %arg12: memref<1x128xf32, #tpu.memory_space<vmem>>, %arg13: memref<16x128xf32, #tpu.memory_space<vmem>>, %arg14: memref<16x128xf32, #tpu.memory_space<vmem>>) attributes {dimension_semantics = [#tpu.dimension_semantics<arbitrary>], iteration_bounds = array<i64: 20>, scalar_prefetch = 0 : i64, scratch_operands = 1 : i64, tpu.core_type = #tpu.core_type<tc>, window_params = [{transform_indices = @transform_0, window_bounds = array<i64: 2, 512, 64>}, {pipeline_mode = #tpu.pipeline_mode<synchronous>, transform_indices = @transform_1, window_bounds = array<i64: 128, 128>}, {pipeline_mode = #tpu.pipeline_mode<synchronous>, transform_indices = @transform_2, window_bounds = array<i64: 1, 128>}, {pipeline_mode = #tpu.pipeline_mode<synchronous>, transform_indices = @transform_3, window_bounds = array<i64: 128, 128>}, {pipeline_mode = #tpu.pipeline_mode<synchronous>, transform_indices = @transform_4, window_bounds = array<i64: 1, 128>}, {pipeline_mode = #tpu.pipeline_mode<synchronous>, transform_indices = @transform_5, window_bounds = array<i64: 1, 128>}, {pipeline_mode = #tpu.pipeline_mode<synchronous>, transform_indices = @transform_6, window_bounds = array<i64: 1, 128>}, {transform_indices = @transform_7, window_bounds = array<i64: 1, 1, 512>}, {pipeline_mode = #tpu.pipeline_mode<synchronous>, transform_indices = @transform_8, window_bounds = array<i64: 128, 256>}, {pipeline_mode = #tpu.pipeline_mode<synchronous>, transform_indices = @transform_9, window_bounds = array<i64: 1, 256>}, {pipeline_mode = #tpu.pipeline_mode<synchronous>, transform_indices = @transform_10, window_bounds = array<i64: 256, 128>}, {pipeline_mode = #tpu.pipeline_mode<synchronous>, transform_indices = @transform_11, window_bounds = array<i64: 1, 128>}, {pipeline_mode = #tpu.pipeline_mode<synchronous>, transform_indices = @transform_12, window_bounds = array<i64: 16, 128>}]} {
    %eq3A = arith.constant 0 : i32
    %eq3A_0 = arith.cmpi eq, %arg0, %eq3A : i32
    %convert_element_type3A = arith.extui %eq3A_0 : i1 to i32
    %cond3A = arith.constant 0 : i32
    %cond3A_1 = arith.cmpi ne, %convert_element_type3A, %cond3A : i32
    scf.if %cond3A_1 {
      %broadcast_in_dim3A_97 = arith.constant 0.000000e+00 : f32
      %broadcast_in_dim3A_98 = vector.broadcast %broadcast_in_dim3A_97 : f32 to vector<16x128xf32>
      %swap3A_99 = arith.constant 0 : index
      %swap3A_100 = arith.constant 0 : index
      %swap3A_101 = vector.load %arg14[%swap3A_99, %swap3A_100] : memref<16x128xf32, #tpu.memory_space<vmem>>, vector<16x128xf32>
      tpu.vector_store %arg14[%swap3A_99, %swap3A_100], %broadcast_in_dim3A_98 {strides = array<i32>} : memref<16x128xf32, #tpu.memory_space<vmem>>, vector<16x128xf32>,
    } else {
    }
    %get3A = arith.constant 0 : index
    %get3A_2 = arith.constant 0 : index
    %get3A_3 = arith.constant 0 : index
    %get3A_4 = vector.load %arg1[%get3A, %get3A_2, %get3A_3] : memref<2x512x64xf32, #tpu.memory_space<vmem>>, vector<1x512x64xf32>
    %get3A_5 = vector.shape_cast %get3A_4 : vector<1x512x64xf32> to vector<512x64xf32>
    %get3A_6 = arith.constant 1 : index
    %get3A_7 = arith.constant 0 : index
    %get3A_8 = arith.constant 0 : index
    %get3A_9 = vector.load %arg1[%get3A_6, %get3A_7, %get3A_8] : memref<2x512x64xf32, #tpu.memory_space<vmem>>, vector<1x512x64xf32>
    %get3A_10 = vector.shape_cast %get3A_9 : vector<1x512x64xf32> to vector<512x64xf32>
    %get3A_11 = arith.constant 0 : index
    %get3A_12 = arith.constant 0 : index
    %get3A_13 = vector.load %arg2[%get3A_11, %get3A_12] : memref<128x128xf32, #tpu.memory_space<vmem>>, vector<64x128xf32>
    %dot_general3A = arith.constant dense<0.000000e+00> : vector<512x128xf32>
    %dot_general3A_14 = tpu.matmul %get3A_5, %get3A_13, %dot_general3A {dimension_numbers = #tpu.dot_dimension_numbers<[1], [0], [0], [1], [0, 0, 1, 1], [], []>, transpose_lhs_hint = false} : vector<512x64xf32>, vector<64x128xf32>, vector<512x128xf32> -> vector<512x128xf32>
    %get3A_15 = arith.constant 64 : index
    %get3A_16 = arith.constant 0 : index
    %get3A_17 = vector.load %arg2[%get3A_15, %get3A_16] : memref<128x128xf32, #tpu.memory_space<vmem>>, vector<64x128xf32>
    %dot_general3A_18 = arith.constant dense<0.000000e+00> : vector<512x128xf32>
    %dot_general3A_19 = tpu.matmul %get3A_10, %get3A_17, %dot_general3A_18 {dimension_numbers = #tpu.dot_dimension_numbers<[1], [0], [0], [1], [0, 0, 1, 1], [], []>, transpose_lhs_hint = false} : vector<512x64xf32>, vector<64x128xf32>, vector<512x128xf32> -> vector<512x128xf32>
    %add3A = arith.addf %dot_general3A_14, %dot_general3A_19 : vector<512x128xf32>
    %get3A_20 = arith.constant 0 : index
    %get3A_21 = arith.constant 0 : index
    %get3A_22 = vector.load %arg3[%get3A_20, %get3A_21] : memref<1x128xf32, #tpu.memory_space<vmem>>, vector<1x128xf32>
    %get3A_23 = vector.shape_cast %get3A_22 : vector<1x128xf32> to vector<128xf32>
    %broadcast_in_dim3A = vector.shape_cast %get3A_23 : vector<128xf32> to vector<1x128xf32>
    %add3A_24 = vector.broadcast %broadcast_in_dim3A : vector<1x128xf32> to vector<512x128xf32>
    %add3A_25 = arith.addf %add3A, %add3A_24 : vector<512x128xf32>
    %max3A = arith.constant 0.000000e+00 : f32
    %max3A_26 = vector.broadcast %max3A : f32 to vector<512x128xf32>
    %max3A_27 = arith.maximumf %add3A_25, %max3A_26 : vector<512x128xf32>
    %get3A_28 = arith.constant 0 : index
    %get3A_29 = arith.constant 0 : index
    %get3A_30 = vector.load %arg4[%get3A_28, %get3A_29] : memref<128x128xf32, #tpu.memory_space<vmem>>, vector<128x128xf32>
    %dot_general3A_31 = arith.constant dense<0.000000e+00> : vector<512x128xf32>
    %dot_general3A_32 = tpu.matmul %max3A_27, %get3A_30, %dot_general3A_31 {dimension_numbers = #tpu.dot_dimension_numbers<[1], [0], [0], [1], [0, 0, 1, 1], [], []>, transpose_lhs_hint = false} : vector<512x128xf32>, vector<128x128xf32>, vector<512x128xf32> -> vector<512x128xf32>
    %get3A_33 = arith.constant 0 : index
    %get3A_34 = arith.constant 0 : index
    %get3A_35 = vector.load %arg5[%get3A_33, %get3A_34] : memref<1x128xf32, #tpu.memory_space<vmem>>, vector<1x128xf32>
    %get3A_36 = vector.shape_cast %get3A_35 : vector<1x128xf32> to vector<128xf32>
    %broadcast_in_dim3A_37 = vector.shape_cast %get3A_36 : vector<128xf32> to vector<1x128xf32>
    %add3A_38 = vector.broadcast %broadcast_in_dim3A_37 : vector<1x128xf32> to vector<512x128xf32>
    %add3A_39 = arith.addf %dot_general3A_32, %add3A_38 : vector<512x128xf32>
    %max3A_40 = arith.constant 0.000000e+00 : f32
    %max3A_41 = vector.broadcast %max3A_40 : f32 to vector<512x128xf32>
    %max3A_42 = arith.maximumf %add3A_39, %max3A_41 : vector<512x128xf32>
    %reduce_sum3A = arith.constant dense<0.000000e+00> : vector<512xf32>
    %reduce_sum3A_43 = vector.multi_reduction <add>, %max3A_42, %reduce_sum3A [1] : vector<512x128xf32> to vector<512xf32>
    %broadcast_in_dim3A_44 = vector.shape_cast %reduce_sum3A_43 : vector<512xf32> to vector<512x1xf32>
    %div3A = arith.constant 1.280000e+02 : f32
    %div3A_45 = vector.broadcast %div3A : f32 to vector<512x1xf32>
    %div3A_46 = arith.divf %broadcast_in_dim3A_44, %div3A_45 : vector<512x1xf32>
    %sub3A = vector.broadcast %div3A_46 : vector<512x1xf32> to vector<512x128xf32>
    %sub3A_47 = arith.subf %max3A_42, %sub3A : vector<512x128xf32>
    %integer_pow3A = arith.mulf %sub3A_47, %sub3A_47 : vector<512x128xf32>
    %reduce_sum3A_48 = arith.constant dense<0.000000e+00> : vector<512xf32>
    %reduce_sum3A_49 = vector.multi_reduction <add>, %integer_pow3A, %reduce_sum3A_48 [1] : vector<512x128xf32> to vector<512xf32>
    %broadcast_in_dim3A_50 = vector.shape_cast %reduce_sum3A_49 : vector<512xf32> to vector<512x1xf32>
    %div3A_51 = arith.constant 1.280000e+02 : f32
    %div3A_52 = vector.broadcast %div3A_51 : f32 to vector<512x1xf32>
    %div3A_53 = arith.divf %broadcast_in_dim3A_50, %div3A_52 : vector<512x1xf32>
    %sub3A_54 = vector.broadcast %div3A_46 : vector<512x1xf32> to vector<512x128xf32>
    %sub3A_55 = arith.subf %max3A_42, %sub3A_54 : vector<512x128xf32>
    %add3A_56 = arith.constant 9.99999974E-6 : f32
    %add3A_57 = vector.broadcast %add3A_56 : f32 to vector<512x1xf32>
    %add3A_58 = arith.addf %div3A_53, %add3A_57 : vector<512x1xf32>
    %rsqrt3A = math.rsqrt %add3A_58 : vector<512x1xf32>
    %mul3A = vector.broadcast %rsqrt3A : vector<512x1xf32> to vector<512x128xf32>
    %mul3A_59 = arith.mulf %sub3A_55, %mul3A : vector<512x128xf32>
    %get3A_60 = arith.constant 0 : index
    %get3A_61 = arith.constant 0 : index
    %get3A_62 = vector.load %arg6[%get3A_60, %get3A_61] : memref<1x128xf32, #tpu.memory_space<vmem>>, vector<1x128xf32>
    %get3A_63 = vector.shape_cast %get3A_62 : vector<1x128xf32> to vector<128xf32>
    %broadcast_in_dim3A_64 = vector.shape_cast %get3A_63 : vector<128xf32> to vector<1x128xf32>
    %mul3A_65 = vector.broadcast %broadcast_in_dim3A_64 : vector<1x128xf32> to vector<512x128xf32>
    %mul3A_66 = arith.mulf %mul3A_59, %mul3A_65 : vector<512x128xf32>
    %get3A_67 = arith.constant 0 : index
    %get3A_68 = arith.constant 0 : index
    %get3A_69 = vector.load %arg7[%get3A_67, %get3A_68] : memref<1x128xf32, #tpu.memory_space<vmem>>, vector<1x128xf32>
    %get3A_70 = vector.shape_cast %get3A_69 : vector<1x128xf32> to vector<128xf32>
    %broadcast_in_dim3A_71 = vector.shape_cast %get3A_70 : vector<128xf32> to vector<1x128xf32>
    %add3A_72 = vector.broadcast %broadcast_in_dim3A_71 : vector<1x128xf32> to vector<512x128xf32>
    %add3A_73 = arith.addf %mul3A_66, %add3A_72 : vector<512x128xf32>
    %get3A_74 = arith.constant 0 : index
    %get3A_75 = arith.constant 0 : index
    %get3A_76 = arith.constant 0 : index
    %get3A_77 = vector.load %arg8[%get3A_74, %get3A_75, %get3A_76] : memref<1x1x512xi32, #tpu.memory_space<vmem>>, vector<1x1x512xi32>
    %get3A_78 = vector.shape_cast %get3A_77 : vector<1x1x512xi32> to vector<512xi32>
    %iota3A = tpu.iota {dimensions = array<i32: 0>} : vector<16x512xi32>
    %broadcast_in_dim3A_79 = vector.shape_cast %get3A_78 : vector<512xi32> to vector<1x512xi32>
    %eq3A_80 = vector.broadcast %broadcast_in_dim3A_79 : vector<1x512xi32> to vector<16x512xi32>
    %eq3A_81 = arith.cmpi eq, %iota3A, %eq3A_80 : vector<16x512xi32>
    %convert_element_type3A_82 = arith.extui %eq3A_81 : vector<16x512xi1> to vector<16x512xi32>
    %convert_element_type3A_83 = arith.sitofp %convert_element_type3A_82 : vector<16x512xi32> to vector<16x512xf32>
    %get3A_84 = arith.constant 0 : index
    %get3A_85 = arith.constant 0 : index
    %get3A_86 = vector.load %arg14[%get3A_84, %get3A_85] : memref<16x128xf32, #tpu.memory_space<vmem>>, vector<16x128xf32>
    %dot_general3A_87 = arith.constant dense<0.000000e+00> : vector<16x128xf32>
    %dot_general3A_88 = tpu.matmul %convert_element_type3A_83, %add3A_73, %dot_general3A_87 {dimension_numbers = #tpu.dot_dimension_numbers<[1], [0], [0], [1], [0, 0, 1, 1], [], []>, transpose_lhs_hint = false} : vector<16x512xf32>, vector<512x128xf32>, vector<16x128xf32> -> vector<16x128xf32>
    %add3A_89 = arith.addf %get3A_86, %dot_general3A_88 : vector<16x128xf32>
    %swap3A = arith.constant 0 : index
    %swap3A_90 = arith.constant 0 : index
    %swap3A_91 = vector.load %arg14[%swap3A, %swap3A_90] : memref<16x128xf32, #tpu.memory_space<vmem>>, vector<16x128xf32>
    tpu.vector_store %arg14[%swap3A, %swap3A_90], %add3A_89 {strides = array<i32>} : memref<16x128xf32, #tpu.memory_space<vmem>>, vector<16x128xf32>,
    %eq3A_92 = arith.constant 19 : i32
    %eq3A_93 = arith.cmpi eq, %arg0, %eq3A_92 : i32
    %convert_element_type3A_94 = arith.extui %eq3A_93 : i1 to i32
    %cond3A_95 = arith.constant 0 : i32
    %cond3A_96 = arith.cmpi ne, %convert_element_type3A_94, %cond3A_95 : i32
    scf.if %cond3A_96 {
      %get3A_97 = arith.constant 0 : index
      %get3A_98 = arith.constant 0 : index
      %get3A_99 = vector.load %arg14[%get3A_97, %get3A_98] : memref<16x128xf32, #tpu.memory_space<vmem>>, vector<16x128xf32>
      %get3A_100 = arith.constant 0 : index
      %get3A_101 = arith.constant 0 : index
      %get3A_102 = vector.load %arg9[%get3A_100, %get3A_101] : memref<128x256xf32, #tpu.memory_space<vmem>>, vector<128x256xf32>
      %dot_general3A_103 = arith.constant dense<0.000000e+00> : vector<16x256xf32>
      %dot_general3A_104 = tpu.matmul %get3A_99, %get3A_102, %dot_general3A_103 {dimension_numbers = #tpu.dot_dimension_numbers<[1], [0], [0], [1], [0, 0, 1, 1], [], []>, transpose_lhs_hint = false} : vector<16x128xf32>, vector<128x256xf32>, vector<16x256xf32> -> vector<16x256xf32>
      %get3A_105 = arith.constant 0 : index
      %get3A_106 = arith.constant 0 : index
      %get3A_107 = vector.load %arg10[%get3A_105, %get3A_106] : memref<1x256xf32, #tpu.memory_space<vmem>>, vector<1x256xf32>
      %get3A_108 = vector.shape_cast %get3A_107 : vector<1x256xf32> to vector<256xf32>
      %broadcast_in_dim3A_109 = vector.shape_cast %get3A_108 : vector<256xf32> to vector<1x256xf32>
      %add3A_110 = vector.broadcast %broadcast_in_dim3A_109 : vector<1x256xf32> to vector<16x256xf32>
      %add3A_111 = arith.addf %dot_general3A_104, %add3A_110 : vector<16x256xf32>
      %max3A_112 = arith.constant 0.000000e+00 : f32
      %max3A_113 = vector.broadcast %max3A_112 : f32 to vector<16x256xf32>
      %max3A_114 = arith.maximumf %add3A_111, %max3A_113 : vector<16x256xf32>
      %get3A_115 = arith.constant 0 : index
      %get3A_116 = arith.constant 0 : index
      %get3A_117 = vector.load %arg11[%get3A_115, %get3A_116] : memref<256x128xf32, #tpu.memory_space<vmem>>, vector<256x128xf32>
      %dot_general3A_118 = arith.constant dense<0.000000e+00> : vector<16x128xf32>
      %dot_general3A_119 = tpu.matmul %max3A_114, %get3A_117, %dot_general3A_118 {dimension_numbers = #tpu.dot_dimension_numbers<[1], [0], [0], [1], [0, 0, 1, 1], [], []>, transpose_lhs_hint = false} : vector<16x256xf32>, vector<256x128xf32>, vector<16x128xf32> -> vector<16x128xf32>
      %get3A_120 = arith.constant 0 : index
      %get3A_121 = arith.constant 0 : index
      %get3A_122 = vector.load %arg12[%get3A_120, %get3A_121] : memref<1x128xf32, #tpu.memory_space<vmem>>, vector<1x128xf32>
      %get3A_123 = vector.shape_cast %get3A_122 : vector<1x128xf32> to vector<128xf32>
      %broadcast_in_dim3A_124 = vector.shape_cast %get3A_123 : vector<128xf32> to vector<1x128xf32>
      %add3A_125 = vector.broadcast %broadcast_in_dim3A_124 : vector<1x128xf32> to vector<16x128xf32>
      %add3A_126 = arith.addf %dot_general3A_119, %add3A_125 : vector<16x128xf32>
      %swap3A_127 = arith.constant 0 : index
      %swap3A_128 = arith.constant 0 : index
      %swap3A_129 = vector.load %arg13[%swap3A_127, %swap3A_128] : memref<16x128xf32, #tpu.memory_space<vmem>>, vector<16x128xf32>
      tpu.vector_store %arg13[%swap3A_127, %swap3A_128], %add3A_126 {strides = array<i32>} : memref<16x128xf32, #tpu.memory_space<vmem>>, vector<16x128xf32>,
    } else {
    }
    return
  }
  func.func @transform_0(%arg0: i32) -> (i32, i32, i32) {
    %c0_i32 = arith.constant 0 : i32
    %c0_i32_0 = arith.constant 0 : i32
    %c0_i32_1 = arith.constant 0 : i32
    return %c0_i32, %arg0, %c0_i32_0 : i32, i32, i32
  }
  func.func @transform_1(%arg0: i32) -> (i32, i32) {
    %c0_i32 = arith.constant 0 : i32
    %c0_i32_0 = arith.constant 0 : i32
    %c0_i32_1 = arith.constant 0 : i32
    return %c0_i32, %c0_i32_0 : i32, i32
  }
  func.func @transform_2(%arg0: i32) -> (i32, i32) {
    %c0_i32 = arith.constant 0 : i32
    %c0_i32_0 = arith.constant 0 : i32
    %c0_i32_1 = arith.constant 0 : i32
    return %c0_i32, %c0_i32_0 : i32, i32
  }
  func.func @transform_3(%arg0: i32) -> (i32, i32) {
    %c0_i32 = arith.constant 0 : i32
    %c0_i32_0 = arith.constant 0 : i32
    %c0_i32_1 = arith.constant 0 : i32
    return %c0_i32, %c0_i32_0 : i32, i32
  }
  func.func @transform_4(%arg0: i32) -> (i32, i32) {
    %c0_i32 = arith.constant 0 : i32
    %c0_i32_0 = arith.constant 0 : i32
    %c0_i32_1 = arith.constant 0 : i32
    return %c0_i32, %c0_i32_0 : i32, i32
  }
  func.func @transform_5(%arg0: i32) -> (i32, i32) {
    %c0_i32 = arith.constant 0 : i32
    %c0_i32_0 = arith.constant 0 : i32
    %c0_i32_1 = arith.constant 0 : i32
    return %c0_i32, %c0_i32_0 : i32, i32
  }
  func.func @transform_6(%arg0: i32) -> (i32, i32) {
    %c0_i32 = arith.constant 0 : i32
    %c0_i32_0 = arith.constant 0 : i32
    %c0_i32_1 = arith.constant 0 : i32
    return %c0_i32, %c0_i32_0 : i32, i32
  }
  func.func @transform_7(%arg0: i32) -> (i32, i32, i32) {
    %c0_i32 = arith.constant 0 : i32
    %c0_i32_0 = arith.constant 0 : i32
    %c0_i32_1 = arith.constant 0 : i32
    return %arg0, %c0_i32, %c0_i32_0 : i32, i32, i32
  }
  func.func @transform_8(%arg0: i32) -> (i32, i32) {
    %c0_i32 = arith.constant 0 : i32
    %c0_i32_0 = arith.constant 0 : i32
    %c0_i32_1 = arith.constant 0 : i32
    return %c0_i32, %c0_i32_0 : i32, i32
  }
  func.func @transform_9(%arg0: i32) -> (i32, i32) {
    %c0_i32 = arith.constant 0 : i32
    %c0_i32_0 = arith.constant 0 : i32
    %c0_i32_1 = arith.constant 0 : i32
    return %c0_i32, %c0_i32_0 : i32, i32
  }
  func.func @transform_10(%arg0: i32) -> (i32, i32) {
    %c0_i32 = arith.constant 0 : i32
    %c0_i32_0 = arith.constant 0 : i32
    %c0_i32_1 = arith.constant 0 : i32
    return %c0_i32, %c0_i32_0 : i32, i32
  }
  func.func @transform_11(%arg0: i32) -> (i32, i32) {
    %c0_i32 = arith.constant 0 : i32
    %c0_i32_0 = arith.constant 0 : i32
    %c0_i32_1 = arith.constant 0 : i32
    return %c0_i32, %c0_i32_0 : i32, i32
  }
  func.func @transform_12(%arg0: i32) -> (i32, i32) {
    %c0_i32 = arith.constant 0 : i32
    %c0_i32_0 = arith.constant 0 : i32
    %c0_i32_1 = arith.constant 0 : i32
    return %c0_i32, %c0_i32_0 : i32, i32
  }
}

</mosaic_0001>

<sc_bundles>
// kernel: kernel.13.cloned.1.call-start
scs
__scs_entry_jumppad:
0x0: {  	(pc) =	sbr.rel $0x88, $3  }
0x1: {  	(tag) =	ssettag $0x0;
	lr =	simm.s32 $0x1  }
0x2: {  	[smem:$0x3F92] =	sst lr;
	_ =	strace $0xD0000000  }
0x3: {  	_ = 	snop  }
0x4: {  	_ = 	snop  }
0x5: {  	_ = 	snop  }
0x6: {  	_ = 	snop  }
0x7: {  	_ = 	snop  }
__scs_overlays_trampoline_lowered:
0x8: {  	[smem:$0x3FA1] =	sst s0  }
0x9: {  	[smem:$0x3FA2] =	sst s1  }
0xa: {  	[smem:$0x3FA3] =	sst s2  }
0xb: {  	[smem:$0x3FA4] =	sst s3  }
0xc: {  	[smem:$0x3FA5] =	sst s4  }
0xd: {  	[smem:$0x3FA6] =	sst s5  }
0xe: {  	[smem:$0x3FA7] =	sst s6  }
0xf: {  	[smem:$0x3FA8] =	sst s7  }
0x10: {  	[smem:$0x3FA9] =	sst s8  }
0x11: {  	[smem:$0x3FAA] =	sst s9;
	s0 =	simm.s32 @!p0 $0x0  }
0x12: {  	s1 =	sld [smem:$0x3F90];
	s0 =	simm.s32 @p0 $0x1  }
0x13: {  	[smem:$0x3FAB] =	sst s0;
	s0 =	simm.s32 @!p1 $0x0  }
0x14: {  	s2 =	sld [smem:$0x3F8F];
	s0 =	simm.s32 @p1 $0x1  }
0x15: {  	[smem:$0x3FAC] =	sst s0;
	s0 =	simm.s32 @!p2 $0x0  }
0x16: {  	s3 =	sld [smem:$0x3FDB];
	s0 =	simm.s32 @p2 $0x1  }
0x17: {  	s4 =	simm.s32 $0x1BF5;
	[smem:$0x3FAE] =	sst s0  }
0x18: {  	s0 =	sld [smem:$0x3F91];
	_ =	swait.ge [sflag:s4], $0x0  }
0x19: {  	s7 =	sld [smem:$0x3F92]  }
0x1a: {  	s8 =	sadd.s32 $0xFFFFE003, lr  }
0x1b: {  	s9 =	sadd.s32 $0xFFFFFEF7, lr;
	s5 =	simm.s32 $0xFFFFFFFF;
	p2 =	slt.u32 s8, $0xFFFFF086  }
0x1c: {  	p1 =	slt.u32 s9, $0xF7A;
	s5 =	simm.s32 @!p2 $0x0  }
0x1d: {  	s5 =	simm.s32 @p1 $0x1;
	p0 =	seq.s32 s7, s2  }
0x1e: {  	s7 =	smul.u32 @!p0 $0xF7A, s2;
	p2 =	seq.s32 @!p0 s5, $0x0  }
0x1f: {  	s9 =	smul.u32 $0xF7A, s1;
	s8 =	simm.s32 @!p0 $0x1BF5;
	p2 =	por !p2, p0  }
0x20: {  	[sflag:s8] =	ssyncset.s32 @!p0 $0xFFFFF086;
	s6 =	sadd.s32 @!p0 s3, s7;
	s7 =	simm.s32 @!p0 $0x108  }
0x21: {  	s3 =	sadd.s32 s3, s9;
	s6 =	sadd.s32 @!p0 $0x88, s6;
	s7 =	simm.s32 @p2 $0x1082  }
0x22: {  	[simem:s7], [sflag:s8] =	dma.local @!p0 [hbm:s6], $0xF7A  }
0x23: {  	s9 =	sor.u32 $0xD0000000, s2;
	s6 =	simm.s32 $0x108;
	_ =	swait.ge @!p0 [sflag:s8], $0x0  }
0x24: {  	s3 =	sadd.s32 $0x88, s3;
	s6 =	simm.s32 @!p1 $0x1082;
	[sflag:s4] =	ssyncset.s32 $0xFFFFF086  }
0x25: {  	[simem:s6], [sflag:s4] =	dma.local [hbm:s3], $0xF7A  }
0x26: {  	[smem:$0x3F92] =	sst s1;
	(tag) =	ssettag s2;
	_ =	strace s9  }
0x27: {  	s1 =	sld [smem:$0x3FA2]  }
0x28: {  	s2 =	sld [smem:$0x3FA3]  }
0x29: {  	s4 =	sld [smem:$0x3FA5]  }
0x2a: {  	p0 =	seq.s32 s5, $0x0;
	s5 =	sld [smem:$0x3FA6]  }
0x2b: {  	s6 =	sld [smem:$0x3FA7]  }
0x2c: {  	s7 =	sld [smem:$0x3FA8]  }
0x2d: {  	s3 =	simm.s32 $0x108;
	s8 =	sld [smem:$0x3FA9]  }
0x2e: {  	s3 =	simm.s32 @!p0 $0x1082;
	s9 =	sld [smem:$0x3FAA]  }
0x2f: {  	lr =	sadd.s32 s0, s3;
	s0 =	sld [smem:$0x3FA1]  }
0x30: {  	s3 =	sld [smem:$0x3FA4]  }
0x31: {  	[smem:$0x3FAD] =	sst s10  }
0x32: {  	s10 =	sld [smem:$0x3FAB];
	_ =	sdelay $0x3  }
0x33: {  	p0 =	seq.s32 s10, $0x1;
	s10 =	sld [smem:$0x3FAD];
	_ =	sdelay $0x3  }
0x34: {  	[smem:$0x3FAD] =	sst s10  }
0x35: {  	s10 =	sld [smem:$0x3FAC];
	_ =	sdelay $0x3  }
0x36: {  	p1 =	seq.s32 s10, $0x1;
	s10 =	sld [smem:$0x3FAD];
	_ =	sdelay $0x3  }
0x37: {  	[smem:$0x3FAD] =	sst s10  }
0x38: {  	s10 =	sld [smem:$0x3FAE]  }
0x39: {  	_ = 	snop;
	(pc) =	sbr.ind lr, $3  }
0x3a: {  	_ = 	snop  }
0x3b: {  	_ = 	snop  }
0x3c: {  	p2 =	seq.s32 s10, $0x1;
	s10 =	sld [smem:$0x3FAD]  }
0x3d: {  	_ =	shalt  }
0x3e: {  	_ =	shalt  }
0x3f: {  	_ =	shalt  }
0x40: {  	_ =	shalt  }
0x41: {  	_ =	shalt  }
0x42: {  	_ =	shalt  }
0x43: {  	_ =	shalt  }
0x44: {  	_ =	shalt  }
0x45: {  	_ =	shalt  }
0x46: {  	_ =	shalt  }
0x47: {  	_ =	shalt  }
0x48: {  	_ =	shalt  }
0x49: {  	_ =	shalt  }
0x4a: {  	_ =	shalt  }
0x4b: {  	_ =	shalt  }
0x4c: {  	_ =	shalt  }
0x4d: {  	_ =	shalt  }
0x4e: {  	_ =	shalt  }
0x4f: {  	_ =	shalt  }
0x50: {  	_ =	shalt  }
0x51: {  	_ =	shalt  }
0x52: {  	_ =	shalt  }
0x53: {  	_ =	shalt  }
0x54: {  	_ =	shalt  }
0x55: {  	_ =	shalt  }
0x56: {  	_ =	shalt  }
0x57: {  	_ =	shalt  }
0x58: {  	_ =	shalt  }
0x59: {  	_ =	shalt  }
0x5a: {  	_ =	shalt  }
0x5b: {  	_ =	shalt  }
0x5c: {  	_ =	shalt  }
0x5d: {  	_ =	shalt  }
0x5e: {  	_ =	shalt  }
0x5f: {  	_ =	shalt  }
0x60: {  	_ =	shalt  }
0x61: {  	_ =	shalt  }
0x62: {  	_ =	shalt  }
0x63: {  	_ =	shalt  }
0x64: {  	_ =	shalt  }
0x65: {  	_ =	shalt  }
0x66: {  	_ =	shalt  }
0x67: {  	_ =	shalt  }
0x68: {  	_ =	shalt  }
0x69: {  	_ =	shalt  }
0x6a: {  	_ =	shalt  }
0x6b: {  	_ =	shalt  }
0x6c: {  	_ =	shalt  }
0x6d: {  	_ =	shalt  }
0x6e: {  	_ =	shalt  }
0x6f: {  	_ =	shalt  }
0x70: {  	_ =	shalt  }
0x71: {  	_ =	shalt  }
0x72: {  	_ =	shalt  }
0x73: {  	_ =	shalt  }
0x74: {  	_ =	shalt  }
0x75: {  	_ =	shalt  }
0x76: {  	_ =	shalt  }
0x77: {  	_ =	shalt  }
0x78: {  	_ =	shalt  }
0x79: {  	_ =	shalt  }
0x7a: {  	_ =	shalt  }
0x7b: {  	_ =	shalt  }
0x7c: {  	_ =	shalt  }
0x7d: {  	_ =	shalt  }
0x7e: {  	_ =	shalt  }
0x7f: {  	_ =	shalt  }
0x80: {  	_ =	shalt  }
0x81: {  	_ =	shalt  }
0x82: {  	_ =	shalt  }
0x83: {  	_ =	shalt  }
0x84: {  	_ =	shalt  }
0x85: {  	_ =	shalt  }
0x86: {  	_ =	shalt  }
0x87: {  	_ =	shalt  }
.Lfunc_end0:
.L_simem_size_0:
called_computation_lowered:
.L_overlay_start_0:
0x88: {  	s2 =	sld [smem:$0x3FD9]  }
0x89: {  	s3 =	sld [smem:$0x3FFE];
	_ =	sdelay $0x1  }
0x8a: {  	s1 =	srdreg.scid  }
0x8b: {  	s0 =	sand.u32 $0x1, s1  }
0x8c: {  	s16 =	sshll.u32 s0, $0xA;
	s2 =	sadd.s32 s3, s2  }
0x8d: {  	s2 =	sadd.s32 s2, s16  }
0x8e: {  	[smem:$0x3FB9] =	sst s2  }
0x8f: {  	_ = 	snop  }
0x90: {  	(tm) =	ssettm $0x1  }
0x91: {  	s17 =	sld [smem:$0x3FFB];
	_ =	sdelay $0x3  }
0x92: {  	_ =	strace s17  }
0x93: {  	s2 =	sld [smem:$0x3FFC];
	_ =	sdelay $0x3  }
0x94: {  	_ =	strace s2  }
0x95: {  	s2 =	sld [smem:$0x3FFD];
	_ =	sdelay $0x3  }
0x96: {  	_ =	strace s2  }
0x97: {  	_ =	strace $0x8FFFFFFF  }
0x98: {  	s18 =	sld [smem:$0x3FDB];
	_ =	sdelay $0x1  }
0x99: {  	s19 =	simm.s32 $_scs_section_size  }
0x9a: {  	s4 =	simm.s32 $_size__tile_overlayer_lowered;
	s5 =	simm.s32 $_tile_overlayer_lowered  }
0x9b: {  	s22 =	simm.s32 $0x1BFF;
	s21 =	sshll.u32 s5, $0x1;
	s2 =	sadd.s32 s19, s18  }
0x9c: {  	s6 =	simm.s32 $0x0;
	s20 =	sshll.u32 s4, $0x1;
	s4 =	sadd.s32 s21, s2  }
0x9d: {  	[timem:s6], [sflag:s22] =	dma.local [hbm:s4], s20  }
0x9e: {  	_ =	swait.ge [sflag:s22], s20  }
0x9f: {  	s3 =	ssub.s32 $0x0, s20;
	[sflag:s22] =	ssyncset.done $0x0  }
0xa0: {  	[sflag:s22] =	ssyncadd.s32 s3;
	_ =	sdelay $0x1  }
0xa1: {  	s23 =	simm.s32 $0x1B8B  }
0xa2: {  	_ =	swait.ge [sflag:s23], $0x1  }
0xa3: {  	[sflag:s23] =	ssyncset.done $0x0  }
0xa4: {  	s25 =	simm.s32 $0x1B8E;
	s24 =	sld [smem:$0x3FFE];
	[sflag:s23] =	ssyncadd.s32 $0xFFFFFFFF  }
0xa5: {  	s26 =	simm.s32 $execute0_lowered;
	[smem:$0x3FD2] =	sst s25  }
0xa6: {  	s4 =	sshll.u32 s26, $0x1;
	_ =	strace $0x80000046;
	[dreg:$0x1] =	wrdreg $0xFFFFFFFF  }
0xa7: {  	s28 =	simm.s32 $_size_execute0_lowered;
	s2 =	sadd.s32 s2, s4;
	[dreg:$0x0] =	wrdreg $0x0  }
0xa8: {  	s4 =	sshll.u32 s28, $0x1;
	[dreg:$0x2] =	wrdreg s2  }
0xa9: {  	[dreg:$0x3] =	wrdreg s4  }
0xaa: {  	[dreg:$0x4] =	wrdreg $0xC0  }
0xab: {  	_ =	task [dreg:s6], $0x5FFFF  }
0xac: {  	[dreg:$0x1] =	wrdreg $0xFFFFFFFF  }
0xad: {  	[dreg:$0x0] =	wrdreg $0x60  }
0xae: {  	[dreg:$0x2] =	wrdreg s24  }
0xaf: {  	[dreg:$0x3] =	wrdreg $0x108000  }
0xb0: {  	[dreg:$0x4] =	wrdreg $0x9  }
0xb1: {  	_ =	task.clear_ibuf [dreg:s6], $0x5FFFF;
	_ =	strace $0x90000046  }
0xb2: {  	s29 =	simm.s32 $0x9;
	_ =	strace $0x80000048  }
0xb3: {  	_ =	swait.ge [sflag:s29], $0x1  }
0xb4: {  	[sflag:s29] =	ssyncadd.s32 $0xFFFFFFFF  }
0xb5: {  	_ =	strace $0x90000048  }
0xb6: {  	_ =	sfence  }
0xb7: {  	s30 =	sld [smem:$0x0];
	_ =	sdelay $0x2  }
0xb8: {  	s31 =	sshll.u32 s1, $0xD;
	s1 =	sshrl.u32 s1, $0x2  }
0xb9: {  	s3 =	sand.u32 $0x4000, s31;
	s1 =	sadd.s32 s1, s30  }
0xba: {  	s0 =	sor.u32 s3, s0;
	s1 =	sshll.u32 s1, $0x11  }
0xbb: {  	s0 =	sor.u32 s1, s0  }
0xbc: {  	s0 =	sadd.s32 $0x8F2B, s0  }
0xbd: {  	[sflag:s0] =	ssyncadd.remote.s32 $0x1  }
0xbe: {  	_ =	sfence.sel $0xFFFF  }
0xbf: {  	[dreg:$0x0] =	wrdreg $0xFFFFFFFF;
	(pc) =	sbr.abs _section_cstart, $3  }
0xc0: {  	[dreg:$0x1] =	wrdreg $0xFFFFFFFF  }
0xc1: {  	_ =	task.clear_ibuf [dreg:s6], $0x2FFFF;
	_ =	strace $0x9FFFFFFF  }
0xc2: {  	(tm) =	ssettm $0x7FFFFFFF  }
0xc3: {  	_ =	shalt  }
tec
execute0_lowered:
.L_overlay_start_1:
0x0: {  	(tag) =	ssettag $0x1  }
0x1: {  	s0 =	rddreg [dreg:$0x0]  }
0x2: {  	s1 =	rddreg [dreg:$0x1]  }
0x3: {  	s2 =	simm.s32 $0x0;
	s3 =	srdreg.scid;
	s9 =	stileid.u32  }
0x4: {  	s31 =	simm.s32 $0xC800;
	s12 =	simm.s32 $0x3;
	s13 =	simm.s32 $0x4  }
0x5: {  	s14 =	simm.s32 $0x5;
	s15 =	simm.s32 $0x9;
	s16 =	simm.s32 $0xA  }
0x6: {  	s17 =	simm.s32 $0x7;
	s18 =	simm.s32 $0xB;
	s19 =	simm.s32 $0x8  }
0x7: {  	s29 =	simm.s32 $0xE;
	[smem:$0x7FF] =	sst s2;
	s3 =	sand.u32 $0x1, s3  }
0x8: {  	s4 =	sadd.s32 $0x34E00, s0;
	s5 =	sadd.s32 $0x2AE00, s0;
	s7 =	smul.u32 $0xA000, s9  }
0x9: {  	s10 =	sshll.u32 s9, $0x6;
	_ =	strace $0x80000047;
	s6 =	smul.u32 $0x14000, s3  }
0xa: {  	s3 =	ssub.s32 $0x2, s3;
	[dreg:$0x4] =	wrdreg s10;
	s10 =	sor.u32 $0x1C0D, s10  }
0xb: {  	s8 =	sshrl.u32 s3, $0x1;
	s20 =	sadd.s32 s7, s1;
	s7 =	sshrl.u32 s7, $0x3  }
0xc: {  	[dreg:$0x6] =	wrdreg s10;
	s0 =	sadd.s32 s6, s0;
	s6 =	smul.u32 $0x5000, s9  }
0xd: {  	s3 =	ssub.s32 s3, s8;
	[dreg:$0x3] =	wrdreg s20;
	s8 =	sadd.s32 $0x2E00, s0  }
0xe: {  	s0 =	sadd.s32 $0x3EE00, s0;
	s3 =	smax.u32 s3, $0x1;
	s21 =	sshrl.u32 s6, $0x3  }
0xf: {  	s11 =	sadd.s32 s7, s8;
	[dreg:$0xf] =	wrdreg s3;
	s0 =	sadd.s32 s7, s0  }
0x10: {  	[dreg:$0x5] =	wrdreg s11;
	s22 =	sor.u32 $0x20, s21;
	s23 =	sadd.s32 s4, s21  }
0x11: {  	s24 =	sadd.s32 s5, s21;
	s26 =	sor.u32 $0x40, s21;
	[dreg:$0x10] =	wrdreg s0  }
0x12: {  	s9 =	sor.u32 $0x60, s21;
	s11 =	simm.s32 $0x2;
	[dreg:$0x7] =	wrdreg s23  }
0x13: {  	s21 =	simm.s32 $0x10;
	[dreg:$0x8] =	wrdreg s24;
	s25 =	sadd.s32 s4, s22  }
0x14: {  	s0 =	simm.s32 $0x0;
	s10 =	sadd.s32 s5, s22;
	[dreg:$0x9] =	wrdreg s25  }
.Ltmp0:
0x15: {  	s28 =	sadd.s32 s4, s26;
	[dreg:$0xa] =	wrdreg s10;
	(pc) =	sbr.rel .LBB2_1-.Ltmp0, $4  }
0x16: {  	s30 =	sadd.s32 s4, s9;
	s9 =	sadd.s32 s5, s9;
	[dreg:$0xb] =	wrdreg s28  }
0x17: {  	s23 =	simm.s32 $0x100;
	s24 =	simm.s32 $0xC;
	[dreg:$0xd] =	wrdreg s30  }
0x18: {  	s10 =	sadd.s32 s5, s26;
	[dreg:$0xe] =	wrdreg s9;
	s9 =	simm.s32 $0x6  }
0x19: {  	s26 =	simm.s32 $0xF;
	[dreg:$0xc] =	wrdreg s10;
	s10 =	simm.s32 $0x1  }
.LBB2_23:
0x1a: {  	[bflag:$0x0] =	sbarrier.arrive $0xFFFF  }
0x1b: {  	s7 =	rddreg [dreg:$0x4]  }
0x1c: {  	s20 =	rddreg [dreg:$0x10]  }
0x1d: {  	s25 =	simm.s32 $0x11;
	s0 =	rddreg [dreg:$0x12];
	s7 =	sor.u32 $0x1C11, s7  }
0x1e: {  	[hbm:s20], [sflag:s7] =	dma.local [spmem:s0], $0x1400  }
0x1f: {  	_ =	swait.ge [sflag:s25], $0x1400  }
0x20: {  	s28 =	rddreg [dreg:$0x11]  }
0x21: {  	s30 =	rddreg [dreg:$0xf];
	s0 =	sadd.s32 $0x1, s28  }
0x22: {  	p0 =	sne.s32 s0, s30  }
.Ltmp1:
0x23: {  	_ = 	snop;
	(pc) =	sbr.rel @!p0 .LBB2_24-.Ltmp1, $3  }
0x24: {  	_ =	sdelay $0x1  }
0x25: {  	[sflag:s25] =	ssyncset.done $0x0  }
0x26: {  	[sflag:s25] =	ssyncadd.s32 $0xFFFFEC00  }
.LBB2_1:
0x27: {  	[dreg:$0x11] =	wrdreg s0  }
0x28: {  	s7 =	rddreg [dreg:$0x3]  }
0x29: {  	s3 =	rddreg [dreg:$0x5]  }
0x2a: {  	s20 =	rddreg [dreg:$0x6];
	s30 =	sshrl.u32 s7, $0x3  }
0x2b: {  	[dreg:$0x12] =	wrdreg s30  }
0x2c: {  	[spmem:s30], [sflag:s20] =	dma.local [hbm:s3], $0x1400  }
0x2d: {  	s22 =	simm.s32 $0x11;
	s7 =	rddreg [dreg:$0x7]  }
0x2e: {  	[tilespmem:s2], [sflag:$0x11] =	stream.linear.gather [hbm4b:s7+s2], $0x100, $0x38;
	[tilespmem:$0x1A800] =	vst v63  }
0x2f: {  	_ =	swait.ge [sflag:s22], $0x100  }
0x30: {  	[sflag:s22] =	ssyncset.done $0x0  }
0x31: {  	s25 =	simm.s32 $0x400;
	s20 =	rddreg [dreg:$0x8];
	[sflag:s22] =	ssyncadd.s32 $0xFFFFFF00  }
0x32: {  	[tilespmem:s25], [sflag:$0x11] =	stream.linear.gather [hbm4b:s20+s2], $0x100, $0x38;
	[tilespmem:$0x1A800] =	vst v63  }
0x33: {  	_ =	swait.ge [sflag:s22], $0x100  }
0x34: {  	[sflag:s22] =	ssyncset.done $0x0  }
0x35: {  	s28 =	rddreg [dreg:$0x9];
	[sflag:s22] =	ssyncadd.s32 $0xFFFFFF00  }
0x36: {  	[tilespmem:s23], [sflag:$0x11] =	stream.linear.gather [hbm4b:s28+s2], $0x100, $0x38;
	[tilespmem:$0x1A800] =	vst v63  }
0x37: {  	_ =	swait.ge [sflag:s22], $0x100  }
0x38: {  	[sflag:s22] =	ssyncset.done $0x0  }
0x39: {  	s0 =	simm.s32 $0x500;
	s30 =	rddreg [dreg:$0xa];
	[sflag:s22] =	ssyncadd.s32 $0xFFFFFF00  }
0x3a: {  	[tilespmem:s0], [sflag:$0x11] =	stream.linear.gather [hbm4b:s30+s2], $0x100, $0x38;
	[tilespmem:$0x1A800] =	vst v63  }
0x3b: {  	_ =	swait.ge [sflag:s22], $0x100  }
0x3c: {  	[sflag:s22] =	ssyncset.done $0x0  }
0x3d: {  	s20 =	simm.s32 $0x200;
	s3 =	rddreg [dreg:$0xb];
	[sflag:s22] =	ssyncadd.s32 $0xFFFFFF00  }
0x3e: {  	[tilespmem:s20], [sflag:$0x11] =	stream.linear.gather [hbm4b:s3+s2], $0x100, $0x38;
	[tilespmem:$0x1A800] =	vst v63  }
0x3f: {  	_ =	swait.ge [sflag:s22], $0x100  }
0x40: {  	[sflag:s22] =	ssyncset.done $0x0  }
0x41: {  	s28 =	simm.s32 $0x600;
	s25 =	rddreg [dreg:$0xc];
	[sflag:s22] =	ssyncadd.s32 $0xFFFFFF00  }
0x42: {  	[tilespmem:s28], [sflag:$0x11] =	stream.linear.gather [hbm4b:s25+s2], $0x100, $0x38;
	[tilespmem:$0x1A800] =	vst v63  }
0x43: {  	_ =	swait.ge [sflag:s22], $0x100  }
0x44: {  	[sflag:s22] =	ssyncset.done $0x0  }
0x45: {  	s25 =	simm.s32 $0x300;
	s30 =	rddreg [dreg:$0xd];
	[sflag:s22] =	ssyncadd.s32 $0xFFFFFF00  }
0x46: {  	[tilespmem:s25], [sflag:$0x11] =	stream.linear.gather [hbm4b:s30+s2], $0x100, $0x38;
	[tilespmem:$0x1A800] =	vst v63  }
0x47: {  	_ =	swait.ge [sflag:s22], $0x100  }
0x48: {  	[sflag:s22] =	ssyncset.done $0x0  }
0x49: {  	s3 =	simm.s32 $0x700;
	s0 =	rddreg [dreg:$0xe];
	[sflag:s22] =	ssyncadd.s32 $0xFFFFFF00  }
0x4a: {  	[tilespmem:s3], [sflag:$0x11] =	stream.linear.gather [hbm4b:s0+s2], $0x100, $0x38;
	[tilespmem:$0x1A800] =	vst v63  }
0x4b: {  	_ =	swait.ge [sflag:s22], $0x100  }
0x4c: {  	[sflag:s22] =	ssyncset.done $0x0  }
0x4d: {  	[sflag:s22] =	ssyncadd.s32 $0xFFFFFF00;
	s22 =	simm.s32 $0x800  }
0x4e: {  	[tilespmem:s22], [sflag:$0x1] =	stream.indirect.gather [hbm4b:s8+s23], $0x40, s2, s23, $0xb8;
	[tilespmem:$0x1A800] =	vst v63  }
0x4f: {  	s28 =	simm.s32 $0x4800  }
0x50: {  	[tilespmem:s28], [sflag:$0x2] =	stream.indirect.gather [hbm4b:s8+s23], $0x40, s23, s23, $0xb8;
	[tilespmem:$0x1A800] =	vst v63  }
0x51: {  	s3 =	simm.s32 $0x8800  }
0x52: {  	[tilespmem:s3], [sflag:$0x3] =	stream.indirect.gather [hbm4b:s8+s23], $0x40, s20, s23, $0xb8;
	[tilespmem:$0x1A800] =	vst v63  }
0x53: {  	s30 =	simm.s32 $0xD  }
0x54: {  	[tilespmem:s31], [sflag:$0x4] =	stream.indirect.gather [hbm4b:s8+s23], $0x40, s25, s23, $0xb8;
	[tilespmem:$0x1A800] =	vst v63  }
.Ltmp2:
0x55: {  	_ =	swait.ge [sflag:s30], $0x1400;
	(pc) =	sbr.rel .LBB2_2-.Ltmp2, $4  }
0x56: {  	[sflag:s30] =	ssyncset.done $0x0  }
0x57: {  	[sflag:s30] =	ssyncadd.s32 $0xFFFFEC00  }
0x58: {  	[bflag:$0x0] =	sbarrier.arrive $0xFFFF  }
0x59: {  	s7 =	simm.s32 $0x700;
	s20 =	simm.s32 $0x6  }
.LBB2_20:
0x5a: {  	s30 =	simm.s32 $0x700;
	s0 =	simm.s32 $0xC800  }
0x5b: {  	[spmem:s1] =	stream.indirect.scatter.add.f32 [tilespmem:s0], [sflag:$0x8], $0x40, s30, s23, $0xb8;
	[tilespmem:$0x1A800] =	vst v63  }
.LBB2_21:
0x5c: {  	s30 =	sadd.s32 s6, s30  }
0x5d: {  	s30 =	sshrl.u32 s30, $0x3  }
0x5e: {  	s3 =	simm.s32 $0x300;
	s22 =	sshll.u32 s22, $0x8;
	s31 =	sadd.s32 s4, s30  }
0x5f: {  	[tilespmem:s3], [sflag:$0xC] =	stream.linear.gather [hbm4b:s31+s2], $0x100, $0x38;
	[tilespmem:$0x1A800] =	vst v63  }
0x60: {  	s22 =	sadd.s32 s6, s22;
	_ =	swait.ge [sflag:s14], $0x4000  }
0x61: {  	s22 =	sshrl.u32 s22, $0x3;
	[sflag:s14] =	ssyncset.done $0x0  }
0x62: {  	s22 =	sadd.s32 s5, s22;
	s31 =	simm.s32 $0x400;
	[sflag:s14] =	ssyncadd.s32 $0xFFFFC000  }
0x63: {  	[tilespmem:s31], [sflag:$0xD] =	stream.linear.gather [hbm4b:s22+s2], $0x100, $0x38;
	[tilespmem:$0x1A800] =	vst v63  }
0x64: {  	_ =	swait.ge [sflag:s15], $0x100  }
0x65: {  	[sflag:s15] =	ssyncset.done $0x0  }
0x66: {  	s25 =	sshll.u32 s25, $0x8;
	s22 =	simm.s32 $0x800;
	[sflag:s15] =	ssyncadd.s32 $0xFFFFFF00  }
0x67: {  	[tilespmem:s22], [sflag:$0x1] =	stream.indirect.gather [hbm4b:s8+s23], $0x40, s2, s23, $0xb8;
	[tilespmem:$0x1A800] =	vst v63  }
0x68: {  	s22 =	sadd.s32 s6, s25;
	_ =	swait.ge [sflag:s9], $0x4000  }
0x69: {  	s22 =	sshrl.u32 s22, $0x3;
	[sflag:s9] =	ssyncset.done $0x0  }
0x6a: {  	s25 =	simm.s32 $0x500;
	s22 =	sadd.s32 s5, s22;
	[sflag:s9] =	ssyncadd.s32 $0xFFFFC000  }
0x6b: {  	[tilespmem:s25], [sflag:$0xE] =	stream.linear.gather [hbm4b:s22+s2], $0x100, $0x38;
	[tilespmem:$0x1A800] =	vst v63  }
0x6c: {  	_ =	swait.ge [sflag:s16], $0x100  }
0x6d: {  	[sflag:s16] =	ssyncset.done $0x0  }
0x6e: {  	s25 =	simm.s32 $0x4800;
	[sflag:s16] =	ssyncadd.s32 $0xFFFFFF00  }
0x6f: {  	[tilespmem:s25], [sflag:$0x2] =	stream.indirect.gather [hbm4b:s8+s23], $0x40, s23, s23, $0xb8;
	[tilespmem:$0x1A800] =	vst v63  }
0x70: {  	_ =	swait.ge [sflag:s17], $0x4000  }
0x71: {  	[sflag:s17] =	ssyncset.done $0x0  }
0x72: {  	s25 =	sadd.s32 s5, s28;
	s28 =	simm.s32 $0x600;
	[sflag:s17] =	ssyncadd.s32 $0xFFFFC000  }
0x73: {  	[tilespmem:s28], [sflag:$0xF] =	stream.linear.gather [hbm4b:s25+s2], $0x100, $0x38;
	[tilespmem:$0x1A800] =	vst v63  }
0x74: {  	_ =	swait.ge [sflag:s18], $0x100  }
0x75: {  	[sflag:s18] =	ssyncset.done $0x0  }
0x76: {  	s25 =	simm.s32 $0x8800;
	s28 =	simm.s32 $0x200;
	[sflag:s18] =	ssyncadd.s32 $0xFFFFFF00  }
0x77: {  	[tilespmem:s25], [sflag:$0x3] =	stream.indirect.gather [hbm4b:s8+s23], $0x40, s28, s23, $0xb8;
	[tilespmem:$0x1A800] =	vst v63  }
0x78: {  	_ =	swait.ge [sflag:s19], $0x4000  }
0x79: {  	[sflag:s19] =	ssyncset.done $0x0  }
0x7a: {  	s28 =	sadd.s32 s5, s30;
	s30 =	simm.s32 $0x700;
	[sflag:s19] =	ssyncadd.s32 $0xFFFFC000  }
0x7b: {  	[tilespmem:s30], [sflag:$0x10] =	stream.linear.gather [hbm4b:s28+s2], $0x100, $0x38;
	[tilespmem:$0x1A800] =	vst v63  }
0x7c: {  	_ =	swait.ge [sflag:s24], $0x100  }
0x7d: {  	[sflag:s24] =	ssyncset.done $0x0  }
0x7e: {  	s31 =	simm.s32 $0xC800;
	[sflag:s24] =	ssyncadd.s32 $0xFFFFFF00  }
0x7f: {  	[tilespmem:s0], [sflag:$0x4] =	stream.indirect.gather [hbm4b:s8+s23], $0x40, s3, s23, $0xb8;
	[tilespmem:$0x1A800] =	vst v63  }
.LBB2_22:
0x80: {  	s20 =	sadd.s32 $0x4, s20  }
0x81: {  	p0 =	sne.s32 s20, $0x56  }
.Ltmp3:
0x82: {  	_ = 	snop;
	(pc) =	sbr.rel @!p0 .LBB2_23-.Ltmp3, $2  }
0x83: {  	_ =	sdelay $0x2  }
0x84: {  	s7 =	sadd.s32 $0x400, s7  }
.LBB2_2:
0x85: {  	p0 =	sne.s32 s20, $0x6  }
.Ltmp4:
0x86: {  	_ = 	snop;
	(pc) =	sbr.rel @p0 .LBB2_8-.Ltmp4, $4  }
0x87: {  	_ = 	snop  }
0x88: {  	_ =	swait.ge [sflag:s10], $0x4000  }
0x89: {  	[sflag:s10] =	ssyncset.done $0x0  }
0x8a: {  	[sflag:s10] =	ssyncadd.s32 $0xFFFFC000  }
.Ltmp5:
0x8b: {  	(pc) =	sbr.rel .LBB2_4-.Ltmp5, $4  }
0x8c: {  	_ = 	snop  }
0x8d: {  	s22 =	simm.s32 $0x400;
	s3 =	simm.s32 $0x800  }
0x8e: {  	[spmem:s1] =	stream.indirect.scatter.add.f32 [tilespmem:s3], [sflag:$0x5], $0x40, s22, s23, $0xb8;
	[tilespmem:$0x1A800] =	vst v63  }
0x8f: {  	s22 =	simm.s32 $0x4  }
.LBB2_8:
0x90: {  	s0 =	simm.s32 $0xD;
	p1 =	sne.s32 s20, $0x52  }
.Ltmp6:
0x91: {  	_ =	swait.ge [sflag:s0], $0x100;
	(pc) =	sbr.rel @p1 .LBB2_4-.Ltmp6, $4  }
0x92: {  	[sflag:s0] =	ssyncset.done $0x0  }
0x93: {  	s22 =	simm.s32 $0x400;
	s3 =	simm.s32 $0x800;
	[sflag:s0] =	ssyncadd.s32 $0xFFFFFF00  }
0x94: {  	[spmem:s1] =	stream.indirect.scatter.add.f32 [tilespmem:s3], [sflag:$0x5], $0x40, s22, s23, $0xb8;
	[tilespmem:$0x1A800] =	vst v63  }
0x95: {  	s22 =	sadd.s32 $0xFFFFFFFE, s20  }
.Ltmp7:
0x96: {  	(pc) =	sbr.rel .LBB2_10-.Ltmp7, $4  }
0x97: {  	_ = 	snop  }
0x98: {  	_ =	swait.ge [sflag:s11], $0x4000  }
0x99: {  	[sflag:s11] =	ssyncset.done $0x0  }
0x9a: {  	p1 =	por $0x1, $0x1;
	[sflag:s11] =	ssyncadd.s32 $0xFFFFC000  }
.LBB2_4:
0x9b: {  	s25 =	sshll.u32 s22, $0x8  }
0x9c: {  	s25 =	sadd.s32 s6, s25  }
0x9d: {  	s25 =	sshrl.u32 s25, $0x3  }
.Ltmp8:
0x9e: {  	s25 =	sadd.s32 s4, s25;
	(pc) =	sbr.rel @p0 .LBB2_10-.Ltmp8, $4  }
0x9f: {  	[tilespmem:s2], [sflag:$0x9] =	stream.linear.gather [hbm4b:s25+s2], $0x100, $0x38;
	[tilespmem:$0x1A800] =	vst v63  }
0xa0: {  	_ =	swait.ge [sflag:s11], $0x4000  }
0xa1: {  	[sflag:s11] =	ssyncset.done $0x0  }
0xa2: {  	p1 =	por $0x0, $0x0;
	[sflag:s11] =	ssyncadd.s32 $0xFFFFC000  }
.Ltmp9:
0xa3: {  	(pc) =	sbr.rel .LBB2_6-.Ltmp9, $4  }
0xa4: {  	_ = 	snop  }
0xa5: {  	s25 =	simm.s32 $0x500;
	s3 =	simm.s32 $0x4800  }
0xa6: {  	[spmem:s1] =	stream.indirect.scatter.add.f32 [tilespmem:s3], [sflag:$0x6], $0x40, s25, s23, $0xb8;
	[tilespmem:$0x1A800] =	vst v63  }
0xa7: {  	s25 =	simm.s32 $0x5  }
.LBB2_10:
.Ltmp10:
0xa8: {  	_ =	swait.ge [sflag:s29], $0x100;
	(pc) =	sbr.rel @!p1 .LBB2_6-.Ltmp10, $4  }
0xa9: {  	[sflag:s29] =	ssyncset.done $0x0  }
0xaa: {  	s25 =	simm.s32 $0x500;
	s3 =	simm.s32 $0x4800;
	[sflag:s29] =	ssyncadd.s32 $0xFFFFFF00  }
0xab: {  	[spmem:s1] =	stream.indirect.scatter.add.f32 [tilespmem:s3], [sflag:$0x6], $0x40, s25, s23, $0xb8;
	[tilespmem:$0x1A800] =	vst v63  }
0xac: {  	s25 =	sadd.s32 $0xFFFFFFFF, s20  }
.Ltmp11:
0xad: {  	(pc) =	sbr.rel .LBB2_12-.Ltmp11, $4  }
0xae: {  	_ = 	snop  }
0xaf: {  	_ =	swait.ge [sflag:s12], $0x4000  }
0xb0: {  	[sflag:s12] =	ssyncset.done $0x0  }
0xb1: {  	p1 =	por $0x1, $0x1;
	[sflag:s12] =	ssyncadd.s32 $0xFFFFC000  }
.LBB2_6:
0xb2: {  	s28 =	sshll.u32 s25, $0x8  }
0xb3: {  	s28 =	sadd.s32 s6, s28  }
0xb4: {  	s28 =	sshrl.u32 s28, $0x3  }
.Ltmp12:
0xb5: {  	s28 =	sadd.s32 s4, s28;
	(pc) =	sbr.rel @p0 .LBB2_12-.Ltmp12, $4  }
0xb6: {  	[tilespmem:s23], [sflag:$0xA] =	stream.linear.gather [hbm4b:s28+s2], $0x100, $0x38;
	[tilespmem:$0x1A800] =	vst v63  }
0xb7: {  	_ =	swait.ge [sflag:s12], $0x4000  }
0xb8: {  	[sflag:s12] =	ssyncset.done $0x0  }
0xb9: {  	p1 =	por $0x0, $0x0;
	[sflag:s12] =	ssyncadd.s32 $0xFFFFC000  }
.Ltmp13:
0xba: {  	(pc) =	sbr.rel .LBB2_14-.Ltmp13, $3  }
0xbb: {  	_ =	sdelay $0x1  }
0xbc: {  	s28 =	simm.s32 $0x600;
	s3 =	simm.s32 $0x8800;
	s30 =	simm.s32 $0x6  }
0xbd: {  	[spmem:s1] =	stream.indirect.scatter.add.f32 [tilespmem:s3], [sflag:$0x7], $0x40, s28, s23, $0xb8;
	[tilespmem:$0x1A800] =	vst v63  }
.LBB2_12:
.Ltmp14:
0xbe: {  	(pc) =	sbr.rel @!p1 .LBB2_13-.Ltmp14, $4  }
0xbf: {  	_ =	swait.ge [sflag:s26], $0x100  }
0xc0: {  	[sflag:s26] =	ssyncset.done $0x0  }
0xc1: {  	s28 =	simm.s32 $0x600;
	s3 =	simm.s32 $0x8800;
	[sflag:s26] =	ssyncadd.s32 $0xFFFFFF00  }
0xc2: {  	[spmem:s1] =	stream.indirect.scatter.add.f32 [tilespmem:s3], [sflag:$0x7], $0x40, s28, s23, $0xb8;
	[tilespmem:$0x1A800] =	vst v63  }
.Ltmp15:
0xc3: {  	(pc) =	sbr.rel .LBB2_17-.Ltmp15, $4  }
0xc4: {  	_ = 	snop  }
0xc5: {  	_ =	swait.ge [sflag:s13], $0x4000  }
0xc6: {  	[sflag:s13] =	ssyncset.done $0x0  }
0xc7: {  	p1 =	por $0x1, $0x1;
	s30 =	smov.u32 s20;
	[sflag:s13] =	ssyncadd.s32 $0xFFFFC000  }
.LBB2_13:
0xc8: {  	s30 =	smov.u32 s20  }
.LBB2_14:
0xc9: {  	s28 =	sshll.u32 s30, $0x8  }
0xca: {  	s28 =	sadd.s32 s6, s28  }
0xcb: {  	s28 =	sshrl.u32 s28, $0x3  }
.Ltmp16:
0xcc: {  	s0 =	simm.s32 $0x200;
	s31 =	sadd.s32 s4, s28;
	(pc) =	sbr.rel @!p0 .LBB2_20-.Ltmp16, $4  }
0xcd: {  	[tilespmem:s0], [sflag:$0xB] =	stream.linear.gather [hbm4b:s31+s2], $0x100, $0x38;
	[tilespmem:$0x1A800] =	vst v63  }
0xce: {  	_ =	swait.ge [sflag:s13], $0x4000  }
0xcf: {  	[sflag:s13] =	ssyncset.done $0x0  }
0xd0: {  	p1 =	por $0x0, $0x0;
	[sflag:s13] =	ssyncadd.s32 $0xFFFFC000  }
0xd1: {  	s31 =	simm.s32 $0xC800  }
.LBB2_17:
.Ltmp17:
0xd2: {  	(pc) =	sbr.rel @!p1 .LBB2_18-.Ltmp17, $4  }
0xd3: {  	_ =	swait.ge [sflag:s21], $0x100  }
0xd4: {  	[sflag:s21] =	ssyncset.done $0x0  }
0xd5: {  	s0 =	simm.s32 $0x700;
	[sflag:s21] =	ssyncadd.s32 $0xFFFFFF00  }
0xd6: {  	[spmem:s1] =	stream.indirect.scatter.add.f32 [tilespmem:s31], [sflag:$0x8], $0x40, s0, s23, $0xb8;
	[tilespmem:$0x1A800] =	vst v63  }
0xd7: {  	_ =	swait.ge [sflag:s14], $0x4000  }
0xd8: {  	[sflag:s14] =	ssyncset.done $0x0  }
0xd9: {  	[sflag:s14] =	ssyncadd.s32 $0xFFFFC000  }
0xda: {  	_ =	swait.ge [sflag:s9], $0x4000  }
0xdb: {  	[sflag:s9] =	ssyncset.done $0x0  }
0xdc: {  	[sflag:s9] =	ssyncadd.s32 $0xFFFFC000  }
0xdd: {  	_ =	swait.ge [sflag:s17], $0x4000  }
.Ltmp18:
0xde: {  	[sflag:s17] =	ssyncset.done $0x0;
	(pc) =	sbr.rel .LBB2_22-.Ltmp18, $4  }
0xdf: {  	[sflag:s17] =	ssyncadd.s32 $0xFFFFC000  }
0xe0: {  	_ =	swait.ge [sflag:s19], $0x4000  }
0xe1: {  	[sflag:s19] =	ssyncset.done $0x0  }
0xe2: {  	[sflag:s19] =	ssyncadd.s32 $0xFFFFC000  }
.LBB2_18:
.Ltmp19:
0xe3: {  	(pc) =	sbr.rel .LBB2_21-.Ltmp19, $4  }
0xe4: {  	_ = 	snop  }
0xe5: {  	s28 =	sshll.u32 s30, $0x8  }
0xe6: {  	s28 =	sadd.s32 s6, s28  }
0xe7: {  	s30 =	smov.u32 s7;
	s0 =	simm.s32 $0xC800;
	s28 =	sshrl.u32 s28, $0x3  }
.LBB2_24:
0xe8: {  	_ =	sfence.sel $0x180000  }
0xe9: {  	[bflag:$0x0] =	sbarrier.arrive $0xFFFF  }
0xea: {  	_ =	strace $0x90000047  }
0xeb: {  	s0 =	stileid.u32;
	[bflag:$0x2] =	sbarrier.arrive $0xFFFF  }
0xec: {  	p0 =	sne.s32 s0, $0x0;
	s0 =	rddreg [dreg:$0x2]  }
0xed: {  	s0 =	sadd.s32 @!p0 $0x100000, s0  }
0xee: {  	[sflag:s0] =	ssyncadd.tile.s32 @!p0 $0x1;
	_ =	shalt  }
.Lfunc_end2:
_tile_overlayer_lowered:
.L_overlay_start_2:
0xef: {  	(tag) =	ssettag $0x2  }
0xf0: {  	s0 =	rddreg [dreg:$0x0];
	s2 =	stileid.u32  }
0xf1: {  	s1 =	rddreg [dreg:$0x1];
	p0 =	sne.s32 s2, $0x0  }
0xf2: {  	s3 =	rddreg [dreg:$0x2];
	[bflag:$0x3] =	sbarrier.arrive $0xFFFF;
	s2 =	simm.s32 @!p0 $0x1C11  }
0xf3: {  	[timem:s3], [sflag:s2] =	dma.local @!p0 [hbm:s0], s1  }
0xf4: {  	s0 =	simm.s32 @!p0 $0x11  }
0xf5: {  	_ =	swait.ge @!p0 [sflag:s0], s1  }
0xf6: {  	s1 =	ssub.s32 @!p0 $0x0, s1;
	[sflag:s0] =	ssyncset.done @!p0 $0x0  }
0xf7: {  	[sflag:s0] =	ssyncadd.s32 @!p0 s1  }
0xf8: {  	[bflag:$0x3] =	sbarrier.arrive $0xFFFF  }
0xf9: {  	_ =	shalt  }

// kernel: kernel.16.cloned.1.call-start
scs
__scs_entry_jumppad:
0x0: {  	(pc) =	sbr.rel $0x88, $3  }
0x1: {  	(tag) =	ssettag $0x0;
	lr =	simm.s32 $0x1  }
0x2: {  	[smem:$0x3F92] =	sst lr;
	_ =	strace $0xD0000000  }
0x3: {  	_ = 	snop  }
0x4: {  	_ = 	snop  }
0x5: {  	_ = 	snop  }
0x6: {  	_ = 	snop  }
0x7: {  	_ = 	snop  }
__scs_overlays_trampoline_lowered:
0x8: {  	[smem:$0x3FA1] =	sst s0  }
0x9: {  	[smem:$0x3FA2] =	sst s1  }
0xa: {  	[smem:$0x3FA3] =	sst s2  }
0xb: {  	[smem:$0x3FA4] =	sst s3  }
0xc: {  	[smem:$0x3FA5] =	sst s4  }
0xd: {  	[smem:$0x3FA6] =	sst s5  }
0xe: {  	[smem:$0x3FA7] =	sst s6  }
0xf: {  	[smem:$0x3FA8] =	sst s7  }
0x10: {  	[smem:$0x3FA9] =	sst s8  }
0x11: {  	[smem:$0x3FAA] =	sst s9;
	s0 =	simm.s32 @!p0 $0x0  }
0x12: {  	s1 =	sld [smem:$0x3F90];
	s0 =	simm.s32 @p0 $0x1  }
0x13: {  	[smem:$0x3FAB] =	sst s0;
	s0 =	simm.s32 @!p1 $0x0  }
0x14: {  	s2 =	sld [smem:$0x3F8F];
	s0 =	simm.s32 @p1 $0x1  }
0x15: {  	[smem:$0x3FAC] =	sst s0;
	s0 =	simm.s32 @!p2 $0x0  }
0x16: {  	s3 =	sld [smem:$0x3FDB];
	s0 =	simm.s32 @p2 $0x1  }
0x17: {  	s4 =	simm.s32 $0x1BF5;
	[smem:$0x3FAE] =	sst s0  }
0x18: {  	s0 =	sld [smem:$0x3F91];
	_ =	swait.ge [sflag:s4], $0x0  }
0x19: {  	s7 =	sld [smem:$0x3F92]  }
0x1a: {  	s8 =	sadd.s32 $0xFFFFE003, lr  }
0x1b: {  	s9 =	sadd.s32 $0xFFFFFEF7, lr;
	s5 =	simm.s32 $0xFFFFFFFF;
	p2 =	slt.u32 s8, $0xFFFFF086  }
0x1c: {  	p1 =	slt.u32 s9, $0xF7A;
	s5 =	simm.s32 @!p2 $0x0  }
0x1d: {  	s5 =	simm.s32 @p1 $0x1;
	p0 =	seq.s32 s7, s2  }
0x1e: {  	s7 =	smul.u32 @!p0 $0xF7A, s2;
	p2 =	seq.s32 @!p0 s5, $0x0  }
0x1f: {  	s9 =	smul.u32 $0xF7A, s1;
	s8 =	simm.s32 @!p0 $0x1BF5;
	p2 =	por !p2, p0  }
0x20: {  	[sflag:s8] =	ssyncset.s32 @!p0 $0xFFFFF086;
	s6 =	sadd.s32 @!p0 s3, s7;
	s7 =	simm.s32 @!p0 $0x108  }
0x21: {  	s3 =	sadd.s32 s3, s9;
	s6 =	sadd.s32 @!p0 $0x88, s6;
	s7 =	simm.s32 @p2 $0x1082  }
0x22: {  	[simem:s7], [sflag:s8] =	dma.local @!p0 [hbm:s6], $0xF7A  }
0x23: {  	s9 =	sor.u32 $0xD0000000, s2;
	s6 =	simm.s32 $0x108;
	_ =	swait.ge @!p0 [sflag:s8], $0x0  }
0x24: {  	s3 =	sadd.s32 $0x88, s3;
	s6 =	simm.s32 @!p1 $0x1082;
	[sflag:s4] =	ssyncset.s32 $0xFFFFF086  }
0x25: {  	[simem:s6], [sflag:s4] =	dma.local [hbm:s3], $0xF7A  }
0x26: {  	[smem:$0x3F92] =	sst s1;
	(tag) =	ssettag s2;
	_ =	strace s9  }
0x27: {  	s1 =	sld [smem:$0x3FA2]  }
0x28: {  	s2 =	sld [smem:$0x3FA3]  }
0x29: {  	s4 =	sld [smem:$0x3FA5]  }
0x2a: {  	p0 =	seq.s32 s5, $0x0;
	s5 =	sld [smem:$0x3FA6]  }
0x2b: {  	s6 =	sld [smem:$0x3FA7]  }
0x2c: {  	s7 =	sld [smem:$0x3FA8]  }
0x2d: {  	s3 =	simm.s32 $0x108;
	s8 =	sld [smem:$0x3FA9]  }
0x2e: {  	s3 =	simm.s32 @!p0 $0x1082;
	s9 =	sld [smem:$0x3FAA]  }
0x2f: {  	lr =	sadd.s32 s0, s3;
	s0 =	sld [smem:$0x3FA1]  }
0x30: {  	s3 =	sld [smem:$0x3FA4]  }
0x31: {  	[smem:$0x3FAD] =	sst s10  }
0x32: {  	s10 =	sld [smem:$0x3FAB];
	_ =	sdelay $0x3  }
0x33: {  	p0 =	seq.s32 s10, $0x1;
	s10 =	sld [smem:$0x3FAD];
	_ =	sdelay $0x3  }
0x34: {  	[smem:$0x3FAD] =	sst s10  }
0x35: {  	s10 =	sld [smem:$0x3FAC];
	_ =	sdelay $0x3  }
0x36: {  	p1 =	seq.s32 s10, $0x1;
	s10 =	sld [smem:$0x3FAD];
	_ =	sdelay $0x3  }
0x37: {  	[smem:$0x3FAD] =	sst s10  }
0x38: {  	s10 =	sld [smem:$0x3FAE]  }
0x39: {  	_ = 	snop;
	(pc) =	sbr.ind lr, $3  }
0x3a: {  	_ = 	snop  }
0x3b: {  	_ = 	snop  }
0x3c: {  	p2 =	seq.s32 s10, $0x1;
	s10 =	sld [smem:$0x3FAD]  }
0x3d: {  	_ =	shalt  }
0x3e: {  	_ =	shalt  }
0x3f: {  	_ =	shalt  }
0x40: {  	_ =	shalt  }
0x41: {  	_ =	shalt  }
0x42: {  	_ =	shalt  }
0x43: {  	_ =	shalt  }
0x44: {  	_ =	shalt  }
0x45: {  	_ =	shalt  }
0x46: {  	_ =	shalt  }
0x47: {  	_ =	shalt  }
0x48: {  	_ =	shalt  }
0x49: {  	_ =	shalt  }
0x4a: {  	_ =	shalt  }
0x4b: {  	_ =	shalt  }
0x4c: {  	_ =	shalt  }
0x4d: {  	_ =	shalt  }
0x4e: {  	_ =	shalt  }
0x4f: {  	_ =	shalt  }
0x50: {  	_ =	shalt  }
0x51: {  	_ =	shalt  }
0x52: {  	_ =	shalt  }
0x53: {  	_ =	shalt  }
0x54: {  	_ =	shalt  }
0x55: {  	_ =	shalt  }
0x56: {  	_ =	shalt  }
0x57: {  	_ =	shalt  }
0x58: {  	_ =	shalt  }
0x59: {  	_ =	shalt  }
0x5a: {  	_ =	shalt  }
0x5b: {  	_ =	shalt  }
0x5c: {  	_ =	shalt  }
0x5d: {  	_ =	shalt  }
0x5e: {  	_ =	shalt  }
0x5f: {  	_ =	shalt  }
0x60: {  	_ =	shalt  }
0x61: {  	_ =	shalt  }
0x62: {  	_ =	shalt  }
0x63: {  	_ =	shalt  }
0x64: {  	_ =	shalt  }
0x65: {  	_ =	shalt  }
0x66: {  	_ =	shalt  }
0x67: {  	_ =	shalt  }
0x68: {  	_ =	shalt  }
0x69: {  	_ =	shalt  }
0x6a: {  	_ =	shalt  }
0x6b: {  	_ =	shalt  }
0x6c: {  	_ =	shalt  }
0x6d: {  	_ =	shalt  }
0x6e: {  	_ =	shalt  }
0x6f: {  	_ =	shalt  }
0x70: {  	_ =	shalt  }
0x71: {  	_ =	shalt  }
0x72: {  	_ =	shalt  }
0x73: {  	_ =	shalt  }
0x74: {  	_ =	shalt  }
0x75: {  	_ =	shalt  }
0x76: {  	_ =	shalt  }
0x77: {  	_ =	shalt  }
0x78: {  	_ =	shalt  }
0x79: {  	_ =	shalt  }
0x7a: {  	_ =	shalt  }
0x7b: {  	_ =	shalt  }
0x7c: {  	_ =	shalt  }
0x7d: {  	_ =	shalt  }
0x7e: {  	_ =	shalt  }
0x7f: {  	_ =	shalt  }
0x80: {  	_ =	shalt  }
0x81: {  	_ =	shalt  }
0x82: {  	_ =	shalt  }
0x83: {  	_ =	shalt  }
0x84: {  	_ =	shalt  }
0x85: {  	_ =	shalt  }
0x86: {  	_ =	shalt  }
0x87: {  	_ =	shalt  }
.Lfunc_end0:
.L_simem_size_0:
called_computation.1_lowered:
.L_overlay_start_0:
0x88: {  	s2 =	sld [smem:$0x3FD9]  }
0x89: {  	s3 =	sld [smem:$0x3FFE];
	_ =	sdelay $0x1  }
0x8a: {  	s1 =	srdreg.scid  }
0x8b: {  	s0 =	sand.u32 $0x1, s1  }
0x8c: {  	s16 =	sshll.u32 s0, $0xA;
	s2 =	sadd.s32 s3, s2  }
0x8d: {  	s2 =	sadd.s32 s2, s16  }
0x8e: {  	[smem:$0x3FB9] =	sst s2  }
0x8f: {  	_ = 	snop  }
0x90: {  	(tm) =	ssettm $0x1  }
0x91: {  	s17 =	sld [smem:$0x3FFB];
	_ =	sdelay $0x3  }
0x92: {  	_ =	strace s17  }
0x93: {  	s2 =	sld [smem:$0x3FFC];
	_ =	sdelay $0x3  }
0x94: {  	_ =	strace s2  }
0x95: {  	s2 =	sld [smem:$0x3FFD];
	_ =	sdelay $0x3  }
0x96: {  	_ =	strace s2  }
0x97: {  	_ =	strace $0x8FFFFFFF  }
0x98: {  	s18 =	sld [smem:$0x3FDB];
	_ =	sdelay $0x1  }
0x99: {  	s19 =	simm.s32 $_scs_section_size  }
0x9a: {  	s4 =	simm.s32 $_size__tile_overlayer_lowered;
	s5 =	simm.s32 $_tile_overlayer_lowered  }
0x9b: {  	s22 =	simm.s32 $0x1BFF;
	s21 =	sshll.u32 s5, $0x1;
	s2 =	sadd.s32 s19, s18  }
0x9c: {  	s6 =	simm.s32 $0x0;
	s20 =	sshll.u32 s4, $0x1;
	s4 =	sadd.s32 s21, s2  }
0x9d: {  	[timem:s6], [sflag:s22] =	dma.local [hbm:s4], s20  }
0x9e: {  	_ =	swait.ge [sflag:s22], s20  }
0x9f: {  	s3 =	ssub.s32 $0x0, s20;
	[sflag:s22] =	ssyncset.done $0x0  }
0xa0: {  	[sflag:s22] =	ssyncadd.s32 s3;
	_ =	sdelay $0x1  }
0xa1: {  	s23 =	simm.s32 $0x1B8B  }
0xa2: {  	_ =	swait.ge [sflag:s23], $0x1  }
0xa3: {  	[sflag:s23] =	ssyncset.done $0x0  }
0xa4: {  	s25 =	simm.s32 $0x1B8E;
	s24 =	sld [smem:$0x3FFE];
	[sflag:s23] =	ssyncadd.s32 $0xFFFFFFFF  }
0xa5: {  	s26 =	simm.s32 $execute0_lowered;
	[smem:$0x3FD2] =	sst s25  }
0xa6: {  	s4 =	sshll.u32 s26, $0x1;
	_ =	strace $0x80000049;
	[dreg:$0x1] =	wrdreg $0xFFFFFFFF  }
0xa7: {  	s28 =	simm.s32 $_size_execute0_lowered;
	s2 =	sadd.s32 s2, s4;
	[dreg:$0x0] =	wrdreg $0x0  }
0xa8: {  	s4 =	sshll.u32 s28, $0x1;
	[dreg:$0x2] =	wrdreg s2  }
0xa9: {  	[dreg:$0x3] =	wrdreg s4  }
0xaa: {  	[dreg:$0x4] =	wrdreg $0xC0  }
0xab: {  	_ =	task [dreg:s6], $0x5FFFF  }
0xac: {  	[dreg:$0x1] =	wrdreg $0xFFFFFFFF  }
0xad: {  	[dreg:$0x0] =	wrdreg $0x60  }
0xae: {  	[dreg:$0x2] =	wrdreg s24  }
0xaf: {  	[dreg:$0x3] =	wrdreg $0x108000  }
0xb0: {  	[dreg:$0x4] =	wrdreg $0x9  }
0xb1: {  	_ =	task.clear_ibuf [dreg:s6], $0x5FFFF;
	_ =	strace $0x90000049  }
0xb2: {  	s29 =	simm.s32 $0x9;
	_ =	strace $0x8000004B  }
0xb3: {  	_ =	swait.ge [sflag:s29], $0x1  }
0xb4: {  	[sflag:s29] =	ssyncadd.s32 $0xFFFFFFFF  }
0xb5: {  	_ =	strace $0x9000004B  }
0xb6: {  	_ =	sfence  }
0xb7: {  	s30 =	sld [smem:$0x0];
	_ =	sdelay $0x2  }
0xb8: {  	s31 =	sshll.u32 s1, $0xD;
	s1 =	sshrl.u32 s1, $0x2  }
0xb9: {  	s3 =	sand.u32 $0x4000, s31;
	s1 =	sadd.s32 s1, s30  }
0xba: {  	s0 =	sor.u32 s3, s0;
	s1 =	sshll.u32 s1, $0x11  }
0xbb: {  	s0 =	sor.u32 s1, s0  }
0xbc: {  	s0 =	sadd.s32 $0x8F2B, s0  }
0xbd: {  	[sflag:s0] =	ssyncadd.remote.s32 $0x1  }
0xbe: {  	_ =	sfence.sel $0xFFFF  }
0xbf: {  	[dreg:$0x0] =	wrdreg $0xFFFFFFFF;
	(pc) =	sbr.abs _section_cstart, $3  }
0xc0: {  	[dreg:$0x1] =	wrdreg $0xFFFFFFFF  }
0xc1: {  	_ =	task.clear_ibuf [dreg:s6], $0x2FFFF;
	_ =	strace $0x9FFFFFFF  }
0xc2: {  	(tm) =	ssettm $0x7FFFFFFF  }
0xc3: {  	_ =	shalt  }
tec
execute0_lowered:
.L_overlay_start_1:
0x0: {  	(tag) =	ssettag $0x1  }
0x1: {  	s0 =	rddreg [dreg:$0x0]  }
0x2: {  	s1 =	rddreg [dreg:$0x1]  }
0x3: {  	s2 =	simm.s32 $0x0;
	s3 =	srdreg.scid;
	s9 =	stileid.u32  }
0x4: {  	s31 =	simm.s32 $0xC800;
	s12 =	simm.s32 $0x3;
	s13 =	simm.s32 $0x4  }
0x5: {  	s14 =	simm.s32 $0x5;
	s15 =	simm.s32 $0x9;
	s16 =	simm.s32 $0xA  }
0x6: {  	s17 =	simm.s32 $0x7;
	s18 =	simm.s32 $0xB;
	s19 =	simm.s32 $0x8  }
0x7: {  	s29 =	simm.s32 $0xE;
	[smem:$0x7FF] =	sst s2;
	s3 =	sand.u32 $0x1, s3  }
0x8: {  	s4 =	sadd.s32 $0x34E00, s0;
	s5 =	sadd.s32 $0x2AE00, s0;
	s7 =	smul.u32 $0xA000, s9  }
0x9: {  	s10 =	sshll.u32 s9, $0x6;
	_ =	strace $0x8000004A;
	s6 =	smul.u32 $0x14000, s3  }
0xa: {  	s3 =	ssub.s32 $0x2, s3;
	[dreg:$0x4] =	wrdreg s10;
	s10 =	sor.u32 $0x1C0D, s10  }
0xb: {  	s8 =	sshrl.u32 s3, $0x1;
	s20 =	sadd.s32 s7, s1;
	s7 =	sshrl.u32 s7, $0x3  }
0xc: {  	[dreg:$0x6] =	wrdreg s10;
	s0 =	sadd.s32 s6, s0;
	s6 =	smul.u32 $0x5000, s9  }
0xd: {  	s3 =	ssub.s32 s3, s8;
	[dreg:$0x3] =	wrdreg s20;
	s8 =	sadd.s32 $0x2E00, s0  }
0xe: {  	s0 =	sadd.s32 $0x3EE00, s0;
	s3 =	smax.u32 s3, $0x1;
	s21 =	sshrl.u32 s6, $0x3  }
0xf: {  	s11 =	sadd.s32 s7, s8;
	[dreg:$0xf] =	wrdreg s3;
	s0 =	sadd.s32 s7, s0  }
0x10: {  	[dreg:$0x5] =	wrdreg s11;
	s22 =	sor.u32 $0x20, s21;
	s23 =	sadd.s32 s4, s21  }
0x11: {  	s24 =	sadd.s32 s5, s21;
	s26 =	sor.u32 $0x40, s21;
	[dreg:$0x10] =	wrdreg s0  }
0x12: {  	s9 =	sor.u32 $0x60, s21;
	s11 =	simm.s32 $0x2;
	[dreg:$0x7] =	wrdreg s23  }
0x13: {  	s21 =	simm.s32 $0x10;
	[dreg:$0x8] =	wrdreg s24;
	s25 =	sadd.s32 s4, s22  }
0x14: {  	s0 =	simm.s32 $0x0;
	s10 =	sadd.s32 s5, s22;
	[dreg:$0x9] =	wrdreg s25  }
.Ltmp0:
0x15: {  	s28 =	sadd.s32 s4, s26;
	[dreg:$0xa] =	wrdreg s10;
	(pc) =	sbr.rel .LBB2_1-.Ltmp0, $4  }
0x16: {  	s30 =	sadd.s32 s4, s9;
	s9 =	sadd.s32 s5, s9;
	[dreg:$0xb] =	wrdreg s28  }
0x17: {  	s23 =	simm.s32 $0x100;
	s24 =	simm.s32 $0xC;
	[dreg:$0xd] =	wrdreg s30  }
0x18: {  	s10 =	sadd.s32 s5, s26;
	[dreg:$0xe] =	wrdreg s9;
	s9 =	simm.s32 $0x6  }
0x19: {  	s26 =	simm.s32 $0xF;
	[dreg:$0xc] =	wrdreg s10;
	s10 =	simm.s32 $0x1  }
.LBB2_23:
0x1a: {  	[bflag:$0x0] =	sbarrier.arrive $0xFFFF  }
0x1b: {  	s7 =	rddreg [dreg:$0x4]  }
0x1c: {  	s20 =	rddreg [dreg:$0x10]  }
0x1d: {  	s25 =	simm.s32 $0x11;
	s0 =	rddreg [dreg:$0x12];
	s7 =	sor.u32 $0x1C11, s7  }
0x1e: {  	[hbm:s20], [sflag:s7] =	dma.local [spmem:s0], $0x1400  }
0x1f: {  	_ =	swait.ge [sflag:s25], $0x1400  }
0x20: {  	s28 =	rddreg [dreg:$0x11]  }
0x21: {  	s30 =	rddreg [dreg:$0xf];
	s0 =	sadd.s32 $0x1, s28  }
0x22: {  	p0 =	sne.s32 s0, s30  }
.Ltmp1:
0x23: {  	_ = 	snop;
	(pc) =	sbr.rel @!p0 .LBB2_24-.Ltmp1, $3  }
0x24: {  	_ =	sdelay $0x1  }
0x25: {  	[sflag:s25] =	ssyncset.done $0x0  }
0x26: {  	[sflag:s25] =	ssyncadd.s32 $0xFFFFEC00  }
.LBB2_1:
0x27: {  	[dreg:$0x11] =	wrdreg s0  }
0x28: {  	s7 =	rddreg [dreg:$0x3]  }
0x29: {  	s3 =	rddreg [dreg:$0x5]  }
0x2a: {  	s20 =	rddreg [dreg:$0x6];
	s30 =	sshrl.u32 s7, $0x3  }
0x2b: {  	[dreg:$0x12] =	wrdreg s30  }
0x2c: {  	[spmem:s30], [sflag:s20] =	dma.local [hbm:s3], $0x1400  }
0x2d: {  	s22 =	simm.s32 $0x11;
	s7 =	rddreg [dreg:$0x7]  }
0x2e: {  	[tilespmem:s2], [sflag:$0x11] =	stream.linear.gather [hbm4b:s7+s2], $0x100, $0x38;
	[tilespmem:$0x1A800] =	vst v63  }
0x2f: {  	_ =	swait.ge [sflag:s22], $0x100  }
0x30: {  	[sflag:s22] =	ssyncset.done $0x0  }
0x31: {  	s25 =	simm.s32 $0x400;
	s20 =	rddreg [dreg:$0x8];
	[sflag:s22] =	ssyncadd.s32 $0xFFFFFF00  }
0x32: {  	[tilespmem:s25], [sflag:$0x11] =	stream.linear.gather [hbm4b:s20+s2], $0x100, $0x38;
	[tilespmem:$0x1A800] =	vst v63  }
0x33: {  	_ =	swait.ge [sflag:s22], $0x100  }
0x34: {  	[sflag:s22] =	ssyncset.done $0x0  }
0x35: {  	s28 =	rddreg [dreg:$0x9];
	[sflag:s22] =	ssyncadd.s32 $0xFFFFFF00  }
0x36: {  	[tilespmem:s23], [sflag:$0x11] =	stream.linear.gather [hbm4b:s28+s2], $0x100, $0x38;
	[tilespmem:$0x1A800] =	vst v63  }
0x37: {  	_ =	swait.ge [sflag:s22], $0x100  }
0x38: {  	[sflag:s22] =	ssyncset.done $0x0  }
0x39: {  	s0 =	simm.s32 $0x500;
	s30 =	rddreg [dreg:$0xa];
	[sflag:s22] =	ssyncadd.s32 $0xFFFFFF00  }
0x3a: {  	[tilespmem:s0], [sflag:$0x11] =	stream.linear.gather [hbm4b:s30+s2], $0x100, $0x38;
	[tilespmem:$0x1A800] =	vst v63  }
0x3b: {  	_ =	swait.ge [sflag:s22], $0x100  }
0x3c: {  	[sflag:s22] =	ssyncset.done $0x0  }
0x3d: {  	s20 =	simm.s32 $0x200;
	s3 =	rddreg [dreg:$0xb];
	[sflag:s22] =	ssyncadd.s32 $0xFFFFFF00  }
0x3e: {  	[tilespmem:s20], [sflag:$0x11] =	stream.linear.gather [hbm4b:s3+s2], $0x100, $0x38;
	[tilespmem:$0x1A800] =	vst v63  }
0x3f: {  	_ =	swait.ge [sflag:s22], $0x100  }
0x40: {  	[sflag:s22] =	ssyncset.done $0x0  }
0x41: {  	s28 =	simm.s32 $0x600;
	s25 =	rddreg [dreg:$0xc];
	[sflag:s22] =	ssyncadd.s32 $0xFFFFFF00  }
0x42: {  	[tilespmem:s28], [sflag:$0x11] =	stream.linear.gather [hbm4b:s25+s2], $0x100, $0x38;
	[tilespmem:$0x1A800] =	vst v63  }
0x43: {  	_ =	swait.ge [sflag:s22], $0x100  }
0x44: {  	[sflag:s22] =	ssyncset.done $0x0  }
0x45: {  	s25 =	simm.s32 $0x300;
	s30 =	rddreg [dreg:$0xd];
	[sflag:s22] =	ssyncadd.s32 $0xFFFFFF00  }
0x46: {  	[tilespmem:s25], [sflag:$0x11] =	stream.linear.gather [hbm4b:s30+s2], $0x100, $0x38;
	[tilespmem:$0x1A800] =	vst v63  }
0x47: {  	_ =	swait.ge [sflag:s22], $0x100  }
0x48: {  	[sflag:s22] =	ssyncset.done $0x0  }
0x49: {  	s3 =	simm.s32 $0x700;
	s0 =	rddreg [dreg:$0xe];
	[sflag:s22] =	ssyncadd.s32 $0xFFFFFF00  }
0x4a: {  	[tilespmem:s3], [sflag:$0x11] =	stream.linear.gather [hbm4b:s0+s2], $0x100, $0x38;
	[tilespmem:$0x1A800] =	vst v63  }
0x4b: {  	_ =	swait.ge [sflag:s22], $0x100  }
0x4c: {  	[sflag:s22] =	ssyncset.done $0x0  }
0x4d: {  	[sflag:s22] =	ssyncadd.s32 $0xFFFFFF00;
	s22 =	simm.s32 $0x800  }
0x4e: {  	[tilespmem:s22], [sflag:$0x1] =	stream.indirect.gather [hbm4b:s8+s23], $0x40, s2, s23, $0xb8;
	[tilespmem:$0x1A800] =	vst v63  }
0x4f: {  	s28 =	simm.s32 $0x4800  }
0x50: {  	[tilespmem:s28], [sflag:$0x2] =	stream.indirect.gather [hbm4b:s8+s23], $0x40, s23, s23, $0xb8;
	[tilespmem:$0x1A800] =	vst v63  }
0x51: {  	s3 =	simm.s32 $0x8800  }
0x52: {  	[tilespmem:s3], [sflag:$0x3] =	stream.indirect.gather [hbm4b:s8+s23], $0x40, s20, s23, $0xb8;
	[tilespmem:$0x1A800] =	vst v63  }
0x53: {  	s30 =	simm.s32 $0xD  }
0x54: {  	[tilespmem:s31], [sflag:$0x4] =	stream.indirect.gather [hbm4b:s8+s23], $0x40, s25, s23, $0xb8;
	[tilespmem:$0x1A800] =	vst v63  }
.Ltmp2:
0x55: {  	_ =	swait.ge [sflag:s30], $0x1400;
	(pc) =	sbr.rel .LBB2_2-.Ltmp2, $4  }
0x56: {  	[sflag:s30] =	ssyncset.done $0x0  }
0x57: {  	[sflag:s30] =	ssyncadd.s32 $0xFFFFEC00  }
0x58: {  	[bflag:$0x0] =	sbarrier.arrive $0xFFFF  }
0x59: {  	s7 =	simm.s32 $0x700;
	s20 =	simm.s32 $0x6  }
.LBB2_20:
0x5a: {  	s30 =	simm.s32 $0x700;
	s0 =	simm.s32 $0xC800  }
0x5b: {  	[spmem:s1] =	stream.indirect.scatter.add.f32 [tilespmem:s0], [sflag:$0x8], $0x40, s30, s23, $0xb8;
	[tilespmem:$0x1A800] =	vst v63  }
.LBB2_21:
0x5c: {  	s30 =	sadd.s32 s6, s30  }
0x5d: {  	s30 =	sshrl.u32 s30, $0x3  }
0x5e: {  	s3 =	simm.s32 $0x300;
	s22 =	sshll.u32 s22, $0x8;
	s31 =	sadd.s32 s4, s30  }
0x5f: {  	[tilespmem:s3], [sflag:$0xC] =	stream.linear.gather [hbm4b:s31+s2], $0x100, $0x38;
	[tilespmem:$0x1A800] =	vst v63  }
0x60: {  	s22 =	sadd.s32 s6, s22;
	_ =	swait.ge [sflag:s14], $0x4000  }
0x61: {  	s22 =	sshrl.u32 s22, $0x3;
	[sflag:s14] =	ssyncset.done $0x0  }
0x62: {  	s22 =	sadd.s32 s5, s22;
	s31 =	simm.s32 $0x400;
	[sflag:s14] =	ssyncadd.s32 $0xFFFFC000  }
0x63: {  	[tilespmem:s31], [sflag:$0xD] =	stream.linear.gather [hbm4b:s22+s2], $0x100, $0x38;
	[tilespmem:$0x1A800] =	vst v63  }
0x64: {  	_ =	swait.ge [sflag:s15], $0x100  }
0x65: {  	[sflag:s15] =	ssyncset.done $0x0  }
0x66: {  	s25 =	sshll.u32 s25, $0x8;
	s22 =	simm.s32 $0x800;
	[sflag:s15] =	ssyncadd.s32 $0xFFFFFF00  }
0x67: {  	[tilespmem:s22], [sflag:$0x1] =	stream.indirect.gather [hbm4b:s8+s23], $0x40, s2, s23, $0xb8;
	[tilespmem:$0x1A800] =	vst v63  }
0x68: {  	s22 =	sadd.s32 s6, s25;
	_ =	swait.ge [sflag:s9], $0x4000  }
0x69: {  	s22 =	sshrl.u32 s22, $0x3;
	[sflag:s9] =	ssyncset.done $0x0  }
0x6a: {  	s25 =	simm.s32 $0x500;
	s22 =	sadd.s32 s5, s22;
	[sflag:s9] =	ssyncadd.s32 $0xFFFFC000  }
0x6b: {  	[tilespmem:s25], [sflag:$0xE] =	stream.linear.gather [hbm4b:s22+s2], $0x100, $0x38;
	[tilespmem:$0x1A800] =	vst v63  }
0x6c: {  	_ =	swait.ge [sflag:s16], $0x100  }
0x6d: {  	[sflag:s16] =	ssyncset.done $0x0  }
0x6e: {  	s25 =	simm.s32 $0x4800;
	[sflag:s16] =	ssyncadd.s32 $0xFFFFFF00  }
0x6f: {  	[tilespmem:s25], [sflag:$0x2] =	stream.indirect.gather [hbm4b:s8+s23], $0x40, s23, s23, $0xb8;
	[tilespmem:$0x1A800] =	vst v63  }
0x70: {  	_ =	swait.ge [sflag:s17], $0x4000  }
0x71: {  	[sflag:s17] =	ssyncset.done $0x0  }
0x72: {  	s25 =	sadd.s32 s5, s28;
	s28 =	simm.s32 $0x600;
	[sflag:s17] =	ssyncadd.s32 $0xFFFFC000  }
0x73: {  	[tilespmem:s28], [sflag:$0xF] =	stream.linear.gather [hbm4b:s25+s2], $0x100, $0x38;
	[tilespmem:$0x1A800] =	vst v63  }
0x74: {  	_ =	swait.ge [sflag:s18], $0x100  }
0x75: {  	[sflag:s18] =	ssyncset.done $0x0  }
0x76: {  	s25 =	simm.s32 $0x8800;
	s28 =	simm.s32 $0x200;
	[sflag:s18] =	ssyncadd.s32 $0xFFFFFF00  }
0x77: {  	[tilespmem:s25], [sflag:$0x3] =	stream.indirect.gather [hbm4b:s8+s23], $0x40, s28, s23, $0xb8;
	[tilespmem:$0x1A800] =	vst v63  }
0x78: {  	_ =	swait.ge [sflag:s19], $0x4000  }
0x79: {  	[sflag:s19] =	ssyncset.done $0x0  }
0x7a: {  	s28 =	sadd.s32 s5, s30;
	s30 =	simm.s32 $0x700;
	[sflag:s19] =	ssyncadd.s32 $0xFFFFC000  }
0x7b: {  	[tilespmem:s30], [sflag:$0x10] =	stream.linear.gather [hbm4b:s28+s2], $0x100, $0x38;
	[tilespmem:$0x1A800] =	vst v63  }
0x7c: {  	_ =	swait.ge [sflag:s24], $0x100  }
0x7d: {  	[sflag:s24] =	ssyncset.done $0x0  }
0x7e: {  	s31 =	simm.s32 $0xC800;
	[sflag:s24] =	ssyncadd.s32 $0xFFFFFF00  }
0x7f: {  	[tilespmem:s0], [sflag:$0x4] =	stream.indirect.gather [hbm4b:s8+s23], $0x40, s3, s23, $0xb8;
	[tilespmem:$0x1A800] =	vst v63  }
.LBB2_22:
0x80: {  	s20 =	sadd.s32 $0x4, s20  }
0x81: {  	p0 =	sne.s32 s20, $0x56  }
.Ltmp3:
0x82: {  	_ = 	snop;
	(pc) =	sbr.rel @!p0 .LBB2_23-.Ltmp3, $2  }
0x83: {  	_ =	sdelay $0x2  }
0x84: {  	s7 =	sadd.s32 $0x400, s7  }
.LBB2_2:
0x85: {  	p0 =	sne.s32 s20, $0x6  }
.Ltmp4:
0x86: {  	_ = 	snop;
	(pc) =	sbr.rel @p0 .LBB2_8-.Ltmp4, $4  }
0x87: {  	_ = 	snop  }
0x88: {  	_ =	swait.ge [sflag:s10], $0x4000  }
0x89: {  	[sflag:s10] =	ssyncset.done $0x0  }
0x8a: {  	[sflag:s10] =	ssyncadd.s32 $0xFFFFC000  }
.Ltmp5:
0x8b: {  	(pc) =	sbr.rel .LBB2_4-.Ltmp5, $4  }
0x8c: {  	_ = 	snop  }
0x8d: {  	s22 =	simm.s32 $0x400;
	s3 =	simm.s32 $0x800  }
0x8e: {  	[spmem:s1] =	stream.indirect.scatter.add.f32 [tilespmem:s3], [sflag:$0x5], $0x40, s22, s23, $0xb8;
	[tilespmem:$0x1A800] =	vst v63  }
0x8f: {  	s22 =	simm.s32 $0x4  }
.LBB2_8:
0x90: {  	s0 =	simm.s32 $0xD;
	p1 =	sne.s32 s20, $0x52  }
.Ltmp6:
0x91: {  	_ =	swait.ge [sflag:s0], $0x100;
	(pc) =	sbr.rel @p1 .LBB2_4-.Ltmp6, $4  }
0x92: {  	[sflag:s0] =	ssyncset.done $0x0  }
0x93: {  	s22 =	simm.s32 $0x400;
	s3 =	simm.s32 $0x800;
	[sflag:s0] =	ssyncadd.s32 $0xFFFFFF00  }
0x94: {  	[spmem:s1] =	stream.indirect.scatter.add.f32 [tilespmem:s3], [sflag:$0x5], $0x40, s22, s23, $0xb8;
	[tilespmem:$0x1A800] =	vst v63  }
0x95: {  	s22 =	sadd.s32 $0xFFFFFFFE, s20  }
.Ltmp7:
0x96: {  	(pc) =	sbr.rel .LBB2_10-.Ltmp7, $4  }
0x97: {  	_ = 	snop  }
0x98: {  	_ =	swait.ge [sflag:s11], $0x4000  }
0x99: {  	[sflag:s11] =	ssyncset.done $0x0  }
0x9a: {  	p1 =	por $0x1, $0x1;
	[sflag:s11] =	ssyncadd.s32 $0xFFFFC000  }
.LBB2_4:
0x9b: {  	s25 =	sshll.u32 s22, $0x8  }
0x9c: {  	s25 =	sadd.s32 s6, s25  }
0x9d: {  	s25 =	sshrl.u32 s25, $0x3  }
.Ltmp8:
0x9e: {  	s25 =	sadd.s32 s4, s25;
	(pc) =	sbr.rel @p0 .LBB2_10-.Ltmp8, $4  }
0x9f: {  	[tilespmem:s2], [sflag:$0x9] =	stream.linear.gather [hbm4b:s25+s2], $0x100, $0x38;
	[tilespmem:$0x1A800] =	vst v63  }
0xa0: {  	_ =	swait.ge [sflag:s11], $0x4000  }
0xa1: {  	[sflag:s11] =	ssyncset.done $0x0  }
0xa2: {  	p1 =	por $0x0, $0x0;
	[sflag:s11] =	ssyncadd.s32 $0xFFFFC000  }
.Ltmp9:
0xa3: {  	(pc) =	sbr.rel .LBB2_6-.Ltmp9, $4  }
0xa4: {  	_ = 	snop  }
0xa5: {  	s25 =	simm.s32 $0x500;
	s3 =	simm.s32 $0x4800  }
0xa6: {  	[spmem:s1] =	stream.indirect.scatter.add.f32 [tilespmem:s3], [sflag:$0x6], $0x40, s25, s23, $0xb8;
	[tilespmem:$0x1A800] =	vst v63  }
0xa7: {  	s25 =	simm.s32 $0x5  }
.LBB2_10:
.Ltmp10:
0xa8: {  	_ =	swait.ge [sflag:s29], $0x100;
	(pc) =	sbr.rel @!p1 .LBB2_6-.Ltmp10, $4  }
0xa9: {  	[sflag:s29] =	ssyncset.done $0x0  }
0xaa: {  	s25 =	simm.s32 $0x500;
	s3 =	simm.s32 $0x4800;
	[sflag:s29] =	ssyncadd.s32 $0xFFFFFF00  }
0xab: {  	[spmem:s1] =	stream.indirect.scatter.add.f32 [tilespmem:s3], [sflag:$0x6], $0x40, s25, s23, $0xb8;
	[tilespmem:$0x1A800] =	vst v63  }
0xac: {  	s25 =	sadd.s32 $0xFFFFFFFF, s20  }
.Ltmp11:
0xad: {  	(pc) =	sbr.rel .LBB2_12-.Ltmp11, $4  }
0xae: {  	_ = 	snop  }
0xaf: {  	_ =	swait.ge [sflag:s12], $0x4000  }
0xb0: {  	[sflag:s12] =	ssyncset.done $0x0  }
0xb1: {  	p1 =	por $0x1, $0x1;
	[sflag:s12] =	ssyncadd.s32 $0xFFFFC000  }
.LBB2_6:
0xb2: {  	s28 =	sshll.u32 s25, $0x8  }
0xb3: {  	s28 =	sadd.s32 s6, s28  }
0xb4: {  	s28 =	sshrl.u32 s28, $0x3  }
.Ltmp12:
0xb5: {  	s28 =	sadd.s32 s4, s28;
	(pc) =	sbr.rel @p0 .LBB2_12-.Ltmp12, $4  }
0xb6: {  	[tilespmem:s23], [sflag:$0xA] =	stream.linear.gather [hbm4b:s28+s2], $0x100, $0x38;
	[tilespmem:$0x1A800] =	vst v63  }
0xb7: {  	_ =	swait.ge [sflag:s12], $0x4000  }
0xb8: {  	[sflag:s12] =	ssyncset.done $0x0  }
0xb9: {  	p1 =	por $0x0, $0x0;
	[sflag:s12] =	ssyncadd.s32 $0xFFFFC000  }
.Ltmp13:
0xba: {  	(pc) =	sbr.rel .LBB2_14-.Ltmp13, $3  }
0xbb: {  	_ =	sdelay $0x1  }
0xbc: {  	s28 =	simm.s32 $0x600;
	s3 =	simm.s32 $0x8800;
	s30 =	simm.s32 $0x6  }
0xbd: {  	[spmem:s1] =	stream.indirect.scatter.add.f32 [tilespmem:s3], [sflag:$0x7], $0x40, s28, s23, $0xb8;
	[tilespmem:$0x1A800] =	vst v63  }
.LBB2_12:
.Ltmp14:
0xbe: {  	(pc) =	sbr.rel @!p1 .LBB2_13-.Ltmp14, $4  }
0xbf: {  	_ =	swait.ge [sflag:s26], $0x100  }
0xc0: {  	[sflag:s26] =	ssyncset.done $0x0  }
0xc1: {  	s28 =	simm.s32 $0x600;
	s3 =	simm.s32 $0x8800;
	[sflag:s26] =	ssyncadd.s32 $0xFFFFFF00  }
0xc2: {  	[spmem:s1] =	stream.indirect.scatter.add.f32 [tilespmem:s3], [sflag:$0x7], $0x40, s28, s23, $0xb8;
	[tilespmem:$0x1A800] =	vst v63  }
.Ltmp15:
0xc3: {  	(pc) =	sbr.rel .LBB2_17-.Ltmp15, $4  }
0xc4: {  	_ = 	snop  }
0xc5: {  	_ =	swait.ge [sflag:s13], $0x4000  }
0xc6: {  	[sflag:s13] =	ssyncset.done $0x0  }
0xc7: {  	p1 =	por $0x1, $0x1;
	s30 =	smov.u32 s20;
	[sflag:s13] =	ssyncadd.s32 $0xFFFFC000  }
.LBB2_13:
0xc8: {  	s30 =	smov.u32 s20  }
.LBB2_14:
0xc9: {  	s28 =	sshll.u32 s30, $0x8  }
0xca: {  	s28 =	sadd.s32 s6, s28  }
0xcb: {  	s28 =	sshrl.u32 s28, $0x3  }
.Ltmp16:
0xcc: {  	s0 =	simm.s32 $0x200;
	s31 =	sadd.s32 s4, s28;
	(pc) =	sbr.rel @!p0 .LBB2_20-.Ltmp16, $4  }
0xcd: {  	[tilespmem:s0], [sflag:$0xB] =	stream.linear.gather [hbm4b:s31+s2], $0x100, $0x38;
	[tilespmem:$0x1A800] =	vst v63  }
0xce: {  	_ =	swait.ge [sflag:s13], $0x4000  }
0xcf: {  	[sflag:s13] =	ssyncset.done $0x0  }
0xd0: {  	p1 =	por $0x0, $0x0;
	[sflag:s13] =	ssyncadd.s32 $0xFFFFC000  }
0xd1: {  	s31 =	simm.s32 $0xC800  }
.LBB2_17:
.Ltmp17:
0xd2: {  	(pc) =	sbr.rel @!p1 .LBB2_18-.Ltmp17, $4  }
0xd3: {  	_ =	swait.ge [sflag:s21], $0x100  }
0xd4: {  	[sflag:s21] =	ssyncset.done $0x0  }
0xd5: {  	s0 =	simm.s32 $0x700;
	[sflag:s21] =	ssyncadd.s32 $0xFFFFFF00  }
0xd6: {  	[spmem:s1] =	stream.indirect.scatter.add.f32 [tilespmem:s31], [sflag:$0x8], $0x40, s0, s23, $0xb8;
	[tilespmem:$0x1A800] =	vst v63  }
0xd7: {  	_ =	swait.ge [sflag:s14], $0x4000  }
0xd8: {  	[sflag:s14] =	ssyncset.done $0x0  }
0xd9: {  	[sflag:s14] =	ssyncadd.s32 $0xFFFFC000  }
0xda: {  	_ =	swait.ge [sflag:s9], $0x4000  }
0xdb: {  	[sflag:s9] =	ssyncset.done $0x0  }
0xdc: {  	[sflag:s9] =	ssyncadd.s32 $0xFFFFC000  }
0xdd: {  	_ =	swait.ge [sflag:s17], $0x4000  }
.Ltmp18:
0xde: {  	[sflag:s17] =	ssyncset.done $0x0;
	(pc) =	sbr.rel .LBB2_22-.Ltmp18, $4  }
0xdf: {  	[sflag:s17] =	ssyncadd.s32 $0xFFFFC000  }
0xe0: {  	_ =	swait.ge [sflag:s19], $0x4000  }
0xe1: {  	[sflag:s19] =	ssyncset.done $0x0  }
0xe2: {  	[sflag:s19] =	ssyncadd.s32 $0xFFFFC000  }
.LBB2_18:
.Ltmp19:
0xe3: {  	(pc) =	sbr.rel .LBB2_21-.Ltmp19, $4  }
0xe4: {  	_ = 	snop  }
0xe5: {  	s28 =	sshll.u32 s30, $0x8  }
0xe6: {  	s28 =	sadd.s32 s6, s28  }
0xe7: {  	s30 =	smov.u32 s7;
	s0 =	simm.s32 $0xC800;
	s28 =	sshrl.u32 s28, $0x3  }
.LBB2_24:
0xe8: {  	_ =	sfence.sel $0x180000  }
0xe9: {  	[bflag:$0x0] =	sbarrier.arrive $0xFFFF  }
0xea: {  	_ =	strace $0x9000004A  }
0xeb: {  	s0 =	stileid.u32;
	[bflag:$0x2] =	sbarrier.arrive $0xFFFF  }
0xec: {  	p0 =	sne.s32 s0, $0x0;
	s0 =	rddreg [dreg:$0x2]  }
0xed: {  	s0 =	sadd.s32 @!p0 $0x100000, s0  }
0xee: {  	[sflag:s0] =	ssyncadd.tile.s32 @!p0 $0x1;
	_ =	shalt  }
.Lfunc_end2:
_tile_overlayer_lowered:
.L_overlay_start_2:
0xef: {  	(tag) =	ssettag $0x2  }
0xf0: {  	s0 =	rddreg [dreg:$0x0];
	s2 =	stileid.u32  }
0xf1: {  	s1 =	rddreg [dreg:$0x1];
	p0 =	sne.s32 s2, $0x0  }
0xf2: {  	s3 =	rddreg [dreg:$0x2];
	[bflag:$0x3] =	sbarrier.arrive $0xFFFF;
	s2 =	simm.s32 @!p0 $0x1C11  }
0xf3: {  	[timem:s3], [sflag:s2] =	dma.local @!p0 [hbm:s0], s1  }
0xf4: {  	s0 =	simm.s32 @!p0 $0x11  }
0xf5: {  	_ =	swait.ge @!p0 [sflag:s0], s1  }
0xf6: {  	s1 =	ssub.s32 @!p0 $0x0, s1;
	[sflag:s0] =	ssyncset.done @!p0 $0x0  }
0xf7: {  	[sflag:s0] =	ssyncadd.s32 @!p0 s1  }
0xf8: {  	[bflag:$0x3] =	sbarrier.arrive $0xFFFF  }
0xf9: {  	_ =	shalt  }

// kernel: kernel.19.cloned.1.call-start
scs
__scs_entry_jumppad:
0x0: {  	(pc) =	sbr.rel $0x88, $3  }
0x1: {  	(tag) =	ssettag $0x0;
	lr =	simm.s32 $0x1  }
0x2: {  	[smem:$0x3F92] =	sst lr;
	_ =	strace $0xD0000000  }
0x3: {  	_ = 	snop  }
0x4: {  	_ = 	snop  }
0x5: {  	_ = 	snop  }
0x6: {  	_ = 	snop  }
0x7: {  	_ = 	snop  }
__scs_overlays_trampoline_lowered:
0x8: {  	[smem:$0x3FA1] =	sst s0  }
0x9: {  	[smem:$0x3FA2] =	sst s1  }
0xa: {  	[smem:$0x3FA3] =	sst s2  }
0xb: {  	[smem:$0x3FA4] =	sst s3  }
0xc: {  	[smem:$0x3FA5] =	sst s4  }
0xd: {  	[smem:$0x3FA6] =	sst s5  }
0xe: {  	[smem:$0x3FA7] =	sst s6  }
0xf: {  	[smem:$0x3FA8] =	sst s7  }
0x10: {  	[smem:$0x3FA9] =	sst s8  }
0x11: {  	[smem:$0x3FAA] =	sst s9;
	s0 =	simm.s32 @!p0 $0x0  }
0x12: {  	s1 =	sld [smem:$0x3F90];
	s0 =	simm.s32 @p0 $0x1  }
0x13: {  	[smem:$0x3FAB] =	sst s0;
	s0 =	simm.s32 @!p1 $0x0  }
0x14: {  	s2 =	sld [smem:$0x3F8F];
	s0 =	simm.s32 @p1 $0x1  }
0x15: {  	[smem:$0x3FAC] =	sst s0;
	s0 =	simm.s32 @!p2 $0x0  }
0x16: {  	s3 =	sld [smem:$0x3FDB];
	s0 =	simm.s32 @p2 $0x1  }
0x17: {  	s4 =	simm.s32 $0x1BF5;
	[smem:$0x3FAE] =	sst s0  }
0x18: {  	s0 =	sld [smem:$0x3F91];
	_ =	swait.ge [sflag:s4], $0x0  }
0x19: {  	s7 =	sld [smem:$0x3F92]  }
0x1a: {  	s8 =	sadd.s32 $0xFFFFE003, lr  }
0x1b: {  	s9 =	sadd.s32 $0xFFFFFEF7, lr;
	s5 =	simm.s32 $0xFFFFFFFF;
	p2 =	slt.u32 s8, $0xFFFFF086  }
0x1c: {  	p1 =	slt.u32 s9, $0xF7A;
	s5 =	simm.s32 @!p2 $0x0  }
0x1d: {  	s5 =	simm.s32 @p1 $0x1;
	p0 =	seq.s32 s7, s2  }
0x1e: {  	s7 =	smul.u32 @!p0 $0xF7A, s2;
	p2 =	seq.s32 @!p0 s5, $0x0  }
0x1f: {  	s9 =	smul.u32 $0xF7A, s1;
	s8 =	simm.s32 @!p0 $0x1BF5;
	p2 =	por !p2, p0  }
0x20: {  	[sflag:s8] =	ssyncset.s32 @!p0 $0xFFFFF086;
	s6 =	sadd.s32 @!p0 s3, s7;
	s7 =	simm.s32 @!p0 $0x108  }
0x21: {  	s3 =	sadd.s32 s3, s9;
	s6 =	sadd.s32 @!p0 $0x88, s6;
	s7 =	simm.s32 @p2 $0x1082  }
0x22: {  	[simem:s7], [sflag:s8] =	dma.local @!p0 [hbm:s6], $0xF7A  }
0x23: {  	s9 =	sor.u32 $0xD0000000, s2;
	s6 =	simm.s32 $0x108;
	_ =	swait.ge @!p0 [sflag:s8], $0x0  }
0x24: {  	s3 =	sadd.s32 $0x88, s3;
	s6 =	simm.s32 @!p1 $0x1082;
	[sflag:s4] =	ssyncset.s32 $0xFFFFF086  }
0x25: {  	[simem:s6], [sflag:s4] =	dma.local [hbm:s3], $0xF7A  }
0x26: {  	[smem:$0x3F92] =	sst s1;
	(tag) =	ssettag s2;
	_ =	strace s9  }
0x27: {  	s1 =	sld [smem:$0x3FA2]  }
0x28: {  	s2 =	sld [smem:$0x3FA3]  }
0x29: {  	s4 =	sld [smem:$0x3FA5]  }
0x2a: {  	p0 =	seq.s32 s5, $0x0;
	s5 =	sld [smem:$0x3FA6]  }
0x2b: {  	s6 =	sld [smem:$0x3FA7]  }
0x2c: {  	s7 =	sld [smem:$0x3FA8]  }
0x2d: {  	s3 =	simm.s32 $0x108;
	s8 =	sld [smem:$0x3FA9]  }
0x2e: {  	s3 =	simm.s32 @!p0 $0x1082;
	s9 =	sld [smem:$0x3FAA]  }
0x2f: {  	lr =	sadd.s32 s0, s3;
	s0 =	sld [smem:$0x3FA1]  }
0x30: {  	s3 =	sld [smem:$0x3FA4]  }
0x31: {  	[smem:$0x3FAD] =	sst s10  }
0x32: {  	s10 =	sld [smem:$0x3FAB];
	_ =	sdelay $0x3  }
0x33: {  	p0 =	seq.s32 s10, $0x1;
	s10 =	sld [smem:$0x3FAD];
	_ =	sdelay $0x3  }
0x34: {  	[smem:$0x3FAD] =	sst s10  }
0x35: {  	s10 =	sld [smem:$0x3FAC];
	_ =	sdelay $0x3  }
0x36: {  	p1 =	seq.s32 s10, $0x1;
	s10 =	sld [smem:$0x3FAD];
	_ =	sdelay $0x3  }
0x37: {  	[smem:$0x3FAD] =	sst s10  }
0x38: {  	s10 =	sld [smem:$0x3FAE]  }
0x39: {  	_ = 	snop;
	(pc) =	sbr.ind lr, $3  }
0x3a: {  	_ = 	snop  }
0x3b: {  	_ = 	snop  }
0x3c: {  	p2 =	seq.s32 s10, $0x1;
	s10 =	sld [smem:$0x3FAD]  }
0x3d: {  	_ =	shalt  }
0x3e: {  	_ =	shalt  }
0x3f: {  	_ =	shalt  }
0x40: {  	_ =	shalt  }
0x41: {  	_ =	shalt  }
0x42: {  	_ =	shalt  }
0x43: {  	_ =	shalt  }
0x44: {  	_ =	shalt  }
0x45: {  	_ =	shalt  }
0x46: {  	_ =	shalt  }
0x47: {  	_ =	shalt  }
0x48: {  	_ =	shalt  }
0x49: {  	_ =	shalt  }
0x4a: {  	_ =	shalt  }
0x4b: {  	_ =	shalt  }
0x4c: {  	_ =	shalt  }
0x4d: {  	_ =	shalt  }
0x4e: {  	_ =	shalt  }
0x4f: {  	_ =	shalt  }
0x50: {  	_ =	shalt  }
0x51: {  	_ =	shalt  }
0x52: {  	_ =	shalt  }
0x53: {  	_ =	shalt  }
0x54: {  	_ =	shalt  }
0x55: {  	_ =	shalt  }
0x56: {  	_ =	shalt  }
0x57: {  	_ =	shalt  }
0x58: {  	_ =	shalt  }
0x59: {  	_ =	shalt  }
0x5a: {  	_ =	shalt  }
0x5b: {  	_ =	shalt  }
0x5c: {  	_ =	shalt  }
0x5d: {  	_ =	shalt  }
0x5e: {  	_ =	shalt  }
0x5f: {  	_ =	shalt  }
0x60: {  	_ =	shalt  }
0x61: {  	_ =	shalt  }
0x62: {  	_ =	shalt  }
0x63: {  	_ =	shalt  }
0x64: {  	_ =	shalt  }
0x65: {  	_ =	shalt  }
0x66: {  	_ =	shalt  }
0x67: {  	_ =	shalt  }
0x68: {  	_ =	shalt  }
0x69: {  	_ =	shalt  }
0x6a: {  	_ =	shalt  }
0x6b: {  	_ =	shalt  }
0x6c: {  	_ =	shalt  }
0x6d: {  	_ =	shalt  }
0x6e: {  	_ =	shalt  }
0x6f: {  	_ =	shalt  }
0x70: {  	_ =	shalt  }
0x71: {  	_ =	shalt  }
0x72: {  	_ =	shalt  }
0x73: {  	_ =	shalt  }
0x74: {  	_ =	shalt  }
0x75: {  	_ =	shalt  }
0x76: {  	_ =	shalt  }
0x77: {  	_ =	shalt  }
0x78: {  	_ =	shalt  }
0x79: {  	_ =	shalt  }
0x7a: {  	_ =	shalt  }
0x7b: {  	_ =	shalt  }
0x7c: {  	_ =	shalt  }
0x7d: {  	_ =	shalt  }
0x7e: {  	_ =	shalt  }
0x7f: {  	_ =	shalt  }
0x80: {  	_ =	shalt  }
0x81: {  	_ =	shalt  }
0x82: {  	_ =	shalt  }
0x83: {  	_ =	shalt  }
0x84: {  	_ =	shalt  }
0x85: {  	_ =	shalt  }
0x86: {  	_ =	shalt  }
0x87: {  	_ =	shalt  }
.Lfunc_end0:
.L_simem_size_0:
called_computation.2_lowered:
.L_overlay_start_0:
0x88: {  	s2 =	sld [smem:$0x3FD9]  }
0x89: {  	s3 =	sld [smem:$0x3FFE];
	_ =	sdelay $0x1  }
0x8a: {  	s1 =	srdreg.scid  }
0x8b: {  	s0 =	sand.u32 $0x1, s1  }
0x8c: {  	s16 =	sshll.u32 s0, $0xA;
	s2 =	sadd.s32 s3, s2  }
0x8d: {  	s2 =	sadd.s32 s2, s16  }
0x8e: {  	[smem:$0x3FB9] =	sst s2  }
0x8f: {  	_ = 	snop  }
0x90: {  	(tm) =	ssettm $0x1  }
0x91: {  	s17 =	sld [smem:$0x3FFB];
	_ =	sdelay $0x3  }
0x92: {  	_ =	strace s17  }
0x93: {  	s2 =	sld [smem:$0x3FFC];
	_ =	sdelay $0x3  }
0x94: {  	_ =	strace s2  }
0x95: {  	s2 =	sld [smem:$0x3FFD];
	_ =	sdelay $0x3  }
0x96: {  	_ =	strace s2  }
0x97: {  	_ =	strace $0x8FFFFFFF  }
0x98: {  	s18 =	sld [smem:$0x3FDB];
	_ =	sdelay $0x1  }
0x99: {  	s19 =	simm.s32 $_scs_section_size  }
0x9a: {  	s4 =	simm.s32 $_size__tile_overlayer_lowered;
	s5 =	simm.s32 $_tile_overlayer_lowered  }
0x9b: {  	s22 =	simm.s32 $0x1BFF;
	s21 =	sshll.u32 s5, $0x1;
	s2 =	sadd.s32 s19, s18  }
0x9c: {  	s6 =	simm.s32 $0x0;
	s20 =	sshll.u32 s4, $0x1;
	s4 =	sadd.s32 s21, s2  }
0x9d: {  	[timem:s6], [sflag:s22] =	dma.local [hbm:s4], s20  }
0x9e: {  	_ =	swait.ge [sflag:s22], s20  }
0x9f: {  	s3 =	ssub.s32 $0x0, s20;
	[sflag:s22] =	ssyncset.done $0x0  }
0xa0: {  	[sflag:s22] =	ssyncadd.s32 s3;
	_ =	sdelay $0x1  }
0xa1: {  	s23 =	simm.s32 $0x1B8B  }
0xa2: {  	_ =	swait.ge [sflag:s23], $0x1  }
0xa3: {  	[sflag:s23] =	ssyncset.done $0x0  }
0xa4: {  	s25 =	simm.s32 $0x1B8E;
	s24 =	sld [smem:$0x3FFE];
	[sflag:s23] =	ssyncadd.s32 $0xFFFFFFFF  }
0xa5: {  	s26 =	simm.s32 $execute0_lowered;
	[smem:$0x3FD2] =	sst s25  }
0xa6: {  	s4 =	sshll.u32 s26, $0x1;
	_ =	strace $0x8000004C;
	[dreg:$0x1] =	wrdreg $0xFFFFFFFF  }
0xa7: {  	s28 =	simm.s32 $_size_execute0_lowered;
	s2 =	sadd.s32 s2, s4;
	[dreg:$0x0] =	wrdreg $0x0  }
0xa8: {  	s4 =	sshll.u32 s28, $0x1;
	[dreg:$0x2] =	wrdreg s2  }
0xa9: {  	[dreg:$0x3] =	wrdreg s4  }
0xaa: {  	[dreg:$0x4] =	wrdreg $0xC0  }
0xab: {  	_ =	task [dreg:s6], $0x5FFFF  }
0xac: {  	[dreg:$0x1] =	wrdreg $0xFFFFFFFF  }
0xad: {  	[dreg:$0x0] =	wrdreg $0x60  }
0xae: {  	[dreg:$0x2] =	wrdreg s24  }
0xaf: {  	[dreg:$0x3] =	wrdreg $0x108000  }
0xb0: {  	[dreg:$0x4] =	wrdreg $0x9  }
0xb1: {  	_ =	task.clear_ibuf [dreg:s6], $0x5FFFF;
	_ =	strace $0x9000004C  }
0xb2: {  	s29 =	simm.s32 $0x9;
	_ =	strace $0x8000004E  }
0xb3: {  	_ =	swait.ge [sflag:s29], $0x1  }
0xb4: {  	[sflag:s29] =	ssyncadd.s32 $0xFFFFFFFF  }
0xb5: {  	_ =	strace $0x9000004E  }
0xb6: {  	_ =	sfence  }
0xb7: {  	s30 =	sld [smem:$0x0];
	_ =	sdelay $0x2  }
0xb8: {  	s31 =	sshll.u32 s1, $0xD;
	s1 =	sshrl.u32 s1, $0x2  }
0xb9: {  	s3 =	sand.u32 $0x4000, s31;
	s1 =	sadd.s32 s1, s30  }
0xba: {  	s0 =	sor.u32 s3, s0;
	s1 =	sshll.u32 s1, $0x11  }
0xbb: {  	s0 =	sor.u32 s1, s0  }
0xbc: {  	s0 =	sadd.s32 $0x8F2B, s0  }
0xbd: {  	[sflag:s0] =	ssyncadd.remote.s32 $0x1  }
0xbe: {  	_ =	sfence.sel $0xFFFF  }
0xbf: {  	[dreg:$0x0] =	wrdreg $0xFFFFFFFF;
	(pc) =	sbr.abs _section_cstart, $3  }
0xc0: {  	[dreg:$0x1] =	wrdreg $0xFFFFFFFF  }
0xc1: {  	_ =	task.clear_ibuf [dreg:s6], $0x2FFFF;
	_ =	strace $0x9FFFFFFF  }
0xc2: {  	(tm) =	ssettm $0x7FFFFFFF  }
0xc3: {  	_ =	shalt  }
tec
execute0_lowered:
.L_overlay_start_1:
0x0: {  	(tag) =	ssettag $0x1  }
0x1: {  	s0 =	rddreg [dreg:$0x0]  }
0x2: {  	s1 =	rddreg [dreg:$0x1]  }
0x3: {  	s2 =	simm.s32 $0x0;
	s3 =	srdreg.scid;
	s9 =	stileid.u32  }
0x4: {  	s31 =	simm.s32 $0xC800;
	s12 =	simm.s32 $0x3;
	s13 =	simm.s32 $0x4  }
0x5: {  	s14 =	simm.s32 $0x5;
	s15 =	simm.s32 $0x9;
	s16 =	simm.s32 $0xA  }
0x6: {  	s17 =	simm.s32 $0x7;
	s18 =	simm.s32 $0xB;
	s19 =	simm.s32 $0x8  }
0x7: {  	s29 =	simm.s32 $0xE;
	[smem:$0x7FF] =	sst s2;
	s3 =	sand.u32 $0x1, s3  }
0x8: {  	s4 =	sadd.s32 $0x34E00, s0;
	s5 =	sadd.s32 $0x2AE00, s0;
	s7 =	smul.u32 $0xA000, s9  }
0x9: {  	s10 =	sshll.u32 s9, $0x6;
	_ =	strace $0x8000004D;
	s6 =	smul.u32 $0x14000, s3  }
0xa: {  	s3 =	ssub.s32 $0x2, s3;
	[dreg:$0x4] =	wrdreg s10;
	s10 =	sor.u32 $0x1C0D, s10  }
0xb: {  	s8 =	sshrl.u32 s3, $0x1;
	s20 =	sadd.s32 s7, s1;
	s7 =	sshrl.u32 s7, $0x3  }
0xc: {  	[dreg:$0x6] =	wrdreg s10;
	s0 =	sadd.s32 s6, s0;
	s6 =	smul.u32 $0x5000, s9  }
0xd: {  	s3 =	ssub.s32 s3, s8;
	[dreg:$0x3] =	wrdreg s20;
	s8 =	sadd.s32 $0x2E00, s0  }
0xe: {  	s0 =	sadd.s32 $0x3EE00, s0;
	s3 =	smax.u32 s3, $0x1;
	s21 =	sshrl.u32 s6, $0x3  }
0xf: {  	s11 =	sadd.s32 s7, s8;
	[dreg:$0xf] =	wrdreg s3;
	s0 =	sadd.s32 s7, s0  }
0x10: {  	[dreg:$0x5] =	wrdreg s11;
	s22 =	sor.u32 $0x20, s21;
	s23 =	sadd.s32 s4, s21  }
0x11: {  	s24 =	sadd.s32 s5, s21;
	s26 =	sor.u32 $0x40, s21;
	[dreg:$0x10] =	wrdreg s0  }
0x12: {  	s9 =	sor.u32 $0x60, s21;
	s11 =	simm.s32 $0x2;
	[dreg:$0x7] =	wrdreg s23  }
0x13: {  	s21 =	simm.s32 $0x10;
	[dreg:$0x8] =	wrdreg s24;
	s25 =	sadd.s32 s4, s22  }
0x14: {  	s0 =	simm.s32 $0x0;
	s10 =	sadd.s32 s5, s22;
	[dreg:$0x9] =	wrdreg s25  }
.Ltmp0:
0x15: {  	s28 =	sadd.s32 s4, s26;
	[dreg:$0xa] =	wrdreg s10;
	(pc) =	sbr.rel .LBB2_1-.Ltmp0, $4  }
0x16: {  	s30 =	sadd.s32 s4, s9;
	s9 =	sadd.s32 s5, s9;
	[dreg:$0xb] =	wrdreg s28  }
0x17: {  	s23 =	simm.s32 $0x100;
	s24 =	simm.s32 $0xC;
	[dreg:$0xd] =	wrdreg s30  }
0x18: {  	s10 =	sadd.s32 s5, s26;
	[dreg:$0xe] =	wrdreg s9;
	s9 =	simm.s32 $0x6  }
0x19: {  	s26 =	simm.s32 $0xF;
	[dreg:$0xc] =	wrdreg s10;
	s10 =	simm.s32 $0x1  }
.LBB2_23:
0x1a: {  	[bflag:$0x0] =	sbarrier.arrive $0xFFFF  }
0x1b: {  	s7 =	rddreg [dreg:$0x4]  }
0x1c: {  	s20 =	rddreg [dreg:$0x10]  }
0x1d: {  	s25 =	simm.s32 $0x11;
	s0 =	rddreg [dreg:$0x12];
	s7 =	sor.u32 $0x1C11, s7  }
0x1e: {  	[hbm:s20], [sflag:s7] =	dma.local [spmem:s0], $0x1400  }
0x1f: {  	_ =	swait.ge [sflag:s25], $0x1400  }
0x20: {  	s28 =	rddreg [dreg:$0x11]  }
0x21: {  	s30 =	rddreg [dreg:$0xf];
	s0 =	sadd.s32 $0x1, s28  }
0x22: {  	p0 =	sne.s32 s0, s30  }
.Ltmp1:
0x23: {  	_ = 	snop;
	(pc) =	sbr.rel @!p0 .LBB2_24-.Ltmp1, $3  }
0x24: {  	_ =	sdelay $0x1  }
0x25: {  	[sflag:s25] =	ssyncset.done $0x0  }
0x26: {  	[sflag:s25] =	ssyncadd.s32 $0xFFFFEC00  }
.LBB2_1:
0x27: {  	[dreg:$0x11] =	wrdreg s0  }
0x28: {  	s7 =	rddreg [dreg:$0x3]  }
0x29: {  	s3 =	rddreg [dreg:$0x5]  }
0x2a: {  	s20 =	rddreg [dreg:$0x6];
	s30 =	sshrl.u32 s7, $0x3  }
0x2b: {  	[dreg:$0x12] =	wrdreg s30  }
0x2c: {  	[spmem:s30], [sflag:s20] =	dma.local [hbm:s3], $0x1400  }
0x2d: {  	s22 =	simm.s32 $0x11;
	s7 =	rddreg [dreg:$0x7]  }
0x2e: {  	[tilespmem:s2], [sflag:$0x11] =	stream.linear.gather [hbm4b:s7+s2], $0x100, $0x38;
	[tilespmem:$0x1A800] =	vst v63  }
0x2f: {  	_ =	swait.ge [sflag:s22], $0x100  }
0x30: {  	[sflag:s22] =	ssyncset.done $0x0  }
0x31: {  	s25 =	simm.s32 $0x400;
	s20 =	rddreg [dreg:$0x8];
	[sflag:s22] =	ssyncadd.s32 $0xFFFFFF00  }
0x32: {  	[tilespmem:s25], [sflag:$0x11] =	stream.linear.gather [hbm4b:s20+s2], $0x100, $0x38;
	[tilespmem:$0x1A800] =	vst v63  }
0x33: {  	_ =	swait.ge [sflag:s22], $0x100  }
0x34: {  	[sflag:s22] =	ssyncset.done $0x0  }
0x35: {  	s28 =	rddreg [dreg:$0x9];
	[sflag:s22] =	ssyncadd.s32 $0xFFFFFF00  }
0x36: {  	[tilespmem:s23], [sflag:$0x11] =	stream.linear.gather [hbm4b:s28+s2], $0x100, $0x38;
	[tilespmem:$0x1A800] =	vst v63  }
0x37: {  	_ =	swait.ge [sflag:s22], $0x100  }
0x38: {  	[sflag:s22] =	ssyncset.done $0x0  }
0x39: {  	s0 =	simm.s32 $0x500;
	s30 =	rddreg [dreg:$0xa];
	[sflag:s22] =	ssyncadd.s32 $0xFFFFFF00  }
0x3a: {  	[tilespmem:s0], [sflag:$0x11] =	stream.linear.gather [hbm4b:s30+s2], $0x100, $0x38;
	[tilespmem:$0x1A800] =	vst v63  }
0x3b: {  	_ =	swait.ge [sflag:s22], $0x100  }
0x3c: {  	[sflag:s22] =	ssyncset.done $0x0  }
0x3d: {  	s20 =	simm.s32 $0x200;
	s3 =	rddreg [dreg:$0xb];
	[sflag:s22] =	ssyncadd.s32 $0xFFFFFF00  }
0x3e: {  	[tilespmem:s20], [sflag:$0x11] =	stream.linear.gather [hbm4b:s3+s2], $0x100, $0x38;
	[tilespmem:$0x1A800] =	vst v63  }
0x3f: {  	_ =	swait.ge [sflag:s22], $0x100  }
0x40: {  	[sflag:s22] =	ssyncset.done $0x0  }
0x41: {  	s28 =	simm.s32 $0x600;
	s25 =	rddreg [dreg:$0xc];
	[sflag:s22] =	ssyncadd.s32 $0xFFFFFF00  }
0x42: {  	[tilespmem:s28], [sflag:$0x11] =	stream.linear.gather [hbm4b:s25+s2], $0x100, $0x38;
	[tilespmem:$0x1A800] =	vst v63  }
0x43: {  	_ =	swait.ge [sflag:s22], $0x100  }
0x44: {  	[sflag:s22] =	ssyncset.done $0x0  }
0x45: {  	s25 =	simm.s32 $0x300;
	s30 =	rddreg [dreg:$0xd];
	[sflag:s22] =	ssyncadd.s32 $0xFFFFFF00  }
0x46: {  	[tilespmem:s25], [sflag:$0x11] =	stream.linear.gather [hbm4b:s30+s2], $0x100, $0x38;
	[tilespmem:$0x1A800] =	vst v63  }
0x47: {  	_ =	swait.ge [sflag:s22], $0x100  }
0x48: {  	[sflag:s22] =	ssyncset.done $0x0  }
0x49: {  	s3 =	simm.s32 $0x700;
	s0 =	rddreg [dreg:$0xe];
	[sflag:s22] =	ssyncadd.s32 $0xFFFFFF00  }
0x4a: {  	[tilespmem:s3], [sflag:$0x11] =	stream.linear.gather [hbm4b:s0+s2], $0x100, $0x38;
	[tilespmem:$0x1A800] =	vst v63  }
0x4b: {  	_ =	swait.ge [sflag:s22], $0x100  }
0x4c: {  	[sflag:s22] =	ssyncset.done $0x0  }
0x4d: {  	[sflag:s22] =	ssyncadd.s32 $0xFFFFFF00;
	s22 =	simm.s32 $0x800  }
0x4e: {  	[tilespmem:s22], [sflag:$0x1] =	stream.indirect.gather [hbm4b:s8+s23], $0x40, s2, s23, $0xb8;
	[tilespmem:$0x1A800] =	vst v63  }
0x4f: {  	s28 =	simm.s32 $0x4800  }
0x50: {  	[tilespmem:s28], [sflag:$0x2] =	stream.indirect.gather [hbm4b:s8+s23], $0x40, s23, s23, $0xb8;
	[tilespmem:$0x1A800] =	vst v63  }
0x51: {  	s3 =	simm.s32 $0x8800  }
0x52: {  	[tilespmem:s3], [sflag:$0x3] =	stream.indirect.gather [hbm4b:s8+s23], $0x40, s20, s23, $0xb8;
	[tilespmem:$0x1A800] =	vst v63  }
0x53: {  	s30 =	simm.s32 $0xD  }
0x54: {  	[tilespmem:s31], [sflag:$0x4] =	stream.indirect.gather [hbm4b:s8+s23], $0x40, s25, s23, $0xb8;
	[tilespmem:$0x1A800] =	vst v63  }
.Ltmp2:
0x55: {  	_ =	swait.ge [sflag:s30], $0x1400;
	(pc) =	sbr.rel .LBB2_2-.Ltmp2, $4  }
0x56: {  	[sflag:s30] =	ssyncset.done $0x0  }
0x57: {  	[sflag:s30] =	ssyncadd.s32 $0xFFFFEC00  }
0x58: {  	[bflag:$0x0] =	sbarrier.arrive $0xFFFF  }
0x59: {  	s7 =	simm.s32 $0x700;
	s20 =	simm.s32 $0x6  }
.LBB2_20:
0x5a: {  	s30 =	simm.s32 $0x700;
	s0 =	simm.s32 $0xC800  }
0x5b: {  	[spmem:s1] =	stream.indirect.scatter.add.f32 [tilespmem:s0], [sflag:$0x8], $0x40, s30, s23, $0xb8;
	[tilespmem:$0x1A800] =	vst v63  }
.LBB2_21:
0x5c: {  	s30 =	sadd.s32 s6, s30  }
0x5d: {  	s30 =	sshrl.u32 s30, $0x3  }
0x5e: {  	s3 =	simm.s32 $0x300;
	s22 =	sshll.u32 s22, $0x8;
	s31 =	sadd.s32 s4, s30  }
0x5f: {  	[tilespmem:s3], [sflag:$0xC] =	stream.linear.gather [hbm4b:s31+s2], $0x100, $0x38;
	[tilespmem:$0x1A800] =	vst v63  }
0x60: {  	s22 =	sadd.s32 s6, s22;
	_ =	swait.ge [sflag:s14], $0x4000  }
0x61: {  	s22 =	sshrl.u32 s22, $0x3;
	[sflag:s14] =	ssyncset.done $0x0  }
0x62: {  	s22 =	sadd.s32 s5, s22;
	s31 =	simm.s32 $0x400;
	[sflag:s14] =	ssyncadd.s32 $0xFFFFC000  }
0x63: {  	[tilespmem:s31], [sflag:$0xD] =	stream.linear.gather [hbm4b:s22+s2], $0x100, $0x38;
	[tilespmem:$0x1A800] =	vst v63  }
0x64: {  	_ =	swait.ge [sflag:s15], $0x100  }
0x65: {  	[sflag:s15] =	ssyncset.done $0x0  }
0x66: {  	s25 =	sshll.u32 s25, $0x8;
	s22 =	simm.s32 $0x800;
	[sflag:s15] =	ssyncadd.s32 $0xFFFFFF00  }
0x67: {  	[tilespmem:s22], [sflag:$0x1] =	stream.indirect.gather [hbm4b:s8+s23], $0x40, s2, s23, $0xb8;
	[tilespmem:$0x1A800] =	vst v63  }
0x68: {  	s22 =	sadd.s32 s6, s25;
	_ =	swait.ge [sflag:s9], $0x4000  }
0x69: {  	s22 =	sshrl.u32 s22, $0x3;
	[sflag:s9] =	ssyncset.done $0x0  }
0x6a: {  	s25 =	simm.s32 $0x500;
	s22 =	sadd.s32 s5, s22;
	[sflag:s9] =	ssyncadd.s32 $0xFFFFC000  }
0x6b: {  	[tilespmem:s25], [sflag:$0xE] =	stream.linear.gather [hbm4b:s22+s2], $0x100, $0x38;
	[tilespmem:$0x1A800] =	vst v63  }
0x6c: {  	_ =	swait.ge [sflag:s16], $0x100  }
0x6d: {  	[sflag:s16] =	ssyncset.done $0x0  }
0x6e: {  	s25 =	simm.s32 $0x4800;
	[sflag:s16] =	ssyncadd.s32 $0xFFFFFF00  }
0x6f: {  	[tilespmem:s25], [sflag:$0x2] =	stream.indirect.gather [hbm4b:s8+s23], $0x40, s23, s23, $0xb8;
	[tilespmem:$0x1A800] =	vst v63  }
0x70: {  	_ =	swait.ge [sflag:s17], $0x4000  }
0x71: {  	[sflag:s17] =	ssyncset.done $0x0  }
0x72: {  	s25 =	sadd.s32 s5, s28;
	s28 =	simm.s32 $0x600;
	[sflag:s17] =	ssyncadd.s32 $0xFFFFC000  }
0x73: {  	[tilespmem:s28], [sflag:$0xF] =	stream.linear.gather [hbm4b:s25+s2], $0x100, $0x38;
	[tilespmem:$0x1A800] =	vst v63  }
0x74: {  	_ =	swait.ge [sflag:s18], $0x100  }
0x75: {  	[sflag:s18] =	ssyncset.done $0x0  }
0x76: {  	s25 =	simm.s32 $0x8800;
	s28 =	simm.s32 $0x200;
	[sflag:s18] =	ssyncadd.s32 $0xFFFFFF00  }
0x77: {  	[tilespmem:s25], [sflag:$0x3] =	stream.indirect.gather [hbm4b:s8+s23], $0x40, s28, s23, $0xb8;
	[tilespmem:$0x1A800] =	vst v63  }
0x78: {  	_ =	swait.ge [sflag:s19], $0x4000  }
0x79: {  	[sflag:s19] =	ssyncset.done $0x0  }
0x7a: {  	s28 =	sadd.s32 s5, s30;
	s30 =	simm.s32 $0x700;
	[sflag:s19] =	ssyncadd.s32 $0xFFFFC000  }
0x7b: {  	[tilespmem:s30], [sflag:$0x10] =	stream.linear.gather [hbm4b:s28+s2], $0x100, $0x38;
	[tilespmem:$0x1A800] =	vst v63  }
0x7c: {  	_ =	swait.ge [sflag:s24], $0x100  }
0x7d: {  	[sflag:s24] =	ssyncset.done $0x0  }
0x7e: {  	s31 =	simm.s32 $0xC800;
	[sflag:s24] =	ssyncadd.s32 $0xFFFFFF00  }
0x7f: {  	[tilespmem:s0], [sflag:$0x4] =	stream.indirect.gather [hbm4b:s8+s23], $0x40, s3, s23, $0xb8;
	[tilespmem:$0x1A800] =	vst v63  }
.LBB2_22:
0x80: {  	s20 =	sadd.s32 $0x4, s20  }
0x81: {  	p0 =	sne.s32 s20, $0x56  }
.Ltmp3:
0x82: {  	_ = 	snop;
	(pc) =	sbr.rel @!p0 .LBB2_23-.Ltmp3, $2  }
0x83: {  	_ =	sdelay $0x2  }
0x84: {  	s7 =	sadd.s32 $0x400, s7  }
.LBB2_2:
0x85: {  	p0 =	sne.s32 s20, $0x6  }
.Ltmp4:
0x86: {  	_ = 	snop;
	(pc) =	sbr.rel @p0 .LBB2_8-.Ltmp4, $4  }
0x87: {  	_ = 	snop  }
0x88: {  	_ =	swait.ge [sflag:s10], $0x4000  }
0x89: {  	[sflag:s10] =	ssyncset.done $0x0  }
0x8a: {  	[sflag:s10] =	ssyncadd.s32 $0xFFFFC000  }
.Ltmp5:
0x8b: {  	(pc) =	sbr.rel .LBB2_4-.Ltmp5, $4  }
0x8c: {  	_ = 	snop  }
0x8d: {  	s22 =	simm.s32 $0x400;
	s3 =	simm.s32 $0x800  }
0x8e: {  	[spmem:s1] =	stream.indirect.scatter.add.f32 [tilespmem:s3], [sflag:$0x5], $0x40, s22, s23, $0xb8;
	[tilespmem:$0x1A800] =	vst v63  }
0x8f: {  	s22 =	simm.s32 $0x4  }
.LBB2_8:
0x90: {  	s0 =	simm.s32 $0xD;
	p1 =	sne.s32 s20, $0x52  }
.Ltmp6:
0x91: {  	_ =	swait.ge [sflag:s0], $0x100;
	(pc) =	sbr.rel @p1 .LBB2_4-.Ltmp6, $4  }
0x92: {  	[sflag:s0] =	ssyncset.done $0x0  }
0x93: {  	s22 =	simm.s32 $0x400;
	s3 =	simm.s32 $0x800;
	[sflag:s0] =	ssyncadd.s32 $0xFFFFFF00  }
0x94: {  	[spmem:s1] =	stream.indirect.scatter.add.f32 [tilespmem:s3], [sflag:$0x5], $0x40, s22, s23, $0xb8;
	[tilespmem:$0x1A800] =	vst v63  }
0x95: {  	s22 =	sadd.s32 $0xFFFFFFFE, s20  }
.Ltmp7:
0x96: {  	(pc) =	sbr.rel .LBB2_10-.Ltmp7, $4  }
0x97: {  	_ = 	snop  }
0x98: {  	_ =	swait.ge [sflag:s11], $0x4000  }
0x99: {  	[sflag:s11] =	ssyncset.done $0x0  }
0x9a: {  	p1 =	por $0x1, $0x1;
	[sflag:s11] =	ssyncadd.s32 $0xFFFFC000  }
.LBB2_4:
0x9b: {  	s25 =	sshll.u32 s22, $0x8  }
0x9c: {  	s25 =	sadd.s32 s6, s25  }
0x9d: {  	s25 =	sshrl.u32 s25, $0x3  }
.Ltmp8:
0x9e: {  	s25 =	sadd.s32 s4, s25;
	(pc) =	sbr.rel @p0 .LBB2_10-.Ltmp8, $4  }
0x9f: {  	[tilespmem:s2], [sflag:$0x9] =	stream.linear.gather [hbm4b:s25+s2], $0x100, $0x38;
	[tilespmem:$0x1A800] =	vst v63  }
0xa0: {  	_ =	swait.ge [sflag:s11], $0x4000  }
0xa1: {  	[sflag:s11] =	ssyncset.done $0x0  }
0xa2: {  	p1 =	por $0x0, $0x0;
	[sflag:s11] =	ssyncadd.s32 $0xFFFFC000  }
.Ltmp9:
0xa3: {  	(pc) =	sbr.rel .LBB2_6-.Ltmp9, $4  }
0xa4: {  	_ = 	snop  }
0xa5: {  	s25 =	simm.s32 $0x500;
	s3 =	simm.s32 $0x4800  }
0xa6: {  	[spmem:s1] =	stream.indirect.scatter.add.f32 [tilespmem:s3], [sflag:$0x6], $0x40, s25, s23, $0xb8;
	[tilespmem:$0x1A800] =	vst v63  }
0xa7: {  	s25 =	simm.s32 $0x5  }
.LBB2_10:
.Ltmp10:
0xa8: {  	_ =	swait.ge [sflag:s29], $0x100;
	(pc) =	sbr.rel @!p1 .LBB2_6-.Ltmp10, $4  }
0xa9: {  	[sflag:s29] =	ssyncset.done $0x0  }
0xaa: {  	s25 =	simm.s32 $0x500;
	s3 =	simm.s32 $0x4800;
	[sflag:s29] =	ssyncadd.s32 $0xFFFFFF00  }
0xab: {  	[spmem:s1] =	stream.indirect.scatter.add.f32 [tilespmem:s3], [sflag:$0x6], $0x40, s25, s23, $0xb8;
	[tilespmem:$0x1A800] =	vst v63  }
0xac: {  	s25 =	sadd.s32 $0xFFFFFFFF, s20  }
.Ltmp11:
0xad: {  	(pc) =	sbr.rel .LBB2_12-.Ltmp11, $4  }
0xae: {  	_ = 	snop  }
0xaf: {  	_ =	swait.ge [sflag:s12], $0x4000  }
0xb0: {  	[sflag:s12] =	ssyncset.done $0x0  }
0xb1: {  	p1 =	por $0x1, $0x1;
	[sflag:s12] =	ssyncadd.s32 $0xFFFFC000  }
.LBB2_6:
0xb2: {  	s28 =	sshll.u32 s25, $0x8  }
0xb3: {  	s28 =	sadd.s32 s6, s28  }
0xb4: {  	s28 =	sshrl.u32 s28, $0x3  }
.Ltmp12:
0xb5: {  	s28 =	sadd.s32 s4, s28;
	(pc) =	sbr.rel @p0 .LBB2_12-.Ltmp12, $4  }
0xb6: {  	[tilespmem:s23], [sflag:$0xA] =	stream.linear.gather [hbm4b:s28+s2], $0x100, $0x38;
	[tilespmem:$0x1A800] =	vst v63  }
0xb7: {  	_ =	swait.ge [sflag:s12], $0x4000  }
0xb8: {  	[sflag:s12] =	ssyncset.done $0x0  }
0xb9: {  	p1 =	por $0x0, $0x0;
	[sflag:s12] =	ssyncadd.s32 $0xFFFFC000  }
.Ltmp13:
0xba: {  	(pc) =	sbr.rel .LBB2_14-.Ltmp13, $3  }
0xbb: {  	_ =	sdelay $0x1  }
0xbc: {  	s28 =	simm.s32 $0x600;
	s3 =	simm.s32 $0x8800;
	s30 =	simm.s32 $0x6  }
0xbd: {  	[spmem:s1] =	stream.indirect.scatter.add.f32 [tilespmem:s3], [sflag:$0x7], $0x40, s28, s23, $0xb8;
	[tilespmem:$0x1A800] =	vst v63  }
.LBB2_12:
.Ltmp14:
0xbe: {  	(pc) =	sbr.rel @!p1 .LBB2_13-.Ltmp14, $4  }
0xbf: {  	_ =	swait.ge [sflag:s26], $0x100  }
0xc0: {  	[sflag:s26] =	ssyncset.done $0x0  }
0xc1: {  	s28 =	simm.s32 $0x600;
	s3 =	simm.s32 $0x8800;
	[sflag:s26] =	ssyncadd.s32 $0xFFFFFF00  }
0xc2: {  	[spmem:s1] =	stream.indirect.scatter.add.f32 [tilespmem:s3], [sflag:$0x7], $0x40, s28, s23, $0xb8;
	[tilespmem:$0x1A800] =	vst v63  }
.Ltmp15:
0xc3: {  	(pc) =	sbr.rel .LBB2_17-.Ltmp15, $4  }
0xc4: {  	_ = 	snop  }
0xc5: {  	_ =	swait.ge [sflag:s13], $0x4000  }
0xc6: {  	[sflag:s13] =	ssyncset.done $0x0  }
0xc7: {  	p1 =	por $0x1, $0x1;
	s30 =	smov.u32 s20;
	[sflag:s13] =	ssyncadd.s32 $0xFFFFC000  }
.LBB2_13:
0xc8: {  	s30 =	smov.u32 s20  }
.LBB2_14:
0xc9: {  	s28 =	sshll.u32 s30, $0x8  }
0xca: {  	s28 =	sadd.s32 s6, s28  }
0xcb: {  	s28 =	sshrl.u32 s28, $0x3  }
.Ltmp16:
0xcc: {  	s0 =	simm.s32 $0x200;
	s31 =	sadd.s32 s4, s28;
	(pc) =	sbr.rel @!p0 .LBB2_20-.Ltmp16, $4  }
0xcd: {  	[tilespmem:s0], [sflag:$0xB] =	stream.linear.gather [hbm4b:s31+s2], $0x100, $0x38;
	[tilespmem:$0x1A800] =	vst v63  }
0xce: {  	_ =	swait.ge [sflag:s13], $0x4000  }
0xcf: {  	[sflag:s13] =	ssyncset.done $0x0  }
0xd0: {  	p1 =	por $0x0, $0x0;
	[sflag:s13] =	ssyncadd.s32 $0xFFFFC000  }
0xd1: {  	s31 =	simm.s32 $0xC800  }
.LBB2_17:
.Ltmp17:
0xd2: {  	(pc) =	sbr.rel @!p1 .LBB2_18-.Ltmp17, $4  }
0xd3: {  	_ =	swait.ge [sflag:s21], $0x100  }
0xd4: {  	[sflag:s21] =	ssyncset.done $0x0  }
0xd5: {  	s0 =	simm.s32 $0x700;
	[sflag:s21] =	ssyncadd.s32 $0xFFFFFF00  }
0xd6: {  	[spmem:s1] =	stream.indirect.scatter.add.f32 [tilespmem:s31], [sflag:$0x8], $0x40, s0, s23, $0xb8;
	[tilespmem:$0x1A800] =	vst v63  }
0xd7: {  	_ =	swait.ge [sflag:s14], $0x4000  }
0xd8: {  	[sflag:s14] =	ssyncset.done $0x0  }
0xd9: {  	[sflag:s14] =	ssyncadd.s32 $0xFFFFC000  }
0xda: {  	_ =	swait.ge [sflag:s9], $0x4000  }
0xdb: {  	[sflag:s9] =	ssyncset.done $0x0  }
0xdc: {  	[sflag:s9] =	ssyncadd.s32 $0xFFFFC000  }
0xdd: {  	_ =	swait.ge [sflag:s17], $0x4000  }
.Ltmp18:
0xde: {  	[sflag:s17] =	ssyncset.done $0x0;
	(pc) =	sbr.rel .LBB2_22-.Ltmp18, $4  }
0xdf: {  	[sflag:s17] =	ssyncadd.s32 $0xFFFFC000  }
0xe0: {  	_ =	swait.ge [sflag:s19], $0x4000  }
0xe1: {  	[sflag:s19] =	ssyncset.done $0x0  }
0xe2: {  	[sflag:s19] =	ssyncadd.s32 $0xFFFFC000  }
.LBB2_18:
.Ltmp19:
0xe3: {  	(pc) =	sbr.rel .LBB2_21-.Ltmp19, $4  }
0xe4: {  	_ = 	snop  }
0xe5: {  	s28 =	sshll.u32 s30, $0x8  }
0xe6: {  	s28 =	sadd.s32 s6, s28  }
0xe7: {  	s30 =	smov.u32 s7;
	s0 =	simm.s32 $0xC800;
	s28 =	sshrl.u32 s28, $0x3  }
.LBB2_24:
0xe8: {  	_ =	sfence.sel $0x180000  }
0xe9: {  	[bflag:$0x0] =	sbarrier.arrive $0xFFFF  }
0xea: {  	_ =	strace $0x9000004D  }
0xeb: {  	s0 =	stileid.u32;
	[bflag:$0x2] =	sbarrier.arrive $0xFFFF  }
0xec: {  	p0 =	sne.s32 s0, $0x0;
	s0 =	rddreg [dreg:$0x2]  }
0xed: {  	s0 =	sadd.s32 @!p0 $0x100000, s0  }
0xee: {  	[sflag:s0] =	ssyncadd.tile.s32 @!p0 $0x1;
	_ =	shalt  }
.Lfunc_end2:
_tile_overlayer_lowered:
.L_overlay_start_2:
0xef: {  	(tag) =	ssettag $0x2  }
0xf0: {  	s0 =	rddreg [dreg:$0x0];
	s2 =	stileid.u32  }
0xf1: {  	s1 =	rddreg [dreg:$0x1];
	p0 =	sne.s32 s2, $0x0  }
0xf2: {  	s3 =	rddreg [dreg:$0x2];
	[bflag:$0x3] =	sbarrier.arrive $0xFFFF;
	s2 =	simm.s32 @!p0 $0x1C11  }
0xf3: {  	[timem:s3], [sflag:s2] =	dma.local @!p0 [hbm:s0], s1  }
0xf4: {  	s0 =	simm.s32 @!p0 $0x11  }
0xf5: {  	_ =	swait.ge @!p0 [sflag:s0], s1  }
0xf6: {  	s1 =	ssub.s32 @!p0 $0x0, s1;
	[sflag:s0] =	ssyncset.done @!p0 $0x0  }
0xf7: {  	[sflag:s0] =	ssyncadd.s32 @!p0 s1  }
0xf8: {  	[bflag:$0x3] =	sbarrier.arrive $0xFFFF  }
0xf9: {  	_ =	shalt  }

// kernel: kernel.22.cloned.1.call-start
scs
__scs_entry_jumppad:
0x0: {  	(pc) =	sbr.rel $0x88, $3  }
0x1: {  	(tag) =	ssettag $0x0;
	lr =	simm.s32 $0x1  }
0x2: {  	[smem:$0x3F92] =	sst lr;
	_ =	strace $0xD0000000  }
0x3: {  	_ = 	snop  }
0x4: {  	_ = 	snop  }
0x5: {  	_ = 	snop  }
0x6: {  	_ = 	snop  }
0x7: {  	_ = 	snop  }
__scs_overlays_trampoline_lowered:
0x8: {  	[smem:$0x3FA1] =	sst s0  }
0x9: {  	[smem:$0x3FA2] =	sst s1  }
0xa: {  	[smem:$0x3FA3] =	sst s2  }
0xb: {  	[smem:$0x3FA4] =	sst s3  }
0xc: {  	[smem:$0x3FA5] =	sst s4  }
0xd: {  	[smem:$0x3FA6] =	sst s5  }
0xe: {  	[smem:$0x3FA7] =	sst s6  }
0xf: {  	[smem:$0x3FA8] =	sst s7  }
0x10: {  	[smem:$0x3FA9] =	sst s8  }
0x11: {  	[smem:$0x3FAA] =	sst s9;
	s0 =	simm.s32 @!p0 $0x0  }
0x12: {  	s1 =	sld [smem:$0x3F90];
	s0 =	simm.s32 @p0 $0x1  }
0x13: {  	[smem:$0x3FAB] =	sst s0;
	s0 =	simm.s32 @!p1 $0x0  }
0x14: {  	s2 =	sld [smem:$0x3F8F];
	s0 =	simm.s32 @p1 $0x1  }
0x15: {  	[smem:$0x3FAC] =	sst s0;
	s0 =	simm.s32 @!p2 $0x0  }
0x16: {  	s3 =	sld [smem:$0x3FDB];
	s0 =	simm.s32 @p2 $0x1  }
0x17: {  	s4 =	simm.s32 $0x1BF5;
	[smem:$0x3FAE] =	sst s0  }
0x18: {  	s0 =	sld [smem:$0x3F91];
	_ =	swait.ge [sflag:s4], $0x0  }
0x19: {  	s7 =	sld [smem:$0x3F92]  }
0x1a: {  	s8 =	sadd.s32 $0xFFFFE003, lr  }
0x1b: {  	s9 =	sadd.s32 $0xFFFFFEF7, lr;
	s5 =	simm.s32 $0xFFFFFFFF;
	p2 =	slt.u32 s8, $0xFFFFF086  }
0x1c: {  	p1 =	slt.u32 s9, $0xF7A;
	s5 =	simm.s32 @!p2 $0x0  }
0x1d: {  	s5 =	simm.s32 @p1 $0x1;
	p0 =	seq.s32 s7, s2  }
0x1e: {  	s7 =	smul.u32 @!p0 $0xF7A, s2;
	p2 =	seq.s32 @!p0 s5, $0x0  }
0x1f: {  	s9 =	smul.u32 $0xF7A, s1;
	s8 =	simm.s32 @!p0 $0x1BF5;
	p2 =	por !p2, p0  }
0x20: {  	[sflag:s8] =	ssyncset.s32 @!p0 $0xFFFFF086;
	s6 =	sadd.s32 @!p0 s3, s7;
	s7 =	simm.s32 @!p0 $0x108  }
0x21: {  	s3 =	sadd.s32 s3, s9;
	s6 =	sadd.s32 @!p0 $0x88, s6;
	s7 =	simm.s32 @p2 $0x1082  }
0x22: {  	[simem:s7], [sflag:s8] =	dma.local @!p0 [hbm:s6], $0xF7A  }
0x23: {  	s9 =	sor.u32 $0xD0000000, s2;
	s6 =	simm.s32 $0x108;
	_ =	swait.ge @!p0 [sflag:s8], $0x0  }
0x24: {  	s3 =	sadd.s32 $0x88, s3;
	s6 =	simm.s32 @!p1 $0x1082;
	[sflag:s4] =	ssyncset.s32 $0xFFFFF086  }
0x25: {  	[simem:s6], [sflag:s4] =	dma.local [hbm:s3], $0xF7A  }
0x26: {  	[smem:$0x3F92] =	sst s1;
	(tag) =	ssettag s2;
	_ =	strace s9  }
0x27: {  	s1 =	sld [smem:$0x3FA2]  }
0x28: {  	s2 =	sld [smem:$0x3FA3]  }
0x29: {  	s4 =	sld [smem:$0x3FA5]  }
0x2a: {  	p0 =	seq.s32 s5, $0x0;
	s5 =	sld [smem:$0x3FA6]  }
0x2b: {  	s6 =	sld [smem:$0x3FA7]  }
0x2c: {  	s7 =	sld [smem:$0x3FA8]  }
0x2d: {  	s3 =	simm.s32 $0x108;
	s8 =	sld [smem:$0x3FA9]  }
0x2e: {  	s3 =	simm.s32 @!p0 $0x1082;
	s9 =	sld [smem:$0x3FAA]  }
0x2f: {  	lr =	sadd.s32 s0, s3;
	s0 =	sld [smem:$0x3FA1]  }
0x30: {  	s3 =	sld [smem:$0x3FA4]  }
0x31: {  	[smem:$0x3FAD] =	sst s10  }
0x32: {  	s10 =	sld [smem:$0x3FAB];
	_ =	sdelay $0x3  }
0x33: {  	p0 =	seq.s32 s10, $0x1;
	s10 =	sld [smem:$0x3FAD];
	_ =	sdelay $0x3  }
0x34: {  	[smem:$0x3FAD] =	sst s10  }
0x35: {  	s10 =	sld [smem:$0x3FAC];
	_ =	sdelay $0x3  }
0x36: {  	p1 =	seq.s32 s10, $0x1;
	s10 =	sld [smem:$0x3FAD];
	_ =	sdelay $0x3  }
0x37: {  	[smem:$0x3FAD] =	sst s10  }
0x38: {  	s10 =	sld [smem:$0x3FAE]  }
0x39: {  	_ = 	snop;
	(pc) =	sbr.ind lr, $3  }
0x3a: {  	_ = 	snop  }
0x3b: {  	_ = 	snop  }
0x3c: {  	p2 =	seq.s32 s10, $0x1;
	s10 =	sld [smem:$0x3FAD]  }
0x3d: {  	_ =	shalt  }
0x3e: {  	_ =	shalt  }
0x3f: {  	_ =	shalt  }
0x40: {  	_ =	shalt  }
0x41: {  	_ =	shalt  }
0x42: {  	_ =	shalt  }
0x43: {  	_ =	shalt  }
0x44: {  	_ =	shalt  }
0x45: {  	_ =	shalt  }
0x46: {  	_ =	shalt  }
0x47: {  	_ =	shalt  }
0x48: {  	_ =	shalt  }
0x49: {  	_ =	shalt  }
0x4a: {  	_ =	shalt  }
0x4b: {  	_ =	shalt  }
0x4c: {  	_ =	shalt  }
0x4d: {  	_ =	shalt  }
0x4e: {  	_ =	shalt  }
0x4f: {  	_ =	shalt  }
0x50: {  	_ =	shalt  }
0x51: {  	_ =	shalt  }
0x52: {  	_ =	shalt  }
0x53: {  	_ =	shalt  }
0x54: {  	_ =	shalt  }
0x55: {  	_ =	shalt  }
0x56: {  	_ =	shalt  }
0x57: {  	_ =	shalt  }
0x58: {  	_ =	shalt  }
0x59: {  	_ =	shalt  }
0x5a: {  	_ =	shalt  }
0x5b: {  	_ =	shalt  }
0x5c: {  	_ =	shalt  }
0x5d: {  	_ =	shalt  }
0x5e: {  	_ =	shalt  }
0x5f: {  	_ =	shalt  }
0x60: {  	_ =	shalt  }
0x61: {  	_ =	shalt  }
0x62: {  	_ =	shalt  }
0x63: {  	_ =	shalt  }
0x64: {  	_ =	shalt  }
0x65: {  	_ =	shalt  }
0x66: {  	_ =	shalt  }
0x67: {  	_ =	shalt  }
0x68: {  	_ =	shalt  }
0x69: {  	_ =	shalt  }
0x6a: {  	_ =	shalt  }
0x6b: {  	_ =	shalt  }
0x6c: {  	_ =	shalt  }
0x6d: {  	_ =	shalt  }
0x6e: {  	_ =	shalt  }
0x6f: {  	_ =	shalt  }
0x70: {  	_ =	shalt  }
0x71: {  	_ =	shalt  }
0x72: {  	_ =	shalt  }
0x73: {  	_ =	shalt  }
0x74: {  	_ =	shalt  }
0x75: {  	_ =	shalt  }
0x76: {  	_ =	shalt  }
0x77: {  	_ =	shalt  }
0x78: {  	_ =	shalt  }
0x79: {  	_ =	shalt  }
0x7a: {  	_ =	shalt  }
0x7b: {  	_ =	shalt  }
0x7c: {  	_ =	shalt  }
0x7d: {  	_ =	shalt  }
0x7e: {  	_ =	shalt  }
0x7f: {  	_ =	shalt  }
0x80: {  	_ =	shalt  }
0x81: {  	_ =	shalt  }
0x82: {  	_ =	shalt  }
0x83: {  	_ =	shalt  }
0x84: {  	_ =	shalt  }
0x85: {  	_ =	shalt  }
0x86: {  	_ =	shalt  }
0x87: {  	_ =	shalt  }
.Lfunc_end0:
.L_simem_size_0:
called_computation.3_lowered:
.L_overlay_start_0:
0x88: {  	s2 =	sld [smem:$0x3FD9]  }
0x89: {  	s3 =	sld [smem:$0x3FFE];
	_ =	sdelay $0x1  }
0x8a: {  	s1 =	srdreg.scid  }
0x8b: {  	s0 =	sand.u32 $0x1, s1  }
0x8c: {  	s16 =	sshll.u32 s0, $0xA;
	s2 =	sadd.s32 s3, s2  }
0x8d: {  	s2 =	sadd.s32 s2, s16  }
0x8e: {  	[smem:$0x3FB9] =	sst s2  }
0x8f: {  	_ = 	snop  }
0x90: {  	(tm) =	ssettm $0x1  }
0x91: {  	s17 =	sld [smem:$0x3FFB];
	_ =	sdelay $0x3  }
0x92: {  	_ =	strace s17  }
0x93: {  	s2 =	sld [smem:$0x3FFC];
	_ =	sdelay $0x3  }
0x94: {  	_ =	strace s2  }
0x95: {  	s2 =	sld [smem:$0x3FFD];
	_ =	sdelay $0x3  }
0x96: {  	_ =	strace s2  }
0x97: {  	_ =	strace $0x8FFFFFFF  }
0x98: {  	s18 =	sld [smem:$0x3FDB];
	_ =	sdelay $0x1  }
0x99: {  	s19 =	simm.s32 $_scs_section_size  }
0x9a: {  	s4 =	simm.s32 $_size__tile_overlayer_lowered;
	s5 =	simm.s32 $_tile_overlayer_lowered  }
0x9b: {  	s22 =	simm.s32 $0x1BFF;
	s21 =	sshll.u32 s5, $0x1;
	s2 =	sadd.s32 s19, s18  }
0x9c: {  	s6 =	simm.s32 $0x0;
	s20 =	sshll.u32 s4, $0x1;
	s4 =	sadd.s32 s21, s2  }
0x9d: {  	[timem:s6], [sflag:s22] =	dma.local [hbm:s4], s20  }
0x9e: {  	_ =	swait.ge [sflag:s22], s20  }
0x9f: {  	s3 =	ssub.s32 $0x0, s20;
	[sflag:s22] =	ssyncset.done $0x0  }
0xa0: {  	[sflag:s22] =	ssyncadd.s32 s3;
	_ =	sdelay $0x1  }
0xa1: {  	s23 =	simm.s32 $0x1B8B  }
0xa2: {  	_ =	swait.ge [sflag:s23], $0x1  }
0xa3: {  	[sflag:s23] =	ssyncset.done $0x0  }
0xa4: {  	s25 =	simm.s32 $0x1B8E;
	s24 =	sld [smem:$0x3FFE];
	[sflag:s23] =	ssyncadd.s32 $0xFFFFFFFF  }
0xa5: {  	s26 =	simm.s32 $execute0_lowered;
	[smem:$0x3FD2] =	sst s25  }
0xa6: {  	s4 =	sshll.u32 s26, $0x1;
	_ =	strace $0x8000004F;
	[dreg:$0x1] =	wrdreg $0xFFFFFFFF  }
0xa7: {  	s28 =	simm.s32 $_size_execute0_lowered;
	s2 =	sadd.s32 s2, s4;
	[dreg:$0x0] =	wrdreg $0x0  }
0xa8: {  	s4 =	sshll.u32 s28, $0x1;
	[dreg:$0x2] =	wrdreg s2  }
0xa9: {  	[dreg:$0x3] =	wrdreg s4  }
0xaa: {  	[dreg:$0x4] =	wrdreg $0xC0  }
0xab: {  	_ =	task [dreg:s6], $0x5FFFF  }
0xac: {  	[dreg:$0x1] =	wrdreg $0xFFFFFFFF  }
0xad: {  	[dreg:$0x0] =	wrdreg $0x60  }
0xae: {  	[dreg:$0x2] =	wrdreg s24  }
0xaf: {  	[dreg:$0x3] =	wrdreg $0x108000  }
0xb0: {  	[dreg:$0x4] =	wrdreg $0x9  }
0xb1: {  	_ =	task.clear_ibuf [dreg:s6], $0x5FFFF;
	_ =	strace $0x9000004F  }
0xb2: {  	s29 =	simm.s32 $0x9;
	_ =	strace $0x80000051  }
0xb3: {  	_ =	swait.ge [sflag:s29], $0x1  }
0xb4: {  	[sflag:s29] =	ssyncadd.s32 $0xFFFFFFFF  }
0xb5: {  	_ =	strace $0x90000051  }
0xb6: {  	_ =	sfence  }
0xb7: {  	s30 =	sld [smem:$0x0];
	_ =	sdelay $0x2  }
0xb8: {  	s31 =	sshll.u32 s1, $0xD;
	s1 =	sshrl.u32 s1, $0x2  }
0xb9: {  	s3 =	sand.u32 $0x4000, s31;
	s1 =	sadd.s32 s1, s30  }
0xba: {  	s0 =	sor.u32 s3, s0;
	s1 =	sshll.u32 s1, $0x11  }
0xbb: {  	s0 =	sor.u32 s1, s0  }
0xbc: {  	s0 =	sadd.s32 $0x8F2B, s0  }
0xbd: {  	[sflag:s0] =	ssyncadd.remote.s32 $0x1  }
0xbe: {  	_ =	sfence.sel $0xFFFF  }
0xbf: {  	[dreg:$0x0] =	wrdreg $0xFFFFFFFF;
	(pc) =	sbr.abs _section_cstart, $3  }
0xc0: {  	[dreg:$0x1] =	wrdreg $0xFFFFFFFF  }
0xc1: {  	_ =	task.clear_ibuf [dreg:s6], $0x2FFFF;
	_ =	strace $0x9FFFFFFF  }
0xc2: {  	(tm) =	ssettm $0x7FFFFFFF  }
0xc3: {  	_ =	shalt  }
tec
execute0_lowered:
.L_overlay_start_1:
0x0: {  	(tag) =	ssettag $0x1  }
0x1: {  	s0 =	rddreg [dreg:$0x0]  }
0x2: {  	s1 =	rddreg [dreg:$0x1]  }
0x3: {  	s2 =	simm.s32 $0x0;
	s3 =	srdreg.scid;
	s9 =	stileid.u32  }
0x4: {  	s31 =	simm.s32 $0xC800;
	s12 =	simm.s32 $0x3;
	s13 =	simm.s32 $0x4  }
0x5: {  	s14 =	simm.s32 $0x5;
	s15 =	simm.s32 $0x9;
	s16 =	simm.s32 $0xA  }
0x6: {  	s17 =	simm.s32 $0x7;
	s18 =	simm.s32 $0xB;
	s19 =	simm.s32 $0x8  }
0x7: {  	s29 =	simm.s32 $0xE;
	[smem:$0x7FF] =	sst s2;
	s3 =	sand.u32 $0x1, s3  }
0x8: {  	s4 =	sadd.s32 $0x34E00, s0;
	s5 =	sadd.s32 $0x2AE00, s0;
	s7 =	smul.u32 $0xA000, s9  }
0x9: {  	s10 =	sshll.u32 s9, $0x6;
	_ =	strace $0x80000050;
	s6 =	smul.u32 $0x14000, s3  }
0xa: {  	s3 =	ssub.s32 $0x2, s3;
	[dreg:$0x4] =	wrdreg s10;
	s10 =	sor.u32 $0x1C0D, s10  }
0xb: {  	s8 =	sshrl.u32 s3, $0x1;
	s20 =	sadd.s32 s7, s1;
	s7 =	sshrl.u32 s7, $0x3  }
0xc: {  	[dreg:$0x6] =	wrdreg s10;
	s0 =	sadd.s32 s6, s0;
	s6 =	smul.u32 $0x5000, s9  }
0xd: {  	s3 =	ssub.s32 s3, s8;
	[dreg:$0x3] =	wrdreg s20;
	s8 =	sadd.s32 $0x2E00, s0  }
0xe: {  	s0 =	sadd.s32 $0x3EE00, s0;
	s3 =	smax.u32 s3, $0x1;
	s21 =	sshrl.u32 s6, $0x3  }
0xf: {  	s11 =	sadd.s32 s7, s8;
	[dreg:$0xf] =	wrdreg s3;
	s0 =	sadd.s32 s7, s0  }
0x10: {  	[dreg:$0x5] =	wrdreg s11;
	s22 =	sor.u32 $0x20, s21;
	s23 =	sadd.s32 s4, s21  }
0x11: {  	s24 =	sadd.s32 s5, s21;
	s26 =	sor.u32 $0x40, s21;
	[dreg:$0x10] =	wrdreg s0  }
0x12: {  	s9 =	sor.u32 $0x60, s21;
	s11 =	simm.s32 $0x2;
	[dreg:$0x7] =	wrdreg s23  }
0x13: {  	s21 =	simm.s32 $0x10;
	[dreg:$0x8] =	wrdreg s24;
	s25 =	sadd.s32 s4, s22  }
0x14: {  	s0 =	simm.s32 $0x0;
	s10 =	sadd.s32 s5, s22;
	[dreg:$0x9] =	wrdreg s25  }
.Ltmp0:
0x15: {  	s28 =	sadd.s32 s4, s26;
	[dreg:$0xa] =	wrdreg s10;
	(pc) =	sbr.rel .LBB2_1-.Ltmp0, $4  }
0x16: {  	s30 =	sadd.s32 s4, s9;
	s9 =	sadd.s32 s5, s9;
	[dreg:$0xb] =	wrdreg s28  }
0x17: {  	s23 =	simm.s32 $0x100;
	s24 =	simm.s32 $0xC;
	[dreg:$0xd] =	wrdreg s30  }
0x18: {  	s10 =	sadd.s32 s5, s26;
	[dreg:$0xe] =	wrdreg s9;
	s9 =	simm.s32 $0x6  }
0x19: {  	s26 =	simm.s32 $0xF;
	[dreg:$0xc] =	wrdreg s10;
	s10 =	simm.s32 $0x1  }
.LBB2_23:
0x1a: {  	[bflag:$0x0] =	sbarrier.arrive $0xFFFF  }
0x1b: {  	s7 =	rddreg [dreg:$0x4]  }
0x1c: {  	s20 =	rddreg [dreg:$0x10]  }
0x1d: {  	s25 =	simm.s32 $0x11;
	s0 =	rddreg [dreg:$0x12];
	s7 =	sor.u32 $0x1C11, s7  }
0x1e: {  	[hbm:s20], [sflag:s7] =	dma.local [spmem:s0], $0x1400  }
0x1f: {  	_ =	swait.ge [sflag:s25], $0x1400  }
0x20: {  	s28 =	rddreg [dreg:$0x11]  }
0x21: {  	s30 =	rddreg [dreg:$0xf];
	s0 =	sadd.s32 $0x1, s28  }
0x22: {  	p0 =	sne.s32 s0, s30  }
.Ltmp1:
0x23: {  	_ = 	snop;
	(pc) =	sbr.rel @!p0 .LBB2_24-.Ltmp1, $3  }
0x24: {  	_ =	sdelay $0x1  }
0x25: {  	[sflag:s25] =	ssyncset.done $0x0  }
0x26: {  	[sflag:s25] =	ssyncadd.s32 $0xFFFFEC00  }
.LBB2_1:
0x27: {  	[dreg:$0x11] =	wrdreg s0  }
0x28: {  	s7 =	rddreg [dreg:$0x3]  }
0x29: {  	s3 =	rddreg [dreg:$0x5]  }
0x2a: {  	s20 =	rddreg [dreg:$0x6];
	s30 =	sshrl.u32 s7, $0x3  }
0x2b: {  	[dreg:$0x12] =	wrdreg s30  }
0x2c: {  	[spmem:s30], [sflag:s20] =	dma.local [hbm:s3], $0x1400  }
0x2d: {  	s22 =	simm.s32 $0x11;
	s7 =	rddreg [dreg:$0x7]  }
0x2e: {  	[tilespmem:s2], [sflag:$0x11] =	stream.linear.gather [hbm4b:s7+s2], $0x100, $0x38;
	[tilespmem:$0x1A800] =	vst v63  }
0x2f: {  	_ =	swait.ge [sflag:s22], $0x100  }
0x30: {  	[sflag:s22] =	ssyncset.done $0x0  }
0x31: {  	s25 =	simm.s32 $0x400;
	s20 =	rddreg [dreg:$0x8];
	[sflag:s22] =	ssyncadd.s32 $0xFFFFFF00  }
0x32: {  	[tilespmem:s25], [sflag:$0x11] =	stream.linear.gather [hbm4b:s20+s2], $0x100, $0x38;
	[tilespmem:$0x1A800] =	vst v63  }
0x33: {  	_ =	swait.ge [sflag:s22], $0x100  }
0x34: {  	[sflag:s22] =	ssyncset.done $0x0  }
0x35: {  	s28 =	rddreg [dreg:$0x9];
	[sflag:s22] =	ssyncadd.s32 $0xFFFFFF00  }
0x36: {  	[tilespmem:s23], [sflag:$0x11] =	stream.linear.gather [hbm4b:s28+s2], $0x100, $0x38;
	[tilespmem:$0x1A800] =	vst v63  }
0x37: {  	_ =	swait.ge [sflag:s22], $0x100  }
0x38: {  	[sflag:s22] =	ssyncset.done $0x0  }
0x39: {  	s0 =	simm.s32 $0x500;
	s30 =	rddreg [dreg:$0xa];
	[sflag:s22] =	ssyncadd.s32 $0xFFFFFF00  }
0x3a: {  	[tilespmem:s0], [sflag:$0x11] =	stream.linear.gather [hbm4b:s30+s2], $0x100, $0x38;
	[tilespmem:$0x1A800] =	vst v63  }
0x3b: {  	_ =	swait.ge [sflag:s22], $0x100  }
0x3c: {  	[sflag:s22] =	ssyncset.done $0x0  }
0x3d: {  	s20 =	simm.s32 $0x200;
	s3 =	rddreg [dreg:$0xb];
	[sflag:s22] =	ssyncadd.s32 $0xFFFFFF00  }
0x3e: {  	[tilespmem:s20], [sflag:$0x11] =	stream.linear.gather [hbm4b:s3+s2], $0x100, $0x38;
	[tilespmem:$0x1A800] =	vst v63  }
0x3f: {  	_ =	swait.ge [sflag:s22], $0x100  }
0x40: {  	[sflag:s22] =	ssyncset.done $0x0  }
0x41: {  	s28 =	simm.s32 $0x600;
	s25 =	rddreg [dreg:$0xc];
	[sflag:s22] =	ssyncadd.s32 $0xFFFFFF00  }
0x42: {  	[tilespmem:s28], [sflag:$0x11] =	stream.linear.gather [hbm4b:s25+s2], $0x100, $0x38;
	[tilespmem:$0x1A800] =	vst v63  }
0x43: {  	_ =	swait.ge [sflag:s22], $0x100  }
0x44: {  	[sflag:s22] =	ssyncset.done $0x0  }
0x45: {  	s25 =	simm.s32 $0x300;
	s30 =	rddreg [dreg:$0xd];
	[sflag:s22] =	ssyncadd.s32 $0xFFFFFF00  }
0x46: {  	[tilespmem:s25], [sflag:$0x11] =	stream.linear.gather [hbm4b:s30+s2], $0x100, $0x38;
	[tilespmem:$0x1A800] =	vst v63  }
0x47: {  	_ =	swait.ge [sflag:s22], $0x100  }
0x48: {  	[sflag:s22] =	ssyncset.done $0x0  }
0x49: {  	s3 =	simm.s32 $0x700;
	s0 =	rddreg [dreg:$0xe];
	[sflag:s22] =	ssyncadd.s32 $0xFFFFFF00  }
0x4a: {  	[tilespmem:s3], [sflag:$0x11] =	stream.linear.gather [hbm4b:s0+s2], $0x100, $0x38;
	[tilespmem:$0x1A800] =	vst v63  }
0x4b: {  	_ =	swait.ge [sflag:s22], $0x100  }
0x4c: {  	[sflag:s22] =	ssyncset.done $0x0  }
0x4d: {  	[sflag:s22] =	ssyncadd.s32 $0xFFFFFF00;
	s22 =	simm.s32 $0x800  }
0x4e: {  	[tilespmem:s22], [sflag:$0x1] =	stream.indirect.gather [hbm4b:s8+s23], $0x40, s2, s23, $0xb8;
	[tilespmem:$0x1A800] =	vst v63  }
0x4f: {  	s28 =	simm.s32 $0x4800  }
0x50: {  	[tilespmem:s28], [sflag:$0x2] =	stream.indirect.gather [hbm4b:s8+s23], $0x40, s23, s23, $0xb8;
	[tilespmem:$0x1A800] =	vst v63  }
0x51: {  	s3 =	simm.s32 $0x8800  }
0x52: {  	[tilespmem:s3], [sflag:$0x3] =	stream.indirect.gather [hbm4b:s8+s23], $0x40, s20, s23, $0xb8;
	[tilespmem:$0x1A800] =	vst v63  }
0x53: {  	s30 =	simm.s32 $0xD  }
0x54: {  	[tilespmem:s31], [sflag:$0x4] =	stream.indirect.gather [hbm4b:s8+s23], $0x40, s25, s23, $0xb8;
	[tilespmem:$0x1A800] =	vst v63  }
.Ltmp2:
0x55: {  	_ =	swait.ge [sflag:s30], $0x1400;
	(pc) =	sbr.rel .LBB2_2-.Ltmp2, $4  }
0x56: {  	[sflag:s30] =	ssyncset.done $0x0  }
0x57: {  	[sflag:s30] =	ssyncadd.s32 $0xFFFFEC00  }
0x58: {  	[bflag:$0x0] =	sbarrier.arrive $0xFFFF  }
0x59: {  	s7 =	simm.s32 $0x700;
	s20 =	simm.s32 $0x6  }
.LBB2_20:
0x5a: {  	s30 =	simm.s32 $0x700;
	s0 =	simm.s32 $0xC800  }
0x5b: {  	[spmem:s1] =	stream.indirect.scatter.add.f32 [tilespmem:s0], [sflag:$0x8], $0x40, s30, s23, $0xb8;
	[tilespmem:$0x1A800] =	vst v63  }
.LBB2_21:
0x5c: {  	s30 =	sadd.s32 s6, s30  }
0x5d: {  	s30 =	sshrl.u32 s30, $0x3  }
0x5e: {  	s3 =	simm.s32 $0x300;
	s22 =	sshll.u32 s22, $0x8;
	s31 =	sadd.s32 s4, s30  }
0x5f: {  	[tilespmem:s3], [sflag:$0xC] =	stream.linear.gather [hbm4b:s31+s2], $0x100, $0x38;
	[tilespmem:$0x1A800] =	vst v63  }
0x60: {  	s22 =	sadd.s32 s6, s22;
	_ =	swait.ge [sflag:s14], $0x4000  }
0x61: {  	s22 =	sshrl.u32 s22, $0x3;
	[sflag:s14] =	ssyncset.done $0x0  }
0x62: {  	s22 =	sadd.s32 s5, s22;
	s31 =	simm.s32 $0x400;
	[sflag:s14] =	ssyncadd.s32 $0xFFFFC000  }
0x63: {  	[tilespmem:s31], [sflag:$0xD] =	stream.linear.gather [hbm4b:s22+s2], $0x100, $0x38;
	[tilespmem:$0x1A800] =	vst v63  }
0x64: {  	_ =	swait.ge [sflag:s15], $0x100  }
0x65: {  	[sflag:s15] =	ssyncset.done $0x0  }
0x66: {  	s25 =	sshll.u32 s25, $0x8;
	s22 =	simm.s32 $0x800;
	[sflag:s15] =	ssyncadd.s32 $0xFFFFFF00  }
0x67: {  	[tilespmem:s22], [sflag:$0x1] =	stream.indirect.gather [hbm4b:s8+s23], $0x40, s2, s23, $0xb8;
	[tilespmem:$0x1A800] =	vst v63  }
0x68: {  	s22 =	sadd.s32 s6, s25;
	_ =	swait.ge [sflag:s9], $0x4000  }
0x69: {  	s22 =	sshrl.u32 s22, $0x3;
	[sflag:s9] =	ssyncset.done $0x0  }
0x6a: {  	s25 =	simm.s32 $0x500;
	s22 =	sadd.s32 s5, s22;
	[sflag:s9] =	ssyncadd.s32 $0xFFFFC000  }
0x6b: {  	[tilespmem:s25], [sflag:$0xE] =	stream.linear.gather [hbm4b:s22+s2], $0x100, $0x38;
	[tilespmem:$0x1A800] =	vst v63  }
0x6c: {  	_ =	swait.ge [sflag:s16], $0x100  }
0x6d: {  	[sflag:s16] =	ssyncset.done $0x0  }
0x6e: {  	s25 =	simm.s32 $0x4800;
	[sflag:s16] =	ssyncadd.s32 $0xFFFFFF00  }
0x6f: {  	[tilespmem:s25], [sflag:$0x2] =	stream.indirect.gather [hbm4b:s8+s23], $0x40, s23, s23, $0xb8;
	[tilespmem:$0x1A800] =	vst v63  }
0x70: {  	_ =	swait.ge [sflag:s17], $0x4000  }
0x71: {  	[sflag:s17] =	ssyncset.done $0x0  }
0x72: {  	s25 =	sadd.s32 s5, s28;
	s28 =	simm.s32 $0x600;
	[sflag:s17] =	ssyncadd.s32 $0xFFFFC000  }
0x73: {  	[tilespmem:s28], [sflag:$0xF] =	stream.linear.gather [hbm4b:s25+s2], $0x100, $0x38;
	[tilespmem:$0x1A800] =	vst v63  }
0x74: {  	_ =	swait.ge [sflag:s18], $0x100  }
0x75: {  	[sflag:s18] =	ssyncset.done $0x0  }
0x76: {  	s25 =	simm.s32 $0x8800;
	s28 =	simm.s32 $0x200;
	[sflag:s18] =	ssyncadd.s32 $0xFFFFFF00  }
0x77: {  	[tilespmem:s25], [sflag:$0x3] =	stream.indirect.gather [hbm4b:s8+s23], $0x40, s28, s23, $0xb8;
	[tilespmem:$0x1A800] =	vst v63  }
0x78: {  	_ =	swait.ge [sflag:s19], $0x4000  }
0x79: {  	[sflag:s19] =	ssyncset.done $0x0  }
0x7a: {  	s28 =	sadd.s32 s5, s30;
	s30 =	simm.s32 $0x700;
	[sflag:s19] =	ssyncadd.s32 $0xFFFFC000  }
0x7b: {  	[tilespmem:s30], [sflag:$0x10] =	stream.linear.gather [hbm4b:s28+s2], $0x100, $0x38;
	[tilespmem:$0x1A800] =	vst v63  }
0x7c: {  	_ =	swait.ge [sflag:s24], $0x100  }
0x7d: {  	[sflag:s24] =	ssyncset.done $0x0  }
0x7e: {  	s31 =	simm.s32 $0xC800;
	[sflag:s24] =	ssyncadd.s32 $0xFFFFFF00  }
0x7f: {  	[tilespmem:s0], [sflag:$0x4] =	stream.indirect.gather [hbm4b:s8+s23], $0x40, s3, s23, $0xb8;
	[tilespmem:$0x1A800] =	vst v63  }
.LBB2_22:
0x80: {  	s20 =	sadd.s32 $0x4, s20  }
0x81: {  	p0 =	sne.s32 s20, $0x56  }
.Ltmp3:
0x82: {  	_ = 	snop;
	(pc) =	sbr.rel @!p0 .LBB2_23-.Ltmp3, $2  }
0x83: {  	_ =	sdelay $0x2  }
0x84: {  	s7 =	sadd.s32 $0x400, s7  }
.LBB2_2:
0x85: {  	p0 =	sne.s32 s20, $0x6  }
.Ltmp4:
0x86: {  	_ = 	snop;
	(pc) =	sbr.rel @p0 .LBB2_8-.Ltmp4, $4  }
0x87: {  	_ = 	snop  }
0x88: {  	_ =	swait.ge [sflag:s10], $0x4000  }
0x89: {  	[sflag:s10] =	ssyncset.done $0x0  }
0x8a: {  	[sflag:s10] =	ssyncadd.s32 $0xFFFFC000  }
.Ltmp5:
0x8b: {  	(pc) =	sbr.rel .LBB2_4-.Ltmp5, $4  }
0x8c: {  	_ = 	snop  }
0x8d: {  	s22 =	simm.s32 $0x400;
	s3 =	simm.s32 $0x800  }
0x8e: {  	[spmem:s1] =	stream.indirect.scatter.add.f32 [tilespmem:s3], [sflag:$0x5], $0x40, s22, s23, $0xb8;
	[tilespmem:$0x1A800] =	vst v63  }
0x8f: {  	s22 =	simm.s32 $0x4  }
.LBB2_8:
0x90: {  	s0 =	simm.s32 $0xD;
	p1 =	sne.s32 s20, $0x52  }
.Ltmp6:
0x91: {  	_ =	swait.ge [sflag:s0], $0x100;
	(pc) =	sbr.rel @p1 .LBB2_4-.Ltmp6, $4  }
0x92: {  	[sflag:s0] =	ssyncset.done $0x0  }
0x93: {  	s22 =	simm.s32 $0x400;
	s3 =	simm.s32 $0x800;
	[sflag:s0] =	ssyncadd.s32 $0xFFFFFF00  }
0x94: {  	[spmem:s1] =	stream.indirect.scatter.add.f32 [tilespmem:s3], [sflag:$0x5], $0x40, s22, s23, $0xb8;
	[tilespmem:$0x1A800] =	vst v63  }
0x95: {  	s22 =	sadd.s32 $0xFFFFFFFE, s20  }
.Ltmp7:
0x96: {  	(pc) =	sbr.rel .LBB2_10-.Ltmp7, $4  }
0x97: {  	_ = 	snop  }
0x98: {  	_ =	swait.ge [sflag:s11], $0x4000  }
0x99: {  	[sflag:s11] =	ssyncset.done $0x0  }
0x9a: {  	p1 =	por $0x1, $0x1;
	[sflag:s11] =	ssyncadd.s32 $0xFFFFC000  }
.LBB2_4:
0x9b: {  	s25 =	sshll.u32 s22, $0x8  }
0x9c: {  	s25 =	sadd.s32 s6, s25  }
0x9d: {  	s25 =	sshrl.u32 s25, $0x3  }
.Ltmp8:
0x9e: {  	s25 =	sadd.s32 s4, s25;
	(pc) =	sbr.rel @p0 .LBB2_10-.Ltmp8, $4  }
0x9f: {  	[tilespmem:s2], [sflag:$0x9] =	stream.linear.gather [hbm4b:s25+s2], $0x100, $0x38;
	[tilespmem:$0x1A800] =	vst v63  }
0xa0: {  	_ =	swait.ge [sflag:s11], $0x4000  }
0xa1: {  	[sflag:s11] =	ssyncset.done $0x0  }
0xa2: {  	p1 =	por $0x0, $0x0;
	[sflag:s11] =	ssyncadd.s32 $0xFFFFC000  }
.Ltmp9:
0xa3: {  	(pc) =	sbr.rel .LBB2_6-.Ltmp9, $4  }
0xa4: {  	_ = 	snop  }
0xa5: {  	s25 =	simm.s32 $0x500;
	s3 =	simm.s32 $0x4800  }
0xa6: {  	[spmem:s1] =	stream.indirect.scatter.add.f32 [tilespmem:s3], [sflag:$0x6], $0x40, s25, s23, $0xb8;
	[tilespmem:$0x1A800] =	vst v63  }
0xa7: {  	s25 =	simm.s32 $0x5  }
.LBB2_10:
.Ltmp10:
0xa8: {  	_ =	swait.ge [sflag:s29], $0x100;
	(pc) =	sbr.rel @!p1 .LBB2_6-.Ltmp10, $4  }
0xa9: {  	[sflag:s29] =	ssyncset.done $0x0  }
0xaa: {  	s25 =	simm.s32 $0x500;
	s3 =	simm.s32 $0x4800;
	[sflag:s29] =	ssyncadd.s32 $0xFFFFFF00  }
0xab: {  	[spmem:s1] =	stream.indirect.scatter.add.f32 [tilespmem:s3], [sflag:$0x6], $0x40, s25, s23, $0xb8;
	[tilespmem:$0x1A800] =	vst v63  }
0xac: {  	s25 =	sadd.s32 $0xFFFFFFFF, s20  }
.Ltmp11:
0xad: {  	(pc) =	sbr.rel .LBB2_12-.Ltmp11, $4  }
0xae: {  	_ = 	snop  }
0xaf: {  	_ =	swait.ge [sflag:s12], $0x4000  }
0xb0: {  	[sflag:s12] =	ssyncset.done $0x0  }
0xb1: {  	p1 =	por $0x1, $0x1;
	[sflag:s12] =	ssyncadd.s32 $0xFFFFC000  }
.LBB2_6:
0xb2: {  	s28 =	sshll.u32 s25, $0x8  }
0xb3: {  	s28 =	sadd.s32 s6, s28  }
0xb4: {  	s28 =	sshrl.u32 s28, $0x3  }
.Ltmp12:
0xb5: {  	s28 =	sadd.s32 s4, s28;
	(pc) =	sbr.rel @p0 .LBB2_12-.Ltmp12, $4  }
0xb6: {  	[tilespmem:s23], [sflag:$0xA] =	stream.linear.gather [hbm4b:s28+s2], $0x100, $0x38;
	[tilespmem:$0x1A800] =	vst v63  }
0xb7: {  	_ =	swait.ge [sflag:s12], $0x4000  }
0xb8: {  	[sflag:s12] =	ssyncset.done $0x0  }
0xb9: {  	p1 =	por $0x0, $0x0;
	[sflag:s12] =	ssyncadd.s32 $0xFFFFC000  }
.Ltmp13:
0xba: {  	(pc) =	sbr.rel .LBB2_14-.Ltmp13, $3  }
0xbb: {  	_ =	sdelay $0x1  }
0xbc: {  	s28 =	simm.s32 $0x600;
	s3 =	simm.s32 $0x8800;
	s30 =	simm.s32 $0x6  }
0xbd: {  	[spmem:s1] =	stream.indirect.scatter.add.f32 [tilespmem:s3], [sflag:$0x7], $0x40, s28, s23, $0xb8;
	[tilespmem:$0x1A800] =	vst v63  }
.LBB2_12:
.Ltmp14:
0xbe: {  	(pc) =	sbr.rel @!p1 .LBB2_13-.Ltmp14, $4  }
0xbf: {  	_ =	swait.ge [sflag:s26], $0x100  }
0xc0: {  	[sflag:s26] =	ssyncset.done $0x0  }
0xc1: {  	s28 =	simm.s32 $0x600;
	s3 =	simm.s32 $0x8800;
	[sflag:s26] =	ssyncadd.s32 $0xFFFFFF00  }
0xc2: {  	[spmem:s1] =	stream.indirect.scatter.add.f32 [tilespmem:s3], [sflag:$0x7], $0x40, s28, s23, $0xb8;
	[tilespmem:$0x1A800] =	vst v63  }
.Ltmp15:
0xc3: {  	(pc) =	sbr.rel .LBB2_17-.Ltmp15, $4  }
0xc4: {  	_ = 	snop  }
0xc5: {  	_ =	swait.ge [sflag:s13], $0x4000  }
0xc6: {  	[sflag:s13] =	ssyncset.done $0x0  }
0xc7: {  	p1 =	por $0x1, $0x1;
	s30 =	smov.u32 s20;
	[sflag:s13] =	ssyncadd.s32 $0xFFFFC000  }
.LBB2_13:
0xc8: {  	s30 =	smov.u32 s20  }
.LBB2_14:
0xc9: {  	s28 =	sshll.u32 s30, $0x8  }
0xca: {  	s28 =	sadd.s32 s6, s28  }
0xcb: {  	s28 =	sshrl.u32 s28, $0x3  }
.Ltmp16:
0xcc: {  	s0 =	simm.s32 $0x200;
	s31 =	sadd.s32 s4, s28;
	(pc) =	sbr.rel @!p0 .LBB2_20-.Ltmp16, $4  }
0xcd: {  	[tilespmem:s0], [sflag:$0xB] =	stream.linear.gather [hbm4b:s31+s2], $0x100, $0x38;
	[tilespmem:$0x1A800] =	vst v63  }
0xce: {  	_ =	swait.ge [sflag:s13], $0x4000  }
0xcf: {  	[sflag:s13] =	ssyncset.done $0x0  }
0xd0: {  	p1 =	por $0x0, $0x0;
	[sflag:s13] =	ssyncadd.s32 $0xFFFFC000  }
0xd1: {  	s31 =	simm.s32 $0xC800  }
.LBB2_17:
.Ltmp17:
0xd2: {  	(pc) =	sbr.rel @!p1 .LBB2_18-.Ltmp17, $4  }
0xd3: {  	_ =	swait.ge [sflag:s21], $0x100  }
0xd4: {  	[sflag:s21] =	ssyncset.done $0x0  }
0xd5: {  	s0 =	simm.s32 $0x700;
	[sflag:s21] =	ssyncadd.s32 $0xFFFFFF00  }
0xd6: {  	[spmem:s1] =	stream.indirect.scatter.add.f32 [tilespmem:s31], [sflag:$0x8], $0x40, s0, s23, $0xb8;
	[tilespmem:$0x1A800] =	vst v63  }
0xd7: {  	_ =	swait.ge [sflag:s14], $0x4000  }
0xd8: {  	[sflag:s14] =	ssyncset.done $0x0  }
0xd9: {  	[sflag:s14] =	ssyncadd.s32 $0xFFFFC000  }
0xda: {  	_ =	swait.ge [sflag:s9], $0x4000  }
0xdb: {  	[sflag:s9] =	ssyncset.done $0x0  }
0xdc: {  	[sflag:s9] =	ssyncadd.s32 $0xFFFFC000  }
0xdd: {  	_ =	swait.ge [sflag:s17], $0x4000  }
.Ltmp18:
0xde: {  	[sflag:s17] =	ssyncset.done $0x0;
	(pc) =	sbr.rel .LBB2_22-.Ltmp18, $4  }
0xdf: {  	[sflag:s17] =	ssyncadd.s32 $0xFFFFC000  }
0xe0: {  	_ =	swait.ge [sflag:s19], $0x4000  }
0xe1: {  	[sflag:s19] =	ssyncset.done $0x0  }
0xe2: {  	[sflag:s19] =	ssyncadd.s32 $0xFFFFC000  }
.LBB2_18:
.Ltmp19:
0xe3: {  	(pc) =	sbr.rel .LBB2_21-.Ltmp19, $4  }
0xe4: {  	_ = 	snop  }
0xe5: {  	s28 =	sshll.u32 s30, $0x8  }
0xe6: {  	s28 =	sadd.s32 s6, s28  }
0xe7: {  	s30 =	smov.u32 s7;
	s0 =	simm.s32 $0xC800;
	s28 =	sshrl.u32 s28, $0x3  }
.LBB2_24:
0xe8: {  	_ =	sfence.sel $0x180000  }
0xe9: {  	[bflag:$0x0] =	sbarrier.arrive $0xFFFF  }
0xea: {  	_ =	strace $0x90000050  }
0xeb: {  	s0 =	stileid.u32;
	[bflag:$0x2] =	sbarrier.arrive $0xFFFF  }
0xec: {  	p0 =	sne.s32 s0, $0x0;
	s0 =	rddreg [dreg:$0x2]  }
0xed: {  	s0 =	sadd.s32 @!p0 $0x100000, s0  }
0xee: {  	[sflag:s0] =	ssyncadd.tile.s32 @!p0 $0x1;
	_ =	shalt  }
.Lfunc_end2:
_tile_overlayer_lowered:
.L_overlay_start_2:
0xef: {  	(tag) =	ssettag $0x2  }
0xf0: {  	s0 =	rddreg [dreg:$0x0];
	s2 =	stileid.u32  }
0xf1: {  	s1 =	rddreg [dreg:$0x1];
	p0 =	sne.s32 s2, $0x0  }
0xf2: {  	s3 =	rddreg [dreg:$0x2];
	[bflag:$0x3] =	sbarrier.arrive $0xFFFF;
	s2 =	simm.s32 @!p0 $0x1C11  }
0xf3: {  	[timem:s3], [sflag:s2] =	dma.local @!p0 [hbm:s0], s1  }
0xf4: {  	s0 =	simm.s32 @!p0 $0x11  }
0xf5: {  	_ =	swait.ge @!p0 [sflag:s0], s1  }
0xf6: {  	s1 =	ssub.s32 @!p0 $0x0, s1;
	[sflag:s0] =	ssyncset.done @!p0 $0x0  }
0xf7: {  	[sflag:s0] =	ssyncadd.s32 @!p0 s1  }
0xf8: {  	[bflag:$0x3] =	sbarrier.arrive $0xFFFF  }
0xf9: {  	_ =	shalt  }

// kernel: kernel.25.cloned.1.call-start
scs
__scs_entry_jumppad:
0x0: {  	(pc) =	sbr.rel $0x88, $3  }
0x1: {  	(tag) =	ssettag $0x0;
	lr =	simm.s32 $0x1  }
0x2: {  	[smem:$0x3F92] =	sst lr;
	_ =	strace $0xD0000000  }
0x3: {  	_ = 	snop  }
0x4: {  	_ = 	snop  }
0x5: {  	_ = 	snop  }
0x6: {  	_ = 	snop  }
0x7: {  	_ = 	snop  }
__scs_overlays_trampoline_lowered:
0x8: {  	[smem:$0x3FA1] =	sst s0  }
0x9: {  	[smem:$0x3FA2] =	sst s1  }
0xa: {  	[smem:$0x3FA3] =	sst s2  }
0xb: {  	[smem:$0x3FA4] =	sst s3  }
0xc: {  	[smem:$0x3FA5] =	sst s4  }
0xd: {  	[smem:$0x3FA6] =	sst s5  }
0xe: {  	[smem:$0x3FA7] =	sst s6  }
0xf: {  	[smem:$0x3FA8] =	sst s7  }
0x10: {  	[smem:$0x3FA9] =	sst s8  }
0x11: {  	[smem:$0x3FAA] =	sst s9;
	s0 =	simm.s32 @!p0 $0x0  }
0x12: {  	s1 =	sld [smem:$0x3F90];
	s0 =	simm.s32 @p0 $0x1  }
0x13: {  	[smem:$0x3FAB] =	sst s0;
	s0 =	simm.s32 @!p1 $0x0  }
0x14: {  	s2 =	sld [smem:$0x3F8F];
	s0 =	simm.s32 @p1 $0x1  }
0x15: {  	[smem:$0x3FAC] =	sst s0;
	s0 =	simm.s32 @!p2 $0x0  }
0x16: {  	s3 =	sld [smem:$0x3FDB];
	s0 =	simm.s32 @p2 $0x1  }
0x17: {  	s4 =	simm.s32 $0x1BF5;
	[smem:$0x3FAE] =	sst s0  }
0x18: {  	s0 =	sld [smem:$0x3F91];
	_ =	swait.ge [sflag:s4], $0x0  }
0x19: {  	s7 =	sld [smem:$0x3F92]  }
0x1a: {  	s8 =	sadd.s32 $0xFFFFE003, lr  }
0x1b: {  	s9 =	sadd.s32 $0xFFFFFEF7, lr;
	s5 =	simm.s32 $0xFFFFFFFF;
	p2 =	slt.u32 s8, $0xFFFFF086  }
0x1c: {  	p1 =	slt.u32 s9, $0xF7A;
	s5 =	simm.s32 @!p2 $0x0  }
0x1d: {  	s5 =	simm.s32 @p1 $0x1;
	p0 =	seq.s32 s7, s2  }
0x1e: {  	s7 =	smul.u32 @!p0 $0xF7A, s2;
	p2 =	seq.s32 @!p0 s5, $0x0  }
0x1f: {  	s9 =	smul.u32 $0xF7A, s1;
	s8 =	simm.s32 @!p0 $0x1BF5;
	p2 =	por !p2, p0  }
0x20: {  	[sflag:s8] =	ssyncset.s32 @!p0 $0xFFFFF086;
	s6 =	sadd.s32 @!p0 s3, s7;
	s7 =	simm.s32 @!p0 $0x108  }
0x21: {  	s3 =	sadd.s32 s3, s9;
	s6 =	sadd.s32 @!p0 $0x88, s6;
	s7 =	simm.s32 @p2 $0x1082  }
0x22: {  	[simem:s7], [sflag:s8] =	dma.local @!p0 [hbm:s6], $0xF7A  }
0x23: {  	s9 =	sor.u32 $0xD0000000, s2;
	s6 =	simm.s32 $0x108;
	_ =	swait.ge @!p0 [sflag:s8], $0x0  }
0x24: {  	s3 =	sadd.s32 $0x88, s3;
	s6 =	simm.s32 @!p1 $0x1082;
	[sflag:s4] =	ssyncset.s32 $0xFFFFF086  }
0x25: {  	[simem:s6], [sflag:s4] =	dma.local [hbm:s3], $0xF7A  }
0x26: {  	[smem:$0x3F92] =	sst s1;
	(tag) =	ssettag s2;
	_ =	strace s9  }
0x27: {  	s1 =	sld [smem:$0x3FA2]  }
0x28: {  	s2 =	sld [smem:$0x3FA3]  }
0x29: {  	s4 =	sld [smem:$0x3FA5]  }
0x2a: {  	p0 =	seq.s32 s5, $0x0;
	s5 =	sld [smem:$0x3FA6]  }
0x2b: {  	s6 =	sld [smem:$0x3FA7]  }
0x2c: {  	s7 =	sld [smem:$0x3FA8]  }
0x2d: {  	s3 =	simm.s32 $0x108;
	s8 =	sld [smem:$0x3FA9]  }
0x2e: {  	s3 =	simm.s32 @!p0 $0x1082;
	s9 =	sld [smem:$0x3FAA]  }
0x2f: {  	lr =	sadd.s32 s0, s3;
	s0 =	sld [smem:$0x3FA1]  }
0x30: {  	s3 =	sld [smem:$0x3FA4]  }
0x31: {  	[smem:$0x3FAD] =	sst s10  }
0x32: {  	s10 =	sld [smem:$0x3FAB];
	_ =	sdelay $0x3  }
0x33: {  	p0 =	seq.s32 s10, $0x1;
	s10 =	sld [smem:$0x3FAD];
	_ =	sdelay $0x3  }
0x34: {  	[smem:$0x3FAD] =	sst s10  }
0x35: {  	s10 =	sld [smem:$0x3FAC];
	_ =	sdelay $0x3  }
0x36: {  	p1 =	seq.s32 s10, $0x1;
	s10 =	sld [smem:$0x3FAD];
	_ =	sdelay $0x3  }
0x37: {  	[smem:$0x3FAD] =	sst s10  }
0x38: {  	s10 =	sld [smem:$0x3FAE]  }
0x39: {  	_ = 	snop;
	(pc) =	sbr.ind lr, $3  }
0x3a: {  	_ = 	snop  }
0x3b: {  	_ = 	snop  }
0x3c: {  	p2 =	seq.s32 s10, $0x1;
	s10 =	sld [smem:$0x3FAD]  }
0x3d: {  	_ =	shalt  }
0x3e: {  	_ =	shalt  }
0x3f: {  	_ =	shalt  }
0x40: {  	_ =	shalt  }
0x41: {  	_ =	shalt  }
0x42: {  	_ =	shalt  }
0x43: {  	_ =	shalt  }
0x44: {  	_ =	shalt  }
0x45: {  	_ =	shalt  }
0x46: {  	_ =	shalt  }
0x47: {  	_ =	shalt  }
0x48: {  	_ =	shalt  }
0x49: {  	_ =	shalt  }
0x4a: {  	_ =	shalt  }
0x4b: {  	_ =	shalt  }
0x4c: {  	_ =	shalt  }
0x4d: {  	_ =	shalt  }
0x4e: {  	_ =	shalt  }
0x4f: {  	_ =	shalt  }
0x50: {  	_ =	shalt  }
0x51: {  	_ =	shalt  }
0x52: {  	_ =	shalt  }
0x53: {  	_ =	shalt  }
0x54: {  	_ =	shalt  }
0x55: {  	_ =	shalt  }
0x56: {  	_ =	shalt  }
0x57: {  	_ =	shalt  }
0x58: {  	_ =	shalt  }
0x59: {  	_ =	shalt  }
0x5a: {  	_ =	shalt  }
0x5b: {  	_ =	shalt  }
0x5c: {  	_ =	shalt  }
0x5d: {  	_ =	shalt  }
0x5e: {  	_ =	shalt  }
0x5f: {  	_ =	shalt  }
0x60: {  	_ =	shalt  }
0x61: {  	_ =	shalt  }
0x62: {  	_ =	shalt  }
0x63: {  	_ =	shalt  }
0x64: {  	_ =	shalt  }
0x65: {  	_ =	shalt  }
0x66: {  	_ =	shalt  }
0x67: {  	_ =	shalt  }
0x68: {  	_ =	shalt  }
0x69: {  	_ =	shalt  }
0x6a: {  	_ =	shalt  }
0x6b: {  	_ =	shalt  }
0x6c: {  	_ =	shalt  }
0x6d: {  	_ =	shalt  }
0x6e: {  	_ =	shalt  }
0x6f: {  	_ =	shalt  }
0x70: {  	_ =	shalt  }
0x71: {  	_ =	shalt  }
0x72: {  	_ =	shalt  }
0x73: {  	_ =	shalt  }
0x74: {  	_ =	shalt  }
0x75: {  	_ =	shalt  }
0x76: {  	_ =	shalt  }
0x77: {  	_ =	shalt  }
0x78: {  	_ =	shalt  }
0x79: {  	_ =	shalt  }
0x7a: {  	_ =	shalt  }
0x7b: {  	_ =	shalt  }
0x7c: {  	_ =	shalt  }
0x7d: {  	_ =	shalt  }
0x7e: {  	_ =	shalt  }
0x7f: {  	_ =	shalt  }
0x80: {  	_ =	shalt  }
0x81: {  	_ =	shalt  }
0x82: {  	_ =	shalt  }
0x83: {  	_ =	shalt  }
0x84: {  	_ =	shalt  }
0x85: {  	_ =	shalt  }
0x86: {  	_ =	shalt  }
0x87: {  	_ =	shalt  }
.Lfunc_end0:
.L_simem_size_0:
called_computation.4_lowered:
.L_overlay_start_0:
0x88: {  	s2 =	sld [smem:$0x3FD9]  }
0x89: {  	s3 =	sld [smem:$0x3FFE];
	_ =	sdelay $0x1  }
0x8a: {  	s1 =	srdreg.scid  }
0x8b: {  	s0 =	sand.u32 $0x1, s1  }
0x8c: {  	s16 =	sshll.u32 s0, $0xA;
	s2 =	sadd.s32 s3, s2  }
0x8d: {  	s2 =	sadd.s32 s2, s16  }
0x8e: {  	[smem:$0x3FB9] =	sst s2  }
0x8f: {  	_ = 	snop  }
0x90: {  	(tm) =	ssettm $0x1  }
0x91: {  	s17 =	sld [smem:$0x3FFB];
	_ =	sdelay $0x3  }
0x92: {  	_ =	strace s17  }
0x93: {  	s2 =	sld [smem:$0x3FFC];
	_ =	sdelay $0x3  }
0x94: {  	_ =	strace s2  }
0x95: {  	s2 =	sld [smem:$0x3FFD];
	_ =	sdelay $0x3  }
0x96: {  	_ =	strace s2  }
0x97: {  	_ =	strace $0x8FFFFFFF  }
0x98: {  	s18 =	sld [smem:$0x3FDB];
	_ =	sdelay $0x1  }
0x99: {  	s19 =	simm.s32 $_scs_section_size  }
0x9a: {  	s4 =	simm.s32 $_size__tile_overlayer_lowered;
	s5 =	simm.s32 $_tile_overlayer_lowered  }
0x9b: {  	s22 =	simm.s32 $0x1BFF;
	s21 =	sshll.u32 s5, $0x1;
	s2 =	sadd.s32 s19, s18  }
0x9c: {  	s6 =	simm.s32 $0x0;
	s20 =	sshll.u32 s4, $0x1;
	s4 =	sadd.s32 s21, s2  }
0x9d: {  	[timem:s6], [sflag:s22] =	dma.local [hbm:s4], s20  }
0x9e: {  	_ =	swait.ge [sflag:s22], s20  }
0x9f: {  	s3 =	ssub.s32 $0x0, s20;
	[sflag:s22] =	ssyncset.done $0x0  }
0xa0: {  	[sflag:s22] =	ssyncadd.s32 s3;
	_ =	sdelay $0x1  }
0xa1: {  	s23 =	simm.s32 $0x1B8B  }
0xa2: {  	_ =	swait.ge [sflag:s23], $0x1  }
0xa3: {  	[sflag:s23] =	ssyncset.done $0x0  }
0xa4: {  	s25 =	simm.s32 $0x1B8E;
	s24 =	sld [smem:$0x3FFE];
	[sflag:s23] =	ssyncadd.s32 $0xFFFFFFFF  }
0xa5: {  	s26 =	simm.s32 $execute0_lowered;
	[smem:$0x3FD2] =	sst s25  }
0xa6: {  	s4 =	sshll.u32 s26, $0x1;
	_ =	strace $0x80000052;
	[dreg:$0x1] =	wrdreg $0xFFFFFFFF  }
0xa7: {  	s28 =	simm.s32 $_size_execute0_lowered;
	s2 =	sadd.s32 s2, s4;
	[dreg:$0x0] =	wrdreg $0x0  }
0xa8: {  	s4 =	sshll.u32 s28, $0x1;
	[dreg:$0x2] =	wrdreg s2  }
0xa9: {  	[dreg:$0x3] =	wrdreg s4  }
0xaa: {  	[dreg:$0x4] =	wrdreg $0xC0  }
0xab: {  	_ =	task [dreg:s6], $0x5FFFF  }
0xac: {  	[dreg:$0x1] =	wrdreg $0xFFFFFFFF  }
0xad: {  	[dreg:$0x0] =	wrdreg $0x60  }
0xae: {  	[dreg:$0x2] =	wrdreg s24  }
0xaf: {  	[dreg:$0x3] =	wrdreg $0x108000  }
0xb0: {  	[dreg:$0x4] =	wrdreg $0x9  }
0xb1: {  	_ =	task.clear_ibuf [dreg:s6], $0x5FFFF;
	_ =	strace $0x90000052  }
0xb2: {  	s29 =	simm.s32 $0x9;
	_ =	strace $0x80000054  }
0xb3: {  	_ =	swait.ge [sflag:s29], $0x1  }
0xb4: {  	[sflag:s29] =	ssyncadd.s32 $0xFFFFFFFF  }
0xb5: {  	_ =	strace $0x90000054  }
0xb6: {  	_ =	sfence  }
0xb7: {  	s30 =	sld [smem:$0x0];
	_ =	sdelay $0x2  }
0xb8: {  	s31 =	sshll.u32 s1, $0xD;
	s1 =	sshrl.u32 s1, $0x2  }
0xb9: {  	s3 =	sand.u32 $0x4000, s31;
	s1 =	sadd.s32 s1, s30  }
0xba: {  	s0 =	sor.u32 s3, s0;
	s1 =	sshll.u32 s1, $0x11  }
0xbb: {  	s0 =	sor.u32 s1, s0  }
0xbc: {  	s0 =	sadd.s32 $0x8F2B, s0  }
0xbd: {  	[sflag:s0] =	ssyncadd.remote.s32 $0x1  }
0xbe: {  	_ =	sfence.sel $0xFFFF  }
0xbf: {  	[dreg:$0x0] =	wrdreg $0xFFFFFFFF;
	(pc) =	sbr.abs _section_cstart, $3  }
0xc0: {  	[dreg:$0x1] =	wrdreg $0xFFFFFFFF  }
0xc1: {  	_ =	task.clear_ibuf [dreg:s6], $0x2FFFF;
	_ =	strace $0x9FFFFFFF  }
0xc2: {  	(tm) =	ssettm $0x7FFFFFFF  }
0xc3: {  	_ =	shalt  }
tec
execute0_lowered:
.L_overlay_start_1:
0x0: {  	(tag) =	ssettag $0x1  }
0x1: {  	s0 =	rddreg [dreg:$0x0]  }
0x2: {  	s1 =	rddreg [dreg:$0x1]  }
0x3: {  	s2 =	simm.s32 $0x0;
	s3 =	srdreg.scid;
	s9 =	stileid.u32  }
0x4: {  	s31 =	simm.s32 $0xC800;
	s12 =	simm.s32 $0x3;
	s13 =	simm.s32 $0x4  }
0x5: {  	s14 =	simm.s32 $0x5;
	s15 =	simm.s32 $0x9;
	s16 =	simm.s32 $0xA  }
0x6: {  	s17 =	simm.s32 $0x7;
	s18 =	simm.s32 $0xB;
	s19 =	simm.s32 $0x8  }
0x7: {  	s29 =	simm.s32 $0xE;
	[smem:$0x7FF] =	sst s2;
	s3 =	sand.u32 $0x1, s3  }
0x8: {  	s4 =	sadd.s32 $0x34E00, s0;
	s5 =	sadd.s32 $0x2AE00, s0;
	s7 =	smul.u32 $0xA000, s9  }
0x9: {  	s10 =	sshll.u32 s9, $0x6;
	_ =	strace $0x80000053;
	s6 =	smul.u32 $0x14000, s3  }
0xa: {  	s3 =	ssub.s32 $0x2, s3;
	[dreg:$0x4] =	wrdreg s10;
	s10 =	sor.u32 $0x1C0D, s10  }
0xb: {  	s8 =	sshrl.u32 s3, $0x1;
	s20 =	sadd.s32 s7, s1;
	s7 =	sshrl.u32 s7, $0x3  }
0xc: {  	[dreg:$0x6] =	wrdreg s10;
	s0 =	sadd.s32 s6, s0;
	s6 =	smul.u32 $0x5000, s9  }
0xd: {  	s3 =	ssub.s32 s3, s8;
	[dreg:$0x3] =	wrdreg s20;
	s8 =	sadd.s32 $0x2E00, s0  }
0xe: {  	s0 =	sadd.s32 $0x3EE00, s0;
	s3 =	smax.u32 s3, $0x1;
	s21 =	sshrl.u32 s6, $0x3  }
0xf: {  	s11 =	sadd.s32 s7, s8;
	[dreg:$0xf] =	wrdreg s3;
	s0 =	sadd.s32 s7, s0  }
0x10: {  	[dreg:$0x5] =	wrdreg s11;
	s22 =	sor.u32 $0x20, s21;
	s23 =	sadd.s32 s4, s21  }
0x11: {  	s24 =	sadd.s32 s5, s21;
	s26 =	sor.u32 $0x40, s21;
	[dreg:$0x10] =	wrdreg s0  }
0x12: {  	s9 =	sor.u32 $0x60, s21;
	s11 =	simm.s32 $0x2;
	[dreg:$0x7] =	wrdreg s23  }
0x13: {  	s21 =	simm.s32 $0x10;
	[dreg:$0x8] =	wrdreg s24;
	s25 =	sadd.s32 s4, s22  }
0x14: {  	s0 =	simm.s32 $0x0;
	s10 =	sadd.s32 s5, s22;
	[dreg:$0x9] =	wrdreg s25  }
.Ltmp0:
0x15: {  	s28 =	sadd.s32 s4, s26;
	[dreg:$0xa] =	wrdreg s10;
	(pc) =	sbr.rel .LBB2_1-.Ltmp0, $4  }
0x16: {  	s30 =	sadd.s32 s4, s9;
	s9 =	sadd.s32 s5, s9;
	[dreg:$0xb] =	wrdreg s28  }
0x17: {  	s23 =	simm.s32 $0x100;
	s24 =	simm.s32 $0xC;
	[dreg:$0xd] =	wrdreg s30  }
0x18: {  	s10 =	sadd.s32 s5, s26;
	[dreg:$0xe] =	wrdreg s9;
	s9 =	simm.s32 $0x6  }
0x19: {  	s26 =	simm.s32 $0xF;
	[dreg:$0xc] =	wrdreg s10;
	s10 =	simm.s32 $0x1  }
.LBB2_23:
0x1a: {  	[bflag:$0x0] =	sbarrier.arrive $0xFFFF  }
0x1b: {  	s7 =	rddreg [dreg:$0x4]  }
0x1c: {  	s20 =	rddreg [dreg:$0x10]  }
0x1d: {  	s25 =	simm.s32 $0x11;
	s0 =	rddreg [dreg:$0x12];
	s7 =	sor.u32 $0x1C11, s7  }
0x1e: {  	[hbm:s20], [sflag:s7] =	dma.local [spmem:s0], $0x1400  }
0x1f: {  	_ =	swait.ge [sflag:s25], $0x1400  }
0x20: {  	s28 =	rddreg [dreg:$0x11]  }
0x21: {  	s30 =	rddreg [dreg:$0xf];
	s0 =	sadd.s32 $0x1, s28  }
0x22: {  	p0 =	sne.s32 s0, s30  }
.Ltmp1:
0x23: {  	_ = 	snop;
	(pc) =	sbr.rel @!p0 .LBB2_24-.Ltmp1, $3  }
0x24: {  	_ =	sdelay $0x1  }
0x25: {  	[sflag:s25] =	ssyncset.done $0x0  }
0x26: {  	[sflag:s25] =	ssyncadd.s32 $0xFFFFEC00  }
.LBB2_1:
0x27: {  	[dreg:$0x11] =	wrdreg s0  }
0x28: {  	s7 =	rddreg [dreg:$0x3]  }
0x29: {  	s3 =	rddreg [dreg:$0x5]  }
0x2a: {  	s20 =	rddreg [dreg:$0x6];
	s30 =	sshrl.u32 s7, $0x3  }
0x2b: {  	[dreg:$0x12] =	wrdreg s30  }
0x2c: {  	[spmem:s30], [sflag:s20] =	dma.local [hbm:s3], $0x1400  }
0x2d: {  	s22 =	simm.s32 $0x11;
	s7 =	rddreg [dreg:$0x7]  }
0x2e: {  	[tilespmem:s2], [sflag:$0x11] =	stream.linear.gather [hbm4b:s7+s2], $0x100, $0x38;
	[tilespmem:$0x1A800] =	vst v63  }
0x2f: {  	_ =	swait.ge [sflag:s22], $0x100  }
0x30: {  	[sflag:s22] =	ssyncset.done $0x0  }
0x31: {  	s25 =	simm.s32 $0x400;
	s20 =	rddreg [dreg:$0x8];
	[sflag:s22] =	ssyncadd.s32 $0xFFFFFF00  }
0x32: {  	[tilespmem:s25], [sflag:$0x11] =	stream.linear.gather [hbm4b:s20+s2], $0x100, $0x38;
	[tilespmem:$0x1A800] =	vst v63  }
0x33: {  	_ =	swait.ge [sflag:s22], $0x100  }
0x34: {  	[sflag:s22] =	ssyncset.done $0x0  }
0x35: {  	s28 =	rddreg [dreg:$0x9];
	[sflag:s22] =	ssyncadd.s32 $0xFFFFFF00  }
0x36: {  	[tilespmem:s23], [sflag:$0x11] =	stream.linear.gather [hbm4b:s28+s2], $0x100, $0x38;
	[tilespmem:$0x1A800] =	vst v63  }
0x37: {  	_ =	swait.ge [sflag:s22], $0x100  }
0x38: {  	[sflag:s22] =	ssyncset.done $0x0  }
0x39: {  	s0 =	simm.s32 $0x500;
	s30 =	rddreg [dreg:$0xa];
	[sflag:s22] =	ssyncadd.s32 $0xFFFFFF00  }
0x3a: {  	[tilespmem:s0], [sflag:$0x11] =	stream.linear.gather [hbm4b:s30+s2], $0x100, $0x38;
	[tilespmem:$0x1A800] =	vst v63  }
0x3b: {  	_ =	swait.ge [sflag:s22], $0x100  }
0x3c: {  	[sflag:s22] =	ssyncset.done $0x0  }
0x3d: {  	s20 =	simm.s32 $0x200;
	s3 =	rddreg [dreg:$0xb];
	[sflag:s22] =	ssyncadd.s32 $0xFFFFFF00  }
0x3e: {  	[tilespmem:s20], [sflag:$0x11] =	stream.linear.gather [hbm4b:s3+s2], $0x100, $0x38;
	[tilespmem:$0x1A800] =	vst v63  }
0x3f: {  	_ =	swait.ge [sflag:s22], $0x100  }
0x40: {  	[sflag:s22] =	ssyncset.done $0x0  }
0x41: {  	s28 =	simm.s32 $0x600;
	s25 =	rddreg [dreg:$0xc];
	[sflag:s22] =	ssyncadd.s32 $0xFFFFFF00  }
0x42: {  	[tilespmem:s28], [sflag:$0x11] =	stream.linear.gather [hbm4b:s25+s2], $0x100, $0x38;
	[tilespmem:$0x1A800] =	vst v63  }
0x43: {  	_ =	swait.ge [sflag:s22], $0x100  }
0x44: {  	[sflag:s22] =	ssyncset.done $0x0  }
0x45: {  	s25 =	simm.s32 $0x300;
	s30 =	rddreg [dreg:$0xd];
	[sflag:s22] =	ssyncadd.s32 $0xFFFFFF00  }
0x46: {  	[tilespmem:s25], [sflag:$0x11] =	stream.linear.gather [hbm4b:s30+s2], $0x100, $0x38;
	[tilespmem:$0x1A800] =	vst v63  }
0x47: {  	_ =	swait.ge [sflag:s22], $0x100  }
0x48: {  	[sflag:s22] =	ssyncset.done $0x0  }
0x49: {  	s3 =	simm.s32 $0x700;
	s0 =	rddreg [dreg:$0xe];
	[sflag:s22] =	ssyncadd.s32 $0xFFFFFF00  }
0x4a: {  	[tilespmem:s3], [sflag:$0x11] =	stream.linear.gather [hbm4b:s0+s2], $0x100, $0x38;
	[tilespmem:$0x1A800] =	vst v63  }
0x4b: {  	_ =	swait.ge [sflag:s22], $0x100  }
0x4c: {  	[sflag:s22] =	ssyncset.done $0x0  }
0x4d: {  	[sflag:s22] =	ssyncadd.s32 $0xFFFFFF00;
	s22 =	simm.s32 $0x800  }
0x4e: {  	[tilespmem:s22], [sflag:$0x1] =	stream.indirect.gather [hbm4b:s8+s23], $0x40, s2, s23, $0xb8;
	[tilespmem:$0x1A800] =	vst v63  }
0x4f: {  	s28 =	simm.s32 $0x4800  }
0x50: {  	[tilespmem:s28], [sflag:$0x2] =	stream.indirect.gather [hbm4b:s8+s23], $0x40, s23, s23, $0xb8;
	[tilespmem:$0x1A800] =	vst v63  }
0x51: {  	s3 =	simm.s32 $0x8800  }
0x52: {  	[tilespmem:s3], [sflag:$0x3] =	stream.indirect.gather [hbm4b:s8+s23], $0x40, s20, s23, $0xb8;
	[tilespmem:$0x1A800] =	vst v63  }
0x53: {  	s30 =	simm.s32 $0xD  }
0x54: {  	[tilespmem:s31], [sflag:$0x4] =	stream.indirect.gather [hbm4b:s8+s23], $0x40, s25, s23, $0xb8;
	[tilespmem:$0x1A800] =	vst v63  }
.Ltmp2:
0x55: {  	_ =	swait.ge [sflag:s30], $0x1400;
	(pc) =	sbr.rel .LBB2_2-.Ltmp2, $4  }
0x56: {  	[sflag:s30] =	ssyncset.done $0x0  }
0x57: {  	[sflag:s30] =	ssyncadd.s32 $0xFFFFEC00  }
0x58: {  	[bflag:$0x0] =	sbarrier.arrive $0xFFFF  }
0x59: {  	s7 =	simm.s32 $0x700;
	s20 =	simm.s32 $0x6  }
.LBB2_20:
0x5a: {  	s30 =	simm.s32 $0x700;
	s0 =	simm.s32 $0xC800  }
0x5b: {  	[spmem:s1] =	stream.indirect.scatter.add.f32 [tilespmem:s0], [sflag:$0x8], $0x40, s30, s23, $0xb8;
	[tilespmem:$0x1A800] =	vst v63  }
.LBB2_21:
0x5c: {  	s30 =	sadd.s32 s6, s30  }
0x5d: {  	s30 =	sshrl.u32 s30, $0x3  }
0x5e: {  	s3 =	simm.s32 $0x300;
	s22 =	sshll.u32 s22, $0x8;
	s31 =	sadd.s32 s4, s30  }
0x5f: {  	[tilespmem:s3], [sflag:$0xC] =	stream.linear.gather [hbm4b:s31+s2], $0x100, $0x38;
	[tilespmem:$0x1A800] =	vst v63  }
0x60: {  	s22 =	sadd.s32 s6, s22;
	_ =	swait.ge [sflag:s14], $0x4000  }
0x61: {  	s22 =	sshrl.u32 s22, $0x3;
	[sflag:s14] =	ssyncset.done $0x0  }
0x62: {  	s22 =	sadd.s32 s5, s22;
	s31 =	simm.s32 $0x400;
	[sflag:s14] =	ssyncadd.s32 $0xFFFFC000  }
0x63: {  	[tilespmem:s31], [sflag:$0xD] =	stream.linear.gather [hbm4b:s22+s2], $0x100, $0x38;
	[tilespmem:$0x1A800] =	vst v63  }
0x64: {  	_ =	swait.ge [sflag:s15], $0x100  }
0x65: {  	[sflag:s15] =	ssyncset.done $0x0  }
0x66: {  	s25 =	sshll.u32 s25, $0x8;
	s22 =	simm.s32 $0x800;
	[sflag:s15] =	ssyncadd.s32 $0xFFFFFF00  }
0x67: {  	[tilespmem:s22], [sflag:$0x1] =	stream.indirect.gather [hbm4b:s8+s23], $0x40, s2, s23, $0xb8;
	[tilespmem:$0x1A800] =	vst v63  }
0x68: {  	s22 =	sadd.s32 s6, s25;
	_ =	swait.ge [sflag:s9], $0x4000  }
0x69: {  	s22 =	sshrl.u32 s22, $0x3;
	[sflag:s9] =	ssyncset.done $0x0  }
0x6a: {  	s25 =	simm.s32 $0x500;
	s22 =	sadd.s32 s5, s22;
	[sflag:s9] =	ssyncadd.s32 $0xFFFFC000  }
0x6b: {  	[tilespmem:s25], [sflag:$0xE] =	stream.linear.gather [hbm4b:s22+s2], $0x100, $0x38;
	[tilespmem:$0x1A800] =	vst v63  }
0x6c: {  	_ =	swait.ge [sflag:s16], $0x100  }
0x6d: {  	[sflag:s16] =	ssyncset.done $0x0  }
0x6e: {  	s25 =	simm.s32 $0x4800;
	[sflag:s16] =	ssyncadd.s32 $0xFFFFFF00  }
0x6f: {  	[tilespmem:s25], [sflag:$0x2] =	stream.indirect.gather [hbm4b:s8+s23], $0x40, s23, s23, $0xb8;
	[tilespmem:$0x1A800] =	vst v63  }
0x70: {  	_ =	swait.ge [sflag:s17], $0x4000  }
0x71: {  	[sflag:s17] =	ssyncset.done $0x0  }
0x72: {  	s25 =	sadd.s32 s5, s28;
	s28 =	simm.s32 $0x600;
	[sflag:s17] =	ssyncadd.s32 $0xFFFFC000  }
0x73: {  	[tilespmem:s28], [sflag:$0xF] =	stream.linear.gather [hbm4b:s25+s2], $0x100, $0x38;
	[tilespmem:$0x1A800] =	vst v63  }
0x74: {  	_ =	swait.ge [sflag:s18], $0x100  }
0x75: {  	[sflag:s18] =	ssyncset.done $0x0  }
0x76: {  	s25 =	simm.s32 $0x8800;
	s28 =	simm.s32 $0x200;
	[sflag:s18] =	ssyncadd.s32 $0xFFFFFF00  }
0x77: {  	[tilespmem:s25], [sflag:$0x3] =	stream.indirect.gather [hbm4b:s8+s23], $0x40, s28, s23, $0xb8;
	[tilespmem:$0x1A800] =	vst v63  }
0x78: {  	_ =	swait.ge [sflag:s19], $0x4000  }
0x79: {  	[sflag:s19] =	ssyncset.done $0x0  }
0x7a: {  	s28 =	sadd.s32 s5, s30;
	s30 =	simm.s32 $0x700;
	[sflag:s19] =	ssyncadd.s32 $0xFFFFC000  }
0x7b: {  	[tilespmem:s30], [sflag:$0x10] =	stream.linear.gather [hbm4b:s28+s2], $0x100, $0x38;
	[tilespmem:$0x1A800] =	vst v63  }
0x7c: {  	_ =	swait.ge [sflag:s24], $0x100  }
0x7d: {  	[sflag:s24] =	ssyncset.done $0x0  }
0x7e: {  	s31 =	simm.s32 $0xC800;
	[sflag:s24] =	ssyncadd.s32 $0xFFFFFF00  }
0x7f: {  	[tilespmem:s0], [sflag:$0x4] =	stream.indirect.gather [hbm4b:s8+s23], $0x40, s3, s23, $0xb8;
	[tilespmem:$0x1A800] =	vst v63  }
.LBB2_22:
0x80: {  	s20 =	sadd.s32 $0x4, s20  }
0x81: {  	p0 =	sne.s32 s20, $0x56  }
.Ltmp3:
0x82: {  	_ = 	snop;
	(pc) =	sbr.rel @!p0 .LBB2_23-.Ltmp3, $2  }
0x83: {  	_ =	sdelay $0x2  }
0x84: {  	s7 =	sadd.s32 $0x400, s7  }
.LBB2_2:
0x85: {  	p0 =	sne.s32 s20, $0x6  }
.Ltmp4:
0x86: {  	_ = 	snop;
	(pc) =	sbr.rel @p0 .LBB2_8-.Ltmp4, $4  }
0x87: {  	_ = 	snop  }
0x88: {  	_ =	swait.ge [sflag:s10], $0x4000  }
0x89: {  	[sflag:s10] =	ssyncset.done $0x0  }
0x8a: {  	[sflag:s10] =	ssyncadd.s32 $0xFFFFC000  }
.Ltmp5:
0x8b: {  	(pc) =	sbr.rel .LBB2_4-.Ltmp5, $4  }
0x8c: {  	_ = 	snop  }
0x8d: {  	s22 =	simm.s32 $0x400;
	s3 =	simm.s32 $0x800  }
0x8e: {  	[spmem:s1] =	stream.indirect.scatter.add.f32 [tilespmem:s3], [sflag:$0x5], $0x40, s22, s23, $0xb8;
	[tilespmem:$0x1A800] =	vst v63  }
0x8f: {  	s22 =	simm.s32 $0x4  }
.LBB2_8:
0x90: {  	s0 =	simm.s32 $0xD;
	p1 =	sne.s32 s20, $0x52  }
.Ltmp6:
0x91: {  	_ =	swait.ge [sflag:s0], $0x100;
	(pc) =	sbr.rel @p1 .LBB2_4-.Ltmp6, $4  }
0x92: {  	[sflag:s0] =	ssyncset.done $0x0  }
0x93: {  	s22 =	simm.s32 $0x400;
	s3 =	simm.s32 $0x800;
	[sflag:s0] =	ssyncadd.s32 $0xFFFFFF00  }
0x94: {  	[spmem:s1] =	stream.indirect.scatter.add.f32 [tilespmem:s3], [sflag:$0x5], $0x40, s22, s23, $0xb8;
	[tilespmem:$0x1A800] =	vst v63  }
0x95: {  	s22 =	sadd.s32 $0xFFFFFFFE, s20  }
.Ltmp7:
0x96: {  	(pc) =	sbr.rel .LBB2_10-.Ltmp7, $4  }
0x97: {  	_ = 	snop  }
0x98: {  	_ =	swait.ge [sflag:s11], $0x4000  }
0x99: {  	[sflag:s11] =	ssyncset.done $0x0  }
0x9a: {  	p1 =	por $0x1, $0x1;
	[sflag:s11] =	ssyncadd.s32 $0xFFFFC000  }
.LBB2_4:
0x9b: {  	s25 =	sshll.u32 s22, $0x8  }
0x9c: {  	s25 =	sadd.s32 s6, s25  }
0x9d: {  	s25 =	sshrl.u32 s25, $0x3  }
.Ltmp8:
0x9e: {  	s25 =	sadd.s32 s4, s25;
	(pc) =	sbr.rel @p0 .LBB2_10-.Ltmp8, $4  }
0x9f: {  	[tilespmem:s2], [sflag:$0x9] =	stream.linear.gather [hbm4b:s25+s2], $0x100, $0x38;
	[tilespmem:$0x1A800] =	vst v63  }
0xa0: {  	_ =	swait.ge [sflag:s11], $0x4000  }
0xa1: {  	[sflag:s11] =	ssyncset.done $0x0  }
0xa2: {  	p1 =	por $0x0, $0x0;
	[sflag:s11] =	ssyncadd.s32 $0xFFFFC000  }
.Ltmp9:
0xa3: {  	(pc) =	sbr.rel .LBB2_6-.Ltmp9, $4  }
0xa4: {  	_ = 	snop  }
0xa5: {  	s25 =	simm.s32 $0x500;
	s3 =	simm.s32 $0x4800  }
0xa6: {  	[spmem:s1] =	stream.indirect.scatter.add.f32 [tilespmem:s3], [sflag:$0x6], $0x40, s25, s23, $0xb8;
	[tilespmem:$0x1A800] =	vst v63  }
0xa7: {  	s25 =	simm.s32 $0x5  }
.LBB2_10:
.Ltmp10:
0xa8: {  	_ =	swait.ge [sflag:s29], $0x100;
	(pc) =	sbr.rel @!p1 .LBB2_6-.Ltmp10, $4  }
0xa9: {  	[sflag:s29] =	ssyncset.done $0x0  }
0xaa: {  	s25 =	simm.s32 $0x500;
	s3 =	simm.s32 $0x4800;
	[sflag:s29] =	ssyncadd.s32 $0xFFFFFF00  }
0xab: {  	[spmem:s1] =	stream.indirect.scatter.add.f32 [tilespmem:s3], [sflag:$0x6], $0x40, s25, s23, $0xb8;
	[tilespmem:$0x1A800] =	vst v63  }
0xac: {  	s25 =	sadd.s32 $0xFFFFFFFF, s20  }
.Ltmp11:
0xad: {  	(pc) =	sbr.rel .LBB2_12-.Ltmp11, $4  }
0xae: {  	_ = 	snop  }
0xaf: {  	_ =	swait.ge [sflag:s12], $0x4000  }
0xb0: {  	[sflag:s12] =	ssyncset.done $0x0  }
0xb1: {  	p1 =	por $0x1, $0x1;
	[sflag:s12] =	ssyncadd.s32 $0xFFFFC000  }
.LBB2_6:
0xb2: {  	s28 =	sshll.u32 s25, $0x8  }
0xb3: {  	s28 =	sadd.s32 s6, s28  }
0xb4: {  	s28 =	sshrl.u32 s28, $0x3  }
.Ltmp12:
0xb5: {  	s28 =	sadd.s32 s4, s28;
	(pc) =	sbr.rel @p0 .LBB2_12-.Ltmp12, $4  }
0xb6: {  	[tilespmem:s23], [sflag:$0xA] =	stream.linear.gather [hbm4b:s28+s2], $0x100, $0x38;
	[tilespmem:$0x1A800] =	vst v63  }
0xb7: {  	_ =	swait.ge [sflag:s12], $0x4000  }
0xb8: {  	[sflag:s12] =	ssyncset.done $0x0  }
0xb9: {  	p1 =	por $0x0, $0x0;
	[sflag:s12] =	ssyncadd.s32 $0xFFFFC000  }
.Ltmp13:
0xba: {  	(pc) =	sbr.rel .LBB2_14-.Ltmp13, $3  }
0xbb: {  	_ =	sdelay $0x1  }
0xbc: {  	s28 =	simm.s32 $0x600;
	s3 =	simm.s32 $0x8800;
	s30 =	simm.s32 $0x6  }
0xbd: {  	[spmem:s1] =	stream.indirect.scatter.add.f32 [tilespmem:s3], [sflag:$0x7], $0x40, s28, s23, $0xb8;
	[tilespmem:$0x1A800] =	vst v63  }
.LBB2_12:
.Ltmp14:
0xbe: {  	(pc) =	sbr.rel @!p1 .LBB2_13-.Ltmp14, $4  }
0xbf: {  	_ =	swait.ge [sflag:s26], $0x100  }
0xc0: {  	[sflag:s26] =	ssyncset.done $0x0  }
0xc1: {  	s28 =	simm.s32 $0x600;
	s3 =	simm.s32 $0x8800;
	[sflag:s26] =	ssyncadd.s32 $0xFFFFFF00  }
0xc2: {  	[spmem:s1] =	stream.indirect.scatter.add.f32 [tilespmem:s3], [sflag:$0x7], $0x40, s28, s23, $0xb8;
	[tilespmem:$0x1A800] =	vst v63  }
.Ltmp15:
0xc3: {  	(pc) =	sbr.rel .LBB2_17-.Ltmp15, $4  }
0xc4: {  	_ = 	snop  }
0xc5: {  	_ =	swait.ge [sflag:s13], $0x4000  }
0xc6: {  	[sflag:s13] =	ssyncset.done $0x0  }
0xc7: {  	p1 =	por $0x1, $0x1;
	s30 =	smov.u32 s20;
	[sflag:s13] =	ssyncadd.s32 $0xFFFFC000  }
.LBB2_13:
0xc8: {  	s30 =	smov.u32 s20  }
.LBB2_14:
0xc9: {  	s28 =	sshll.u32 s30, $0x8  }
0xca: {  	s28 =	sadd.s32 s6, s28  }
0xcb: {  	s28 =	sshrl.u32 s28, $0x3  }
.Ltmp16:
0xcc: {  	s0 =	simm.s32 $0x200;
	s31 =	sadd.s32 s4, s28;
	(pc) =	sbr.rel @!p0 .LBB2_20-.Ltmp16, $4  }
0xcd: {  	[tilespmem:s0], [sflag:$0xB] =	stream.linear.gather [hbm4b:s31+s2], $0x100, $0x38;
	[tilespmem:$0x1A800] =	vst v63  }
0xce: {  	_ =	swait.ge [sflag:s13], $0x4000  }
0xcf: {  	[sflag:s13] =	ssyncset.done $0x0  }
0xd0: {  	p1 =	por $0x0, $0x0;
	[sflag:s13] =	ssyncadd.s32 $0xFFFFC000  }
0xd1: {  	s31 =	simm.s32 $0xC800  }
.LBB2_17:
.Ltmp17:
0xd2: {  	(pc) =	sbr.rel @!p1 .LBB2_18-.Ltmp17, $4  }
0xd3: {  	_ =	swait.ge [sflag:s21], $0x100  }
0xd4: {  	[sflag:s21] =	ssyncset.done $0x0  }
0xd5: {  	s0 =	simm.s32 $0x700;
	[sflag:s21] =	ssyncadd.s32 $0xFFFFFF00  }
0xd6: {  	[spmem:s1] =	stream.indirect.scatter.add.f32 [tilespmem:s31], [sflag:$0x8], $0x40, s0, s23, $0xb8;
	[tilespmem:$0x1A800] =	vst v63  }
0xd7: {  	_ =	swait.ge [sflag:s14], $0x4000  }
0xd8: {  	[sflag:s14] =	ssyncset.done $0x0  }
0xd9: {  	[sflag:s14] =	ssyncadd.s32 $0xFFFFC000  }
0xda: {  	_ =	swait.ge [sflag:s9], $0x4000  }
0xdb: {  	[sflag:s9] =	ssyncset.done $0x0  }
0xdc: {  	[sflag:s9] =	ssyncadd.s32 $0xFFFFC000  }
0xdd: {  	_ =	swait.ge [sflag:s17], $0x4000  }
.Ltmp18:
0xde: {  	[sflag:s17] =	ssyncset.done $0x0;
	(pc) =	sbr.rel .LBB2_22-.Ltmp18, $4  }
0xdf: {  	[sflag:s17] =	ssyncadd.s32 $0xFFFFC000  }
0xe0: {  	_ =	swait.ge [sflag:s19], $0x4000  }
0xe1: {  	[sflag:s19] =	ssyncset.done $0x0  }
0xe2: {  	[sflag:s19] =	ssyncadd.s32 $0xFFFFC000  }
.LBB2_18:
.Ltmp19:
0xe3: {  	(pc) =	sbr.rel .LBB2_21-.Ltmp19, $4  }
0xe4: {  	_ = 	snop  }
0xe5: {  	s28 =	sshll.u32 s30, $0x8  }
0xe6: {  	s28 =	sadd.s32 s6, s28  }
0xe7: {  	s30 =	smov.u32 s7;
	s0 =	simm.s32 $0xC800;
	s28 =	sshrl.u32 s28, $0x3  }
.LBB2_24:
0xe8: {  	_ =	sfence.sel $0x180000  }
0xe9: {  	[bflag:$0x0] =	sbarrier.arrive $0xFFFF  }
0xea: {  	_ =	strace $0x90000053  }
0xeb: {  	s0 =	stileid.u32;
	[bflag:$0x2] =	sbarrier.arrive $0xFFFF  }
0xec: {  	p0 =	sne.s32 s0, $0x0;
	s0 =	rddreg [dreg:$0x2]  }
0xed: {  	s0 =	sadd.s32 @!p0 $0x100000, s0  }
0xee: {  	[sflag:s0] =	ssyncadd.tile.s32 @!p0 $0x1;
	_ =	shalt  }
.Lfunc_end2:
_tile_overlayer_lowered:
.L_overlay_start_2:
0xef: {  	(tag) =	ssettag $0x2  }
0xf0: {  	s0 =	rddreg [dreg:$0x0];
	s2 =	stileid.u32  }
0xf1: {  	s1 =	rddreg [dreg:$0x1];
	p0 =	sne.s32 s2, $0x0  }
0xf2: {  	s3 =	rddreg [dreg:$0x2];
	[bflag:$0x3] =	sbarrier.arrive $0xFFFF;
	s2 =	simm.s32 @!p0 $0x1C11  }
0xf3: {  	[timem:s3], [sflag:s2] =	dma.local @!p0 [hbm:s0], s1  }
0xf4: {  	s0 =	simm.s32 @!p0 $0x11  }
0xf5: {  	_ =	swait.ge @!p0 [sflag:s0], s1  }
0xf6: {  	s1 =	ssub.s32 @!p0 $0x0, s1;
	[sflag:s0] =	ssyncset.done @!p0 $0x0  }
0xf7: {  	[sflag:s0] =	ssyncadd.s32 @!p0 s1  }
0xf8: {  	[bflag:$0x3] =	sbarrier.arrive $0xFFFF  }
0xf9: {  	_ =	shalt  }

</sc_bundles>
